<compile_context>
chip_gen: v7x
topology: tpu7x:2x2x1
jax: 0.10.2.dev20260603
libtpu: 0.0.44.dev20260713+nightly
codegen_flags: <defaults>
</compile_context>

<pallas_src>
import functools

import jax
import jax.numpy as jnp
from jax import lax
from jax.experimental import pallas as pl
from jax.experimental.pallas import tpu as pltpu
from jax.experimental.pallas import tpu_sc as plsc

N = 10000
E = 320000
D = 128
H = 32

NC = 2
NS = 16
LANES = 16

EB = 125
CPT = E // (NS * EB)
BR = 40
NBLK = CPT // BR
NPAD = 10240
NODE_PER_TILE = NPAD // NS
WR = 80
DEGW = 16



def _deg_body(dst_hbm, degp_out, dblk, ones_buf, zbuf, deg2d, dsem):
    c = lax.axis_index("c")
    s = lax.axis_index("s")
    zero16 = jnp.zeros((LANES,), jnp.float32)
    ones16 = jnp.full((LANES,), 1.0, jnp.float32)

    def fill(r, carry):
        ones_buf[r] = ones16
        return carry

    lax.fori_loop(0, EB, fill, 0)

    def zfill(r, carry):
        zbuf[r] = zero16
        return carry

    lax.fori_loop(0, WR, zfill, 0)

    for k in range(NODE_PER_TILE // WR):
        pltpu.async_copy(zbuf,
                         deg2d.at[pl.ds(s * NODE_PER_TILE + k * WR, WR)], dsem)
    for k in range(NODE_PER_TILE // WR):
        pltpu.make_async_copy(
            zbuf, deg2d.at[pl.ds(s * NODE_PER_TILE + k * WR, WR)], dsem).wait()
    plsc.subcore_barrier()

    def run_blocks(blist):
        for k in blist:
            pltpu.sync_copy(dst_hbm.at[s, pl.ds(k * BR, BR)], dblk)

            def st(j, carry):
                pltpu.async_copy(ones_buf, deg2d.at[dblk.at[j]], dsem,
                                 add=True)
                return carry

            lax.fori_loop(0, BR, st, 0)

            def dr(j, carry):
                pltpu.make_async_copy(
                    ones_buf, deg2d.at[dblk.at[0]], dsem).wait()
                return carry

            lax.fori_loop(0, BR, dr, 0)

    _half = (NBLK + 1) // 2

    @pl.when(c == 0)
    def _():
        run_blocks(range(_half))

    @pl.when(c == 1)
    def _():
        run_blocks(range(_half, NBLK))

    plsc.subcore_barrier()

    for k in range(NODE_PER_TILE // WR):
        row = s * NODE_PER_TILE + k * WR
        pltpu.async_copy(deg2d.at[pl.ds(row, WR)],
                         degp_out.at[c, pl.ds(row, WR)], dsem)
    for k in range(NODE_PER_TILE // WR):
        row = s * NODE_PER_TILE + k * WR
        pltpu.make_async_copy(deg2d.at[pl.ds(row, WR)],
                              degp_out.at[c, pl.ds(row, WR)], dsem).wait()


_deg_kernel = functools.partial(
    pl.kernel,
    out_type=jax.ShapeDtypeStruct((NC, NPAD, DEGW), jnp.float32),
    mesh=plsc.VectorSubcoreMesh(core_axis_name="c", subcore_axis_name="s"),
    compiler_params=pltpu.CompilerParams(needs_layout_passes=False),
    scratch_types=[
        pltpu.VMEM((BR, EB), jnp.int32),
        pltpu.VMEM((EB, DEGW), jnp.float32),
        pltpu.VMEM((WR, DEGW), jnp.float32),
        pltpu.VMEM_SHARED((NPAD, DEGW), jnp.float32),
        pltpu.SemaphoreType.DMA,
    ],
)(_deg_body)



def _scatter_body(src_hbm, dst_hbm, ya_hbm, yc_hbm, sa_out, sc_out,
                  sblk, dblk, rows0, rows1, S_shared, gsem0, gsem1):
    c = lax.axis_index("c")
    s = lax.axis_index("s")
    zero16 = jnp.zeros((LANES,), jnp.float32)

    def z(r, carry):
        for g in range(D // LANES):
            rows0[r, pl.ds(g * LANES, LANES)] = zero16
        return carry

    lax.fori_loop(0, EB, z, 0)
    nch = NODE_PER_TILE // WR
    for k in range(nch):
        pltpu.async_copy(
            rows0.at[pl.ds(0, WR)],
            S_shared.at[pl.ds(s * NODE_PER_TILE + k * WR, WR)],
            (gsem0, gsem1)[k % 2])
    for k in range(nch):
        pltpu.make_async_copy(
            rows0.at[pl.ds(0, WR)],
            S_shared.at[pl.ds(s * NODE_PER_TILE + k * WR, WR)],
            (gsem0, gsem1)[k % 2]).wait()
    plsc.subcore_barrier()

    def accumulate(y_hbm):
        bufs = (rows0, rows1)
        gs = (gsem0, gsem1)
        for k in range(NBLK):
            pltpu.sync_copy(src_hbm.at[s, pl.ds(k * BR, BR)], sblk)
            pltpu.sync_copy(dst_hbm.at[s, pl.ds(k * BR, BR)], dblk)
            pltpu.async_copy(y_hbm.at[sblk.at[0]], rows0, gsem0)

            def step(j2, carry):
                for b in range(2):
                    j = j2 * 2 + b

                    @pl.when(j + 1 < BR)
                    def _():
                        pltpu.async_copy(
                            y_hbm.at[sblk.at[j + 1]], bufs[1 - b], gs[1 - b])

                    pltpu.make_async_copy(
                        y_hbm.at[sblk.at[j]], bufs[b], gs[b]).wait()
                    pltpu.sync_copy(
                        bufs[b], S_shared.at[dblk.at[j]], add=True)
                return carry

            lax.fori_loop(0, BR // 2, step, 0)

    @pl.when(c == 0)
    def _():
        accumulate(ya_hbm)

    @pl.when(c == 1)
    def _():
        accumulate(yc_hbm)

    plsc.subcore_barrier()

    def writeout(out_hbm):
        nch = NODE_PER_TILE // WR
        for k in range(nch):
            row = s * NODE_PER_TILE + k * WR
            pltpu.async_copy(S_shared.at[pl.ds(row, WR)],
                             out_hbm.at[pl.ds(row, WR)], (gsem0, gsem1)[k % 2])
        for k in range(nch):
            row = s * NODE_PER_TILE + k * WR
            pltpu.make_async_copy(S_shared.at[pl.ds(row, WR)],
                                  out_hbm.at[pl.ds(row, WR)],
                                  (gsem0, gsem1)[k % 2]).wait()

    @pl.when(c == 0)
    def _():
        writeout(sa_out)

    @pl.when(c == 1)
    def _():
        writeout(sc_out)


_scatter_kernel = functools.partial(
    pl.kernel,
    out_type=[
        jax.ShapeDtypeStruct((NPAD, D), jnp.float32),
        jax.ShapeDtypeStruct((NPAD, D), jnp.float32),
    ],
    mesh=plsc.VectorSubcoreMesh(core_axis_name="c", subcore_axis_name="s"),
    compiler_params=pltpu.CompilerParams(needs_layout_passes=False),
    scratch_types=[
        pltpu.VMEM((BR, EB), jnp.int32),
        pltpu.VMEM((BR, EB), jnp.int32),
        pltpu.VMEM((EB, D), jnp.float32),
        pltpu.VMEM((EB, D), jnp.float32),
        pltpu.VMEM_SHARED((NPAD, D), jnp.float32),
        pltpu.SemaphoreType.DMA,
        pltpu.SemaphoreType.DMA,
    ],
)(_scatter_body)



BLK = 2000


def _dense1_body(x_ref, wa_ref, wc_ref, d0_ref, d1_ref,
                 ya_ref, yc_ref, dinv_ref):
    dinv = lax.rsqrt(d0_ref[0, :, 0:1] + d1_ref[0, :, 0:1] + 1.0)
    x = x_ref[...]
    ya_ref[...] = jnp.dot(
        x, wa_ref[...], preferred_element_type=jnp.float32) * dinv
    yc_ref[...] = jnp.dot(
        x, wc_ref[...], preferred_element_type=jnp.float32) * dinv
    dinv_ref[...] = dinv


def _dense1(x, wa, wc, degp):
    return pl.pallas_call(
        _dense1_body,
        grid=(N // BLK,),
        in_specs=[
            pl.BlockSpec((BLK, D), lambda i: (i, 0)),
            pl.BlockSpec((D, D), lambda i: (0, 0)),
            pl.BlockSpec((D, D), lambda i: (0, 0)),
            pl.BlockSpec((1, BLK, DEGW), lambda i: (0, i, 0)),
            pl.BlockSpec((1, BLK, DEGW), lambda i: (1, i, 0)),
        ],
        out_specs=[
            pl.BlockSpec((BLK, D), lambda i: (i, 0)),
            pl.BlockSpec((BLK, D), lambda i: (i, 0)),
            pl.BlockSpec((BLK, 1), lambda i: (i, 0)),
        ],
        out_shape=[
            jax.ShapeDtypeStruct((N, D), jnp.float32),
            jax.ShapeDtypeStruct((N, D), jnp.float32),
            jax.ShapeDtypeStruct((N, 1), jnp.float32),
        ],
    )(x, wa, wc, degp, degp)



def _heads_body(sa, ya, sc, yc, dinv, x,
                bca, w1a, b1a, w2a, b2a, w3a, b3a,
                bcc, w1c, b1c, w2c, b2c, w3c, b3c,
                conc_ref, val_ref, acc):
    i = pl.program_id(0)
    relu = lambda t: jnp.maximum(t, 0.0)
    dinvb = dinv[...]
    xb = x[...]

    ha = relu(dinvb * (sa[...] + ya[...]) + bca[...]) + xb
    h = relu(jnp.dot(ha, w1a[...], preferred_element_type=jnp.float32)
             + b1a[...])
    h = relu(jnp.dot(h, w2a[...], preferred_element_type=jnp.float32)
             + b2a[...])
    a = jnp.dot(h, w3a[...], preferred_element_type=jnp.float32) + b3a[...]
    conc_ref[...] = (jnp.log1p(jnp.exp(-jnp.abs(a))) + jnp.maximum(a, 0.0)
                     + 1e-20)

    hc = relu(dinvb * (sc[...] + yc[...]) + bcc[...]) + xb
    part = jnp.sum(hc, axis=0, keepdims=True)

    @pl.when(i == 0)
    def _():
        acc[...] = jnp.zeros_like(part)

    tot = acc[...] + part
    acc[...] = tot
    v = relu(jnp.dot(tot, w1c[...], preferred_element_type=jnp.float32)
             + b1c[...])
    v = relu(jnp.dot(v, w2c[...], preferred_element_type=jnp.float32)
             + b2c[...])
    val_ref[...] = (jnp.dot(v, w3c[...], preferred_element_type=jnp.float32)
                    + b3c[...])


def _heads(sa, ya, sc, yc, dinv, x, bca, w1a, b1a, w2a, b2a, w3a, b3a,
           bcc, w1c, b1c, w2c, b2c, w3c, b3c):
    full = lambda shape: pl.BlockSpec(shape, lambda i: (0, 0))
    blk = lambda shape: pl.BlockSpec(shape, lambda i: (i, 0))
    return pl.pallas_call(
        _heads_body,
        grid=(N // BLK,),
        in_specs=[
            blk((BLK, D)), blk((BLK, D)), blk((BLK, D)), blk((BLK, D)),
            blk((BLK, 1)), blk((BLK, D)),
            full((1, D)), full((D, H)), full((1, H)), full((H, H)),
            full((1, H)), full((H, 1)), full((1, 1)),
            full((1, D)), full((D, H)), full((1, H)), full((H, H)),
            full((1, H)), full((H, 1)), full((1, 1)),
        ],
        out_specs=[
            blk((BLK, 1)),
            full((1, 1)),
        ],
        out_shape=[
            jax.ShapeDtypeStruct((N, 1), jnp.float32),
            jax.ShapeDtypeStruct((1, 1), jnp.float32),
        ],
        scratch_shapes=[pltpu.VMEM((1, D), jnp.float32)],
    )(sa, ya, sc, yc, dinv, x, bca, w1a, b1a, w2a, b2a, w3a, b3a,
      bcc, w1c, b1c, w2c, b2c, w3c, b3c)



def kernel(x, edge_index, Wc_a, bc_a, W1_a, b1_a, W2_a, b2_a, W3_a, b3_a,
           Wc_c, bc_c, W1_c, b1_c, W2_c, b2_c, W3_c, b3_c):
    src3 = edge_index[0].reshape(NS, CPT, EB)
    dst3 = edge_index[1].reshape(NS, CPT, EB)

    degp = _deg_kernel(dst3)
    ya, yc, dinv = _dense1(x, Wc_a, Wc_c, degp)
    sa, sc = _scatter_kernel(src3, dst3, ya, yc)

    conc, val = _heads(
        sa, ya, sc, yc, dinv, x,
        bc_a.reshape(1, D), W1_a, b1_a.reshape(1, H), W2_a,
        b2_a.reshape(1, H), W3_a, b3_a.reshape(1, 1),
        bc_c.reshape(1, D), W1_c, b1_c.reshape(1, H), W2_c,
        b2_c.reshape(1, H), W3_c, b3_c.reshape(1, 1),
    )
    return conc.reshape(-1), val.reshape(-1)

# --- scband reference (transcript-rebuilt; emitter-appended) ---
"""Pipeline reference for scband-a2-c-48103633715380 (READ-ONLY COPY).

The authoritative reference and input builder live on the scoring server;
editing this copy changes nothing except your own understanding.
"""

import jax, jax.numpy as jnp
import numpy as np

N = 10000
E = 320000
D = 128
H = 32


def _p(key, shape, scale=0.05):
    return (jax.random.normal(key, shape, dtype=jnp.float32) * scale)


def setup_inputs(seed: int = 0) -> dict:
    key = jax.random.key(seed)
    ks = jax.random.split(key, 20)
    x = jax.random.normal(ks[0], (N, D), dtype=jnp.float32)
    edge_index = jax.random.randint(ks[1], (2, E), 0, N, dtype=jnp.int32)
    inp = {"x": x, "edge_index": edge_index}
    # Actor params: GCNConv(D->D), lin1(D->32), lin2(32->32), lin3(32->1)
    inp["Wc_a"] = _p(ks[2], (D, D)); inp["bc_a"] = jnp.zeros((D,), jnp.float32)
    inp["W1_a"] = _p(ks[3], (D, H)); inp["b1_a"] = jnp.zeros((H,), jnp.float32)
    inp["W2_a"] = _p(ks[4], (H, H)); inp["b2_a"] = jnp.zeros((H,), jnp.float32)
    inp["W3_a"] = _p(ks[5], (H, 1)); inp["b3_a"] = jnp.zeros((1,), jnp.float32)
    # Critic params: same structure
    inp["Wc_c"] = _p(ks[6], (D, D)); inp["bc_c"] = jnp.zeros((D,), jnp.float32)
    inp["W1_c"] = _p(ks[7], (D, H)); inp["b1_c"] = jnp.zeros((H,), jnp.float32)
    inp["W2_c"] = _p(ks[8], (H, H)); inp["b2_c"] = jnp.zeros((H,), jnp.float32)
    inp["W3_c"] = _p(ks[9], (H, 1)); inp["b3_c"] = jnp.zeros((1,), jnp.float32)
    return inp


def gcn_conv(x, edge_index, W, b):
    # torch_geometric GCNConv: add self-loops, symmetric D^-1/2 (A+I) D^-1/2 X W + b
    n = x.shape[0]
    loop = jnp.arange(n, dtype=edge_index.dtype)
    src = jnp.concatenate([edge_index[0], loop])
    dst = jnp.concatenate([edge_index[1], loop])
    deg = jnp.zeros((n,), jnp.float32).at[dst].add(1.0)
    dinv = jnp.where(deg > 0, deg ** -0.5, 0.0)
    xw = x @ W
    norm = dinv[src] * dinv[dst]
    msg = xw[src] * norm[:, None]
    out = jnp.zeros((n, W.shape[1]), jnp.float32).at[dst].add(msg)
    return out + b


def reference(x, edge_index, Wc_a, bc_a, W1_a, b1_a, W2_a, b2_a, W3_a, b3_a,
              Wc_c, bc_c, W1_c, b1_c, W2_c, b2_c, W3_c, b3_c):
    relu = jax.nn.relu
    # Actor
    out = relu(gcn_conv(x, edge_index, Wc_a, bc_a))
    h = out + x
    h = relu(h @ W1_a + b1_a)
    h = relu(h @ W2_a + b2_a)
    a_out = h @ W3_a + b3_a
    concentration = jax.nn.softplus(a_out).reshape(-1) + 1e-20
    # Critic
    outc = relu(gcn_conv(x, edge_index, Wc_c, bc_c))
    hc = outc + x
    s = jnp.sum(hc, axis=0)
    s = relu(s @ W1_c + b1_c)
    s = relu(s @ W2_c + b2_c)
    value = s @ W3_c + b3_c
    return (concentration, value)

if __name__ == "__main__":
    import jax
    _d = setup_inputs()
    print(jax.jit(kernel)(*tuple(_d.values())))

</pallas_src>

<mosaic_0001>
#map = affine_map<(d0, d1) -> (0, 0, 0)>
module attributes {stable_mosaic.version = 14 : i64} {
  func.func @_deg_body(%arg0: i32, %arg1: i32, %arg2: memref<16x160x125xi32, #tpu.memory_space<hbm>>, %arg3: memref<2x10240x16xf32, #tpu.memory_space<hbm>>, %arg4: memref<40x125xi32, #tpu.memory_space<vmem>>, %arg5: memref<125x16xf32, #tpu.memory_space<vmem>>, %arg6: memref<80x16xf32, #tpu.memory_space<vmem>>, %arg7: memref<10240x16xf32, #tpu.memory_space<vmem_shared>>, %arg8: memref<!tpu.dma_semaphore, #tpu.memory_space<semaphore_mem>>) attributes {dimension_semantics = [#tpu.dimension_semantics<core_parallel>, #tpu.dimension_semantics<subcore_parallel>], iteration_bounds = array<i64: 2, 16>, scalar_prefetch = 0 : i64, scratch_operands = 5 : i64, tpu.core_type = #tpu.core_type<sc_vector_subcore>, window_params = [{transform_indices = #map}, {transform_indices = #map}]} {
    %broadcast_in_dim3A = arith.constant 0.000000e+00 : f32
    %broadcast_in_dim3A_0 = vector.broadcast %broadcast_in_dim3A : f32 to vector<16xf32>
    %broadcast_in_dim3A_1 = arith.constant 1.000000e+00 : f32
    %broadcast_in_dim3A_2 = vector.broadcast %broadcast_in_dim3A_1 : f32 to vector<16xf32>
    %scan3A = arith.constant 0 : i32
    %scan3A_3 = arith.constant 0 : i32
    %scan3A_4 = arith.constant 125 : i32
    %scan3A_5 = arith.addi %scan3A_3, %scan3A_4 : i32
    %scan3A_6 = arith.constant 1 : i32
    scf.for %scan3A_290 = %scan3A_3 to %scan3A_5 step %scan3A_6  : i32 {
      %swap3A = arith.index_cast %scan3A_290 : i32 to index
      %swap3A_291 = arith.constant 0 : index
      %swap3A_292 = tpu.vector_load %arg5[%swap3A, %swap3A_291] {strides = array<i32>} : memref<125x16xf32, #tpu.memory_space<vmem>>, vector<16xf32>,
      tpu.vector_store %arg5[%swap3A, %swap3A_291], %broadcast_in_dim3A_2 {strides = array<i32>} : memref<125x16xf32, #tpu.memory_space<vmem>>, vector<16xf32>,
    }
    %scan3A_7 = arith.constant 125 : i32
    %scan3A_8 = arith.constant 0 : i32
    %scan3A_9 = arith.constant 0 : i32
    %scan3A_10 = arith.constant 80 : i32
    %scan3A_11 = arith.addi %scan3A_9, %scan3A_10 : i32
    %scan3A_12 = arith.constant 1 : i32
    scf.for %scan3A_290 = %scan3A_9 to %scan3A_11 step %scan3A_12  : i32 {
      %swap3A = arith.index_cast %scan3A_290 : i32 to index
      %swap3A_291 = arith.constant 0 : index
      %swap3A_292 = tpu.vector_load %arg6[%swap3A, %swap3A_291] {strides = array<i32>} : memref<80x16xf32, #tpu.memory_space<vmem>>, vector<16xf32>,
      tpu.vector_store %arg6[%swap3A, %swap3A_291], %broadcast_in_dim3A_0 {strides = array<i32>} : memref<80x16xf32, #tpu.memory_space<vmem>>, vector<16xf32>,
    }
    %scan3A_13 = arith.constant 80 : i32
    %mul3A = arith.constant 640 : i32
    %mul3A_14 = arith.muli %arg1, %mul3A : i32
    %add3A = arith.constant 0 : i32
    %add3A_15 = arith.addi %mul3A_14, %add3A : i32
    %dma_start3A = arith.constant 0 : i32
    %dma_start3A_16 = tpu.memref_slice %arg7[%add3A_15, %dma_start3A] : memref<10240x16xf32, #tpu.memory_space<vmem_shared>> -> memref<80x16xf32, #tpu.memory_space<vmem_shared>>
    %dma_start3A_17 = arith.constant 0 : i32
    %dma_start3A_18 = tpu.memref_slice %arg7[%add3A_15, %dma_start3A_17] : memref<10240x16xf32, #tpu.memory_space<vmem_shared>> -> memref<80x16xf32, #tpu.memory_space<vmem_shared>>
    tpu.enqueue_dma source(%arg6 : memref<80x16xf32, #tpu.memory_space<vmem>>) target(%dma_start3A_18 : memref<80x16xf32, #tpu.memory_space<vmem_shared>>) target_semaphore(%arg8 : memref<!tpu.dma_semaphore, #tpu.memory_space<semaphore_mem>>)
    %mul3A_19 = arith.constant 640 : i32
    %mul3A_20 = arith.muli %arg1, %mul3A_19 : i32
    %add3A_21 = arith.constant 80 : i32
    %add3A_22 = arith.addi %mul3A_20, %add3A_21 : i32
    %dma_start3A_23 = arith.constant 0 : i32
    %dma_start3A_24 = tpu.memref_slice %arg7[%add3A_22, %dma_start3A_23] : memref<10240x16xf32, #tpu.memory_space<vmem_shared>> -> memref<80x16xf32, #tpu.memory_space<vmem_shared>>
    %dma_start3A_25 = arith.constant 0 : i32
    %dma_start3A_26 = tpu.memref_slice %arg7[%add3A_22, %dma_start3A_25] : memref<10240x16xf32, #tpu.memory_space<vmem_shared>> -> memref<80x16xf32, #tpu.memory_space<vmem_shared>>
    tpu.enqueue_dma source(%arg6 : memref<80x16xf32, #tpu.memory_space<vmem>>) target(%dma_start3A_26 : memref<80x16xf32, #tpu.memory_space<vmem_shared>>) target_semaphore(%arg8 : memref<!tpu.dma_semaphore, #tpu.memory_space<semaphore_mem>>)
    %mul3A_27 = arith.constant 640 : i32
    %mul3A_28 = arith.muli %arg1, %mul3A_27 : i32
    %add3A_29 = arith.constant 160 : i32
    %add3A_30 = arith.addi %mul3A_28, %add3A_29 : i32
    %dma_start3A_31 = arith.constant 0 : i32
    %dma_start3A_32 = tpu.memref_slice %arg7[%add3A_30, %dma_start3A_31] : memref<10240x16xf32, #tpu.memory_space<vmem_shared>> -> memref<80x16xf32, #tpu.memory_space<vmem_shared>>
    %dma_start3A_33 = arith.constant 0 : i32
    %dma_start3A_34 = tpu.memref_slice %arg7[%add3A_30, %dma_start3A_33] : memref<10240x16xf32, #tpu.memory_space<vmem_shared>> -> memref<80x16xf32, #tpu.memory_space<vmem_shared>>
    tpu.enqueue_dma source(%arg6 : memref<80x16xf32, #tpu.memory_space<vmem>>) target(%dma_start3A_34 : memref<80x16xf32, #tpu.memory_space<vmem_shared>>) target_semaphore(%arg8 : memref<!tpu.dma_semaphore, #tpu.memory_space<semaphore_mem>>)
    %mul3A_35 = arith.constant 640 : i32
    %mul3A_36 = arith.muli %arg1, %mul3A_35 : i32
    %add3A_37 = arith.constant 240 : i32
    %add3A_38 = arith.addi %mul3A_36, %add3A_37 : i32
    %dma_start3A_39 = arith.constant 0 : i32
    %dma_start3A_40 = tpu.memref_slice %arg7[%add3A_38, %dma_start3A_39] : memref<10240x16xf32, #tpu.memory_space<vmem_shared>> -> memref<80x16xf32, #tpu.memory_space<vmem_shared>>
    %dma_start3A_41 = arith.constant 0 : i32
    %dma_start3A_42 = tpu.memref_slice %arg7[%add3A_38, %dma_start3A_41] : memref<10240x16xf32, #tpu.memory_space<vmem_shared>> -> memref<80x16xf32, #tpu.memory_space<vmem_shared>>
    tpu.enqueue_dma source(%arg6 : memref<80x16xf32, #tpu.memory_space<vmem>>) target(%dma_start3A_42 : memref<80x16xf32, #tpu.memory_space<vmem_shared>>) target_semaphore(%arg8 : memref<!tpu.dma_semaphore, #tpu.memory_space<semaphore_mem>>)
    %mul3A_43 = arith.constant 640 : i32
    %mul3A_44 = arith.muli %arg1, %mul3A_43 : i32
    %add3A_45 = arith.constant 320 : i32
    %add3A_46 = arith.addi %mul3A_44, %add3A_45 : i32
    %dma_start3A_47 = arith.constant 0 : i32
    %dma_start3A_48 = tpu.memref_slice %arg7[%add3A_46, %dma_start3A_47] : memref<10240x16xf32, #tpu.memory_space<vmem_shared>> -> memref<80x16xf32, #tpu.memory_space<vmem_shared>>
    %dma_start3A_49 = arith.constant 0 : i32
    %dma_start3A_50 = tpu.memref_slice %arg7[%add3A_46, %dma_start3A_49] : memref<10240x16xf32, #tpu.memory_space<vmem_shared>> -> memref<80x16xf32, #tpu.memory_space<vmem_shared>>
    tpu.enqueue_dma source(%arg6 : memref<80x16xf32, #tpu.memory_space<vmem>>) target(%dma_start3A_50 : memref<80x16xf32, #tpu.memory_space<vmem_shared>>) target_semaphore(%arg8 : memref<!tpu.dma_semaphore, #tpu.memory_space<semaphore_mem>>)
    %mul3A_51 = arith.constant 640 : i32
    %mul3A_52 = arith.muli %arg1, %mul3A_51 : i32
    %add3A_53 = arith.constant 400 : i32
    %add3A_54 = arith.addi %mul3A_52, %add3A_53 : i32
    %dma_start3A_55 = arith.constant 0 : i32
    %dma_start3A_56 = tpu.memref_slice %arg7[%add3A_54, %dma_start3A_55] : memref<10240x16xf32, #tpu.memory_space<vmem_shared>> -> memref<80x16xf32, #tpu.memory_space<vmem_shared>>
    %dma_start3A_57 = arith.constant 0 : i32
    %dma_start3A_58 = tpu.memref_slice %arg7[%add3A_54, %dma_start3A_57] : memref<10240x16xf32, #tpu.memory_space<vmem_shared>> -> memref<80x16xf32, #tpu.memory_space<vmem_shared>>
    tpu.enqueue_dma source(%arg6 : memref<80x16xf32, #tpu.memory_space<vmem>>) target(%dma_start3A_58 : memref<80x16xf32, #tpu.memory_space<vmem_shared>>) target_semaphore(%arg8 : memref<!tpu.dma_semaphore, #tpu.memory_space<semaphore_mem>>)
    %mul3A_59 = arith.constant 640 : i32
    %mul3A_60 = arith.muli %arg1, %mul3A_59 : i32
    %add3A_61 = arith.constant 480 : i32
    %add3A_62 = arith.addi %mul3A_60, %add3A_61 : i32
    %dma_start3A_63 = arith.constant 0 : i32
    %dma_start3A_64 = tpu.memref_slice %arg7[%add3A_62, %dma_start3A_63] : memref<10240x16xf32, #tpu.memory_space<vmem_shared>> -> memref<80x16xf32, #tpu.memory_space<vmem_shared>>
    %dma_start3A_65 = arith.constant 0 : i32
    %dma_start3A_66 = tpu.memref_slice %arg7[%add3A_62, %dma_start3A_65] : memref<10240x16xf32, #tpu.memory_space<vmem_shared>> -> memref<80x16xf32, #tpu.memory_space<vmem_shared>>
    tpu.enqueue_dma source(%arg6 : memref<80x16xf32, #tpu.memory_space<vmem>>) target(%dma_start3A_66 : memref<80x16xf32, #tpu.memory_space<vmem_shared>>) target_semaphore(%arg8 : memref<!tpu.dma_semaphore, #tpu.memory_space<semaphore_mem>>)
    %mul3A_67 = arith.constant 640 : i32
    %mul3A_68 = arith.muli %arg1, %mul3A_67 : i32
    %add3A_69 = arith.constant 560 : i32
    %add3A_70 = arith.addi %mul3A_68, %add3A_69 : i32
    %dma_start3A_71 = arith.constant 0 : i32
    %dma_start3A_72 = tpu.memref_slice %arg7[%add3A_70, %dma_start3A_71] : memref<10240x16xf32, #tpu.memory_space<vmem_shared>> -> memref<80x16xf32, #tpu.memory_space<vmem_shared>>
    %dma_start3A_73 = arith.constant 0 : i32
    %dma_start3A_74 = tpu.memref_slice %arg7[%add3A_70, %dma_start3A_73] : memref<10240x16xf32, #tpu.memory_space<vmem_shared>> -> memref<80x16xf32, #tpu.memory_space<vmem_shared>>
    tpu.enqueue_dma source(%arg6 : memref<80x16xf32, #tpu.memory_space<vmem>>) target(%dma_start3A_74 : memref<80x16xf32, #tpu.memory_space<vmem_shared>>) target_semaphore(%arg8 : memref<!tpu.dma_semaphore, #tpu.memory_space<semaphore_mem>>)
    %mul3A_75 = arith.constant 640 : i32
    %mul3A_76 = arith.muli %arg1, %mul3A_75 : i32
    %add3A_77 = arith.constant 0 : i32
    %add3A_78 = arith.addi %mul3A_76, %add3A_77 : i32
    %dma_wait3A = arith.constant 0 : i32
    %dma_wait3A_79 = tpu.memref_slice %arg7[%add3A_78, %dma_wait3A] : memref<10240x16xf32, #tpu.memory_space<vmem_shared>> -> memref<80x16xf32, #tpu.memory_space<vmem_shared>>
    %dma_wait3A_80 = arith.constant 0 : i32
    %dma_wait3A_81 = tpu.memref_slice %arg7[%add3A_78, %dma_wait3A_80] : memref<10240x16xf32, #tpu.memory_space<vmem_shared>> -> memref<80x16xf32, #tpu.memory_space<vmem_shared>>
    tpu.wait_dma2 semaphore(%arg8 : memref<!tpu.dma_semaphore, #tpu.memory_space<semaphore_mem>>) src(%arg6 : memref<80x16xf32, #tpu.memory_space<vmem>>) dst(%dma_wait3A_81 : memref<80x16xf32, #tpu.memory_space<vmem_shared>>)
    %mul3A_82 = arith.constant 640 : i32
    %mul3A_83 = arith.muli %arg1, %mul3A_82 : i32
    %add3A_84 = arith.constant 80 : i32
    %add3A_85 = arith.addi %mul3A_83, %add3A_84 : i32
    %dma_wait3A_86 = arith.constant 0 : i32
    %dma_wait3A_87 = tpu.memref_slice %arg7[%add3A_85, %dma_wait3A_86] : memref<10240x16xf32, #tpu.memory_space<vmem_shared>> -> memref<80x16xf32, #tpu.memory_space<vmem_shared>>
    %dma_wait3A_88 = arith.constant 0 : i32
    %dma_wait3A_89 = tpu.memref_slice %arg7[%add3A_85, %dma_wait3A_88] : memref<10240x16xf32, #tpu.memory_space<vmem_shared>> -> memref<80x16xf32, #tpu.memory_space<vmem_shared>>
    tpu.wait_dma2 semaphore(%arg8 : memref<!tpu.dma_semaphore, #tpu.memory_space<semaphore_mem>>) src(%arg6 : memref<80x16xf32, #tpu.memory_space<vmem>>) dst(%dma_wait3A_89 : memref<80x16xf32, #tpu.memory_space<vmem_shared>>)
    %mul3A_90 = arith.constant 640 : i32
    %mul3A_91 = arith.muli %arg1, %mul3A_90 : i32
    %add3A_92 = arith.constant 160 : i32
    %add3A_93 = arith.addi %mul3A_91, %add3A_92 : i32
    %dma_wait3A_94 = arith.constant 0 : i32
    %dma_wait3A_95 = tpu.memref_slice %arg7[%add3A_93, %dma_wait3A_94] : memref<10240x16xf32, #tpu.memory_space<vmem_shared>> -> memref<80x16xf32, #tpu.memory_space<vmem_shared>>
    %dma_wait3A_96 = arith.constant 0 : i32
    %dma_wait3A_97 = tpu.memref_slice %arg7[%add3A_93, %dma_wait3A_96] : memref<10240x16xf32, #tpu.memory_space<vmem_shared>> -> memref<80x16xf32, #tpu.memory_space<vmem_shared>>
    tpu.wait_dma2 semaphore(%arg8 : memref<!tpu.dma_semaphore, #tpu.memory_space<semaphore_mem>>) src(%arg6 : memref<80x16xf32, #tpu.memory_space<vmem>>) dst(%dma_wait3A_97 : memref<80x16xf32, #tpu.memory_space<vmem_shared>>)
    %mul3A_98 = arith.constant 640 : i32
    %mul3A_99 = arith.muli %arg1, %mul3A_98 : i32
    %add3A_100 = arith.constant 240 : i32
    %add3A_101 = arith.addi %mul3A_99, %add3A_100 : i32
    %dma_wait3A_102 = arith.constant 0 : i32
    %dma_wait3A_103 = tpu.memref_slice %arg7[%add3A_101, %dma_wait3A_102] : memref<10240x16xf32, #tpu.memory_space<vmem_shared>> -> memref<80x16xf32, #tpu.memory_space<vmem_shared>>
    %dma_wait3A_104 = arith.constant 0 : i32
    %dma_wait3A_105 = tpu.memref_slice %arg7[%add3A_101, %dma_wait3A_104] : memref<10240x16xf32, #tpu.memory_space<vmem_shared>> -> memref<80x16xf32, #tpu.memory_space<vmem_shared>>
    tpu.wait_dma2 semaphore(%arg8 : memref<!tpu.dma_semaphore, #tpu.memory_space<semaphore_mem>>) src(%arg6 : memref<80x16xf32, #tpu.memory_space<vmem>>) dst(%dma_wait3A_105 : memref<80x16xf32, #tpu.memory_space<vmem_shared>>)
    %mul3A_106 = arith.constant 640 : i32
    %mul3A_107 = arith.muli %arg1, %mul3A_106 : i32
    %add3A_108 = arith.constant 320 : i32
    %add3A_109 = arith.addi %mul3A_107, %add3A_108 : i32
    %dma_wait3A_110 = arith.constant 0 : i32
    %dma_wait3A_111 = tpu.memref_slice %arg7[%add3A_109, %dma_wait3A_110] : memref<10240x16xf32, #tpu.memory_space<vmem_shared>> -> memref<80x16xf32, #tpu.memory_space<vmem_shared>>
    %dma_wait3A_112 = arith.constant 0 : i32
    %dma_wait3A_113 = tpu.memref_slice %arg7[%add3A_109, %dma_wait3A_112] : memref<10240x16xf32, #tpu.memory_space<vmem_shared>> -> memref<80x16xf32, #tpu.memory_space<vmem_shared>>
    tpu.wait_dma2 semaphore(%arg8 : memref<!tpu.dma_semaphore, #tpu.memory_space<semaphore_mem>>) src(%arg6 : memref<80x16xf32, #tpu.memory_space<vmem>>) dst(%dma_wait3A_113 : memref<80x16xf32, #tpu.memory_space<vmem_shared>>)
    %mul3A_114 = arith.constant 640 : i32
    %mul3A_115 = arith.muli %arg1, %mul3A_114 : i32
    %add3A_116 = arith.constant 400 : i32
    %add3A_117 = arith.addi %mul3A_115, %add3A_116 : i32
    %dma_wait3A_118 = arith.constant 0 : i32
    %dma_wait3A_119 = tpu.memref_slice %arg7[%add3A_117, %dma_wait3A_118] : memref<10240x16xf32, #tpu.memory_space<vmem_shared>> -> memref<80x16xf32, #tpu.memory_space<vmem_shared>>
    %dma_wait3A_120 = arith.constant 0 : i32
    %dma_wait3A_121 = tpu.memref_slice %arg7[%add3A_117, %dma_wait3A_120] : memref<10240x16xf32, #tpu.memory_space<vmem_shared>> -> memref<80x16xf32, #tpu.memory_space<vmem_shared>>
    tpu.wait_dma2 semaphore(%arg8 : memref<!tpu.dma_semaphore, #tpu.memory_space<semaphore_mem>>) src(%arg6 : memref<80x16xf32, #tpu.memory_space<vmem>>) dst(%dma_wait3A_121 : memref<80x16xf32, #tpu.memory_space<vmem_shared>>)
    %mul3A_122 = arith.constant 640 : i32
    %mul3A_123 = arith.muli %arg1, %mul3A_122 : i32
    %add3A_124 = arith.constant 480 : i32
    %add3A_125 = arith.addi %mul3A_123, %add3A_124 : i32
    %dma_wait3A_126 = arith.constant 0 : i32
    %dma_wait3A_127 = tpu.memref_slice %arg7[%add3A_125, %dma_wait3A_126] : memref<10240x16xf32, #tpu.memory_space<vmem_shared>> -> memref<80x16xf32, #tpu.memory_space<vmem_shared>>
    %dma_wait3A_128 = arith.constant 0 : i32
    %dma_wait3A_129 = tpu.memref_slice %arg7[%add3A_125, %dma_wait3A_128] : memref<10240x16xf32, #tpu.memory_space<vmem_shared>> -> memref<80x16xf32, #tpu.memory_space<vmem_shared>>
    tpu.wait_dma2 semaphore(%arg8 : memref<!tpu.dma_semaphore, #tpu.memory_space<semaphore_mem>>) src(%arg6 : memref<80x16xf32, #tpu.memory_space<vmem>>) dst(%dma_wait3A_129 : memref<80x16xf32, #tpu.memory_space<vmem_shared>>)
    %mul3A_130 = arith.constant 640 : i32
    %mul3A_131 = arith.muli %arg1, %mul3A_130 : i32
    %add3A_132 = arith.constant 560 : i32
    %add3A_133 = arith.addi %mul3A_131, %add3A_132 : i32
    %dma_wait3A_134 = arith.constant 0 : i32
    %dma_wait3A_135 = tpu.memref_slice %arg7[%add3A_133, %dma_wait3A_134] : memref<10240x16xf32, #tpu.memory_space<vmem_shared>> -> memref<80x16xf32, #tpu.memory_space<vmem_shared>>
    %dma_wait3A_136 = arith.constant 0 : i32
    %dma_wait3A_137 = tpu.memref_slice %arg7[%add3A_133, %dma_wait3A_136] : memref<10240x16xf32, #tpu.memory_space<vmem_shared>> -> memref<80x16xf32, #tpu.memory_space<vmem_shared>>
    tpu.wait_dma2 semaphore(%arg8 : memref<!tpu.dma_semaphore, #tpu.memory_space<semaphore_mem>>) src(%arg6 : memref<80x16xf32, #tpu.memory_space<vmem>>) dst(%dma_wait3A_137 : memref<80x16xf32, #tpu.memory_space<vmem_shared>>)
    %barrier3A = arith.constant 0 : index
    tpu.barrier barrier_id(%barrier3A)
    %eq3A = arith.constant 0 : i32
    %eq3A_138 = arith.cmpi eq, %arg0, %eq3A : i32
    %convert_element_type3A = arith.extui %eq3A_138 : i1 to i32
    %cond3A = arith.constant 0 : i32
    %cond3A_139 = arith.cmpi ne, %convert_element_type3A, %cond3A : i32
    scf.if %cond3A_139 {
      "tpu.region"() ({
        %run_scoped3A = tpu.sem_alloc : memref<!tpu.dma_semaphore, #tpu.memory_space<semaphore_mem>>
        %dma_start3A_314 = arith.constant 0 : i32
        %dma_start3A_315 = arith.constant 0 : i32
        %dma_start3A_316 = tpu.memref_slice %arg2[%arg1, %dma_start3A_314, %dma_start3A_315] : memref<16x160x125xi32, #tpu.memory_space<hbm>> -> memref<1x40x125xi32, #tpu.memory_space<hbm>>
        %dma_start3A_317 = tpu.memref_squeeze %dma_start3A_316 : memref<1x40x125xi32, #tpu.memory_space<hbm>> -> memref<40x125xi32, #tpu.memory_space<hbm>>
        %dma_start3A_318 = arith.constant 0 : i32
        %dma_start3A_319 = arith.constant 0 : i32
        %dma_start3A_320 = tpu.memref_slice %arg2[%arg1, %dma_start3A_318, %dma_start3A_319] : memref<16x160x125xi32, #tpu.memory_space<hbm>> -> memref<1x40x125xi32, #tpu.memory_space<hbm>>
        %dma_start3A_321 = tpu.memref_squeeze %dma_start3A_320 : memref<1x40x125xi32, #tpu.memory_space<hbm>> -> memref<40x125xi32, #tpu.memory_space<hbm>>
        tpu.enqueue_dma source(%dma_start3A_321 : memref<40x125xi32, #tpu.memory_space<hbm>>) target(%arg4 : memref<40x125xi32, #tpu.memory_space<vmem>>) target_semaphore(%run_scoped3A : memref<!tpu.dma_semaphore, #tpu.memory_space<semaphore_mem>>)
        %dma_wait3A_322 = arith.constant 0 : i32
        %dma_wait3A_323 = arith.constant 0 : i32
        %dma_wait3A_324 = tpu.memref_slice %arg2[%arg1, %dma_wait3A_322, %dma_wait3A_323] : memref<16x160x125xi32, #tpu.memory_space<hbm>> -> memref<1x40x125xi32, #tpu.memory_space<hbm>>
        %dma_wait3A_325 = tpu.memref_squeeze %dma_wait3A_324 : memref<1x40x125xi32, #tpu.memory_space<hbm>> -> memref<40x125xi32, #tpu.memory_space<hbm>>
        %dma_wait3A_326 = arith.constant 0 : i32
        %dma_wait3A_327 = arith.constant 0 : i32
        %dma_wait3A_328 = tpu.memref_slice %arg2[%arg1, %dma_wait3A_326, %dma_wait3A_327] : memref<16x160x125xi32, #tpu.memory_space<hbm>> -> memref<1x40x125xi32, #tpu.memory_space<hbm>>
        %dma_wait3A_329 = tpu.memref_squeeze %dma_wait3A_328 : memref<1x40x125xi32, #tpu.memory_space<hbm>> -> memref<40x125xi32, #tpu.memory_space<hbm>>
        tpu.wait_dma2 semaphore(%run_scoped3A : memref<!tpu.dma_semaphore, #tpu.memory_space<semaphore_mem>>) src(%dma_wait3A_329 : memref<40x125xi32, #tpu.memory_space<hbm>>) dst(%arg4 : memref<40x125xi32, #tpu.memory_space<vmem>>)
        tpu.yield
      }) : () -> ()
      %scan3A_290 = arith.constant 0 : i32
      %scan3A_291 = arith.constant 0 : i32
      %scan3A_292 = arith.constant 40 : i32
      %scan3A_293 = arith.addi %scan3A_291, %scan3A_292 : i32
      %scan3A_294 = arith.constant 1 : i32
      scf.for %scan3A_314 = %scan3A_291 to %scan3A_293 step %scan3A_294  : i32 {
        %dma_start3A_315 = arith.constant 0 : i32
        %dma_start3A_316 = tpu.memref_slice %arg4[%scan3A_314, %dma_start3A_315] : memref<40x125xi32, #tpu.memory_space<vmem>> -> memref<1x125xi32, #tpu.memory_space<vmem>>
        %dma_start3A_317 = tpu.memref_squeeze %dma_start3A_316 : memref<1x125xi32, #tpu.memory_space<vmem>> -> memref<125xi32, #tpu.memory_space<vmem>>
        %dma_start3A_318 = arith.constant 0 : i32
        %dma_start3A_319 = arith.constant 0 : i32
        %dma_start3A_320 = tpu.memref_slice %arg7[%dma_start3A_318, %dma_start3A_319] : memref<10240x16xf32, #tpu.memory_space<vmem_shared>> -> memref<10240x16xf32, #tpu.memory_space<vmem_shared>>
        tpu.enqueue_indirect_dma source(%arg5 : memref<125x16xf32, #tpu.memory_space<vmem>>) target(%dma_start3A_320 : memref<10240x16xf32, #tpu.memory_space<vmem_shared>>) offsets(%dma_start3A_317 : memref<125xi32, #tpu.memory_space<vmem>>) semaphore(%arg8 : memref<!tpu.dma_semaphore, #tpu.memory_space<semaphore_mem>>) {add = true}
      }
      %scan3A_295 = arith.constant 40 : i32
      %scan3A_296 = arith.constant 0 : i32
      %scan3A_297 = arith.constant 0 : i32
      %scan3A_298 = arith.constant 40 : i32
      %scan3A_299 = arith.addi %scan3A_297, %scan3A_298 : i32
      %scan3A_300 = arith.constant 1 : i32
      scf.for %scan3A_314 = %scan3A_297 to %scan3A_299 step %scan3A_300  : i32 {
        %dma_wait3A_315 = arith.constant 0 : i32
        %dma_wait3A_316 = arith.constant 0 : i32
        %dma_wait3A_317 = tpu.memref_slice %arg4[%dma_wait3A_315, %dma_wait3A_316] : memref<40x125xi32, #tpu.memory_space<vmem>> -> memref<1x125xi32, #tpu.memory_space<vmem>>
        %dma_wait3A_318 = tpu.memref_squeeze %dma_wait3A_317 : memref<1x125xi32, #tpu.memory_space<vmem>> -> memref<125xi32, #tpu.memory_space<vmem>>
        %dma_wait3A_319 = arith.constant 0 : i32
        %dma_wait3A_320 = arith.constant 0 : i32
        %dma_wait3A_321 = tpu.memref_slice %arg7[%dma_wait3A_319, %dma_wait3A_320] : memref<10240x16xf32, #tpu.memory_space<vmem_shared>> -> memref<10240x16xf32, #tpu.memory_space<vmem_shared>>
        tpu.wait_indirect_dma semaphore(%arg8 : memref<!tpu.dma_semaphore, #tpu.memory_space<semaphore_mem>>) src(%arg5 : memref<125x16xf32, #tpu.memory_space<vmem>>) dst(%dma_wait3A_321 : memref<10240x16xf32, #tpu.memory_space<vmem_shared>>)
      }
      %scan3A_301 = arith.constant 40 : i32
      "tpu.region"() ({
        %run_scoped3A = tpu.sem_alloc : memref<!tpu.dma_semaphore, #tpu.memory_space<semaphore_mem>>
        %dma_start3A_314 = arith.constant 40 : i32
        %dma_start3A_315 = arith.constant 0 : i32
        %dma_start3A_316 = tpu.memref_slice %arg2[%arg1, %dma_start3A_314, %dma_start3A_315] : memref<16x160x125xi32, #tpu.memory_space<hbm>> -> memref<1x40x125xi32, #tpu.memory_space<hbm>>
        %dma_start3A_317 = tpu.memref_squeeze %dma_start3A_316 : memref<1x40x125xi32, #tpu.memory_space<hbm>> -> memref<40x125xi32, #tpu.memory_space<hbm>>
        %dma_start3A_318 = arith.constant 40 : i32
        %dma_start3A_319 = arith.constant 0 : i32
        %dma_start3A_320 = tpu.memref_slice %arg2[%arg1, %dma_start3A_318, %dma_start3A_319] : memref<16x160x125xi32, #tpu.memory_space<hbm>> -> memref<1x40x125xi32, #tpu.memory_space<hbm>>
        %dma_start3A_321 = tpu.memref_squeeze %dma_start3A_320 : memref<1x40x125xi32, #tpu.memory_space<hbm>> -> memref<40x125xi32, #tpu.memory_space<hbm>>
        tpu.enqueue_dma source(%dma_start3A_321 : memref<40x125xi32, #tpu.memory_space<hbm>>) target(%arg4 : memref<40x125xi32, #tpu.memory_space<vmem>>) target_semaphore(%run_scoped3A : memref<!tpu.dma_semaphore, #tpu.memory_space<semaphore_mem>>)
        %dma_wait3A_322 = arith.constant 40 : i32
        %dma_wait3A_323 = arith.constant 0 : i32
        %dma_wait3A_324 = tpu.memref_slice %arg2[%arg1, %dma_wait3A_322, %dma_wait3A_323] : memref<16x160x125xi32, #tpu.memory_space<hbm>> -> memref<1x40x125xi32, #tpu.memory_space<hbm>>
        %dma_wait3A_325 = tpu.memref_squeeze %dma_wait3A_324 : memref<1x40x125xi32, #tpu.memory_space<hbm>> -> memref<40x125xi32, #tpu.memory_space<hbm>>
        %dma_wait3A_326 = arith.constant 40 : i32
        %dma_wait3A_327 = arith.constant 0 : i32
        %dma_wait3A_328 = tpu.memref_slice %arg2[%arg1, %dma_wait3A_326, %dma_wait3A_327] : memref<16x160x125xi32, #tpu.memory_space<hbm>> -> memref<1x40x125xi32, #tpu.memory_space<hbm>>
        %dma_wait3A_329 = tpu.memref_squeeze %dma_wait3A_328 : memref<1x40x125xi32, #tpu.memory_space<hbm>> -> memref<40x125xi32, #tpu.memory_space<hbm>>
        tpu.wait_dma2 semaphore(%run_scoped3A : memref<!tpu.dma_semaphore, #tpu.memory_space<semaphore_mem>>) src(%dma_wait3A_329 : memref<40x125xi32, #tpu.memory_space<hbm>>) dst(%arg4 : memref<40x125xi32, #tpu.memory_space<vmem>>)
        tpu.yield
      }) : () -> ()
      %scan3A_302 = arith.constant 0 : i32
      %scan3A_303 = arith.constant 0 : i32
      %scan3A_304 = arith.constant 40 : i32
      %scan3A_305 = arith.addi %scan3A_303, %scan3A_304 : i32
      %scan3A_306 = arith.constant 1 : i32
      scf.for %scan3A_314 = %scan3A_303 to %scan3A_305 step %scan3A_306  : i32 {
        %dma_start3A_315 = arith.constant 0 : i32
        %dma_start3A_316 = tpu.memref_slice %arg4[%scan3A_314, %dma_start3A_315] : memref<40x125xi32, #tpu.memory_space<vmem>> -> memref<1x125xi32, #tpu.memory_space<vmem>>
        %dma_start3A_317 = tpu.memref_squeeze %dma_start3A_316 : memref<1x125xi32, #tpu.memory_space<vmem>> -> memref<125xi32, #tpu.memory_space<vmem>>
        %dma_start3A_318 = arith.constant 0 : i32
        %dma_start3A_319 = arith.constant 0 : i32
        %dma_start3A_320 = tpu.memref_slice %arg7[%dma_start3A_318, %dma_start3A_319] : memref<10240x16xf32, #tpu.memory_space<vmem_shared>> -> memref<10240x16xf32, #tpu.memory_space<vmem_shared>>
        tpu.enqueue_indirect_dma source(%arg5 : memref<125x16xf32, #tpu.memory_space<vmem>>) target(%dma_start3A_320 : memref<10240x16xf32, #tpu.memory_space<vmem_shared>>) offsets(%dma_start3A_317 : memref<125xi32, #tpu.memory_space<vmem>>) semaphore(%arg8 : memref<!tpu.dma_semaphore, #tpu.memory_space<semaphore_mem>>) {add = true}
      }
      %scan3A_307 = arith.constant 40 : i32
      %scan3A_308 = arith.constant 0 : i32
      %scan3A_309 = arith.constant 0 : i32
      %scan3A_310 = arith.constant 40 : i32
      %scan3A_311 = arith.addi %scan3A_309, %scan3A_310 : i32
      %scan3A_312 = arith.constant 1 : i32
      scf.for %scan3A_314 = %scan3A_309 to %scan3A_311 step %scan3A_312  : i32 {
        %dma_wait3A_315 = arith.constant 0 : i32
        %dma_wait3A_316 = arith.constant 0 : i32
        %dma_wait3A_317 = tpu.memref_slice %arg4[%dma_wait3A_315, %dma_wait3A_316] : memref<40x125xi32, #tpu.memory_space<vmem>> -> memref<1x125xi32, #tpu.memory_space<vmem>>
        %dma_wait3A_318 = tpu.memref_squeeze %dma_wait3A_317 : memref<1x125xi32, #tpu.memory_space<vmem>> -> memref<125xi32, #tpu.memory_space<vmem>>
        %dma_wait3A_319 = arith.constant 0 : i32
        %dma_wait3A_320 = arith.constant 0 : i32
        %dma_wait3A_321 = tpu.memref_slice %arg7[%dma_wait3A_319, %dma_wait3A_320] : memref<10240x16xf32, #tpu.memory_space<vmem_shared>> -> memref<10240x16xf32, #tpu.memory_space<vmem_shared>>
        tpu.wait_indirect_dma semaphore(%arg8 : memref<!tpu.dma_semaphore, #tpu.memory_space<semaphore_mem>>) src(%arg5 : memref<125x16xf32, #tpu.memory_space<vmem>>) dst(%dma_wait3A_321 : memref<10240x16xf32, #tpu.memory_space<vmem_shared>>)
      }
      %scan3A_313 = arith.constant 40 : i32
    } else {
    }
    %eq3A_140 = arith.constant 1 : i32
    %eq3A_141 = arith.cmpi eq, %arg0, %eq3A_140 : i32
    %convert_element_type3A_142 = arith.extui %eq3A_141 : i1 to i32
    %cond3A_143 = arith.constant 0 : i32
    %cond3A_144 = arith.cmpi ne, %convert_element_type3A_142, %cond3A_143 : i32
    scf.if %cond3A_144 {
      "tpu.region"() ({
        %run_scoped3A = tpu.sem_alloc : memref<!tpu.dma_semaphore, #tpu.memory_space<semaphore_mem>>
        %dma_start3A_314 = arith.constant 80 : i32
        %dma_start3A_315 = arith.constant 0 : i32
        %dma_start3A_316 = tpu.memref_slice %arg2[%arg1, %dma_start3A_314, %dma_start3A_315] : memref<16x160x125xi32, #tpu.memory_space<hbm>> -> memref<1x40x125xi32, #tpu.memory_space<hbm>>
        %dma_start3A_317 = tpu.memref_squeeze %dma_start3A_316 : memref<1x40x125xi32, #tpu.memory_space<hbm>> -> memref<40x125xi32, #tpu.memory_space<hbm>>
        %dma_start3A_318 = arith.constant 80 : i32
        %dma_start3A_319 = arith.constant 0 : i32
        %dma_start3A_320 = tpu.memref_slice %arg2[%arg1, %dma_start3A_318, %dma_start3A_319] : memref<16x160x125xi32, #tpu.memory_space<hbm>> -> memref<1x40x125xi32, #tpu.memory_space<hbm>>
        %dma_start3A_321 = tpu.memref_squeeze %dma_start3A_320 : memref<1x40x125xi32, #tpu.memory_space<hbm>> -> memref<40x125xi32, #tpu.memory_space<hbm>>
        tpu.enqueue_dma source(%dma_start3A_321 : memref<40x125xi32, #tpu.memory_space<hbm>>) target(%arg4 : memref<40x125xi32, #tpu.memory_space<vmem>>) target_semaphore(%run_scoped3A : memref<!tpu.dma_semaphore, #tpu.memory_space<semaphore_mem>>)
        %dma_wait3A_322 = arith.constant 80 : i32
        %dma_wait3A_323 = arith.constant 0 : i32
        %dma_wait3A_324 = tpu.memref_slice %arg2[%arg1, %dma_wait3A_322, %dma_wait3A_323] : memref<16x160x125xi32, #tpu.memory_space<hbm>> -> memref<1x40x125xi32, #tpu.memory_space<hbm>>
        %dma_wait3A_325 = tpu.memref_squeeze %dma_wait3A_324 : memref<1x40x125xi32, #tpu.memory_space<hbm>> -> memref<40x125xi32, #tpu.memory_space<hbm>>
        %dma_wait3A_326 = arith.constant 80 : i32
        %dma_wait3A_327 = arith.constant 0 : i32
        %dma_wait3A_328 = tpu.memref_slice %arg2[%arg1, %dma_wait3A_326, %dma_wait3A_327] : memref<16x160x125xi32, #tpu.memory_space<hbm>> -> memref<1x40x125xi32, #tpu.memory_space<hbm>>
        %dma_wait3A_329 = tpu.memref_squeeze %dma_wait3A_328 : memref<1x40x125xi32, #tpu.memory_space<hbm>> -> memref<40x125xi32, #tpu.memory_space<hbm>>
        tpu.wait_dma2 semaphore(%run_scoped3A : memref<!tpu.dma_semaphore, #tpu.memory_space<semaphore_mem>>) src(%dma_wait3A_329 : memref<40x125xi32, #tpu.memory_space<hbm>>) dst(%arg4 : memref<40x125xi32, #tpu.memory_space<vmem>>)
        tpu.yield
      }) : () -> ()
      %scan3A_290 = arith.constant 0 : i32
      %scan3A_291 = arith.constant 0 : i32
      %scan3A_292 = arith.constant 40 : i32
      %scan3A_293 = arith.addi %scan3A_291, %scan3A_292 : i32
      %scan3A_294 = arith.constant 1 : i32
      scf.for %scan3A_314 = %scan3A_291 to %scan3A_293 step %scan3A_294  : i32 {
        %dma_start3A_315 = arith.constant 0 : i32
        %dma_start3A_316 = tpu.memref_slice %arg4[%scan3A_314, %dma_start3A_315] : memref<40x125xi32, #tpu.memory_space<vmem>> -> memref<1x125xi32, #tpu.memory_space<vmem>>
        %dma_start3A_317 = tpu.memref_squeeze %dma_start3A_316 : memref<1x125xi32, #tpu.memory_space<vmem>> -> memref<125xi32, #tpu.memory_space<vmem>>
        %dma_start3A_318 = arith.constant 0 : i32
        %dma_start3A_319 = arith.constant 0 : i32
        %dma_start3A_320 = tpu.memref_slice %arg7[%dma_start3A_318, %dma_start3A_319] : memref<10240x16xf32, #tpu.memory_space<vmem_shared>> -> memref<10240x16xf32, #tpu.memory_space<vmem_shared>>
        tpu.enqueue_indirect_dma source(%arg5 : memref<125x16xf32, #tpu.memory_space<vmem>>) target(%dma_start3A_320 : memref<10240x16xf32, #tpu.memory_space<vmem_shared>>) offsets(%dma_start3A_317 : memref<125xi32, #tpu.memory_space<vmem>>) semaphore(%arg8 : memref<!tpu.dma_semaphore, #tpu.memory_space<semaphore_mem>>) {add = true}
      }
      %scan3A_295 = arith.constant 40 : i32
      %scan3A_296 = arith.constant 0 : i32
      %scan3A_297 = arith.constant 0 : i32
      %scan3A_298 = arith.constant 40 : i32
      %scan3A_299 = arith.addi %scan3A_297, %scan3A_298 : i32
      %scan3A_300 = arith.constant 1 : i32
      scf.for %scan3A_314 = %scan3A_297 to %scan3A_299 step %scan3A_300  : i32 {
        %dma_wait3A_315 = arith.constant 0 : i32
        %dma_wait3A_316 = arith.constant 0 : i32
        %dma_wait3A_317 = tpu.memref_slice %arg4[%dma_wait3A_315, %dma_wait3A_316] : memref<40x125xi32, #tpu.memory_space<vmem>> -> memref<1x125xi32, #tpu.memory_space<vmem>>
        %dma_wait3A_318 = tpu.memref_squeeze %dma_wait3A_317 : memref<1x125xi32, #tpu.memory_space<vmem>> -> memref<125xi32, #tpu.memory_space<vmem>>
        %dma_wait3A_319 = arith.constant 0 : i32
        %dma_wait3A_320 = arith.constant 0 : i32
        %dma_wait3A_321 = tpu.memref_slice %arg7[%dma_wait3A_319, %dma_wait3A_320] : memref<10240x16xf32, #tpu.memory_space<vmem_shared>> -> memref<10240x16xf32, #tpu.memory_space<vmem_shared>>
        tpu.wait_indirect_dma semaphore(%arg8 : memref<!tpu.dma_semaphore, #tpu.memory_space<semaphore_mem>>) src(%arg5 : memref<125x16xf32, #tpu.memory_space<vmem>>) dst(%dma_wait3A_321 : memref<10240x16xf32, #tpu.memory_space<vmem_shared>>)
      }
      %scan3A_301 = arith.constant 40 : i32
      "tpu.region"() ({
        %run_scoped3A = tpu.sem_alloc : memref<!tpu.dma_semaphore, #tpu.memory_space<semaphore_mem>>
        %dma_start3A_314 = arith.constant 120 : i32
        %dma_start3A_315 = arith.constant 0 : i32
        %dma_start3A_316 = tpu.memref_slice %arg2[%arg1, %dma_start3A_314, %dma_start3A_315] : memref<16x160x125xi32, #tpu.memory_space<hbm>> -> memref<1x40x125xi32, #tpu.memory_space<hbm>>
        %dma_start3A_317 = tpu.memref_squeeze %dma_start3A_316 : memref<1x40x125xi32, #tpu.memory_space<hbm>> -> memref<40x125xi32, #tpu.memory_space<hbm>>
        %dma_start3A_318 = arith.constant 120 : i32
        %dma_start3A_319 = arith.constant 0 : i32
        %dma_start3A_320 = tpu.memref_slice %arg2[%arg1, %dma_start3A_318, %dma_start3A_319] : memref<16x160x125xi32, #tpu.memory_space<hbm>> -> memref<1x40x125xi32, #tpu.memory_space<hbm>>
        %dma_start3A_321 = tpu.memref_squeeze %dma_start3A_320 : memref<1x40x125xi32, #tpu.memory_space<hbm>> -> memref<40x125xi32, #tpu.memory_space<hbm>>
        tpu.enqueue_dma source(%dma_start3A_321 : memref<40x125xi32, #tpu.memory_space<hbm>>) target(%arg4 : memref<40x125xi32, #tpu.memory_space<vmem>>) target_semaphore(%run_scoped3A : memref<!tpu.dma_semaphore, #tpu.memory_space<semaphore_mem>>)
        %dma_wait3A_322 = arith.constant 120 : i32
        %dma_wait3A_323 = arith.constant 0 : i32
        %dma_wait3A_324 = tpu.memref_slice %arg2[%arg1, %dma_wait3A_322, %dma_wait3A_323] : memref<16x160x125xi32, #tpu.memory_space<hbm>> -> memref<1x40x125xi32, #tpu.memory_space<hbm>>
        %dma_wait3A_325 = tpu.memref_squeeze %dma_wait3A_324 : memref<1x40x125xi32, #tpu.memory_space<hbm>> -> memref<40x125xi32, #tpu.memory_space<hbm>>
        %dma_wait3A_326 = arith.constant 120 : i32
        %dma_wait3A_327 = arith.constant 0 : i32
        %dma_wait3A_328 = tpu.memref_slice %arg2[%arg1, %dma_wait3A_326, %dma_wait3A_327] : memref<16x160x125xi32, #tpu.memory_space<hbm>> -> memref<1x40x125xi32, #tpu.memory_space<hbm>>
        %dma_wait3A_329 = tpu.memref_squeeze %dma_wait3A_328 : memref<1x40x125xi32, #tpu.memory_space<hbm>> -> memref<40x125xi32, #tpu.memory_space<hbm>>
        tpu.wait_dma2 semaphore(%run_scoped3A : memref<!tpu.dma_semaphore, #tpu.memory_space<semaphore_mem>>) src(%dma_wait3A_329 : memref<40x125xi32, #tpu.memory_space<hbm>>) dst(%arg4 : memref<40x125xi32, #tpu.memory_space<vmem>>)
        tpu.yield
      }) : () -> ()
      %scan3A_302 = arith.constant 0 : i32
      %scan3A_303 = arith.constant 0 : i32
      %scan3A_304 = arith.constant 40 : i32
      %scan3A_305 = arith.addi %scan3A_303, %scan3A_304 : i32
      %scan3A_306 = arith.constant 1 : i32
      scf.for %scan3A_314 = %scan3A_303 to %scan3A_305 step %scan3A_306  : i32 {
        %dma_start3A_315 = arith.constant 0 : i32
        %dma_start3A_316 = tpu.memref_slice %arg4[%scan3A_314, %dma_start3A_315] : memref<40x125xi32, #tpu.memory_space<vmem>> -> memref<1x125xi32, #tpu.memory_space<vmem>>
        %dma_start3A_317 = tpu.memref_squeeze %dma_start3A_316 : memref<1x125xi32, #tpu.memory_space<vmem>> -> memref<125xi32, #tpu.memory_space<vmem>>
        %dma_start3A_318 = arith.constant 0 : i32
        %dma_start3A_319 = arith.constant 0 : i32
        %dma_start3A_320 = tpu.memref_slice %arg7[%dma_start3A_318, %dma_start3A_319] : memref<10240x16xf32, #tpu.memory_space<vmem_shared>> -> memref<10240x16xf32, #tpu.memory_space<vmem_shared>>
        tpu.enqueue_indirect_dma source(%arg5 : memref<125x16xf32, #tpu.memory_space<vmem>>) target(%dma_start3A_320 : memref<10240x16xf32, #tpu.memory_space<vmem_shared>>) offsets(%dma_start3A_317 : memref<125xi32, #tpu.memory_space<vmem>>) semaphore(%arg8 : memref<!tpu.dma_semaphore, #tpu.memory_space<semaphore_mem>>) {add = true}
      }
      %scan3A_307 = arith.constant 40 : i32
      %scan3A_308 = arith.constant 0 : i32
      %scan3A_309 = arith.constant 0 : i32
      %scan3A_310 = arith.constant 40 : i32
      %scan3A_311 = arith.addi %scan3A_309, %scan3A_310 : i32
      %scan3A_312 = arith.constant 1 : i32
      scf.for %scan3A_314 = %scan3A_309 to %scan3A_311 step %scan3A_312  : i32 {
        %dma_wait3A_315 = arith.constant 0 : i32
        %dma_wait3A_316 = arith.constant 0 : i32
        %dma_wait3A_317 = tpu.memref_slice %arg4[%dma_wait3A_315, %dma_wait3A_316] : memref<40x125xi32, #tpu.memory_space<vmem>> -> memref<1x125xi32, #tpu.memory_space<vmem>>
        %dma_wait3A_318 = tpu.memref_squeeze %dma_wait3A_317 : memref<1x125xi32, #tpu.memory_space<vmem>> -> memref<125xi32, #tpu.memory_space<vmem>>
        %dma_wait3A_319 = arith.constant 0 : i32
        %dma_wait3A_320 = arith.constant 0 : i32
        %dma_wait3A_321 = tpu.memref_slice %arg7[%dma_wait3A_319, %dma_wait3A_320] : memref<10240x16xf32, #tpu.memory_space<vmem_shared>> -> memref<10240x16xf32, #tpu.memory_space<vmem_shared>>
        tpu.wait_indirect_dma semaphore(%arg8 : memref<!tpu.dma_semaphore, #tpu.memory_space<semaphore_mem>>) src(%arg5 : memref<125x16xf32, #tpu.memory_space<vmem>>) dst(%dma_wait3A_321 : memref<10240x16xf32, #tpu.memory_space<vmem_shared>>)
      }
      %scan3A_313 = arith.constant 40 : i32
    } else {
    }
    %barrier3A_145 = arith.constant 0 : index
    tpu.barrier barrier_id(%barrier3A_145)
    %mul3A_146 = arith.constant 640 : i32
    %mul3A_147 = arith.muli %arg1, %mul3A_146 : i32
    %add3A_148 = arith.constant 0 : i32
    %add3A_149 = arith.addi %mul3A_147, %add3A_148 : i32
    %dma_start3A_150 = arith.constant 0 : i32
    %dma_start3A_151 = tpu.memref_slice %arg3[%arg0, %add3A_149, %dma_start3A_150] : memref<2x10240x16xf32, #tpu.memory_space<hbm>> -> memref<1x80x16xf32, #tpu.memory_space<hbm>>
    %dma_start3A_152 = tpu.memref_squeeze %dma_start3A_151 : memref<1x80x16xf32, #tpu.memory_space<hbm>> -> memref<80x16xf32, #tpu.memory_space<hbm>>
    %dma_start3A_153 = arith.constant 0 : i32
    %dma_start3A_154 = tpu.memref_slice %arg7[%add3A_149, %dma_start3A_153] : memref<10240x16xf32, #tpu.memory_space<vmem_shared>> -> memref<80x16xf32, #tpu.memory_space<vmem_shared>>
    tpu.enqueue_dma source(%dma_start3A_154 : memref<80x16xf32, #tpu.memory_space<vmem_shared>>) target(%dma_start3A_152 : memref<80x16xf32, #tpu.memory_space<hbm>>) target_semaphore(%arg8 : memref<!tpu.dma_semaphore, #tpu.memory_space<semaphore_mem>>)
    %mul3A_155 = arith.constant 640 : i32
    %mul3A_156 = arith.muli %arg1, %mul3A_155 : i32
    %add3A_157 = arith.constant 80 : i32
    %add3A_158 = arith.addi %mul3A_156, %add3A_157 : i32
    %dma_start3A_159 = arith.constant 0 : i32
    %dma_start3A_160 = tpu.memref_slice %arg3[%arg0, %add3A_158, %dma_start3A_159] : memref<2x10240x16xf32, #tpu.memory_space<hbm>> -> memref<1x80x16xf32, #tpu.memory_space<hbm>>
    %dma_start3A_161 = tpu.memref_squeeze %dma_start3A_160 : memref<1x80x16xf32, #tpu.memory_space<hbm>> -> memref<80x16xf32, #tpu.memory_space<hbm>>
    %dma_start3A_162 = arith.constant 0 : i32
    %dma_start3A_163 = tpu.memref_slice %arg7[%add3A_158, %dma_start3A_162] : memref<10240x16xf32, #tpu.memory_space<vmem_shared>> -> memref<80x16xf32, #tpu.memory_space<vmem_shared>>
    tpu.enqueue_dma source(%dma_start3A_163 : memref<80x16xf32, #tpu.memory_space<vmem_shared>>) target(%dma_start3A_161 : memref<80x16xf32, #tpu.memory_space<hbm>>) target_semaphore(%arg8 : memref<!tpu.dma_semaphore, #tpu.memory_space<semaphore_mem>>)
    %mul3A_164 = arith.constant 640 : i32
    %mul3A_165 = arith.muli %arg1, %mul3A_164 : i32
    %add3A_166 = arith.constant 160 : i32
    %add3A_167 = arith.addi %mul3A_165, %add3A_166 : i32
    %dma_start3A_168 = arith.constant 0 : i32
    %dma_start3A_169 = tpu.memref_slice %arg3[%arg0, %add3A_167, %dma_start3A_168] : memref<2x10240x16xf32, #tpu.memory_space<hbm>> -> memref<1x80x16xf32, #tpu.memory_space<hbm>>
    %dma_start3A_170 = tpu.memref_squeeze %dma_start3A_169 : memref<1x80x16xf32, #tpu.memory_space<hbm>> -> memref<80x16xf32, #tpu.memory_space<hbm>>
    %dma_start3A_171 = arith.constant 0 : i32
    %dma_start3A_172 = tpu.memref_slice %arg7[%add3A_167, %dma_start3A_171] : memref<10240x16xf32, #tpu.memory_space<vmem_shared>> -> memref<80x16xf32, #tpu.memory_space<vmem_shared>>
    tpu.enqueue_dma source(%dma_start3A_172 : memref<80x16xf32, #tpu.memory_space<vmem_shared>>) target(%dma_start3A_170 : memref<80x16xf32, #tpu.memory_space<hbm>>) target_semaphore(%arg8 : memref<!tpu.dma_semaphore, #tpu.memory_space<semaphore_mem>>)
    %mul3A_173 = arith.constant 640 : i32
    %mul3A_174 = arith.muli %arg1, %mul3A_173 : i32
    %add3A_175 = arith.constant 240 : i32
    %add3A_176 = arith.addi %mul3A_174, %add3A_175 : i32
    %dma_start3A_177 = arith.constant 0 : i32
    %dma_start3A_178 = tpu.memref_slice %arg3[%arg0, %add3A_176, %dma_start3A_177] : memref<2x10240x16xf32, #tpu.memory_space<hbm>> -> memref<1x80x16xf32, #tpu.memory_space<hbm>>
    %dma_start3A_179 = tpu.memref_squeeze %dma_start3A_178 : memref<1x80x16xf32, #tpu.memory_space<hbm>> -> memref<80x16xf32, #tpu.memory_space<hbm>>
    %dma_start3A_180 = arith.constant 0 : i32
    %dma_start3A_181 = tpu.memref_slice %arg7[%add3A_176, %dma_start3A_180] : memref<10240x16xf32, #tpu.memory_space<vmem_shared>> -> memref<80x16xf32, #tpu.memory_space<vmem_shared>>
    tpu.enqueue_dma source(%dma_start3A_181 : memref<80x16xf32, #tpu.memory_space<vmem_shared>>) target(%dma_start3A_179 : memref<80x16xf32, #tpu.memory_space<hbm>>) target_semaphore(%arg8 : memref<!tpu.dma_semaphore, #tpu.memory_space<semaphore_mem>>)
    %mul3A_182 = arith.constant 640 : i32
    %mul3A_183 = arith.muli %arg1, %mul3A_182 : i32
    %add3A_184 = arith.constant 320 : i32
    %add3A_185 = arith.addi %mul3A_183, %add3A_184 : i32
    %dma_start3A_186 = arith.constant 0 : i32
    %dma_start3A_187 = tpu.memref_slice %arg3[%arg0, %add3A_185, %dma_start3A_186] : memref<2x10240x16xf32, #tpu.memory_space<hbm>> -> memref<1x80x16xf32, #tpu.memory_space<hbm>>
    %dma_start3A_188 = tpu.memref_squeeze %dma_start3A_187 : memref<1x80x16xf32, #tpu.memory_space<hbm>> -> memref<80x16xf32, #tpu.memory_space<hbm>>
    %dma_start3A_189 = arith.constant 0 : i32
    %dma_start3A_190 = tpu.memref_slice %arg7[%add3A_185, %dma_start3A_189] : memref<10240x16xf32, #tpu.memory_space<vmem_shared>> -> memref<80x16xf32, #tpu.memory_space<vmem_shared>>
    tpu.enqueue_dma source(%dma_start3A_190 : memref<80x16xf32, #tpu.memory_space<vmem_shared>>) target(%dma_start3A_188 : memref<80x16xf32, #tpu.memory_space<hbm>>) target_semaphore(%arg8 : memref<!tpu.dma_semaphore, #tpu.memory_space<semaphore_mem>>)
    %mul3A_191 = arith.constant 640 : i32
    %mul3A_192 = arith.muli %arg1, %mul3A_191 : i32
    %add3A_193 = arith.constant 400 : i32
    %add3A_194 = arith.addi %mul3A_192, %add3A_193 : i32
    %dma_start3A_195 = arith.constant 0 : i32
    %dma_start3A_196 = tpu.memref_slice %arg3[%arg0, %add3A_194, %dma_start3A_195] : memref<2x10240x16xf32, #tpu.memory_space<hbm>> -> memref<1x80x16xf32, #tpu.memory_space<hbm>>
    %dma_start3A_197 = tpu.memref_squeeze %dma_start3A_196 : memref<1x80x16xf32, #tpu.memory_space<hbm>> -> memref<80x16xf32, #tpu.memory_space<hbm>>
    %dma_start3A_198 = arith.constant 0 : i32
    %dma_start3A_199 = tpu.memref_slice %arg7[%add3A_194, %dma_start3A_198] : memref<10240x16xf32, #tpu.memory_space<vmem_shared>> -> memref<80x16xf32, #tpu.memory_space<vmem_shared>>
    tpu.enqueue_dma source(%dma_start3A_199 : memref<80x16xf32, #tpu.memory_space<vmem_shared>>) target(%dma_start3A_197 : memref<80x16xf32, #tpu.memory_space<hbm>>) target_semaphore(%arg8 : memref<!tpu.dma_semaphore, #tpu.memory_space<semaphore_mem>>)
    %mul3A_200 = arith.constant 640 : i32
    %mul3A_201 = arith.muli %arg1, %mul3A_200 : i32
    %add3A_202 = arith.constant 480 : i32
    %add3A_203 = arith.addi %mul3A_201, %add3A_202 : i32
    %dma_start3A_204 = arith.constant 0 : i32
    %dma_start3A_205 = tpu.memref_slice %arg3[%arg0, %add3A_203, %dma_start3A_204] : memref<2x10240x16xf32, #tpu.memory_space<hbm>> -> memref<1x80x16xf32, #tpu.memory_space<hbm>>
    %dma_start3A_206 = tpu.memref_squeeze %dma_start3A_205 : memref<1x80x16xf32, #tpu.memory_space<hbm>> -> memref<80x16xf32, #tpu.memory_space<hbm>>
    %dma_start3A_207 = arith.constant 0 : i32
    %dma_start3A_208 = tpu.memref_slice %arg7[%add3A_203, %dma_start3A_207] : memref<10240x16xf32, #tpu.memory_space<vmem_shared>> -> memref<80x16xf32, #tpu.memory_space<vmem_shared>>
    tpu.enqueue_dma source(%dma_start3A_208 : memref<80x16xf32, #tpu.memory_space<vmem_shared>>) target(%dma_start3A_206 : memref<80x16xf32, #tpu.memory_space<hbm>>) target_semaphore(%arg8 : memref<!tpu.dma_semaphore, #tpu.memory_space<semaphore_mem>>)
    %mul3A_209 = arith.constant 640 : i32
    %mul3A_210 = arith.muli %arg1, %mul3A_209 : i32
    %add3A_211 = arith.constant 560 : i32
    %add3A_212 = arith.addi %mul3A_210, %add3A_211 : i32
    %dma_start3A_213 = arith.constant 0 : i32
    %dma_start3A_214 = tpu.memref_slice %arg3[%arg0, %add3A_212, %dma_start3A_213] : memref<2x10240x16xf32, #tpu.memory_space<hbm>> -> memref<1x80x16xf32, #tpu.memory_space<hbm>>
    %dma_start3A_215 = tpu.memref_squeeze %dma_start3A_214 : memref<1x80x16xf32, #tpu.memory_space<hbm>> -> memref<80x16xf32, #tpu.memory_space<hbm>>
    %dma_start3A_216 = arith.constant 0 : i32
    %dma_start3A_217 = tpu.memref_slice %arg7[%add3A_212, %dma_start3A_216] : memref<10240x16xf32, #tpu.memory_space<vmem_shared>> -> memref<80x16xf32, #tpu.memory_space<vmem_shared>>
    tpu.enqueue_dma source(%dma_start3A_217 : memref<80x16xf32, #tpu.memory_space<vmem_shared>>) target(%dma_start3A_215 : memref<80x16xf32, #tpu.memory_space<hbm>>) target_semaphore(%arg8 : memref<!tpu.dma_semaphore, #tpu.memory_space<semaphore_mem>>)
    %mul3A_218 = arith.constant 640 : i32
    %mul3A_219 = arith.muli %arg1, %mul3A_218 : i32
    %add3A_220 = arith.constant 0 : i32
    %add3A_221 = arith.addi %mul3A_219, %add3A_220 : i32
    %dma_wait3A_222 = arith.constant 0 : i32
    %dma_wait3A_223 = tpu.memref_slice %arg3[%arg0, %add3A_221, %dma_wait3A_222] : memref<2x10240x16xf32, #tpu.memory_space<hbm>> -> memref<1x80x16xf32, #tpu.memory_space<hbm>>
    %dma_wait3A_224 = tpu.memref_squeeze %dma_wait3A_223 : memref<1x80x16xf32, #tpu.memory_space<hbm>> -> memref<80x16xf32, #tpu.memory_space<hbm>>
    %dma_wait3A_225 = arith.constant 0 : i32
    %dma_wait3A_226 = tpu.memref_slice %arg7[%add3A_221, %dma_wait3A_225] : memref<10240x16xf32, #tpu.memory_space<vmem_shared>> -> memref<80x16xf32, #tpu.memory_space<vmem_shared>>
    tpu.wait_dma2 semaphore(%arg8 : memref<!tpu.dma_semaphore, #tpu.memory_space<semaphore_mem>>) src(%dma_wait3A_226 : memref<80x16xf32, #tpu.memory_space<vmem_shared>>) dst(%dma_wait3A_224 : memref<80x16xf32, #tpu.memory_space<hbm>>)
    %mul3A_227 = arith.constant 640 : i32
    %mul3A_228 = arith.muli %arg1, %mul3A_227 : i32
    %add3A_229 = arith.constant 80 : i32
    %add3A_230 = arith.addi %mul3A_228, %add3A_229 : i32
    %dma_wait3A_231 = arith.constant 0 : i32
    %dma_wait3A_232 = tpu.memref_slice %arg3[%arg0, %add3A_230, %dma_wait3A_231] : memref<2x10240x16xf32, #tpu.memory_space<hbm>> -> memref<1x80x16xf32, #tpu.memory_space<hbm>>
    %dma_wait3A_233 = tpu.memref_squeeze %dma_wait3A_232 : memref<1x80x16xf32, #tpu.memory_space<hbm>> -> memref<80x16xf32, #tpu.memory_space<hbm>>
    %dma_wait3A_234 = arith.constant 0 : i32
    %dma_wait3A_235 = tpu.memref_slice %arg7[%add3A_230, %dma_wait3A_234] : memref<10240x16xf32, #tpu.memory_space<vmem_shared>> -> memref<80x16xf32, #tpu.memory_space<vmem_shared>>
    tpu.wait_dma2 semaphore(%arg8 : memref<!tpu.dma_semaphore, #tpu.memory_space<semaphore_mem>>) src(%dma_wait3A_235 : memref<80x16xf32, #tpu.memory_space<vmem_shared>>) dst(%dma_wait3A_233 : memref<80x16xf32, #tpu.memory_space<hbm>>)
    %mul3A_236 = arith.constant 640 : i32
    %mul3A_237 = arith.muli %arg1, %mul3A_236 : i32
    %add3A_238 = arith.constant 160 : i32
    %add3A_239 = arith.addi %mul3A_237, %add3A_238 : i32
    %dma_wait3A_240 = arith.constant 0 : i32
    %dma_wait3A_241 = tpu.memref_slice %arg3[%arg0, %add3A_239, %dma_wait3A_240] : memref<2x10240x16xf32, #tpu.memory_space<hbm>> -> memref<1x80x16xf32, #tpu.memory_space<hbm>>
    %dma_wait3A_242 = tpu.memref_squeeze %dma_wait3A_241 : memref<1x80x16xf32, #tpu.memory_space<hbm>> -> memref<80x16xf32, #tpu.memory_space<hbm>>
    %dma_wait3A_243 = arith.constant 0 : i32
    %dma_wait3A_244 = tpu.memref_slice %arg7[%add3A_239, %dma_wait3A_243] : memref<10240x16xf32, #tpu.memory_space<vmem_shared>> -> memref<80x16xf32, #tpu.memory_space<vmem_shared>>
    tpu.wait_dma2 semaphore(%arg8 : memref<!tpu.dma_semaphore, #tpu.memory_space<semaphore_mem>>) src(%dma_wait3A_244 : memref<80x16xf32, #tpu.memory_space<vmem_shared>>) dst(%dma_wait3A_242 : memref<80x16xf32, #tpu.memory_space<hbm>>)
    %mul3A_245 = arith.constant 640 : i32
    %mul3A_246 = arith.muli %arg1, %mul3A_245 : i32
    %add3A_247 = arith.constant 240 : i32
    %add3A_248 = arith.addi %mul3A_246, %add3A_247 : i32
    %dma_wait3A_249 = arith.constant 0 : i32
    %dma_wait3A_250 = tpu.memref_slice %arg3[%arg0, %add3A_248, %dma_wait3A_249] : memref<2x10240x16xf32, #tpu.memory_space<hbm>> -> memref<1x80x16xf32, #tpu.memory_space<hbm>>
    %dma_wait3A_251 = tpu.memref_squeeze %dma_wait3A_250 : memref<1x80x16xf32, #tpu.memory_space<hbm>> -> memref<80x16xf32, #tpu.memory_space<hbm>>
    %dma_wait3A_252 = arith.constant 0 : i32
    %dma_wait3A_253 = tpu.memref_slice %arg7[%add3A_248, %dma_wait3A_252] : memref<10240x16xf32, #tpu.memory_space<vmem_shared>> -> memref<80x16xf32, #tpu.memory_space<vmem_shared>>
    tpu.wait_dma2 semaphore(%arg8 : memref<!tpu.dma_semaphore, #tpu.memory_space<semaphore_mem>>) src(%dma_wait3A_253 : memref<80x16xf32, #tpu.memory_space<vmem_shared>>) dst(%dma_wait3A_251 : memref<80x16xf32, #tpu.memory_space<hbm>>)
    %mul3A_254 = arith.constant 640 : i32
    %mul3A_255 = arith.muli %arg1, %mul3A_254 : i32
    %add3A_256 = arith.constant 320 : i32
    %add3A_257 = arith.addi %mul3A_255, %add3A_256 : i32
    %dma_wait3A_258 = arith.constant 0 : i32
    %dma_wait3A_259 = tpu.memref_slice %arg3[%arg0, %add3A_257, %dma_wait3A_258] : memref<2x10240x16xf32, #tpu.memory_space<hbm>> -> memref<1x80x16xf32, #tpu.memory_space<hbm>>
    %dma_wait3A_260 = tpu.memref_squeeze %dma_wait3A_259 : memref<1x80x16xf32, #tpu.memory_space<hbm>> -> memref<80x16xf32, #tpu.memory_space<hbm>>
    %dma_wait3A_261 = arith.constant 0 : i32
    %dma_wait3A_262 = tpu.memref_slice %arg7[%add3A_257, %dma_wait3A_261] : memref<10240x16xf32, #tpu.memory_space<vmem_shared>> -> memref<80x16xf32, #tpu.memory_space<vmem_shared>>
    tpu.wait_dma2 semaphore(%arg8 : memref<!tpu.dma_semaphore, #tpu.memory_space<semaphore_mem>>) src(%dma_wait3A_262 : memref<80x16xf32, #tpu.memory_space<vmem_shared>>) dst(%dma_wait3A_260 : memref<80x16xf32, #tpu.memory_space<hbm>>)
    %mul3A_263 = arith.constant 640 : i32
    %mul3A_264 = arith.muli %arg1, %mul3A_263 : i32
    %add3A_265 = arith.constant 400 : i32
    %add3A_266 = arith.addi %mul3A_264, %add3A_265 : i32
    %dma_wait3A_267 = arith.constant 0 : i32
    %dma_wait3A_268 = tpu.memref_slice %arg3[%arg0, %add3A_266, %dma_wait3A_267] : memref<2x10240x16xf32, #tpu.memory_space<hbm>> -> memref<1x80x16xf32, #tpu.memory_space<hbm>>
    %dma_wait3A_269 = tpu.memref_squeeze %dma_wait3A_268 : memref<1x80x16xf32, #tpu.memory_space<hbm>> -> memref<80x16xf32, #tpu.memory_space<hbm>>
    %dma_wait3A_270 = arith.constant 0 : i32
    %dma_wait3A_271 = tpu.memref_slice %arg7[%add3A_266, %dma_wait3A_270] : memref<10240x16xf32, #tpu.memory_space<vmem_shared>> -> memref<80x16xf32, #tpu.memory_space<vmem_shared>>
    tpu.wait_dma2 semaphore(%arg8 : memref<!tpu.dma_semaphore, #tpu.memory_space<semaphore_mem>>) src(%dma_wait3A_271 : memref<80x16xf32, #tpu.memory_space<vmem_shared>>) dst(%dma_wait3A_269 : memref<80x16xf32, #tpu.memory_space<hbm>>)
    %mul3A_272 = arith.constant 640 : i32
    %mul3A_273 = arith.muli %arg1, %mul3A_272 : i32
    %add3A_274 = arith.constant 480 : i32
    %add3A_275 = arith.addi %mul3A_273, %add3A_274 : i32
    %dma_wait3A_276 = arith.constant 0 : i32
    %dma_wait3A_277 = tpu.memref_slice %arg3[%arg0, %add3A_275, %dma_wait3A_276] : memref<2x10240x16xf32, #tpu.memory_space<hbm>> -> memref<1x80x16xf32, #tpu.memory_space<hbm>>
    %dma_wait3A_278 = tpu.memref_squeeze %dma_wait3A_277 : memref<1x80x16xf32, #tpu.memory_space<hbm>> -> memref<80x16xf32, #tpu.memory_space<hbm>>
    %dma_wait3A_279 = arith.constant 0 : i32
    %dma_wait3A_280 = tpu.memref_slice %arg7[%add3A_275, %dma_wait3A_279] : memref<10240x16xf32, #tpu.memory_space<vmem_shared>> -> memref<80x16xf32, #tpu.memory_space<vmem_shared>>
    tpu.wait_dma2 semaphore(%arg8 : memref<!tpu.dma_semaphore, #tpu.memory_space<semaphore_mem>>) src(%dma_wait3A_280 : memref<80x16xf32, #tpu.memory_space<vmem_shared>>) dst(%dma_wait3A_278 : memref<80x16xf32, #tpu.memory_space<hbm>>)
    %mul3A_281 = arith.constant 640 : i32
    %mul3A_282 = arith.muli %arg1, %mul3A_281 : i32
    %add3A_283 = arith.constant 560 : i32
    %add3A_284 = arith.addi %mul3A_282, %add3A_283 : i32
    %dma_wait3A_285 = arith.constant 0 : i32
    %dma_wait3A_286 = tpu.memref_slice %arg3[%arg0, %add3A_284, %dma_wait3A_285] : memref<2x10240x16xf32, #tpu.memory_space<hbm>> -> memref<1x80x16xf32, #tpu.memory_space<hbm>>
    %dma_wait3A_287 = tpu.memref_squeeze %dma_wait3A_286 : memref<1x80x16xf32, #tpu.memory_space<hbm>> -> memref<80x16xf32, #tpu.memory_space<hbm>>
    %dma_wait3A_288 = arith.constant 0 : i32
    %dma_wait3A_289 = tpu.memref_slice %arg7[%add3A_284, %dma_wait3A_288] : memref<10240x16xf32, #tpu.memory_space<vmem_shared>> -> memref<80x16xf32, #tpu.memory_space<vmem_shared>>
    tpu.wait_dma2 semaphore(%arg8 : memref<!tpu.dma_semaphore, #tpu.memory_space<semaphore_mem>>) src(%dma_wait3A_289 : memref<80x16xf32, #tpu.memory_space<vmem_shared>>) dst(%dma_wait3A_287 : memref<80x16xf32, #tpu.memory_space<hbm>>)
    return
  }
}

#map = affine_map<(d0, d1) -> (0, 0, 0)>
#map1 = affine_map<(d0, d1) -> (0, 0)>
module attributes {stable_mosaic.version = 14 : i64} {
  func.func @_scatter_body(%arg0: i32, %arg1: i32, %arg2: memref<16x160x125xi32, #tpu.memory_space<hbm>>, %arg3: memref<16x160x125xi32, #tpu.memory_space<hbm>>, %arg4: memref<10000x128xf32, #tpu.memory_space<hbm>>, %arg5: memref<10000x128xf32, #tpu.memory_space<hbm>>, %arg6: memref<10240x128xf32, #tpu.memory_space<hbm>>, %arg7: memref<10240x128xf32, #tpu.memory_space<hbm>>, %arg8: memref<40x125xi32, #tpu.memory_space<vmem>>, %arg9: memref<40x125xi32, #tpu.memory_space<vmem>>, %arg10: memref<125x128xf32, #tpu.memory_space<vmem>>, %arg11: memref<125x128xf32, #tpu.memory_space<vmem>>, %arg12: memref<10240x128xf32, #tpu.memory_space<vmem_shared>>, %arg13: memref<!tpu.dma_semaphore, #tpu.memory_space<semaphore_mem>>, %arg14: memref<!tpu.dma_semaphore, #tpu.memory_space<semaphore_mem>>) attributes {dimension_semantics = [#tpu.dimension_semantics<core_parallel>, #tpu.dimension_semantics<subcore_parallel>], iteration_bounds = array<i64: 2, 16>, scalar_prefetch = 0 : i64, scratch_operands = 7 : i64, tpu.core_type = #tpu.core_type<sc_vector_subcore>, window_params = [{transform_indices = #map}, {transform_indices = #map}, {transform_indices = #map1}, {transform_indices = #map1}, {transform_indices = #map1}, {transform_indices = #map1}]} {
    %broadcast_in_dim3A = arith.constant 0.000000e+00 : f32
    %broadcast_in_dim3A_0 = vector.broadcast %broadcast_in_dim3A : f32 to vector<16xf32>
    %scan3A = arith.constant 0 : i32
    %scan3A_1 = arith.constant 0 : i32
    %scan3A_2 = arith.constant 125 : i32
    %scan3A_3 = arith.addi %scan3A_1, %scan3A_2 : i32
    %scan3A_4 = arith.constant 1 : i32
    scf.for %scan3A_244 = %scan3A_1 to %scan3A_3 step %scan3A_4  : i32 {
      %swap3A = arith.index_cast %scan3A_244 : i32 to index
      %swap3A_245 = arith.constant 0 : index
      %swap3A_246 = tpu.vector_load %arg10[%swap3A, %swap3A_245] {strides = array<i32>} : memref<125x128xf32, #tpu.memory_space<vmem>>, vector<16xf32>,
      tpu.vector_store %arg10[%swap3A, %swap3A_245], %broadcast_in_dim3A_0 {strides = array<i32>} : memref<125x128xf32, #tpu.memory_space<vmem>>, vector<16xf32>,
      %swap3A_247 = arith.index_cast %scan3A_244 : i32 to index
      %swap3A_248 = arith.constant 16 : index
      %swap3A_249 = tpu.vector_load %arg10[%swap3A_247, %swap3A_248] {strides = array<i32>} : memref<125x128xf32, #tpu.memory_space<vmem>>, vector<16xf32>,
      tpu.vector_store %arg10[%swap3A_247, %swap3A_248], %broadcast_in_dim3A_0 {strides = array<i32>} : memref<125x128xf32, #tpu.memory_space<vmem>>, vector<16xf32>,
      %swap3A_250 = arith.index_cast %scan3A_244 : i32 to index
      %swap3A_251 = arith.constant 32 : index
      %swap3A_252 = tpu.vector_load %arg10[%swap3A_250, %swap3A_251] {strides = array<i32>} : memref<125x128xf32, #tpu.memory_space<vmem>>, vector<16xf32>,
      tpu.vector_store %arg10[%swap3A_250, %swap3A_251], %broadcast_in_dim3A_0 {strides = array<i32>} : memref<125x128xf32, #tpu.memory_space<vmem>>, vector<16xf32>,
      %swap3A_253 = arith.index_cast %scan3A_244 : i32 to index
      %swap3A_254 = arith.constant 48 : index
      %swap3A_255 = tpu.vector_load %arg10[%swap3A_253, %swap3A_254] {strides = array<i32>} : memref<125x128xf32, #tpu.memory_space<vmem>>, vector<16xf32>,
      tpu.vector_store %arg10[%swap3A_253, %swap3A_254], %broadcast_in_dim3A_0 {strides = array<i32>} : memref<125x128xf32, #tpu.memory_space<vmem>>, vector<16xf32>,
      %swap3A_256 = arith.index_cast %scan3A_244 : i32 to index
      %swap3A_257 = arith.constant 64 : index
      %swap3A_258 = tpu.vector_load %arg10[%swap3A_256, %swap3A_257] {strides = array<i32>} : memref<125x128xf32, #tpu.memory_space<vmem>>, vector<16xf32>,
      tpu.vector_store %arg10[%swap3A_256, %swap3A_257], %broadcast_in_dim3A_0 {strides = array<i32>} : memref<125x128xf32, #tpu.memory_space<vmem>>, vector<16xf32>,
      %swap3A_259 = arith.index_cast %scan3A_244 : i32 to index
      %swap3A_260 = arith.constant 80 : index
      %swap3A_261 = tpu.vector_load %arg10[%swap3A_259, %swap3A_260] {strides = array<i32>} : memref<125x128xf32, #tpu.memory_space<vmem>>, vector<16xf32>,
      tpu.vector_store %arg10[%swap3A_259, %swap3A_260], %broadcast_in_dim3A_0 {strides = array<i32>} : memref<125x128xf32, #tpu.memory_space<vmem>>, vector<16xf32>,
      %swap3A_262 = arith.index_cast %scan3A_244 : i32 to index
      %swap3A_263 = arith.constant 96 : index
      %swap3A_264 = tpu.vector_load %arg10[%swap3A_262, %swap3A_263] {strides = array<i32>} : memref<125x128xf32, #tpu.memory_space<vmem>>, vector<16xf32>,
      tpu.vector_store %arg10[%swap3A_262, %swap3A_263], %broadcast_in_dim3A_0 {strides = array<i32>} : memref<125x128xf32, #tpu.memory_space<vmem>>, vector<16xf32>,
      %swap3A_265 = arith.index_cast %scan3A_244 : i32 to index
      %swap3A_266 = arith.constant 112 : index
      %swap3A_267 = tpu.vector_load %arg10[%swap3A_265, %swap3A_266] {strides = array<i32>} : memref<125x128xf32, #tpu.memory_space<vmem>>, vector<16xf32>,
      tpu.vector_store %arg10[%swap3A_265, %swap3A_266], %broadcast_in_dim3A_0 {strides = array<i32>} : memref<125x128xf32, #tpu.memory_space<vmem>>, vector<16xf32>,
    }
    %scan3A_5 = arith.constant 125 : i32
    %mul3A = arith.constant 640 : i32
    %mul3A_6 = arith.muli %arg1, %mul3A : i32
    %add3A = arith.constant 0 : i32
    %add3A_7 = arith.addi %mul3A_6, %add3A : i32
    %dma_start3A = arith.constant 0 : i32
    %dma_start3A_8 = arith.constant 0 : i32
    %dma_start3A_9 = tpu.memref_slice %arg10[%dma_start3A, %dma_start3A_8] : memref<125x128xf32, #tpu.memory_space<vmem>> -> memref<80x128xf32, #tpu.memory_space<vmem>>
    %dma_start3A_10 = arith.constant 0 : i32
    %dma_start3A_11 = tpu.memref_slice %arg12[%add3A_7, %dma_start3A_10] : memref<10240x128xf32, #tpu.memory_space<vmem_shared>> -> memref<80x128xf32, #tpu.memory_space<vmem_shared>>
    %dma_start3A_12 = arith.constant 0 : i32
    %dma_start3A_13 = tpu.memref_slice %arg12[%add3A_7, %dma_start3A_12] : memref<10240x128xf32, #tpu.memory_space<vmem_shared>> -> memref<80x128xf32, #tpu.memory_space<vmem_shared>>
    %dma_start3A_14 = arith.constant 0 : i32
    %dma_start3A_15 = arith.constant 0 : i32
    %dma_start3A_16 = tpu.memref_slice %arg10[%dma_start3A_14, %dma_start3A_15] : memref<125x128xf32, #tpu.memory_space<vmem>> -> memref<80x128xf32, #tpu.memory_space<vmem>>
    tpu.enqueue_dma source(%dma_start3A_16 : memref<80x128xf32, #tpu.memory_space<vmem>>) target(%dma_start3A_13 : memref<80x128xf32, #tpu.memory_space<vmem_shared>>) target_semaphore(%arg13 : memref<!tpu.dma_semaphore, #tpu.memory_space<semaphore_mem>>)
    %mul3A_17 = arith.constant 640 : i32
    %mul3A_18 = arith.muli %arg1, %mul3A_17 : i32
    %add3A_19 = arith.constant 80 : i32
    %add3A_20 = arith.addi %mul3A_18, %add3A_19 : i32
    %dma_start3A_21 = arith.constant 0 : i32
    %dma_start3A_22 = arith.constant 0 : i32
    %dma_start3A_23 = tpu.memref_slice %arg10[%dma_start3A_21, %dma_start3A_22] : memref<125x128xf32, #tpu.memory_space<vmem>> -> memref<80x128xf32, #tpu.memory_space<vmem>>
    %dma_start3A_24 = arith.constant 0 : i32
    %dma_start3A_25 = tpu.memref_slice %arg12[%add3A_20, %dma_start3A_24] : memref<10240x128xf32, #tpu.memory_space<vmem_shared>> -> memref<80x128xf32, #tpu.memory_space<vmem_shared>>
    %dma_start3A_26 = arith.constant 0 : i32
    %dma_start3A_27 = tpu.memref_slice %arg12[%add3A_20, %dma_start3A_26] : memref<10240x128xf32, #tpu.memory_space<vmem_shared>> -> memref<80x128xf32, #tpu.memory_space<vmem_shared>>
    %dma_start3A_28 = arith.constant 0 : i32
    %dma_start3A_29 = arith.constant 0 : i32
    %dma_start3A_30 = tpu.memref_slice %arg10[%dma_start3A_28, %dma_start3A_29] : memref<125x128xf32, #tpu.memory_space<vmem>> -> memref<80x128xf32, #tpu.memory_space<vmem>>
    tpu.enqueue_dma source(%dma_start3A_30 : memref<80x128xf32, #tpu.memory_space<vmem>>) target(%dma_start3A_27 : memref<80x128xf32, #tpu.memory_space<vmem_shared>>) target_semaphore(%arg14 : memref<!tpu.dma_semaphore, #tpu.memory_space<semaphore_mem>>)
    %mul3A_31 = arith.constant 640 : i32
    %mul3A_32 = arith.muli %arg1, %mul3A_31 : i32
    %add3A_33 = arith.constant 160 : i32
    %add3A_34 = arith.addi %mul3A_32, %add3A_33 : i32
    %dma_start3A_35 = arith.constant 0 : i32
    %dma_start3A_36 = arith.constant 0 : i32
    %dma_start3A_37 = tpu.memref_slice %arg10[%dma_start3A_35, %dma_start3A_36] : memref<125x128xf32, #tpu.memory_space<vmem>> -> memref<80x128xf32, #tpu.memory_space<vmem>>
    %dma_start3A_38 = arith.constant 0 : i32
    %dma_start3A_39 = tpu.memref_slice %arg12[%add3A_34, %dma_start3A_38] : memref<10240x128xf32, #tpu.memory_space<vmem_shared>> -> memref<80x128xf32, #tpu.memory_space<vmem_shared>>
    %dma_start3A_40 = arith.constant 0 : i32
    %dma_start3A_41 = tpu.memref_slice %arg12[%add3A_34, %dma_start3A_40] : memref<10240x128xf32, #tpu.memory_space<vmem_shared>> -> memref<80x128xf32, #tpu.memory_space<vmem_shared>>
    %dma_start3A_42 = arith.constant 0 : i32
    %dma_start3A_43 = arith.constant 0 : i32
    %dma_start3A_44 = tpu.memref_slice %arg10[%dma_start3A_42, %dma_start3A_43] : memref<125x128xf32, #tpu.memory_space<vmem>> -> memref<80x128xf32, #tpu.memory_space<vmem>>
    tpu.enqueue_dma source(%dma_start3A_44 : memref<80x128xf32, #tpu.memory_space<vmem>>) target(%dma_start3A_41 : memref<80x128xf32, #tpu.memory_space<vmem_shared>>) target_semaphore(%arg13 : memref<!tpu.dma_semaphore, #tpu.memory_space<semaphore_mem>>)
    %mul3A_45 = arith.constant 640 : i32
    %mul3A_46 = arith.muli %arg1, %mul3A_45 : i32
    %add3A_47 = arith.constant 240 : i32
    %add3A_48 = arith.addi %mul3A_46, %add3A_47 : i32
    %dma_start3A_49 = arith.constant 0 : i32
    %dma_start3A_50 = arith.constant 0 : i32
    %dma_start3A_51 = tpu.memref_slice %arg10[%dma_start3A_49, %dma_start3A_50] : memref<125x128xf32, #tpu.memory_space<vmem>> -> memref<80x128xf32, #tpu.memory_space<vmem>>
    %dma_start3A_52 = arith.constant 0 : i32
    %dma_start3A_53 = tpu.memref_slice %arg12[%add3A_48, %dma_start3A_52] : memref<10240x128xf32, #tpu.memory_space<vmem_shared>> -> memref<80x128xf32, #tpu.memory_space<vmem_shared>>
    %dma_start3A_54 = arith.constant 0 : i32
    %dma_start3A_55 = tpu.memref_slice %arg12[%add3A_48, %dma_start3A_54] : memref<10240x128xf32, #tpu.memory_space<vmem_shared>> -> memref<80x128xf32, #tpu.memory_space<vmem_shared>>
    %dma_start3A_56 = arith.constant 0 : i32
    %dma_start3A_57 = arith.constant 0 : i32
    %dma_start3A_58 = tpu.memref_slice %arg10[%dma_start3A_56, %dma_start3A_57] : memref<125x128xf32, #tpu.memory_space<vmem>> -> memref<80x128xf32, #tpu.memory_space<vmem>>
    tpu.enqueue_dma source(%dma_start3A_58 : memref<80x128xf32, #tpu.memory_space<vmem>>) target(%dma_start3A_55 : memref<80x128xf32, #tpu.memory_space<vmem_shared>>) target_semaphore(%arg14 : memref<!tpu.dma_semaphore, #tpu.memory_space<semaphore_mem>>)
    %mul3A_59 = arith.constant 640 : i32
    %mul3A_60 = arith.muli %arg1, %mul3A_59 : i32
    %add3A_61 = arith.constant 320 : i32
    %add3A_62 = arith.addi %mul3A_60, %add3A_61 : i32
    %dma_start3A_63 = arith.constant 0 : i32
    %dma_start3A_64 = arith.constant 0 : i32
    %dma_start3A_65 = tpu.memref_slice %arg10[%dma_start3A_63, %dma_start3A_64] : memref<125x128xf32, #tpu.memory_space<vmem>> -> memref<80x128xf32, #tpu.memory_space<vmem>>
    %dma_start3A_66 = arith.constant 0 : i32
    %dma_start3A_67 = tpu.memref_slice %arg12[%add3A_62, %dma_start3A_66] : memref<10240x128xf32, #tpu.memory_space<vmem_shared>> -> memref<80x128xf32, #tpu.memory_space<vmem_shared>>
    %dma_start3A_68 = arith.constant 0 : i32
    %dma_start3A_69 = tpu.memref_slice %arg12[%add3A_62, %dma_start3A_68] : memref<10240x128xf32, #tpu.memory_space<vmem_shared>> -> memref<80x128xf32, #tpu.memory_space<vmem_shared>>
    %dma_start3A_70 = arith.constant 0 : i32
    %dma_start3A_71 = arith.constant 0 : i32
    %dma_start3A_72 = tpu.memref_slice %arg10[%dma_start3A_70, %dma_start3A_71] : memref<125x128xf32, #tpu.memory_space<vmem>> -> memref<80x128xf32, #tpu.memory_space<vmem>>
    tpu.enqueue_dma source(%dma_start3A_72 : memref<80x128xf32, #tpu.memory_space<vmem>>) target(%dma_start3A_69 : memref<80x128xf32, #tpu.memory_space<vmem_shared>>) target_semaphore(%arg13 : memref<!tpu.dma_semaphore, #tpu.memory_space<semaphore_mem>>)
    %mul3A_73 = arith.constant 640 : i32
    %mul3A_74 = arith.muli %arg1, %mul3A_73 : i32
    %add3A_75 = arith.constant 400 : i32
    %add3A_76 = arith.addi %mul3A_74, %add3A_75 : i32
    %dma_start3A_77 = arith.constant 0 : i32
    %dma_start3A_78 = arith.constant 0 : i32
    %dma_start3A_79 = tpu.memref_slice %arg10[%dma_start3A_77, %dma_start3A_78] : memref<125x128xf32, #tpu.memory_space<vmem>> -> memref<80x128xf32, #tpu.memory_space<vmem>>
    %dma_start3A_80 = arith.constant 0 : i32
    %dma_start3A_81 = tpu.memref_slice %arg12[%add3A_76, %dma_start3A_80] : memref<10240x128xf32, #tpu.memory_space<vmem_shared>> -> memref<80x128xf32, #tpu.memory_space<vmem_shared>>
    %dma_start3A_82 = arith.constant 0 : i32
    %dma_start3A_83 = tpu.memref_slice %arg12[%add3A_76, %dma_start3A_82] : memref<10240x128xf32, #tpu.memory_space<vmem_shared>> -> memref<80x128xf32, #tpu.memory_space<vmem_shared>>
    %dma_start3A_84 = arith.constant 0 : i32
    %dma_start3A_85 = arith.constant 0 : i32
    %dma_start3A_86 = tpu.memref_slice %arg10[%dma_start3A_84, %dma_start3A_85] : memref<125x128xf32, #tpu.memory_space<vmem>> -> memref<80x128xf32, #tpu.memory_space<vmem>>
    tpu.enqueue_dma source(%dma_start3A_86 : memref<80x128xf32, #tpu.memory_space<vmem>>) target(%dma_start3A_83 : memref<80x128xf32, #tpu.memory_space<vmem_shared>>) target_semaphore(%arg14 : memref<!tpu.dma_semaphore, #tpu.memory_space<semaphore_mem>>)
    %mul3A_87 = arith.constant 640 : i32
    %mul3A_88 = arith.muli %arg1, %mul3A_87 : i32
    %add3A_89 = arith.constant 480 : i32
    %add3A_90 = arith.addi %mul3A_88, %add3A_89 : i32
    %dma_start3A_91 = arith.constant 0 : i32
    %dma_start3A_92 = arith.constant 0 : i32
    %dma_start3A_93 = tpu.memref_slice %arg10[%dma_start3A_91, %dma_start3A_92] : memref<125x128xf32, #tpu.memory_space<vmem>> -> memref<80x128xf32, #tpu.memory_space<vmem>>
    %dma_start3A_94 = arith.constant 0 : i32
    %dma_start3A_95 = tpu.memref_slice %arg12[%add3A_90, %dma_start3A_94] : memref<10240x128xf32, #tpu.memory_space<vmem_shared>> -> memref<80x128xf32, #tpu.memory_space<vmem_shared>>
    %dma_start3A_96 = arith.constant 0 : i32
    %dma_start3A_97 = tpu.memref_slice %arg12[%add3A_90, %dma_start3A_96] : memref<10240x128xf32, #tpu.memory_space<vmem_shared>> -> memref<80x128xf32, #tpu.memory_space<vmem_shared>>
    %dma_start3A_98 = arith.constant 0 : i32
    %dma_start3A_99 = arith.constant 0 : i32
    %dma_start3A_100 = tpu.memref_slice %arg10[%dma_start3A_98, %dma_start3A_99] : memref<125x128xf32, #tpu.memory_space<vmem>> -> memref<80x128xf32, #tpu.memory_space<vmem>>
    tpu.enqueue_dma source(%dma_start3A_100 : memref<80x128xf32, #tpu.memory_space<vmem>>) target(%dma_start3A_97 : memref<80x128xf32, #tpu.memory_space<vmem_shared>>) target_semaphore(%arg13 : memref<!tpu.dma_semaphore, #tpu.memory_space<semaphore_mem>>)
    %mul3A_101 = arith.constant 640 : i32
    %mul3A_102 = arith.muli %arg1, %mul3A_101 : i32
    %add3A_103 = arith.constant 560 : i32
    %add3A_104 = arith.addi %mul3A_102, %add3A_103 : i32
    %dma_start3A_105 = arith.constant 0 : i32
    %dma_start3A_106 = arith.constant 0 : i32
    %dma_start3A_107 = tpu.memref_slice %arg10[%dma_start3A_105, %dma_start3A_106] : memref<125x128xf32, #tpu.memory_space<vmem>> -> memref<80x128xf32, #tpu.memory_space<vmem>>
    %dma_start3A_108 = arith.constant 0 : i32
    %dma_start3A_109 = tpu.memref_slice %arg12[%add3A_104, %dma_start3A_108] : memref<10240x128xf32, #tpu.memory_space<vmem_shared>> -> memref<80x128xf32, #tpu.memory_space<vmem_shared>>
    %dma_start3A_110 = arith.constant 0 : i32
    %dma_start3A_111 = tpu.memref_slice %arg12[%add3A_104, %dma_start3A_110] : memref<10240x128xf32, #tpu.memory_space<vmem_shared>> -> memref<80x128xf32, #tpu.memory_space<vmem_shared>>
    %dma_start3A_112 = arith.constant 0 : i32
    %dma_start3A_113 = arith.constant 0 : i32
    %dma_start3A_114 = tpu.memref_slice %arg10[%dma_start3A_112, %dma_start3A_113] : memref<125x128xf32, #tpu.memory_space<vmem>> -> memref<80x128xf32, #tpu.memory_space<vmem>>
    tpu.enqueue_dma source(%dma_start3A_114 : memref<80x128xf32, #tpu.memory_space<vmem>>) target(%dma_start3A_111 : memref<80x128xf32, #tpu.memory_space<vmem_shared>>) target_semaphore(%arg14 : memref<!tpu.dma_semaphore, #tpu.memory_space<semaphore_mem>>)
    %mul3A_115 = arith.constant 640 : i32
    %mul3A_116 = arith.muli %arg1, %mul3A_115 : i32
    %add3A_117 = arith.constant 0 : i32
    %add3A_118 = arith.addi %mul3A_116, %add3A_117 : i32
    %dma_wait3A = arith.constant 0 : i32
    %dma_wait3A_119 = arith.constant 0 : i32
    %dma_wait3A_120 = tpu.memref_slice %arg10[%dma_wait3A, %dma_wait3A_119] : memref<125x128xf32, #tpu.memory_space<vmem>> -> memref<80x128xf32, #tpu.memory_space<vmem>>
    %dma_wait3A_121 = arith.constant 0 : i32
    %dma_wait3A_122 = tpu.memref_slice %arg12[%add3A_118, %dma_wait3A_121] : memref<10240x128xf32, #tpu.memory_space<vmem_shared>> -> memref<80x128xf32, #tpu.memory_space<vmem_shared>>
    %dma_wait3A_123 = arith.constant 0 : i32
    %dma_wait3A_124 = tpu.memref_slice %arg12[%add3A_118, %dma_wait3A_123] : memref<10240x128xf32, #tpu.memory_space<vmem_shared>> -> memref<80x128xf32, #tpu.memory_space<vmem_shared>>
    %dma_wait3A_125 = arith.constant 0 : i32
    %dma_wait3A_126 = arith.constant 0 : i32
    %dma_wait3A_127 = tpu.memref_slice %arg10[%dma_wait3A_125, %dma_wait3A_126] : memref<125x128xf32, #tpu.memory_space<vmem>> -> memref<80x128xf32, #tpu.memory_space<vmem>>
    tpu.wait_dma2 semaphore(%arg13 : memref<!tpu.dma_semaphore, #tpu.memory_space<semaphore_mem>>) src(%dma_wait3A_127 : memref<80x128xf32, #tpu.memory_space<vmem>>) dst(%dma_wait3A_124 : memref<80x128xf32, #tpu.memory_space<vmem_shared>>)
    %mul3A_128 = arith.constant 640 : i32
    %mul3A_129 = arith.muli %arg1, %mul3A_128 : i32
    %add3A_130 = arith.constant 80 : i32
    %add3A_131 = arith.addi %mul3A_129, %add3A_130 : i32
    %dma_wait3A_132 = arith.constant 0 : i32
    %dma_wait3A_133 = arith.constant 0 : i32
    %dma_wait3A_134 = tpu.memref_slice %arg10[%dma_wait3A_132, %dma_wait3A_133] : memref<125x128xf32, #tpu.memory_space<vmem>> -> memref<80x128xf32, #tpu.memory_space<vmem>>
    %dma_wait3A_135 = arith.constant 0 : i32
    %dma_wait3A_136 = tpu.memref_slice %arg12[%add3A_131, %dma_wait3A_135] : memref<10240x128xf32, #tpu.memory_space<vmem_shared>> -> memref<80x128xf32, #tpu.memory_space<vmem_shared>>
    %dma_wait3A_137 = arith.constant 0 : i32
    %dma_wait3A_138 = tpu.memref_slice %arg12[%add3A_131, %dma_wait3A_137] : memref<10240x128xf32, #tpu.memory_space<vmem_shared>> -> memref<80x128xf32, #tpu.memory_space<vmem_shared>>
    %dma_wait3A_139 = arith.constant 0 : i32
    %dma_wait3A_140 = arith.constant 0 : i32
    %dma_wait3A_141 = tpu.memref_slice %arg10[%dma_wait3A_139, %dma_wait3A_140] : memref<125x128xf32, #tpu.memory_space<vmem>> -> memref<80x128xf32, #tpu.memory_space<vmem>>
    tpu.wait_dma2 semaphore(%arg14 : memref<!tpu.dma_semaphore, #tpu.memory_space<semaphore_mem>>) src(%dma_wait3A_141 : memref<80x128xf32, #tpu.memory_space<vmem>>) dst(%dma_wait3A_138 : memref<80x128xf32, #tpu.memory_space<vmem_shared>>)
    %mul3A_142 = arith.constant 640 : i32
    %mul3A_143 = arith.muli %arg1, %mul3A_142 : i32
    %add3A_144 = arith.constant 160 : i32
    %add3A_145 = arith.addi %mul3A_143, %add3A_144 : i32
    %dma_wait3A_146 = arith.constant 0 : i32
    %dma_wait3A_147 = arith.constant 0 : i32
    %dma_wait3A_148 = tpu.memref_slice %arg10[%dma_wait3A_146, %dma_wait3A_147] : memref<125x128xf32, #tpu.memory_space<vmem>> -> memref<80x128xf32, #tpu.memory_space<vmem>>
    %dma_wait3A_149 = arith.constant 0 : i32
    %dma_wait3A_150 = tpu.memref_slice %arg12[%add3A_145, %dma_wait3A_149] : memref<10240x128xf32, #tpu.memory_space<vmem_shared>> -> memref<80x128xf32, #tpu.memory_space<vmem_shared>>
    %dma_wait3A_151 = arith.constant 0 : i32
    %dma_wait3A_152 = tpu.memref_slice %arg12[%add3A_145, %dma_wait3A_151] : memref<10240x128xf32, #tpu.memory_space<vmem_shared>> -> memref<80x128xf32, #tpu.memory_space<vmem_shared>>
    %dma_wait3A_153 = arith.constant 0 : i32
    %dma_wait3A_154 = arith.constant 0 : i32
    %dma_wait3A_155 = tpu.memref_slice %arg10[%dma_wait3A_153, %dma_wait3A_154] : memref<125x128xf32, #tpu.memory_space<vmem>> -> memref<80x128xf32, #tpu.memory_space<vmem>>
    tpu.wait_dma2 semaphore(%arg13 : memref<!tpu.dma_semaphore, #tpu.memory_space<semaphore_mem>>) src(%dma_wait3A_155 : memref<80x128xf32, #tpu.memory_space<vmem>>) dst(%dma_wait3A_152 : memref<80x128xf32, #tpu.memory_space<vmem_shared>>)
    %mul3A_156 = arith.constant 640 : i32
    %mul3A_157 = arith.muli %arg1, %mul3A_156 : i32
    %add3A_158 = arith.constant 240 : i32
    %add3A_159 = arith.addi %mul3A_157, %add3A_158 : i32
    %dma_wait3A_160 = arith.constant 0 : i32
    %dma_wait3A_161 = arith.constant 0 : i32
    %dma_wait3A_162 = tpu.memref_slice %arg10[%dma_wait3A_160, %dma_wait3A_161] : memref<125x128xf32, #tpu.memory_space<vmem>> -> memref<80x128xf32, #tpu.memory_space<vmem>>
    %dma_wait3A_163 = arith.constant 0 : i32
    %dma_wait3A_164 = tpu.memref_slice %arg12[%add3A_159, %dma_wait3A_163] : memref<10240x128xf32, #tpu.memory_space<vmem_shared>> -> memref<80x128xf32, #tpu.memory_space<vmem_shared>>
    %dma_wait3A_165 = arith.constant 0 : i32
    %dma_wait3A_166 = tpu.memref_slice %arg12[%add3A_159, %dma_wait3A_165] : memref<10240x128xf32, #tpu.memory_space<vmem_shared>> -> memref<80x128xf32, #tpu.memory_space<vmem_shared>>
    %dma_wait3A_167 = arith.constant 0 : i32
    %dma_wait3A_168 = arith.constant 0 : i32
    %dma_wait3A_169 = tpu.memref_slice %arg10[%dma_wait3A_167, %dma_wait3A_168] : memref<125x128xf32, #tpu.memory_space<vmem>> -> memref<80x128xf32, #tpu.memory_space<vmem>>
    tpu.wait_dma2 semaphore(%arg14 : memref<!tpu.dma_semaphore, #tpu.memory_space<semaphore_mem>>) src(%dma_wait3A_169 : memref<80x128xf32, #tpu.memory_space<vmem>>) dst(%dma_wait3A_166 : memref<80x128xf32, #tpu.memory_space<vmem_shared>>)
    %mul3A_170 = arith.constant 640 : i32
    %mul3A_171 = arith.muli %arg1, %mul3A_170 : i32
    %add3A_172 = arith.constant 320 : i32
    %add3A_173 = arith.addi %mul3A_171, %add3A_172 : i32
    %dma_wait3A_174 = arith.constant 0 : i32
    %dma_wait3A_175 = arith.constant 0 : i32
    %dma_wait3A_176 = tpu.memref_slice %arg10[%dma_wait3A_174, %dma_wait3A_175] : memref<125x128xf32, #tpu.memory_space<vmem>> -> memref<80x128xf32, #tpu.memory_space<vmem>>
    %dma_wait3A_177 = arith.constant 0 : i32
    %dma_wait3A_178 = tpu.memref_slice %arg12[%add3A_173, %dma_wait3A_177] : memref<10240x128xf32, #tpu.memory_space<vmem_shared>> -> memref<80x128xf32, #tpu.memory_space<vmem_shared>>
    %dma_wait3A_179 = arith.constant 0 : i32
    %dma_wait3A_180 = tpu.memref_slice %arg12[%add3A_173, %dma_wait3A_179] : memref<10240x128xf32, #tpu.memory_space<vmem_shared>> -> memref<80x128xf32, #tpu.memory_space<vmem_shared>>
    %dma_wait3A_181 = arith.constant 0 : i32
    %dma_wait3A_182 = arith.constant 0 : i32
    %dma_wait3A_183 = tpu.memref_slice %arg10[%dma_wait3A_181, %dma_wait3A_182] : memref<125x128xf32, #tpu.memory_space<vmem>> -> memref<80x128xf32, #tpu.memory_space<vmem>>
    tpu.wait_dma2 semaphore(%arg13 : memref<!tpu.dma_semaphore, #tpu.memory_space<semaphore_mem>>) src(%dma_wait3A_183 : memref<80x128xf32, #tpu.memory_space<vmem>>) dst(%dma_wait3A_180 : memref<80x128xf32, #tpu.memory_space<vmem_shared>>)
    %mul3A_184 = arith.constant 640 : i32
    %mul3A_185 = arith.muli %arg1, %mul3A_184 : i32
    %add3A_186 = arith.constant 400 : i32
    %add3A_187 = arith.addi %mul3A_185, %add3A_186 : i32
    %dma_wait3A_188 = arith.constant 0 : i32
    %dma_wait3A_189 = arith.constant 0 : i32
    %dma_wait3A_190 = tpu.memref_slice %arg10[%dma_wait3A_188, %dma_wait3A_189] : memref<125x128xf32, #tpu.memory_space<vmem>> -> memref<80x128xf32, #tpu.memory_space<vmem>>
    %dma_wait3A_191 = arith.constant 0 : i32
    %dma_wait3A_192 = tpu.memref_slice %arg12[%add3A_187, %dma_wait3A_191] : memref<10240x128xf32, #tpu.memory_space<vmem_shared>> -> memref<80x128xf32, #tpu.memory_space<vmem_shared>>
    %dma_wait3A_193 = arith.constant 0 : i32
    %dma_wait3A_194 = tpu.memref_slice %arg12[%add3A_187, %dma_wait3A_193] : memref<10240x128xf32, #tpu.memory_space<vmem_shared>> -> memref<80x128xf32, #tpu.memory_space<vmem_shared>>
    %dma_wait3A_195 = arith.constant 0 : i32
    %dma_wait3A_196 = arith.constant 0 : i32
    %dma_wait3A_197 = tpu.memref_slice %arg10[%dma_wait3A_195, %dma_wait3A_196] : memref<125x128xf32, #tpu.memory_space<vmem>> -> memref<80x128xf32, #tpu.memory_space<vmem>>
    tpu.wait_dma2 semaphore(%arg14 : memref<!tpu.dma_semaphore, #tpu.memory_space<semaphore_mem>>) src(%dma_wait3A_197 : memref<80x128xf32, #tpu.memory_space<vmem>>) dst(%dma_wait3A_194 : memref<80x128xf32, #tpu.memory_space<vmem_shared>>)
    %mul3A_198 = arith.constant 640 : i32
    %mul3A_199 = arith.muli %arg1, %mul3A_198 : i32
    %add3A_200 = arith.constant 480 : i32
    %add3A_201 = arith.addi %mul3A_199, %add3A_200 : i32
    %dma_wait3A_202 = arith.constant 0 : i32
    %dma_wait3A_203 = arith.constant 0 : i32
    %dma_wait3A_204 = tpu.memref_slice %arg10[%dma_wait3A_202, %dma_wait3A_203] : memref<125x128xf32, #tpu.memory_space<vmem>> -> memref<80x128xf32, #tpu.memory_space<vmem>>
    %dma_wait3A_205 = arith.constant 0 : i32
    %dma_wait3A_206 = tpu.memref_slice %arg12[%add3A_201, %dma_wait3A_205] : memref<10240x128xf32, #tpu.memory_space<vmem_shared>> -> memref<80x128xf32, #tpu.memory_space<vmem_shared>>
    %dma_wait3A_207 = arith.constant 0 : i32
    %dma_wait3A_208 = tpu.memref_slice %arg12[%add3A_201, %dma_wait3A_207] : memref<10240x128xf32, #tpu.memory_space<vmem_shared>> -> memref<80x128xf32, #tpu.memory_space<vmem_shared>>
    %dma_wait3A_209 = arith.constant 0 : i32
    %dma_wait3A_210 = arith.constant 0 : i32
    %dma_wait3A_211 = tpu.memref_slice %arg10[%dma_wait3A_209, %dma_wait3A_210] : memref<125x128xf32, #tpu.memory_space<vmem>> -> memref<80x128xf32, #tpu.memory_space<vmem>>
    tpu.wait_dma2 semaphore(%arg13 : memref<!tpu.dma_semaphore, #tpu.memory_space<semaphore_mem>>) src(%dma_wait3A_211 : memref<80x128xf32, #tpu.memory_space<vmem>>) dst(%dma_wait3A_208 : memref<80x128xf32, #tpu.memory_space<vmem_shared>>)
    %mul3A_212 = arith.constant 640 : i32
    %mul3A_213 = arith.muli %arg1, %mul3A_212 : i32
    %add3A_214 = arith.constant 560 : i32
    %add3A_215 = arith.addi %mul3A_213, %add3A_214 : i32
    %dma_wait3A_216 = arith.constant 0 : i32
    %dma_wait3A_217 = arith.constant 0 : i32
    %dma_wait3A_218 = tpu.memref_slice %arg10[%dma_wait3A_216, %dma_wait3A_217] : memref<125x128xf32, #tpu.memory_space<vmem>> -> memref<80x128xf32, #tpu.memory_space<vmem>>
    %dma_wait3A_219 = arith.constant 0 : i32
    %dma_wait3A_220 = tpu.memref_slice %arg12[%add3A_215, %dma_wait3A_219] : memref<10240x128xf32, #tpu.memory_space<vmem_shared>> -> memref<80x128xf32, #tpu.memory_space<vmem_shared>>
    %dma_wait3A_221 = arith.constant 0 : i32
    %dma_wait3A_222 = tpu.memref_slice %arg12[%add3A_215, %dma_wait3A_221] : memref<10240x128xf32, #tpu.memory_space<vmem_shared>> -> memref<80x128xf32, #tpu.memory_space<vmem_shared>>
    %dma_wait3A_223 = arith.constant 0 : i32
    %dma_wait3A_224 = arith.constant 0 : i32
    %dma_wait3A_225 = tpu.memref_slice %arg10[%dma_wait3A_223, %dma_wait3A_224] : memref<125x128xf32, #tpu.memory_space<vmem>> -> memref<80x128xf32, #tpu.memory_space<vmem>>
    tpu.wait_dma2 semaphore(%arg14 : memref<!tpu.dma_semaphore, #tpu.memory_space<semaphore_mem>>) src(%dma_wait3A_225 : memref<80x128xf32, #tpu.memory_space<vmem>>) dst(%dma_wait3A_222 : memref<80x128xf32, #tpu.memory_space<vmem_shared>>)
    %barrier3A = arith.constant 0 : index
    tpu.barrier barrier_id(%barrier3A)
    %eq3A = arith.constant 0 : i32
    %eq3A_226 = arith.cmpi eq, %arg0, %eq3A : i32
    %convert_element_type3A = arith.extui %eq3A_226 : i1 to i32
    %cond3A = arith.constant 0 : i32
    %cond3A_227 = arith.cmpi ne, %convert_element_type3A, %cond3A : i32
    scf.if %cond3A_227 {
      "tpu.region"() ({
        %run_scoped3A = tpu.sem_alloc : memref<!tpu.dma_semaphore, #tpu.memory_space<semaphore_mem>>
        %dma_start3A_296 = arith.constant 0 : i32
        %dma_start3A_297 = arith.constant 0 : i32
        %dma_start3A_298 = tpu.memref_slice %arg2[%arg1, %dma_start3A_296, %dma_start3A_297] : memref<16x160x125xi32, #tpu.memory_space<hbm>> -> memref<1x40x125xi32, #tpu.memory_space<hbm>>
        %dma_start3A_299 = tpu.memref_squeeze %dma_start3A_298 : memref<1x40x125xi32, #tpu.memory_space<hbm>> -> memref<40x125xi32, #tpu.memory_space<hbm>>
        %dma_start3A_300 = arith.constant 0 : i32
        %dma_start3A_301 = arith.constant 0 : i32
        %dma_start3A_302 = tpu.memref_slice %arg2[%arg1, %dma_start3A_300, %dma_start3A_301] : memref<16x160x125xi32, #tpu.memory_space<hbm>> -> memref<1x40x125xi32, #tpu.memory_space<hbm>>
        %dma_start3A_303 = tpu.memref_squeeze %dma_start3A_302 : memref<1x40x125xi32, #tpu.memory_space<hbm>> -> memref<40x125xi32, #tpu.memory_space<hbm>>
        tpu.enqueue_dma source(%dma_start3A_303 : memref<40x125xi32, #tpu.memory_space<hbm>>) target(%arg8 : memref<40x125xi32, #tpu.memory_space<vmem>>) target_semaphore(%run_scoped3A : memref<!tpu.dma_semaphore, #tpu.memory_space<semaphore_mem>>)
        %dma_wait3A_304 = arith.constant 0 : i32
        %dma_wait3A_305 = arith.constant 0 : i32
        %dma_wait3A_306 = tpu.memref_slice %arg2[%arg1, %dma_wait3A_304, %dma_wait3A_305] : memref<16x160x125xi32, #tpu.memory_space<hbm>> -> memref<1x40x125xi32, #tpu.memory_space<hbm>>
        %dma_wait3A_307 = tpu.memref_squeeze %dma_wait3A_306 : memref<1x40x125xi32, #tpu.memory_space<hbm>> -> memref<40x125xi32, #tpu.memory_space<hbm>>
        %dma_wait3A_308 = arith.constant 0 : i32
        %dma_wait3A_309 = arith.constant 0 : i32
        %dma_wait3A_310 = tpu.memref_slice %arg2[%arg1, %dma_wait3A_308, %dma_wait3A_309] : memref<16x160x125xi32, #tpu.memory_space<hbm>> -> memref<1x40x125xi32, #tpu.memory_space<hbm>>
        %dma_wait3A_311 = tpu.memref_squeeze %dma_wait3A_310 : memref<1x40x125xi32, #tpu.memory_space<hbm>> -> memref<40x125xi32, #tpu.memory_space<hbm>>
        tpu.wait_dma2 semaphore(%run_scoped3A : memref<!tpu.dma_semaphore, #tpu.memory_space<semaphore_mem>>) src(%dma_wait3A_311 : memref<40x125xi32, #tpu.memory_space<hbm>>) dst(%arg8 : memref<40x125xi32, #tpu.memory_space<vmem>>)
        tpu.yield
      }) : () -> ()
      "tpu.region"() ({
        %run_scoped3A = tpu.sem_alloc : memref<!tpu.dma_semaphore, #tpu.memory_space<semaphore_mem>>
        %dma_start3A_296 = arith.constant 0 : i32
        %dma_start3A_297 = arith.constant 0 : i32
        %dma_start3A_298 = tpu.memref_slice %arg3[%arg1, %dma_start3A_296, %dma_start3A_297] : memref<16x160x125xi32, #tpu.memory_space<hbm>> -> memref<1x40x125xi32, #tpu.memory_space<hbm>>
        %dma_start3A_299 = tpu.memref_squeeze %dma_start3A_298 : memref<1x40x125xi32, #tpu.memory_space<hbm>> -> memref<40x125xi32, #tpu.memory_space<hbm>>
        %dma_start3A_300 = arith.constant 0 : i32
        %dma_start3A_301 = arith.constant 0 : i32
        %dma_start3A_302 = tpu.memref_slice %arg3[%arg1, %dma_start3A_300, %dma_start3A_301] : memref<16x160x125xi32, #tpu.memory_space<hbm>> -> memref<1x40x125xi32, #tpu.memory_space<hbm>>
        %dma_start3A_303 = tpu.memref_squeeze %dma_start3A_302 : memref<1x40x125xi32, #tpu.memory_space<hbm>> -> memref<40x125xi32, #tpu.memory_space<hbm>>
        tpu.enqueue_dma source(%dma_start3A_303 : memref<40x125xi32, #tpu.memory_space<hbm>>) target(%arg9 : memref<40x125xi32, #tpu.memory_space<vmem>>) target_semaphore(%run_scoped3A : memref<!tpu.dma_semaphore, #tpu.memory_space<semaphore_mem>>)
        %dma_wait3A_304 = arith.constant 0 : i32
        %dma_wait3A_305 = arith.constant 0 : i32
        %dma_wait3A_306 = tpu.memref_slice %arg3[%arg1, %dma_wait3A_304, %dma_wait3A_305] : memref<16x160x125xi32, #tpu.memory_space<hbm>> -> memref<1x40x125xi32, #tpu.memory_space<hbm>>
        %dma_wait3A_307 = tpu.memref_squeeze %dma_wait3A_306 : memref<1x40x125xi32, #tpu.memory_space<hbm>> -> memref<40x125xi32, #tpu.memory_space<hbm>>
        %dma_wait3A_308 = arith.constant 0 : i32
        %dma_wait3A_309 = arith.constant 0 : i32
        %dma_wait3A_310 = tpu.memref_slice %arg3[%arg1, %dma_wait3A_308, %dma_wait3A_309] : memref<16x160x125xi32, #tpu.memory_space<hbm>> -> memref<1x40x125xi32, #tpu.memory_space<hbm>>
        %dma_wait3A_311 = tpu.memref_squeeze %dma_wait3A_310 : memref<1x40x125xi32, #tpu.memory_space<hbm>> -> memref<40x125xi32, #tpu.memory_space<hbm>>
        tpu.wait_dma2 semaphore(%run_scoped3A : memref<!tpu.dma_semaphore, #tpu.memory_space<semaphore_mem>>) src(%dma_wait3A_311 : memref<40x125xi32, #tpu.memory_space<hbm>>) dst(%arg9 : memref<40x125xi32, #tpu.memory_space<vmem>>)
        tpu.yield
      }) : () -> ()
      %dma_start3A_244 = arith.constant 0 : i32
      %dma_start3A_245 = arith.constant 0 : i32
      %dma_start3A_246 = tpu.memref_slice %arg8[%dma_start3A_244, %dma_start3A_245] : memref<40x125xi32, #tpu.memory_space<vmem>> -> memref<1x125xi32, #tpu.memory_space<vmem>>
      %dma_start3A_247 = tpu.memref_squeeze %dma_start3A_246 : memref<1x125xi32, #tpu.memory_space<vmem>> -> memref<125xi32, #tpu.memory_space<vmem>>
      %dma_start3A_248 = arith.constant 0 : i32
      %dma_start3A_249 = arith.constant 0 : i32
      %dma_start3A_250 = tpu.memref_slice %arg4[%dma_start3A_248, %dma_start3A_249] : memref<10000x128xf32, #tpu.memory_space<hbm>> -> memref<10000x128xf32, #tpu.memory_space<hbm>>
      tpu.enqueue_indirect_dma source(%dma_start3A_250 : memref<10000x128xf32, #tpu.memory_space<hbm>>) target(%arg10 : memref<125x128xf32, #tpu.memory_space<vmem>>) offsets(%dma_start3A_247 : memref<125xi32, #tpu.memory_space<vmem>>) semaphore(%arg13 : memref<!tpu.dma_semaphore, #tpu.memory_space<semaphore_mem>>)
      %scan3A_251 = arith.constant 0 : i32
      %scan3A_252 = arith.constant 0 : i32
      %scan3A_253 = arith.constant 20 : i32
      %scan3A_254 = arith.addi %scan3A_252, %scan3A_253 : i32
      %scan3A_255 = arith.constant 1 : i32
      scf.for %scan3A_296 = %scan3A_252 to %scan3A_254 step %scan3A_255  : i32 {
        %mul3A_297 = arith.constant 2 : i32
        %mul3A_298 = arith.muli %scan3A_296, %mul3A_297 : i32
        %add3A_299 = arith.constant 0 : i32
        %add3A_300 = arith.addi %mul3A_298, %add3A_299 : i32
        %add3A_301 = arith.constant 1 : i32
        %add3A_302 = arith.addi %add3A_300, %add3A_301 : i32
        %lt3A = arith.constant 40 : i32
        %lt3A_303 = arith.cmpi slt, %add3A_302, %lt3A : i32
        %convert_element_type3A_304 = arith.extui %lt3A_303 : i1 to i32
        %cond3A_305 = arith.constant 0 : i32
        %cond3A_306 = arith.cmpi ne, %convert_element_type3A_304, %cond3A_305 : i32
        scf.if %cond3A_306 {
          %add3A_330 = arith.constant 1 : i32
          %add3A_331 = arith.addi %add3A_300, %add3A_330 : i32
          %dma_start3A_332 = arith.constant 0 : i32
          %dma_start3A_333 = tpu.memref_slice %arg8[%add3A_331, %dma_start3A_332] : memref<40x125xi32, #tpu.memory_space<vmem>> -> memref<1x125xi32, #tpu.memory_space<vmem>>
          %dma_start3A_334 = tpu.memref_squeeze %dma_start3A_333 : memref<1x125xi32, #tpu.memory_space<vmem>> -> memref<125xi32, #tpu.memory_space<vmem>>
          %dma_start3A_335 = arith.constant 0 : i32
          %dma_start3A_336 = arith.constant 0 : i32
          %dma_start3A_337 = tpu.memref_slice %arg4[%dma_start3A_335, %dma_start3A_336] : memref<10000x128xf32, #tpu.memory_space<hbm>> -> memref<10000x128xf32, #tpu.memory_space<hbm>>
          tpu.enqueue_indirect_dma source(%dma_start3A_337 : memref<10000x128xf32, #tpu.memory_space<hbm>>) target(%arg11 : memref<125x128xf32, #tpu.memory_space<vmem>>) offsets(%dma_start3A_334 : memref<125xi32, #tpu.memory_space<vmem>>) semaphore(%arg14 : memref<!tpu.dma_semaphore, #tpu.memory_space<semaphore_mem>>)
        } else {
        }
        %dma_wait3A_307 = arith.constant 0 : i32
        %dma_wait3A_308 = tpu.memref_slice %arg8[%add3A_300, %dma_wait3A_307] : memref<40x125xi32, #tpu.memory_space<vmem>> -> memref<1x125xi32, #tpu.memory_space<vmem>>
        %dma_wait3A_309 = tpu.memref_squeeze %dma_wait3A_308 : memref<1x125xi32, #tpu.memory_space<vmem>> -> memref<125xi32, #tpu.memory_space<vmem>>
        %dma_wait3A_310 = arith.constant 0 : i32
        %dma_wait3A_311 = arith.constant 0 : i32
        %dma_wait3A_312 = tpu.memref_slice %arg4[%dma_wait3A_310, %dma_wait3A_311] : memref<10000x128xf32, #tpu.memory_space<hbm>> -> memref<10000x128xf32, #tpu.memory_space<hbm>>
        tpu.wait_indirect_dma semaphore(%arg13 : memref<!tpu.dma_semaphore, #tpu.memory_space<semaphore_mem>>) src(%dma_wait3A_312 : memref<10000x128xf32, #tpu.memory_space<hbm>>) dst(%arg10 : memref<125x128xf32, #tpu.memory_space<vmem>>)
        "tpu.region"() ({
          %run_scoped3A = tpu.sem_alloc : memref<!tpu.dma_semaphore, #tpu.memory_space<semaphore_mem>>
          %dma_start3A_330 = arith.constant 0 : i32
          %dma_start3A_331 = tpu.memref_slice %arg9[%add3A_300, %dma_start3A_330] : memref<40x125xi32, #tpu.memory_space<vmem>> -> memref<1x125xi32, #tpu.memory_space<vmem>>
          %dma_start3A_332 = tpu.memref_squeeze %dma_start3A_331 : memref<1x125xi32, #tpu.memory_space<vmem>> -> memref<125xi32, #tpu.memory_space<vmem>>
          %dma_start3A_333 = arith.constant 0 : i32
          %dma_start3A_334 = arith.constant 0 : i32
          %dma_start3A_335 = tpu.memref_slice %arg12[%dma_start3A_333, %dma_start3A_334] : memref<10240x128xf32, #tpu.memory_space<vmem_shared>> -> memref<10240x128xf32, #tpu.memory_space<vmem_shared>>
          tpu.enqueue_indirect_dma source(%arg10 : memref<125x128xf32, #tpu.memory_space<vmem>>) target(%dma_start3A_335 : memref<10240x128xf32, #tpu.memory_space<vmem_shared>>) offsets(%dma_start3A_332 : memref<125xi32, #tpu.memory_space<vmem>>) semaphore(%run_scoped3A : memref<!tpu.dma_semaphore, #tpu.memory_space<semaphore_mem>>) {add = true}
          %dma_wait3A_336 = arith.constant 0 : i32
          %dma_wait3A_337 = tpu.memref_slice %arg9[%add3A_300, %dma_wait3A_336] : memref<40x125xi32, #tpu.memory_space<vmem>> -> memref<1x125xi32, #tpu.memory_space<vmem>>
          %dma_wait3A_338 = tpu.memref_squeeze %dma_wait3A_337 : memref<1x125xi32, #tpu.memory_space<vmem>> -> memref<125xi32, #tpu.memory_space<vmem>>
          %dma_wait3A_339 = arith.constant 0 : i32
          %dma_wait3A_340 = arith.constant 0 : i32
          %dma_wait3A_341 = tpu.memref_slice %arg12[%dma_wait3A_339, %dma_wait3A_340] : memref<10240x128xf32, #tpu.memory_space<vmem_shared>> -> memref<10240x128xf32, #tpu.memory_space<vmem_shared>>
          tpu.wait_indirect_dma semaphore(%run_scoped3A : memref<!tpu.dma_semaphore, #tpu.memory_space<semaphore_mem>>) src(%arg10 : memref<125x128xf32, #tpu.memory_space<vmem>>) dst(%dma_wait3A_341 : memref<10240x128xf32, #tpu.memory_space<vmem_shared>>)
          tpu.yield
        }) : () -> ()
        %mul3A_313 = arith.constant 2 : i32
        %mul3A_314 = arith.muli %scan3A_296, %mul3A_313 : i32
        %add3A_315 = arith.constant 1 : i32
        %add3A_316 = arith.addi %mul3A_314, %add3A_315 : i32
        %add3A_317 = arith.constant 1 : i32
        %add3A_318 = arith.addi %add3A_316, %add3A_317 : i32
        %lt3A_319 = arith.constant 40 : i32
        %lt3A_320 = arith.cmpi slt, %add3A_318, %lt3A_319 : i32
        %convert_element_type3A_321 = arith.extui %lt3A_320 : i1 to i32
        %cond3A_322 = arith.constant 0 : i32
        %cond3A_323 = arith.cmpi ne, %convert_element_type3A_321, %cond3A_322 : i32
        scf.if %cond3A_323 {
          %add3A_330 = arith.constant 1 : i32
          %add3A_331 = arith.addi %add3A_316, %add3A_330 : i32
          %dma_start3A_332 = arith.constant 0 : i32
          %dma_start3A_333 = tpu.memref_slice %arg8[%add3A_331, %dma_start3A_332] : memref<40x125xi32, #tpu.memory_space<vmem>> -> memref<1x125xi32, #tpu.memory_space<vmem>>
          %dma_start3A_334 = tpu.memref_squeeze %dma_start3A_333 : memref<1x125xi32, #tpu.memory_space<vmem>> -> memref<125xi32, #tpu.memory_space<vmem>>
          %dma_start3A_335 = arith.constant 0 : i32
          %dma_start3A_336 = arith.constant 0 : i32
          %dma_start3A_337 = tpu.memref_slice %arg4[%dma_start3A_335, %dma_start3A_336] : memref<10000x128xf32, #tpu.memory_space<hbm>> -> memref<10000x128xf32, #tpu.memory_space<hbm>>
          tpu.enqueue_indirect_dma source(%dma_start3A_337 : memref<10000x128xf32, #tpu.memory_space<hbm>>) target(%arg10 : memref<125x128xf32, #tpu.memory_space<vmem>>) offsets(%dma_start3A_334 : memref<125xi32, #tpu.memory_space<vmem>>) semaphore(%arg13 : memref<!tpu.dma_semaphore, #tpu.memory_space<semaphore_mem>>)
        } else {
        }
        %dma_wait3A_324 = arith.constant 0 : i32
        %dma_wait3A_325 = tpu.memref_slice %arg8[%add3A_316, %dma_wait3A_324] : memref<40x125xi32, #tpu.memory_space<vmem>> -> memref<1x125xi32, #tpu.memory_space<vmem>>
        %dma_wait3A_326 = tpu.memref_squeeze %dma_wait3A_325 : memref<1x125xi32, #tpu.memory_space<vmem>> -> memref<125xi32, #tpu.memory_space<vmem>>
        %dma_wait3A_327 = arith.constant 0 : i32
        %dma_wait3A_328 = arith.constant 0 : i32
        %dma_wait3A_329 = tpu.memref_slice %arg4[%dma_wait3A_327, %dma_wait3A_328] : memref<10000x128xf32, #tpu.memory_space<hbm>> -> memref<10000x128xf32, #tpu.memory_space<hbm>>
        tpu.wait_indirect_dma semaphore(%arg14 : memref<!tpu.dma_semaphore, #tpu.memory_space<semaphore_mem>>) src(%dma_wait3A_329 : memref<10000x128xf32, #tpu.memory_space<hbm>>) dst(%arg11 : memref<125x128xf32, #tpu.memory_space<vmem>>)
        "tpu.region"() ({
          %run_scoped3A = tpu.sem_alloc : memref<!tpu.dma_semaphore, #tpu.memory_space<semaphore_mem>>
          %dma_start3A_330 = arith.constant 0 : i32
          %dma_start3A_331 = tpu.memref_slice %arg9[%add3A_316, %dma_start3A_330] : memref<40x125xi32, #tpu.memory_space<vmem>> -> memref<1x125xi32, #tpu.memory_space<vmem>>
          %dma_start3A_332 = tpu.memref_squeeze %dma_start3A_331 : memref<1x125xi32, #tpu.memory_space<vmem>> -> memref<125xi32, #tpu.memory_space<vmem>>
          %dma_start3A_333 = arith.constant 0 : i32
          %dma_start3A_334 = arith.constant 0 : i32
          %dma_start3A_335 = tpu.memref_slice %arg12[%dma_start3A_333, %dma_start3A_334] : memref<10240x128xf32, #tpu.memory_space<vmem_shared>> -> memref<10240x128xf32, #tpu.memory_space<vmem_shared>>
          tpu.enqueue_indirect_dma source(%arg11 : memref<125x128xf32, #tpu.memory_space<vmem>>) target(%dma_start3A_335 : memref<10240x128xf32, #tpu.memory_space<vmem_shared>>) offsets(%dma_start3A_332 : memref<125xi32, #tpu.memory_space<vmem>>) semaphore(%run_scoped3A : memref<!tpu.dma_semaphore, #tpu.memory_space<semaphore_mem>>) {add = true}
          %dma_wait3A_336 = arith.constant 0 : i32
          %dma_wait3A_337 = tpu.memref_slice %arg9[%add3A_316, %dma_wait3A_336] : memref<40x125xi32, #tpu.memory_space<vmem>> -> memref<1x125xi32, #tpu.memory_space<vmem>>
          %dma_wait3A_338 = tpu.memref_squeeze %dma_wait3A_337 : memref<1x125xi32, #tpu.memory_space<vmem>> -> memref<125xi32, #tpu.memory_space<vmem>>
          %dma_wait3A_339 = arith.constant 0 : i32
          %dma_wait3A_340 = arith.constant 0 : i32
          %dma_wait3A_341 = tpu.memref_slice %arg12[%dma_wait3A_339, %dma_wait3A_340] : memref<10240x128xf32, #tpu.memory_space<vmem_shared>> -> memref<10240x128xf32, #tpu.memory_space<vmem_shared>>
          tpu.wait_indirect_dma semaphore(%run_scoped3A : memref<!tpu.dma_semaphore, #tpu.memory_space<semaphore_mem>>) src(%arg11 : memref<125x128xf32, #tpu.memory_space<vmem>>) dst(%dma_wait3A_341 : memref<10240x128xf32, #tpu.memory_space<vmem_shared>>)
          tpu.yield
        }) : () -> ()
      }
      %scan3A_256 = arith.constant 20 : i32
      "tpu.region"() ({
        %run_scoped3A = tpu.sem_alloc : memref<!tpu.dma_semaphore, #tpu.memory_space<semaphore_mem>>
        %dma_start3A_296 = arith.constant 40 : i32
        %dma_start3A_297 = arith.constant 0 : i32
        %dma_start3A_298 = tpu.memref_slice %arg2[%arg1, %dma_start3A_296, %dma_start3A_297] : memref<16x160x125xi32, #tpu.memory_space<hbm>> -> memref<1x40x125xi32, #tpu.memory_space<hbm>>
        %dma_start3A_299 = tpu.memref_squeeze %dma_start3A_298 : memref<1x40x125xi32, #tpu.memory_space<hbm>> -> memref<40x125xi32, #tpu.memory_space<hbm>>
        %dma_start3A_300 = arith.constant 40 : i32
        %dma_start3A_301 = arith.constant 0 : i32
        %dma_start3A_302 = tpu.memref_slice %arg2[%arg1, %dma_start3A_300, %dma_start3A_301] : memref<16x160x125xi32, #tpu.memory_space<hbm>> -> memref<1x40x125xi32, #tpu.memory_space<hbm>>
        %dma_start3A_303 = tpu.memref_squeeze %dma_start3A_302 : memref<1x40x125xi32, #tpu.memory_space<hbm>> -> memref<40x125xi32, #tpu.memory_space<hbm>>
        tpu.enqueue_dma source(%dma_start3A_303 : memref<40x125xi32, #tpu.memory_space<hbm>>) target(%arg8 : memref<40x125xi32, #tpu.memory_space<vmem>>) target_semaphore(%run_scoped3A : memref<!tpu.dma_semaphore, #tpu.memory_space<semaphore_mem>>)
        %dma_wait3A_304 = arith.constant 40 : i32
        %dma_wait3A_305 = arith.constant 0 : i32
        %dma_wait3A_306 = tpu.memref_slice %arg2[%arg1, %dma_wait3A_304, %dma_wait3A_305] : memref<16x160x125xi32, #tpu.memory_space<hbm>> -> memref<1x40x125xi32, #tpu.memory_space<hbm>>
        %dma_wait3A_307 = tpu.memref_squeeze %dma_wait3A_306 : memref<1x40x125xi32, #tpu.memory_space<hbm>> -> memref<40x125xi32, #tpu.memory_space<hbm>>
        %dma_wait3A_308 = arith.constant 40 : i32
        %dma_wait3A_309 = arith.constant 0 : i32
        %dma_wait3A_310 = tpu.memref_slice %arg2[%arg1, %dma_wait3A_308, %dma_wait3A_309] : memref<16x160x125xi32, #tpu.memory_space<hbm>> -> memref<1x40x125xi32, #tpu.memory_space<hbm>>
        %dma_wait3A_311 = tpu.memref_squeeze %dma_wait3A_310 : memref<1x40x125xi32, #tpu.memory_space<hbm>> -> memref<40x125xi32, #tpu.memory_space<hbm>>
        tpu.wait_dma2 semaphore(%run_scoped3A : memref<!tpu.dma_semaphore, #tpu.memory_space<semaphore_mem>>) src(%dma_wait3A_311 : memref<40x125xi32, #tpu.memory_space<hbm>>) dst(%arg8 : memref<40x125xi32, #tpu.memory_space<vmem>>)
        tpu.yield
      }) : () -> ()
      "tpu.region"() ({
        %run_scoped3A = tpu.sem_alloc : memref<!tpu.dma_semaphore, #tpu.memory_space<semaphore_mem>>
        %dma_start3A_296 = arith.constant 40 : i32
        %dma_start3A_297 = arith.constant 0 : i32
        %dma_start3A_298 = tpu.memref_slice %arg3[%arg1, %dma_start3A_296, %dma_start3A_297] : memref<16x160x125xi32, #tpu.memory_space<hbm>> -> memref<1x40x125xi32, #tpu.memory_space<hbm>>
        %dma_start3A_299 = tpu.memref_squeeze %dma_start3A_298 : memref<1x40x125xi32, #tpu.memory_space<hbm>> -> memref<40x125xi32, #tpu.memory_space<hbm>>
        %dma_start3A_300 = arith.constant 40 : i32
        %dma_start3A_301 = arith.constant 0 : i32
        %dma_start3A_302 = tpu.memref_slice %arg3[%arg1, %dma_start3A_300, %dma_start3A_301] : memref<16x160x125xi32, #tpu.memory_space<hbm>> -> memref<1x40x125xi32, #tpu.memory_space<hbm>>
        %dma_start3A_303 = tpu.memref_squeeze %dma_start3A_302 : memref<1x40x125xi32, #tpu.memory_space<hbm>> -> memref<40x125xi32, #tpu.memory_space<hbm>>
        tpu.enqueue_dma source(%dma_start3A_303 : memref<40x125xi32, #tpu.memory_space<hbm>>) target(%arg9 : memref<40x125xi32, #tpu.memory_space<vmem>>) target_semaphore(%run_scoped3A : memref<!tpu.dma_semaphore, #tpu.memory_space<semaphore_mem>>)
        %dma_wait3A_304 = arith.constant 40 : i32
        %dma_wait3A_305 = arith.constant 0 : i32
        %dma_wait3A_306 = tpu.memref_slice %arg3[%arg1, %dma_wait3A_304, %dma_wait3A_305] : memref<16x160x125xi32, #tpu.memory_space<hbm>> -> memref<1x40x125xi32, #tpu.memory_space<hbm>>
        %dma_wait3A_307 = tpu.memref_squeeze %dma_wait3A_306 : memref<1x40x125xi32, #tpu.memory_space<hbm>> -> memref<40x125xi32, #tpu.memory_space<hbm>>
        %dma_wait3A_308 = arith.constant 40 : i32
        %dma_wait3A_309 = arith.constant 0 : i32
        %dma_wait3A_310 = tpu.memref_slice %arg3[%arg1, %dma_wait3A_308, %dma_wait3A_309] : memref<16x160x125xi32, #tpu.memory_space<hbm>> -> memref<1x40x125xi32, #tpu.memory_space<hbm>>
        %dma_wait3A_311 = tpu.memref_squeeze %dma_wait3A_310 : memref<1x40x125xi32, #tpu.memory_space<hbm>> -> memref<40x125xi32, #tpu.memory_space<hbm>>
        tpu.wait_dma2 semaphore(%run_scoped3A : memref<!tpu.dma_semaphore, #tpu.memory_space<semaphore_mem>>) src(%dma_wait3A_311 : memref<40x125xi32, #tpu.memory_space<hbm>>) dst(%arg9 : memref<40x125xi32, #tpu.memory_space<vmem>>)
        tpu.yield
      }) : () -> ()
      %dma_start3A_257 = arith.constant 0 : i32
      %dma_start3A_258 = arith.constant 0 : i32
      %dma_start3A_259 = tpu.memref_slice %arg8[%dma_start3A_257, %dma_start3A_258] : memref<40x125xi32, #tpu.memory_space<vmem>> -> memref<1x125xi32, #tpu.memory_space<vmem>>
      %dma_start3A_260 = tpu.memref_squeeze %dma_start3A_259 : memref<1x125xi32, #tpu.memory_space<vmem>> -> memref<125xi32, #tpu.memory_space<vmem>>
      %dma_start3A_261 = arith.constant 0 : i32
      %dma_start3A_262 = arith.constant 0 : i32
      %dma_start3A_263 = tpu.memref_slice %arg4[%dma_start3A_261, %dma_start3A_262] : memref<10000x128xf32, #tpu.memory_space<hbm>> -> memref<10000x128xf32, #tpu.memory_space<hbm>>
      tpu.enqueue_indirect_dma source(%dma_start3A_263 : memref<10000x128xf32, #tpu.memory_space<hbm>>) target(%arg10 : memref<125x128xf32, #tpu.memory_space<vmem>>) offsets(%dma_start3A_260 : memref<125xi32, #tpu.memory_space<vmem>>) semaphore(%arg13 : memref<!tpu.dma_semaphore, #tpu.memory_space<semaphore_mem>>)
      %scan3A_264 = arith.constant 0 : i32
      %scan3A_265 = arith.constant 0 : i32
      %scan3A_266 = arith.constant 20 : i32
      %scan3A_267 = arith.addi %scan3A_265, %scan3A_266 : i32
      %scan3A_268 = arith.constant 1 : i32
      scf.for %scan3A_296 = %scan3A_265 to %scan3A_267 step %scan3A_268  : i32 {
        %mul3A_297 = arith.constant 2 : i32
        %mul3A_298 = arith.muli %scan3A_296, %mul3A_297 : i32
        %add3A_299 = arith.constant 0 : i32
        %add3A_300 = arith.addi %mul3A_298, %add3A_299 : i32
        %add3A_301 = arith.constant 1 : i32
        %add3A_302 = arith.addi %add3A_300, %add3A_301 : i32
        %lt3A = arith.constant 40 : i32
        %lt3A_303 = arith.cmpi slt, %add3A_302, %lt3A : i32
        %convert_element_type3A_304 = arith.extui %lt3A_303 : i1 to i32
        %cond3A_305 = arith.constant 0 : i32
        %cond3A_306 = arith.cmpi ne, %convert_element_type3A_304, %cond3A_305 : i32
        scf.if %cond3A_306 {
          %add3A_330 = arith.constant 1 : i32
          %add3A_331 = arith.addi %add3A_300, %add3A_330 : i32
          %dma_start3A_332 = arith.constant 0 : i32
          %dma_start3A_333 = tpu.memref_slice %arg8[%add3A_331, %dma_start3A_332] : memref<40x125xi32, #tpu.memory_space<vmem>> -> memref<1x125xi32, #tpu.memory_space<vmem>>
          %dma_start3A_334 = tpu.memref_squeeze %dma_start3A_333 : memref<1x125xi32, #tpu.memory_space<vmem>> -> memref<125xi32, #tpu.memory_space<vmem>>
          %dma_start3A_335 = arith.constant 0 : i32
          %dma_start3A_336 = arith.constant 0 : i32
          %dma_start3A_337 = tpu.memref_slice %arg4[%dma_start3A_335, %dma_start3A_336] : memref<10000x128xf32, #tpu.memory_space<hbm>> -> memref<10000x128xf32, #tpu.memory_space<hbm>>
          tpu.enqueue_indirect_dma source(%dma_start3A_337 : memref<10000x128xf32, #tpu.memory_space<hbm>>) target(%arg11 : memref<125x128xf32, #tpu.memory_space<vmem>>) offsets(%dma_start3A_334 : memref<125xi32, #tpu.memory_space<vmem>>) semaphore(%arg14 : memref<!tpu.dma_semaphore, #tpu.memory_space<semaphore_mem>>)
        } else {
        }
        %dma_wait3A_307 = arith.constant 0 : i32
        %dma_wait3A_308 = tpu.memref_slice %arg8[%add3A_300, %dma_wait3A_307] : memref<40x125xi32, #tpu.memory_space<vmem>> -> memref<1x125xi32, #tpu.memory_space<vmem>>
        %dma_wait3A_309 = tpu.memref_squeeze %dma_wait3A_308 : memref<1x125xi32, #tpu.memory_space<vmem>> -> memref<125xi32, #tpu.memory_space<vmem>>
        %dma_wait3A_310 = arith.constant 0 : i32
        %dma_wait3A_311 = arith.constant 0 : i32
        %dma_wait3A_312 = tpu.memref_slice %arg4[%dma_wait3A_310, %dma_wait3A_311] : memref<10000x128xf32, #tpu.memory_space<hbm>> -> memref<10000x128xf32, #tpu.memory_space<hbm>>
        tpu.wait_indirect_dma semaphore(%arg13 : memref<!tpu.dma_semaphore, #tpu.memory_space<semaphore_mem>>) src(%dma_wait3A_312 : memref<10000x128xf32, #tpu.memory_space<hbm>>) dst(%arg10 : memref<125x128xf32, #tpu.memory_space<vmem>>)
        "tpu.region"() ({
          %run_scoped3A = tpu.sem_alloc : memref<!tpu.dma_semaphore, #tpu.memory_space<semaphore_mem>>
          %dma_start3A_330 = arith.constant 0 : i32
          %dma_start3A_331 = tpu.memref_slice %arg9[%add3A_300, %dma_start3A_330] : memref<40x125xi32, #tpu.memory_space<vmem>> -> memref<1x125xi32, #tpu.memory_space<vmem>>
          %dma_start3A_332 = tpu.memref_squeeze %dma_start3A_331 : memref<1x125xi32, #tpu.memory_space<vmem>> -> memref<125xi32, #tpu.memory_space<vmem>>
          %dma_start3A_333 = arith.constant 0 : i32
          %dma_start3A_334 = arith.constant 0 : i32
          %dma_start3A_335 = tpu.memref_slice %arg12[%dma_start3A_333, %dma_start3A_334] : memref<10240x128xf32, #tpu.memory_space<vmem_shared>> -> memref<10240x128xf32, #tpu.memory_space<vmem_shared>>
          tpu.enqueue_indirect_dma source(%arg10 : memref<125x128xf32, #tpu.memory_space<vmem>>) target(%dma_start3A_335 : memref<10240x128xf32, #tpu.memory_space<vmem_shared>>) offsets(%dma_start3A_332 : memref<125xi32, #tpu.memory_space<vmem>>) semaphore(%run_scoped3A : memref<!tpu.dma_semaphore, #tpu.memory_space<semaphore_mem>>) {add = true}
          %dma_wait3A_336 = arith.constant 0 : i32
          %dma_wait3A_337 = tpu.memref_slice %arg9[%add3A_300, %dma_wait3A_336] : memref<40x125xi32, #tpu.memory_space<vmem>> -> memref<1x125xi32, #tpu.memory_space<vmem>>
          %dma_wait3A_338 = tpu.memref_squeeze %dma_wait3A_337 : memref<1x125xi32, #tpu.memory_space<vmem>> -> memref<125xi32, #tpu.memory_space<vmem>>
          %dma_wait3A_339 = arith.constant 0 : i32
          %dma_wait3A_340 = arith.constant 0 : i32
          %dma_wait3A_341 = tpu.memref_slice %arg12[%dma_wait3A_339, %dma_wait3A_340] : memref<10240x128xf32, #tpu.memory_space<vmem_shared>> -> memref<10240x128xf32, #tpu.memory_space<vmem_shared>>
          tpu.wait_indirect_dma semaphore(%run_scoped3A : memref<!tpu.dma_semaphore, #tpu.memory_space<semaphore_mem>>) src(%arg10 : memref<125x128xf32, #tpu.memory_space<vmem>>) dst(%dma_wait3A_341 : memref<10240x128xf32, #tpu.memory_space<vmem_shared>>)
          tpu.yield
        }) : () -> ()
        %mul3A_313 = arith.constant 2 : i32
        %mul3A_314 = arith.muli %scan3A_296, %mul3A_313 : i32
        %add3A_315 = arith.constant 1 : i32
        %add3A_316 = arith.addi %mul3A_314, %add3A_315 : i32
        %add3A_317 = arith.constant 1 : i32
        %add3A_318 = arith.addi %add3A_316, %add3A_317 : i32
        %lt3A_319 = arith.constant 40 : i32
        %lt3A_320 = arith.cmpi slt, %add3A_318, %lt3A_319 : i32
        %convert_element_type3A_321 = arith.extui %lt3A_320 : i1 to i32
        %cond3A_322 = arith.constant 0 : i32
        %cond3A_323 = arith.cmpi ne, %convert_element_type3A_321, %cond3A_322 : i32
        scf.if %cond3A_323 {
          %add3A_330 = arith.constant 1 : i32
          %add3A_331 = arith.addi %add3A_316, %add3A_330 : i32
          %dma_start3A_332 = arith.constant 0 : i32
          %dma_start3A_333 = tpu.memref_slice %arg8[%add3A_331, %dma_start3A_332] : memref<40x125xi32, #tpu.memory_space<vmem>> -> memref<1x125xi32, #tpu.memory_space<vmem>>
          %dma_start3A_334 = tpu.memref_squeeze %dma_start3A_333 : memref<1x125xi32, #tpu.memory_space<vmem>> -> memref<125xi32, #tpu.memory_space<vmem>>
          %dma_start3A_335 = arith.constant 0 : i32
          %dma_start3A_336 = arith.constant 0 : i32
          %dma_start3A_337 = tpu.memref_slice %arg4[%dma_start3A_335, %dma_start3A_336] : memref<10000x128xf32, #tpu.memory_space<hbm>> -> memref<10000x128xf32, #tpu.memory_space<hbm>>
          tpu.enqueue_indirect_dma source(%dma_start3A_337 : memref<10000x128xf32, #tpu.memory_space<hbm>>) target(%arg10 : memref<125x128xf32, #tpu.memory_space<vmem>>) offsets(%dma_start3A_334 : memref<125xi32, #tpu.memory_space<vmem>>) semaphore(%arg13 : memref<!tpu.dma_semaphore, #tpu.memory_space<semaphore_mem>>)
        } else {
        }
        %dma_wait3A_324 = arith.constant 0 : i32
        %dma_wait3A_325 = tpu.memref_slice %arg8[%add3A_316, %dma_wait3A_324] : memref<40x125xi32, #tpu.memory_space<vmem>> -> memref<1x125xi32, #tpu.memory_space<vmem>>
        %dma_wait3A_326 = tpu.memref_squeeze %dma_wait3A_325 : memref<1x125xi32, #tpu.memory_space<vmem>> -> memref<125xi32, #tpu.memory_space<vmem>>
        %dma_wait3A_327 = arith.constant 0 : i32
        %dma_wait3A_328 = arith.constant 0 : i32
        %dma_wait3A_329 = tpu.memref_slice %arg4[%dma_wait3A_327, %dma_wait3A_328] : memref<10000x128xf32, #tpu.memory_space<hbm>> -> memref<10000x128xf32, #tpu.memory_space<hbm>>
        tpu.wait_indirect_dma semaphore(%arg14 : memref<!tpu.dma_semaphore, #tpu.memory_space<semaphore_mem>>) src(%dma_wait3A_329 : memref<10000x128xf32, #tpu.memory_space<hbm>>) dst(%arg11 : memref<125x128xf32, #tpu.memory_space<vmem>>)
        "tpu.region"() ({
          %run_scoped3A = tpu.sem_alloc : memref<!tpu.dma_semaphore, #tpu.memory_space<semaphore_mem>>
          %dma_start3A_330 = arith.constant 0 : i32
          %dma_start3A_331 = tpu.memref_slice %arg9[%add3A_316, %dma_start3A_330] : memref<40x125xi32, #tpu.memory_space<vmem>> -> memref<1x125xi32, #tpu.memory_space<vmem>>
          %dma_start3A_332 = tpu.memref_squeeze %dma_start3A_331 : memref<1x125xi32, #tpu.memory_space<vmem>> -> memref<125xi32, #tpu.memory_space<vmem>>
          %dma_start3A_333 = arith.constant 0 : i32
          %dma_start3A_334 = arith.constant 0 : i32
          %dma_start3A_335 = tpu.memref_slice %arg12[%dma_start3A_333, %dma_start3A_334] : memref<10240x128xf32, #tpu.memory_space<vmem_shared>> -> memref<10240x128xf32, #tpu.memory_space<vmem_shared>>
          tpu.enqueue_indirect_dma source(%arg11 : memref<125x128xf32, #tpu.memory_space<vmem>>) target(%dma_start3A_335 : memref<10240x128xf32, #tpu.memory_space<vmem_shared>>) offsets(%dma_start3A_332 : memref<125xi32, #tpu.memory_space<vmem>>) semaphore(%run_scoped3A : memref<!tpu.dma_semaphore, #tpu.memory_space<semaphore_mem>>) {add = true}
          %dma_wait3A_336 = arith.constant 0 : i32
          %dma_wait3A_337 = tpu.memref_slice %arg9[%add3A_316, %dma_wait3A_336] : memref<40x125xi32, #tpu.memory_space<vmem>> -> memref<1x125xi32, #tpu.memory_space<vmem>>
          %dma_wait3A_338 = tpu.memref_squeeze %dma_wait3A_337 : memref<1x125xi32, #tpu.memory_space<vmem>> -> memref<125xi32, #tpu.memory_space<vmem>>
          %dma_wait3A_339 = arith.constant 0 : i32
          %dma_wait3A_340 = arith.constant 0 : i32
          %dma_wait3A_341 = tpu.memref_slice %arg12[%dma_wait3A_339, %dma_wait3A_340] : memref<10240x128xf32, #tpu.memory_space<vmem_shared>> -> memref<10240x128xf32, #tpu.memory_space<vmem_shared>>
          tpu.wait_indirect_dma semaphore(%run_scoped3A : memref<!tpu.dma_semaphore, #tpu.memory_space<semaphore_mem>>) src(%arg11 : memref<125x128xf32, #tpu.memory_space<vmem>>) dst(%dma_wait3A_341 : memref<10240x128xf32, #tpu.memory_space<vmem_shared>>)
          tpu.yield
        }) : () -> ()
      }
      %scan3A_269 = arith.constant 20 : i32
      "tpu.region"() ({
        %run_scoped3A = tpu.sem_alloc : memref<!tpu.dma_semaphore, #tpu.memory_space<semaphore_mem>>
        %dma_start3A_296 = arith.constant 80 : i32
        %dma_start3A_297 = arith.constant 0 : i32
        %dma_start3A_298 = tpu.memref_slice %arg2[%arg1, %dma_start3A_296, %dma_start3A_297] : memref<16x160x125xi32, #tpu.memory_space<hbm>> -> memref<1x40x125xi32, #tpu.memory_space<hbm>>
        %dma_start3A_299 = tpu.memref_squeeze %dma_start3A_298 : memref<1x40x125xi32, #tpu.memory_space<hbm>> -> memref<40x125xi32, #tpu.memory_space<hbm>>
        %dma_start3A_300 = arith.constant 80 : i32
        %dma_start3A_301 = arith.constant 0 : i32
        %dma_start3A_302 = tpu.memref_slice %arg2[%arg1, %dma_start3A_300, %dma_start3A_301] : memref<16x160x125xi32, #tpu.memory_space<hbm>> -> memref<1x40x125xi32, #tpu.memory_space<hbm>>
        %dma_start3A_303 = tpu.memref_squeeze %dma_start3A_302 : memref<1x40x125xi32, #tpu.memory_space<hbm>> -> memref<40x125xi32, #tpu.memory_space<hbm>>
        tpu.enqueue_dma source(%dma_start3A_303 : memref<40x125xi32, #tpu.memory_space<hbm>>) target(%arg8 : memref<40x125xi32, #tpu.memory_space<vmem>>) target_semaphore(%run_scoped3A : memref<!tpu.dma_semaphore, #tpu.memory_space<semaphore_mem>>)
        %dma_wait3A_304 = arith.constant 80 : i32
        %dma_wait3A_305 = arith.constant 0 : i32
        %dma_wait3A_306 = tpu.memref_slice %arg2[%arg1, %dma_wait3A_304, %dma_wait3A_305] : memref<16x160x125xi32, #tpu.memory_space<hbm>> -> memref<1x40x125xi32, #tpu.memory_space<hbm>>
        %dma_wait3A_307 = tpu.memref_squeeze %dma_wait3A_306 : memref<1x40x125xi32, #tpu.memory_space<hbm>> -> memref<40x125xi32, #tpu.memory_space<hbm>>
        %dma_wait3A_308 = arith.constant 80 : i32
        %dma_wait3A_309 = arith.constant 0 : i32
        %dma_wait3A_310 = tpu.memref_slice %arg2[%arg1, %dma_wait3A_308, %dma_wait3A_309] : memref<16x160x125xi32, #tpu.memory_space<hbm>> -> memref<1x40x125xi32, #tpu.memory_space<hbm>>
        %dma_wait3A_311 = tpu.memref_squeeze %dma_wait3A_310 : memref<1x40x125xi32, #tpu.memory_space<hbm>> -> memref<40x125xi32, #tpu.memory_space<hbm>>
        tpu.wait_dma2 semaphore(%run_scoped3A : memref<!tpu.dma_semaphore, #tpu.memory_space<semaphore_mem>>) src(%dma_wait3A_311 : memref<40x125xi32, #tpu.memory_space<hbm>>) dst(%arg8 : memref<40x125xi32, #tpu.memory_space<vmem>>)
        tpu.yield
      }) : () -> ()
      "tpu.region"() ({
        %run_scoped3A = tpu.sem_alloc : memref<!tpu.dma_semaphore, #tpu.memory_space<semaphore_mem>>
        %dma_start3A_296 = arith.constant 80 : i32
        %dma_start3A_297 = arith.constant 0 : i32
        %dma_start3A_298 = tpu.memref_slice %arg3[%arg1, %dma_start3A_296, %dma_start3A_297] : memref<16x160x125xi32, #tpu.memory_space<hbm>> -> memref<1x40x125xi32, #tpu.memory_space<hbm>>
        %dma_start3A_299 = tpu.memref_squeeze %dma_start3A_298 : memref<1x40x125xi32, #tpu.memory_space<hbm>> -> memref<40x125xi32, #tpu.memory_space<hbm>>
        %dma_start3A_300 = arith.constant 80 : i32
        %dma_start3A_301 = arith.constant 0 : i32
        %dma_start3A_302 = tpu.memref_slice %arg3[%arg1, %dma_start3A_300, %dma_start3A_301] : memref<16x160x125xi32, #tpu.memory_space<hbm>> -> memref<1x40x125xi32, #tpu.memory_space<hbm>>
        %dma_start3A_303 = tpu.memref_squeeze %dma_start3A_302 : memref<1x40x125xi32, #tpu.memory_space<hbm>> -> memref<40x125xi32, #tpu.memory_space<hbm>>
        tpu.enqueue_dma source(%dma_start3A_303 : memref<40x125xi32, #tpu.memory_space<hbm>>) target(%arg9 : memref<40x125xi32, #tpu.memory_space<vmem>>) target_semaphore(%run_scoped3A : memref<!tpu.dma_semaphore, #tpu.memory_space<semaphore_mem>>)
        %dma_wait3A_304 = arith.constant 80 : i32
        %dma_wait3A_305 = arith.constant 0 : i32
        %dma_wait3A_306 = tpu.memref_slice %arg3[%arg1, %dma_wait3A_304, %dma_wait3A_305] : memref<16x160x125xi32, #tpu.memory_space<hbm>> -> memref<1x40x125xi32, #tpu.memory_space<hbm>>
        %dma_wait3A_307 = tpu.memref_squeeze %dma_wait3A_306 : memref<1x40x125xi32, #tpu.memory_space<hbm>> -> memref<40x125xi32, #tpu.memory_space<hbm>>
        %dma_wait3A_308 = arith.constant 80 : i32
        %dma_wait3A_309 = arith.constant 0 : i32
        %dma_wait3A_310 = tpu.memref_slice %arg3[%arg1, %dma_wait3A_308, %dma_wait3A_309] : memref<16x160x125xi32, #tpu.memory_space<hbm>> -> memref<1x40x125xi32, #tpu.memory_space<hbm>>
        %dma_wait3A_311 = tpu.memref_squeeze %dma_wait3A_310 : memref<1x40x125xi32, #tpu.memory_space<hbm>> -> memref<40x125xi32, #tpu.memory_space<hbm>>
        tpu.wait_dma2 semaphore(%run_scoped3A : memref<!tpu.dma_semaphore, #tpu.memory_space<semaphore_mem>>) src(%dma_wait3A_311 : memref<40x125xi32, #tpu.memory_space<hbm>>) dst(%arg9 : memref<40x125xi32, #tpu.memory_space<vmem>>)
        tpu.yield
      }) : () -> ()
      %dma_start3A_270 = arith.constant 0 : i32
      %dma_start3A_271 = arith.constant 0 : i32
      %dma_start3A_272 = tpu.memref_slice %arg8[%dma_start3A_270, %dma_start3A_271] : memref<40x125xi32, #tpu.memory_space<vmem>> -> memref<1x125xi32, #tpu.memory_space<vmem>>
      %dma_start3A_273 = tpu.memref_squeeze %dma_start3A_272 : memref<1x125xi32, #tpu.memory_space<vmem>> -> memref<125xi32, #tpu.memory_space<vmem>>
      %dma_start3A_274 = arith.constant 0 : i32
      %dma_start3A_275 = arith.constant 0 : i32
      %dma_start3A_276 = tpu.memref_slice %arg4[%dma_start3A_274, %dma_start3A_275] : memref<10000x128xf32, #tpu.memory_space<hbm>> -> memref<10000x128xf32, #tpu.memory_space<hbm>>
      tpu.enqueue_indirect_dma source(%dma_start3A_276 : memref<10000x128xf32, #tpu.memory_space<hbm>>) target(%arg10 : memref<125x128xf32, #tpu.memory_space<vmem>>) offsets(%dma_start3A_273 : memref<125xi32, #tpu.memory_space<vmem>>) semaphore(%arg13 : memref<!tpu.dma_semaphore, #tpu.memory_space<semaphore_mem>>)
      %scan3A_277 = arith.constant 0 : i32
      %scan3A_278 = arith.constant 0 : i32
      %scan3A_279 = arith.constant 20 : i32
      %scan3A_280 = arith.addi %scan3A_278, %scan3A_279 : i32
      %scan3A_281 = arith.constant 1 : i32
      scf.for %scan3A_296 = %scan3A_278 to %scan3A_280 step %scan3A_281  : i32 {
        %mul3A_297 = arith.constant 2 : i32
        %mul3A_298 = arith.muli %scan3A_296, %mul3A_297 : i32
        %add3A_299 = arith.constant 0 : i32
        %add3A_300 = arith.addi %mul3A_298, %add3A_299 : i32
        %add3A_301 = arith.constant 1 : i32
        %add3A_302 = arith.addi %add3A_300, %add3A_301 : i32
        %lt3A = arith.constant 40 : i32
        %lt3A_303 = arith.cmpi slt, %add3A_302, %lt3A : i32
        %convert_element_type3A_304 = arith.extui %lt3A_303 : i1 to i32
        %cond3A_305 = arith.constant 0 : i32
        %cond3A_306 = arith.cmpi ne, %convert_element_type3A_304, %cond3A_305 : i32
        scf.if %cond3A_306 {
          %add3A_330 = arith.constant 1 : i32
          %add3A_331 = arith.addi %add3A_300, %add3A_330 : i32
          %dma_start3A_332 = arith.constant 0 : i32
          %dma_start3A_333 = tpu.memref_slice %arg8[%add3A_331, %dma_start3A_332] : memref<40x125xi32, #tpu.memory_space<vmem>> -> memref<1x125xi32, #tpu.memory_space<vmem>>
          %dma_start3A_334 = tpu.memref_squeeze %dma_start3A_333 : memref<1x125xi32, #tpu.memory_space<vmem>> -> memref<125xi32, #tpu.memory_space<vmem>>
          %dma_start3A_335 = arith.constant 0 : i32
          %dma_start3A_336 = arith.constant 0 : i32
          %dma_start3A_337 = tpu.memref_slice %arg4[%dma_start3A_335, %dma_start3A_336] : memref<10000x128xf32, #tpu.memory_space<hbm>> -> memref<10000x128xf32, #tpu.memory_space<hbm>>
          tpu.enqueue_indirect_dma source(%dma_start3A_337 : memref<10000x128xf32, #tpu.memory_space<hbm>>) target(%arg11 : memref<125x128xf32, #tpu.memory_space<vmem>>) offsets(%dma_start3A_334 : memref<125xi32, #tpu.memory_space<vmem>>) semaphore(%arg14 : memref<!tpu.dma_semaphore, #tpu.memory_space<semaphore_mem>>)
        } else {
        }
        %dma_wait3A_307 = arith.constant 0 : i32
        %dma_wait3A_308 = tpu.memref_slice %arg8[%add3A_300, %dma_wait3A_307] : memref<40x125xi32, #tpu.memory_space<vmem>> -> memref<1x125xi32, #tpu.memory_space<vmem>>
        %dma_wait3A_309 = tpu.memref_squeeze %dma_wait3A_308 : memref<1x125xi32, #tpu.memory_space<vmem>> -> memref<125xi32, #tpu.memory_space<vmem>>
        %dma_wait3A_310 = arith.constant 0 : i32
        %dma_wait3A_311 = arith.constant 0 : i32
        %dma_wait3A_312 = tpu.memref_slice %arg4[%dma_wait3A_310, %dma_wait3A_311] : memref<10000x128xf32, #tpu.memory_space<hbm>> -> memref<10000x128xf32, #tpu.memory_space<hbm>>
        tpu.wait_indirect_dma semaphore(%arg13 : memref<!tpu.dma_semaphore, #tpu.memory_space<semaphore_mem>>) src(%dma_wait3A_312 : memref<10000x128xf32, #tpu.memory_space<hbm>>) dst(%arg10 : memref<125x128xf32, #tpu.memory_space<vmem>>)
        "tpu.region"() ({
          %run_scoped3A = tpu.sem_alloc : memref<!tpu.dma_semaphore, #tpu.memory_space<semaphore_mem>>
          %dma_start3A_330 = arith.constant 0 : i32
          %dma_start3A_331 = tpu.memref_slice %arg9[%add3A_300, %dma_start3A_330] : memref<40x125xi32, #tpu.memory_space<vmem>> -> memref<1x125xi32, #tpu.memory_space<vmem>>
          %dma_start3A_332 = tpu.memref_squeeze %dma_start3A_331 : memref<1x125xi32, #tpu.memory_space<vmem>> -> memref<125xi32, #tpu.memory_space<vmem>>
          %dma_start3A_333 = arith.constant 0 : i32
          %dma_start3A_334 = arith.constant 0 : i32
          %dma_start3A_335 = tpu.memref_slice %arg12[%dma_start3A_333, %dma_start3A_334] : memref<10240x128xf32, #tpu.memory_space<vmem_shared>> -> memref<10240x128xf32, #tpu.memory_space<vmem_shared>>
          tpu.enqueue_indirect_dma source(%arg10 : memref<125x128xf32, #tpu.memory_space<vmem>>) target(%dma_start3A_335 : memref<10240x128xf32, #tpu.memory_space<vmem_shared>>) offsets(%dma_start3A_332 : memref<125xi32, #tpu.memory_space<vmem>>) semaphore(%run_scoped3A : memref<!tpu.dma_semaphore, #tpu.memory_space<semaphore_mem>>) {add = true}
          %dma_wait3A_336 = arith.constant 0 : i32
          %dma_wait3A_337 = tpu.memref_slice %arg9[%add3A_300, %dma_wait3A_336] : memref<40x125xi32, #tpu.memory_space<vmem>> -> memref<1x125xi32, #tpu.memory_space<vmem>>
          %dma_wait3A_338 = tpu.memref_squeeze %dma_wait3A_337 : memref<1x125xi32, #tpu.memory_space<vmem>> -> memref<125xi32, #tpu.memory_space<vmem>>
          %dma_wait3A_339 = arith.constant 0 : i32
          %dma_wait3A_340 = arith.constant 0 : i32
          %dma_wait3A_341 = tpu.memref_slice %arg12[%dma_wait3A_339, %dma_wait3A_340] : memref<10240x128xf32, #tpu.memory_space<vmem_shared>> -> memref<10240x128xf32, #tpu.memory_space<vmem_shared>>
          tpu.wait_indirect_dma semaphore(%run_scoped3A : memref<!tpu.dma_semaphore, #tpu.memory_space<semaphore_mem>>) src(%arg10 : memref<125x128xf32, #tpu.memory_space<vmem>>) dst(%dma_wait3A_341 : memref<10240x128xf32, #tpu.memory_space<vmem_shared>>)
          tpu.yield
        }) : () -> ()
        %mul3A_313 = arith.constant 2 : i32
        %mul3A_314 = arith.muli %scan3A_296, %mul3A_313 : i32
        %add3A_315 = arith.constant 1 : i32
        %add3A_316 = arith.addi %mul3A_314, %add3A_315 : i32
        %add3A_317 = arith.constant 1 : i32
        %add3A_318 = arith.addi %add3A_316, %add3A_317 : i32
        %lt3A_319 = arith.constant 40 : i32
        %lt3A_320 = arith.cmpi slt, %add3A_318, %lt3A_319 : i32
        %convert_element_type3A_321 = arith.extui %lt3A_320 : i1 to i32
        %cond3A_322 = arith.constant 0 : i32
        %cond3A_323 = arith.cmpi ne, %convert_element_type3A_321, %cond3A_322 : i32
        scf.if %cond3A_323 {
          %add3A_330 = arith.constant 1 : i32
          %add3A_331 = arith.addi %add3A_316, %add3A_330 : i32
          %dma_start3A_332 = arith.constant 0 : i32
          %dma_start3A_333 = tpu.memref_slice %arg8[%add3A_331, %dma_start3A_332] : memref<40x125xi32, #tpu.memory_space<vmem>> -> memref<1x125xi32, #tpu.memory_space<vmem>>
          %dma_start3A_334 = tpu.memref_squeeze %dma_start3A_333 : memref<1x125xi32, #tpu.memory_space<vmem>> -> memref<125xi32, #tpu.memory_space<vmem>>
          %dma_start3A_335 = arith.constant 0 : i32
          %dma_start3A_336 = arith.constant 0 : i32
          %dma_start3A_337 = tpu.memref_slice %arg4[%dma_start3A_335, %dma_start3A_336] : memref<10000x128xf32, #tpu.memory_space<hbm>> -> memref<10000x128xf32, #tpu.memory_space<hbm>>
          tpu.enqueue_indirect_dma source(%dma_start3A_337 : memref<10000x128xf32, #tpu.memory_space<hbm>>) target(%arg10 : memref<125x128xf32, #tpu.memory_space<vmem>>) offsets(%dma_start3A_334 : memref<125xi32, #tpu.memory_space<vmem>>) semaphore(%arg13 : memref<!tpu.dma_semaphore, #tpu.memory_space<semaphore_mem>>)
        } else {
        }
        %dma_wait3A_324 = arith.constant 0 : i32
        %dma_wait3A_325 = tpu.memref_slice %arg8[%add3A_316, %dma_wait3A_324] : memref<40x125xi32, #tpu.memory_space<vmem>> -> memref<1x125xi32, #tpu.memory_space<vmem>>
        %dma_wait3A_326 = tpu.memref_squeeze %dma_wait3A_325 : memref<1x125xi32, #tpu.memory_space<vmem>> -> memref<125xi32, #tpu.memory_space<vmem>>
        %dma_wait3A_327 = arith.constant 0 : i32
        %dma_wait3A_328 = arith.constant 0 : i32
        %dma_wait3A_329 = tpu.memref_slice %arg4[%dma_wait3A_327, %dma_wait3A_328] : memref<10000x128xf32, #tpu.memory_space<hbm>> -> memref<10000x128xf32, #tpu.memory_space<hbm>>
        tpu.wait_indirect_dma semaphore(%arg14 : memref<!tpu.dma_semaphore, #tpu.memory_space<semaphore_mem>>) src(%dma_wait3A_329 : memref<10000x128xf32, #tpu.memory_space<hbm>>) dst(%arg11 : memref<125x128xf32, #tpu.memory_space<vmem>>)
        "tpu.region"() ({
          %run_scoped3A = tpu.sem_alloc : memref<!tpu.dma_semaphore, #tpu.memory_space<semaphore_mem>>
          %dma_start3A_330 = arith.constant 0 : i32
          %dma_start3A_331 = tpu.memref_slice %arg9[%add3A_316, %dma_start3A_330] : memref<40x125xi32, #tpu.memory_space<vmem>> -> memref<1x125xi32, #tpu.memory_space<vmem>>
          %dma_start3A_332 = tpu.memref_squeeze %dma_start3A_331 : memref<1x125xi32, #tpu.memory_space<vmem>> -> memref<125xi32, #tpu.memory_space<vmem>>
          %dma_start3A_333 = arith.constant 0 : i32
          %dma_start3A_334 = arith.constant 0 : i32
          %dma_start3A_335 = tpu.memref_slice %arg12[%dma_start3A_333, %dma_start3A_334] : memref<10240x128xf32, #tpu.memory_space<vmem_shared>> -> memref<10240x128xf32, #tpu.memory_space<vmem_shared>>
          tpu.enqueue_indirect_dma source(%arg11 : memref<125x128xf32, #tpu.memory_space<vmem>>) target(%dma_start3A_335 : memref<10240x128xf32, #tpu.memory_space<vmem_shared>>) offsets(%dma_start3A_332 : memref<125xi32, #tpu.memory_space<vmem>>) semaphore(%run_scoped3A : memref<!tpu.dma_semaphore, #tpu.memory_space<semaphore_mem>>) {add = true}
          %dma_wait3A_336 = arith.constant 0 : i32
          %dma_wait3A_337 = tpu.memref_slice %arg9[%add3A_316, %dma_wait3A_336] : memref<40x125xi32, #tpu.memory_space<vmem>> -> memref<1x125xi32, #tpu.memory_space<vmem>>
          %dma_wait3A_338 = tpu.memref_squeeze %dma_wait3A_337 : memref<1x125xi32, #tpu.memory_space<vmem>> -> memref<125xi32, #tpu.memory_space<vmem>>
          %dma_wait3A_339 = arith.constant 0 : i32
          %dma_wait3A_340 = arith.constant 0 : i32
          %dma_wait3A_341 = tpu.memref_slice %arg12[%dma_wait3A_339, %dma_wait3A_340] : memref<10240x128xf32, #tpu.memory_space<vmem_shared>> -> memref<10240x128xf32, #tpu.memory_space<vmem_shared>>
          tpu.wait_indirect_dma semaphore(%run_scoped3A : memref<!tpu.dma_semaphore, #tpu.memory_space<semaphore_mem>>) src(%arg11 : memref<125x128xf32, #tpu.memory_space<vmem>>) dst(%dma_wait3A_341 : memref<10240x128xf32, #tpu.memory_space<vmem_shared>>)
          tpu.yield
        }) : () -> ()
      }
      %scan3A_282 = arith.constant 20 : i32
      "tpu.region"() ({
        %run_scoped3A = tpu.sem_alloc : memref<!tpu.dma_semaphore, #tpu.memory_space<semaphore_mem>>
        %dma_start3A_296 = arith.constant 120 : i32
        %dma_start3A_297 = arith.constant 0 : i32
        %dma_start3A_298 = tpu.memref_slice %arg2[%arg1, %dma_start3A_296, %dma_start3A_297] : memref<16x160x125xi32, #tpu.memory_space<hbm>> -> memref<1x40x125xi32, #tpu.memory_space<hbm>>
        %dma_start3A_299 = tpu.memref_squeeze %dma_start3A_298 : memref<1x40x125xi32, #tpu.memory_space<hbm>> -> memref<40x125xi32, #tpu.memory_space<hbm>>
        %dma_start3A_300 = arith.constant 120 : i32
        %dma_start3A_301 = arith.constant 0 : i32
        %dma_start3A_302 = tpu.memref_slice %arg2[%arg1, %dma_start3A_300, %dma_start3A_301] : memref<16x160x125xi32, #tpu.memory_space<hbm>> -> memref<1x40x125xi32, #tpu.memory_space<hbm>>
        %dma_start3A_303 = tpu.memref_squeeze %dma_start3A_302 : memref<1x40x125xi32, #tpu.memory_space<hbm>> -> memref<40x125xi32, #tpu.memory_space<hbm>>
        tpu.enqueue_dma source(%dma_start3A_303 : memref<40x125xi32, #tpu.memory_space<hbm>>) target(%arg8 : memref<40x125xi32, #tpu.memory_space<vmem>>) target_semaphore(%run_scoped3A : memref<!tpu.dma_semaphore, #tpu.memory_space<semaphore_mem>>)
        %dma_wait3A_304 = arith.constant 120 : i32
        %dma_wait3A_305 = arith.constant 0 : i32
        %dma_wait3A_306 = tpu.memref_slice %arg2[%arg1, %dma_wait3A_304, %dma_wait3A_305] : memref<16x160x125xi32, #tpu.memory_space<hbm>> -> memref<1x40x125xi32, #tpu.memory_space<hbm>>
        %dma_wait3A_307 = tpu.memref_squeeze %dma_wait3A_306 : memref<1x40x125xi32, #tpu.memory_space<hbm>> -> memref<40x125xi32, #tpu.memory_space<hbm>>
        %dma_wait3A_308 = arith.constant 120 : i32
        %dma_wait3A_309 = arith.constant 0 : i32
        %dma_wait3A_310 = tpu.memref_slice %arg2[%arg1, %dma_wait3A_308, %dma_wait3A_309] : memref<16x160x125xi32, #tpu.memory_space<hbm>> -> memref<1x40x125xi32, #tpu.memory_space<hbm>>
        %dma_wait3A_311 = tpu.memref_squeeze %dma_wait3A_310 : memref<1x40x125xi32, #tpu.memory_space<hbm>> -> memref<40x125xi32, #tpu.memory_space<hbm>>
        tpu.wait_dma2 semaphore(%run_scoped3A : memref<!tpu.dma_semaphore, #tpu.memory_space<semaphore_mem>>) src(%dma_wait3A_311 : memref<40x125xi32, #tpu.memory_space<hbm>>) dst(%arg8 : memref<40x125xi32, #tpu.memory_space<vmem>>)
        tpu.yield
      }) : () -> ()
      "tpu.region"() ({
        %run_scoped3A = tpu.sem_alloc : memref<!tpu.dma_semaphore, #tpu.memory_space<semaphore_mem>>
        %dma_start3A_296 = arith.constant 120 : i32
        %dma_start3A_297 = arith.constant 0 : i32
        %dma_start3A_298 = tpu.memref_slice %arg3[%arg1, %dma_start3A_296, %dma_start3A_297] : memref<16x160x125xi32, #tpu.memory_space<hbm>> -> memref<1x40x125xi32, #tpu.memory_space<hbm>>
        %dma_start3A_299 = tpu.memref_squeeze %dma_start3A_298 : memref<1x40x125xi32, #tpu.memory_space<hbm>> -> memref<40x125xi32, #tpu.memory_space<hbm>>
        %dma_start3A_300 = arith.constant 120 : i32
        %dma_start3A_301 = arith.constant 0 : i32
        %dma_start3A_302 = tpu.memref_slice %arg3[%arg1, %dma_start3A_300, %dma_start3A_301] : memref<16x160x125xi32, #tpu.memory_space<hbm>> -> memref<1x40x125xi32, #tpu.memory_space<hbm>>
        %dma_start3A_303 = tpu.memref_squeeze %dma_start3A_302 : memref<1x40x125xi32, #tpu.memory_space<hbm>> -> memref<40x125xi32, #tpu.memory_space<hbm>>
        tpu.enqueue_dma source(%dma_start3A_303 : memref<40x125xi32, #tpu.memory_space<hbm>>) target(%arg9 : memref<40x125xi32, #tpu.memory_space<vmem>>) target_semaphore(%run_scoped3A : memref<!tpu.dma_semaphore, #tpu.memory_space<semaphore_mem>>)
        %dma_wait3A_304 = arith.constant 120 : i32
        %dma_wait3A_305 = arith.constant 0 : i32
        %dma_wait3A_306 = tpu.memref_slice %arg3[%arg1, %dma_wait3A_304, %dma_wait3A_305] : memref<16x160x125xi32, #tpu.memory_space<hbm>> -> memref<1x40x125xi32, #tpu.memory_space<hbm>>
        %dma_wait3A_307 = tpu.memref_squeeze %dma_wait3A_306 : memref<1x40x125xi32, #tpu.memory_space<hbm>> -> memref<40x125xi32, #tpu.memory_space<hbm>>
        %dma_wait3A_308 = arith.constant 120 : i32
        %dma_wait3A_309 = arith.constant 0 : i32
        %dma_wait3A_310 = tpu.memref_slice %arg3[%arg1, %dma_wait3A_308, %dma_wait3A_309] : memref<16x160x125xi32, #tpu.memory_space<hbm>> -> memref<1x40x125xi32, #tpu.memory_space<hbm>>
        %dma_wait3A_311 = tpu.memref_squeeze %dma_wait3A_310 : memref<1x40x125xi32, #tpu.memory_space<hbm>> -> memref<40x125xi32, #tpu.memory_space<hbm>>
        tpu.wait_dma2 semaphore(%run_scoped3A : memref<!tpu.dma_semaphore, #tpu.memory_space<semaphore_mem>>) src(%dma_wait3A_311 : memref<40x125xi32, #tpu.memory_space<hbm>>) dst(%arg9 : memref<40x125xi32, #tpu.memory_space<vmem>>)
        tpu.yield
      }) : () -> ()
      %dma_start3A_283 = arith.constant 0 : i32
      %dma_start3A_284 = arith.constant 0 : i32
      %dma_start3A_285 = tpu.memref_slice %arg8[%dma_start3A_283, %dma_start3A_284] : memref<40x125xi32, #tpu.memory_space<vmem>> -> memref<1x125xi32, #tpu.memory_space<vmem>>
      %dma_start3A_286 = tpu.memref_squeeze %dma_start3A_285 : memref<1x125xi32, #tpu.memory_space<vmem>> -> memref<125xi32, #tpu.memory_space<vmem>>
      %dma_start3A_287 = arith.constant 0 : i32
      %dma_start3A_288 = arith.constant 0 : i32
      %dma_start3A_289 = tpu.memref_slice %arg4[%dma_start3A_287, %dma_start3A_288] : memref<10000x128xf32, #tpu.memory_space<hbm>> -> memref<10000x128xf32, #tpu.memory_space<hbm>>
      tpu.enqueue_indirect_dma source(%dma_start3A_289 : memref<10000x128xf32, #tpu.memory_space<hbm>>) target(%arg10 : memref<125x128xf32, #tpu.memory_space<vmem>>) offsets(%dma_start3A_286 : memref<125xi32, #tpu.memory_space<vmem>>) semaphore(%arg13 : memref<!tpu.dma_semaphore, #tpu.memory_space<semaphore_mem>>)
      %scan3A_290 = arith.constant 0 : i32
      %scan3A_291 = arith.constant 0 : i32
      %scan3A_292 = arith.constant 20 : i32
      %scan3A_293 = arith.addi %scan3A_291, %scan3A_292 : i32
      %scan3A_294 = arith.constant 1 : i32
      scf.for %scan3A_296 = %scan3A_291 to %scan3A_293 step %scan3A_294  : i32 {
        %mul3A_297 = arith.constant 2 : i32
        %mul3A_298 = arith.muli %scan3A_296, %mul3A_297 : i32
        %add3A_299 = arith.constant 0 : i32
        %add3A_300 = arith.addi %mul3A_298, %add3A_299 : i32
        %add3A_301 = arith.constant 1 : i32
        %add3A_302 = arith.addi %add3A_300, %add3A_301 : i32
        %lt3A = arith.constant 40 : i32
        %lt3A_303 = arith.cmpi slt, %add3A_302, %lt3A : i32
        %convert_element_type3A_304 = arith.extui %lt3A_303 : i1 to i32
        %cond3A_305 = arith.constant 0 : i32
        %cond3A_306 = arith.cmpi ne, %convert_element_type3A_304, %cond3A_305 : i32
        scf.if %cond3A_306 {
          %add3A_330 = arith.constant 1 : i32
          %add3A_331 = arith.addi %add3A_300, %add3A_330 : i32
          %dma_start3A_332 = arith.constant 0 : i32
          %dma_start3A_333 = tpu.memref_slice %arg8[%add3A_331, %dma_start3A_332] : memref<40x125xi32, #tpu.memory_space<vmem>> -> memref<1x125xi32, #tpu.memory_space<vmem>>
          %dma_start3A_334 = tpu.memref_squeeze %dma_start3A_333 : memref<1x125xi32, #tpu.memory_space<vmem>> -> memref<125xi32, #tpu.memory_space<vmem>>
          %dma_start3A_335 = arith.constant 0 : i32
          %dma_start3A_336 = arith.constant 0 : i32
          %dma_start3A_337 = tpu.memref_slice %arg4[%dma_start3A_335, %dma_start3A_336] : memref<10000x128xf32, #tpu.memory_space<hbm>> -> memref<10000x128xf32, #tpu.memory_space<hbm>>
          tpu.enqueue_indirect_dma source(%dma_start3A_337 : memref<10000x128xf32, #tpu.memory_space<hbm>>) target(%arg11 : memref<125x128xf32, #tpu.memory_space<vmem>>) offsets(%dma_start3A_334 : memref<125xi32, #tpu.memory_space<vmem>>) semaphore(%arg14 : memref<!tpu.dma_semaphore, #tpu.memory_space<semaphore_mem>>)
        } else {
        }
        %dma_wait3A_307 = arith.constant 0 : i32
        %dma_wait3A_308 = tpu.memref_slice %arg8[%add3A_300, %dma_wait3A_307] : memref<40x125xi32, #tpu.memory_space<vmem>> -> memref<1x125xi32, #tpu.memory_space<vmem>>
        %dma_wait3A_309 = tpu.memref_squeeze %dma_wait3A_308 : memref<1x125xi32, #tpu.memory_space<vmem>> -> memref<125xi32, #tpu.memory_space<vmem>>
        %dma_wait3A_310 = arith.constant 0 : i32
        %dma_wait3A_311 = arith.constant 0 : i32
        %dma_wait3A_312 = tpu.memref_slice %arg4[%dma_wait3A_310, %dma_wait3A_311] : memref<10000x128xf32, #tpu.memory_space<hbm>> -> memref<10000x128xf32, #tpu.memory_space<hbm>>
        tpu.wait_indirect_dma semaphore(%arg13 : memref<!tpu.dma_semaphore, #tpu.memory_space<semaphore_mem>>) src(%dma_wait3A_312 : memref<10000x128xf32, #tpu.memory_space<hbm>>) dst(%arg10 : memref<125x128xf32, #tpu.memory_space<vmem>>)
        "tpu.region"() ({
          %run_scoped3A = tpu.sem_alloc : memref<!tpu.dma_semaphore, #tpu.memory_space<semaphore_mem>>
          %dma_start3A_330 = arith.constant 0 : i32
          %dma_start3A_331 = tpu.memref_slice %arg9[%add3A_300, %dma_start3A_330] : memref<40x125xi32, #tpu.memory_space<vmem>> -> memref<1x125xi32, #tpu.memory_space<vmem>>
          %dma_start3A_332 = tpu.memref_squeeze %dma_start3A_331 : memref<1x125xi32, #tpu.memory_space<vmem>> -> memref<125xi32, #tpu.memory_space<vmem>>
          %dma_start3A_333 = arith.constant 0 : i32
          %dma_start3A_334 = arith.constant 0 : i32
          %dma_start3A_335 = tpu.memref_slice %arg12[%dma_start3A_333, %dma_start3A_334] : memref<10240x128xf32, #tpu.memory_space<vmem_shared>> -> memref<10240x128xf32, #tpu.memory_space<vmem_shared>>
          tpu.enqueue_indirect_dma source(%arg10 : memref<125x128xf32, #tpu.memory_space<vmem>>) target(%dma_start3A_335 : memref<10240x128xf32, #tpu.memory_space<vmem_shared>>) offsets(%dma_start3A_332 : memref<125xi32, #tpu.memory_space<vmem>>) semaphore(%run_scoped3A : memref<!tpu.dma_semaphore, #tpu.memory_space<semaphore_mem>>) {add = true}
          %dma_wait3A_336 = arith.constant 0 : i32
          %dma_wait3A_337 = tpu.memref_slice %arg9[%add3A_300, %dma_wait3A_336] : memref<40x125xi32, #tpu.memory_space<vmem>> -> memref<1x125xi32, #tpu.memory_space<vmem>>
          %dma_wait3A_338 = tpu.memref_squeeze %dma_wait3A_337 : memref<1x125xi32, #tpu.memory_space<vmem>> -> memref<125xi32, #tpu.memory_space<vmem>>
          %dma_wait3A_339 = arith.constant 0 : i32
          %dma_wait3A_340 = arith.constant 0 : i32
          %dma_wait3A_341 = tpu.memref_slice %arg12[%dma_wait3A_339, %dma_wait3A_340] : memref<10240x128xf32, #tpu.memory_space<vmem_shared>> -> memref<10240x128xf32, #tpu.memory_space<vmem_shared>>
          tpu.wait_indirect_dma semaphore(%run_scoped3A : memref<!tpu.dma_semaphore, #tpu.memory_space<semaphore_mem>>) src(%arg10 : memref<125x128xf32, #tpu.memory_space<vmem>>) dst(%dma_wait3A_341 : memref<10240x128xf32, #tpu.memory_space<vmem_shared>>)
          tpu.yield
        }) : () -> ()
        %mul3A_313 = arith.constant 2 : i32
        %mul3A_314 = arith.muli %scan3A_296, %mul3A_313 : i32
        %add3A_315 = arith.constant 1 : i32
        %add3A_316 = arith.addi %mul3A_314, %add3A_315 : i32
        %add3A_317 = arith.constant 1 : i32
        %add3A_318 = arith.addi %add3A_316, %add3A_317 : i32
        %lt3A_319 = arith.constant 40 : i32
        %lt3A_320 = arith.cmpi slt, %add3A_318, %lt3A_319 : i32
        %convert_element_type3A_321 = arith.extui %lt3A_320 : i1 to i32
        %cond3A_322 = arith.constant 0 : i32
        %cond3A_323 = arith.cmpi ne, %convert_element_type3A_321, %cond3A_322 : i32
        scf.if %cond3A_323 {
          %add3A_330 = arith.constant 1 : i32
          %add3A_331 = arith.addi %add3A_316, %add3A_330 : i32
          %dma_start3A_332 = arith.constant 0 : i32
          %dma_start3A_333 = tpu.memref_slice %arg8[%add3A_331, %dma_start3A_332] : memref<40x125xi32, #tpu.memory_space<vmem>> -> memref<1x125xi32, #tpu.memory_space<vmem>>
          %dma_start3A_334 = tpu.memref_squeeze %dma_start3A_333 : memref<1x125xi32, #tpu.memory_space<vmem>> -> memref<125xi32, #tpu.memory_space<vmem>>
          %dma_start3A_335 = arith.constant 0 : i32
          %dma_start3A_336 = arith.constant 0 : i32
          %dma_start3A_337 = tpu.memref_slice %arg4[%dma_start3A_335, %dma_start3A_336] : memref<10000x128xf32, #tpu.memory_space<hbm>> -> memref<10000x128xf32, #tpu.memory_space<hbm>>
          tpu.enqueue_indirect_dma source(%dma_start3A_337 : memref<10000x128xf32, #tpu.memory_space<hbm>>) target(%arg10 : memref<125x128xf32, #tpu.memory_space<vmem>>) offsets(%dma_start3A_334 : memref<125xi32, #tpu.memory_space<vmem>>) semaphore(%arg13 : memref<!tpu.dma_semaphore, #tpu.memory_space<semaphore_mem>>)
        } else {
        }
        %dma_wait3A_324 = arith.constant 0 : i32
        %dma_wait3A_325 = tpu.memref_slice %arg8[%add3A_316, %dma_wait3A_324] : memref<40x125xi32, #tpu.memory_space<vmem>> -> memref<1x125xi32, #tpu.memory_space<vmem>>
        %dma_wait3A_326 = tpu.memref_squeeze %dma_wait3A_325 : memref<1x125xi32, #tpu.memory_space<vmem>> -> memref<125xi32, #tpu.memory_space<vmem>>
        %dma_wait3A_327 = arith.constant 0 : i32
        %dma_wait3A_328 = arith.constant 0 : i32
        %dma_wait3A_329 = tpu.memref_slice %arg4[%dma_wait3A_327, %dma_wait3A_328] : memref<10000x128xf32, #tpu.memory_space<hbm>> -> memref<10000x128xf32, #tpu.memory_space<hbm>>
        tpu.wait_indirect_dma semaphore(%arg14 : memref<!tpu.dma_semaphore, #tpu.memory_space<semaphore_mem>>) src(%dma_wait3A_329 : memref<10000x128xf32, #tpu.memory_space<hbm>>) dst(%arg11 : memref<125x128xf32, #tpu.memory_space<vmem>>)
        "tpu.region"() ({
          %run_scoped3A = tpu.sem_alloc : memref<!tpu.dma_semaphore, #tpu.memory_space<semaphore_mem>>
          %dma_start3A_330 = arith.constant 0 : i32
          %dma_start3A_331 = tpu.memref_slice %arg9[%add3A_316, %dma_start3A_330] : memref<40x125xi32, #tpu.memory_space<vmem>> -> memref<1x125xi32, #tpu.memory_space<vmem>>
          %dma_start3A_332 = tpu.memref_squeeze %dma_start3A_331 : memref<1x125xi32, #tpu.memory_space<vmem>> -> memref<125xi32, #tpu.memory_space<vmem>>
          %dma_start3A_333 = arith.constant 0 : i32
          %dma_start3A_334 = arith.constant 0 : i32
          %dma_start3A_335 = tpu.memref_slice %arg12[%dma_start3A_333, %dma_start3A_334] : memref<10240x128xf32, #tpu.memory_space<vmem_shared>> -> memref<10240x128xf32, #tpu.memory_space<vmem_shared>>
          tpu.enqueue_indirect_dma source(%arg11 : memref<125x128xf32, #tpu.memory_space<vmem>>) target(%dma_start3A_335 : memref<10240x128xf32, #tpu.memory_space<vmem_shared>>) offsets(%dma_start3A_332 : memref<125xi32, #tpu.memory_space<vmem>>) semaphore(%run_scoped3A : memref<!tpu.dma_semaphore, #tpu.memory_space<semaphore_mem>>) {add = true}
          %dma_wait3A_336 = arith.constant 0 : i32
          %dma_wait3A_337 = tpu.memref_slice %arg9[%add3A_316, %dma_wait3A_336] : memref<40x125xi32, #tpu.memory_space<vmem>> -> memref<1x125xi32, #tpu.memory_space<vmem>>
          %dma_wait3A_338 = tpu.memref_squeeze %dma_wait3A_337 : memref<1x125xi32, #tpu.memory_space<vmem>> -> memref<125xi32, #tpu.memory_space<vmem>>
          %dma_wait3A_339 = arith.constant 0 : i32
          %dma_wait3A_340 = arith.constant 0 : i32
          %dma_wait3A_341 = tpu.memref_slice %arg12[%dma_wait3A_339, %dma_wait3A_340] : memref<10240x128xf32, #tpu.memory_space<vmem_shared>> -> memref<10240x128xf32, #tpu.memory_space<vmem_shared>>
          tpu.wait_indirect_dma semaphore(%run_scoped3A : memref<!tpu.dma_semaphore, #tpu.memory_space<semaphore_mem>>) src(%arg11 : memref<125x128xf32, #tpu.memory_space<vmem>>) dst(%dma_wait3A_341 : memref<10240x128xf32, #tpu.memory_space<vmem_shared>>)
          tpu.yield
        }) : () -> ()
      }
      %scan3A_295 = arith.constant 20 : i32
    } else {
    }
    %eq3A_228 = arith.constant 1 : i32
    %eq3A_229 = arith.cmpi eq, %arg0, %eq3A_228 : i32
    %convert_element_type3A_230 = arith.extui %eq3A_229 : i1 to i32
    %cond3A_231 = arith.constant 0 : i32
    %cond3A_232 = arith.cmpi ne, %convert_element_type3A_230, %cond3A_231 : i32
    scf.if %cond3A_232 {
      "tpu.region"() ({
        %run_scoped3A = tpu.sem_alloc : memref<!tpu.dma_semaphore, #tpu.memory_space<semaphore_mem>>
        %dma_start3A_296 = arith.constant 0 : i32
        %dma_start3A_297 = arith.constant 0 : i32
        %dma_start3A_298 = tpu.memref_slice %arg2[%arg1, %dma_start3A_296, %dma_start3A_297] : memref<16x160x125xi32, #tpu.memory_space<hbm>> -> memref<1x40x125xi32, #tpu.memory_space<hbm>>
        %dma_start3A_299 = tpu.memref_squeeze %dma_start3A_298 : memref<1x40x125xi32, #tpu.memory_space<hbm>> -> memref<40x125xi32, #tpu.memory_space<hbm>>
        %dma_start3A_300 = arith.constant 0 : i32
        %dma_start3A_301 = arith.constant 0 : i32
        %dma_start3A_302 = tpu.memref_slice %arg2[%arg1, %dma_start3A_300, %dma_start3A_301] : memref<16x160x125xi32, #tpu.memory_space<hbm>> -> memref<1x40x125xi32, #tpu.memory_space<hbm>>
        %dma_start3A_303 = tpu.memref_squeeze %dma_start3A_302 : memref<1x40x125xi32, #tpu.memory_space<hbm>> -> memref<40x125xi32, #tpu.memory_space<hbm>>
        tpu.enqueue_dma source(%dma_start3A_303 : memref<40x125xi32, #tpu.memory_space<hbm>>) target(%arg8 : memref<40x125xi32, #tpu.memory_space<vmem>>) target_semaphore(%run_scoped3A : memref<!tpu.dma_semaphore, #tpu.memory_space<semaphore_mem>>)
        %dma_wait3A_304 = arith.constant 0 : i32
        %dma_wait3A_305 = arith.constant 0 : i32
        %dma_wait3A_306 = tpu.memref_slice %arg2[%arg1, %dma_wait3A_304, %dma_wait3A_305] : memref<16x160x125xi32, #tpu.memory_space<hbm>> -> memref<1x40x125xi32, #tpu.memory_space<hbm>>
        %dma_wait3A_307 = tpu.memref_squeeze %dma_wait3A_306 : memref<1x40x125xi32, #tpu.memory_space<hbm>> -> memref<40x125xi32, #tpu.memory_space<hbm>>
        %dma_wait3A_308 = arith.constant 0 : i32
        %dma_wait3A_309 = arith.constant 0 : i32
        %dma_wait3A_310 = tpu.memref_slice %arg2[%arg1, %dma_wait3A_308, %dma_wait3A_309] : memref<16x160x125xi32, #tpu.memory_space<hbm>> -> memref<1x40x125xi32, #tpu.memory_space<hbm>>
        %dma_wait3A_311 = tpu.memref_squeeze %dma_wait3A_310 : memref<1x40x125xi32, #tpu.memory_space<hbm>> -> memref<40x125xi32, #tpu.memory_space<hbm>>
        tpu.wait_dma2 semaphore(%run_scoped3A : memref<!tpu.dma_semaphore, #tpu.memory_space<semaphore_mem>>) src(%dma_wait3A_311 : memref<40x125xi32, #tpu.memory_space<hbm>>) dst(%arg8 : memref<40x125xi32, #tpu.memory_space<vmem>>)
        tpu.yield
      }) : () -> ()
      "tpu.region"() ({
        %run_scoped3A = tpu.sem_alloc : memref<!tpu.dma_semaphore, #tpu.memory_space<semaphore_mem>>
        %dma_start3A_296 = arith.constant 0 : i32
        %dma_start3A_297 = arith.constant 0 : i32
        %dma_start3A_298 = tpu.memref_slice %arg3[%arg1, %dma_start3A_296, %dma_start3A_297] : memref<16x160x125xi32, #tpu.memory_space<hbm>> -> memref<1x40x125xi32, #tpu.memory_space<hbm>>
        %dma_start3A_299 = tpu.memref_squeeze %dma_start3A_298 : memref<1x40x125xi32, #tpu.memory_space<hbm>> -> memref<40x125xi32, #tpu.memory_space<hbm>>
        %dma_start3A_300 = arith.constant 0 : i32
        %dma_start3A_301 = arith.constant 0 : i32
        %dma_start3A_302 = tpu.memref_slice %arg3[%arg1, %dma_start3A_300, %dma_start3A_301] : memref<16x160x125xi32, #tpu.memory_space<hbm>> -> memref<1x40x125xi32, #tpu.memory_space<hbm>>
        %dma_start3A_303 = tpu.memref_squeeze %dma_start3A_302 : memref<1x40x125xi32, #tpu.memory_space<hbm>> -> memref<40x125xi32, #tpu.memory_space<hbm>>
        tpu.enqueue_dma source(%dma_start3A_303 : memref<40x125xi32, #tpu.memory_space<hbm>>) target(%arg9 : memref<40x125xi32, #tpu.memory_space<vmem>>) target_semaphore(%run_scoped3A : memref<!tpu.dma_semaphore, #tpu.memory_space<semaphore_mem>>)
        %dma_wait3A_304 = arith.constant 0 : i32
        %dma_wait3A_305 = arith.constant 0 : i32
        %dma_wait3A_306 = tpu.memref_slice %arg3[%arg1, %dma_wait3A_304, %dma_wait3A_305] : memref<16x160x125xi32, #tpu.memory_space<hbm>> -> memref<1x40x125xi32, #tpu.memory_space<hbm>>
        %dma_wait3A_307 = tpu.memref_squeeze %dma_wait3A_306 : memref<1x40x125xi32, #tpu.memory_space<hbm>> -> memref<40x125xi32, #tpu.memory_space<hbm>>
        %dma_wait3A_308 = arith.constant 0 : i32
        %dma_wait3A_309 = arith.constant 0 : i32
        %dma_wait3A_310 = tpu.memref_slice %arg3[%arg1, %dma_wait3A_308, %dma_wait3A_309] : memref<16x160x125xi32, #tpu.memory_space<hbm>> -> memref<1x40x125xi32, #tpu.memory_space<hbm>>
        %dma_wait3A_311 = tpu.memref_squeeze %dma_wait3A_310 : memref<1x40x125xi32, #tpu.memory_space<hbm>> -> memref<40x125xi32, #tpu.memory_space<hbm>>
        tpu.wait_dma2 semaphore(%run_scoped3A : memref<!tpu.dma_semaphore, #tpu.memory_space<semaphore_mem>>) src(%dma_wait3A_311 : memref<40x125xi32, #tpu.memory_space<hbm>>) dst(%arg9 : memref<40x125xi32, #tpu.memory_space<vmem>>)
        tpu.yield
      }) : () -> ()
      %dma_start3A_244 = arith.constant 0 : i32
      %dma_start3A_245 = arith.constant 0 : i32
      %dma_start3A_246 = tpu.memref_slice %arg8[%dma_start3A_244, %dma_start3A_245] : memref<40x125xi32, #tpu.memory_space<vmem>> -> memref<1x125xi32, #tpu.memory_space<vmem>>
      %dma_start3A_247 = tpu.memref_squeeze %dma_start3A_246 : memref<1x125xi32, #tpu.memory_space<vmem>> -> memref<125xi32, #tpu.memory_space<vmem>>
      %dma_start3A_248 = arith.constant 0 : i32
      %dma_start3A_249 = arith.constant 0 : i32
      %dma_start3A_250 = tpu.memref_slice %arg5[%dma_start3A_248, %dma_start3A_249] : memref<10000x128xf32, #tpu.memory_space<hbm>> -> memref<10000x128xf32, #tpu.memory_space<hbm>>
      tpu.enqueue_indirect_dma source(%dma_start3A_250 : memref<10000x128xf32, #tpu.memory_space<hbm>>) target(%arg10 : memref<125x128xf32, #tpu.memory_space<vmem>>) offsets(%dma_start3A_247 : memref<125xi32, #tpu.memory_space<vmem>>) semaphore(%arg13 : memref<!tpu.dma_semaphore, #tpu.memory_space<semaphore_mem>>)
      %scan3A_251 = arith.constant 0 : i32
      %scan3A_252 = arith.constant 0 : i32
      %scan3A_253 = arith.constant 20 : i32
      %scan3A_254 = arith.addi %scan3A_252, %scan3A_253 : i32
      %scan3A_255 = arith.constant 1 : i32
      scf.for %scan3A_296 = %scan3A_252 to %scan3A_254 step %scan3A_255  : i32 {
        %mul3A_297 = arith.constant 2 : i32
        %mul3A_298 = arith.muli %scan3A_296, %mul3A_297 : i32
        %add3A_299 = arith.constant 0 : i32
        %add3A_300 = arith.addi %mul3A_298, %add3A_299 : i32
        %add3A_301 = arith.constant 1 : i32
        %add3A_302 = arith.addi %add3A_300, %add3A_301 : i32
        %lt3A = arith.constant 40 : i32
        %lt3A_303 = arith.cmpi slt, %add3A_302, %lt3A : i32
        %convert_element_type3A_304 = arith.extui %lt3A_303 : i1 to i32
        %cond3A_305 = arith.constant 0 : i32
        %cond3A_306 = arith.cmpi ne, %convert_element_type3A_304, %cond3A_305 : i32
        scf.if %cond3A_306 {
          %add3A_330 = arith.constant 1 : i32
          %add3A_331 = arith.addi %add3A_300, %add3A_330 : i32
          %dma_start3A_332 = arith.constant 0 : i32
          %dma_start3A_333 = tpu.memref_slice %arg8[%add3A_331, %dma_start3A_332] : memref<40x125xi32, #tpu.memory_space<vmem>> -> memref<1x125xi32, #tpu.memory_space<vmem>>
          %dma_start3A_334 = tpu.memref_squeeze %dma_start3A_333 : memref<1x125xi32, #tpu.memory_space<vmem>> -> memref<125xi32, #tpu.memory_space<vmem>>
          %dma_start3A_335 = arith.constant 0 : i32
          %dma_start3A_336 = arith.constant 0 : i32
          %dma_start3A_337 = tpu.memref_slice %arg5[%dma_start3A_335, %dma_start3A_336] : memref<10000x128xf32, #tpu.memory_space<hbm>> -> memref<10000x128xf32, #tpu.memory_space<hbm>>
          tpu.enqueue_indirect_dma source(%dma_start3A_337 : memref<10000x128xf32, #tpu.memory_space<hbm>>) target(%arg11 : memref<125x128xf32, #tpu.memory_space<vmem>>) offsets(%dma_start3A_334 : memref<125xi32, #tpu.memory_space<vmem>>) semaphore(%arg14 : memref<!tpu.dma_semaphore, #tpu.memory_space<semaphore_mem>>)
        } else {
        }
        %dma_wait3A_307 = arith.constant 0 : i32
        %dma_wait3A_308 = tpu.memref_slice %arg8[%add3A_300, %dma_wait3A_307] : memref<40x125xi32, #tpu.memory_space<vmem>> -> memref<1x125xi32, #tpu.memory_space<vmem>>
        %dma_wait3A_309 = tpu.memref_squeeze %dma_wait3A_308 : memref<1x125xi32, #tpu.memory_space<vmem>> -> memref<125xi32, #tpu.memory_space<vmem>>
        %dma_wait3A_310 = arith.constant 0 : i32
        %dma_wait3A_311 = arith.constant 0 : i32
        %dma_wait3A_312 = tpu.memref_slice %arg5[%dma_wait3A_310, %dma_wait3A_311] : memref<10000x128xf32, #tpu.memory_space<hbm>> -> memref<10000x128xf32, #tpu.memory_space<hbm>>
        tpu.wait_indirect_dma semaphore(%arg13 : memref<!tpu.dma_semaphore, #tpu.memory_space<semaphore_mem>>) src(%dma_wait3A_312 : memref<10000x128xf32, #tpu.memory_space<hbm>>) dst(%arg10 : memref<125x128xf32, #tpu.memory_space<vmem>>)
        "tpu.region"() ({
          %run_scoped3A = tpu.sem_alloc : memref<!tpu.dma_semaphore, #tpu.memory_space<semaphore_mem>>
          %dma_start3A_330 = arith.constant 0 : i32
          %dma_start3A_331 = tpu.memref_slice %arg9[%add3A_300, %dma_start3A_330] : memref<40x125xi32, #tpu.memory_space<vmem>> -> memref<1x125xi32, #tpu.memory_space<vmem>>
          %dma_start3A_332 = tpu.memref_squeeze %dma_start3A_331 : memref<1x125xi32, #tpu.memory_space<vmem>> -> memref<125xi32, #tpu.memory_space<vmem>>
          %dma_start3A_333 = arith.constant 0 : i32
          %dma_start3A_334 = arith.constant 0 : i32
          %dma_start3A_335 = tpu.memref_slice %arg12[%dma_start3A_333, %dma_start3A_334] : memref<10240x128xf32, #tpu.memory_space<vmem_shared>> -> memref<10240x128xf32, #tpu.memory_space<vmem_shared>>
          tpu.enqueue_indirect_dma source(%arg10 : memref<125x128xf32, #tpu.memory_space<vmem>>) target(%dma_start3A_335 : memref<10240x128xf32, #tpu.memory_space<vmem_shared>>) offsets(%dma_start3A_332 : memref<125xi32, #tpu.memory_space<vmem>>) semaphore(%run_scoped3A : memref<!tpu.dma_semaphore, #tpu.memory_space<semaphore_mem>>) {add = true}
          %dma_wait3A_336 = arith.constant 0 : i32
          %dma_wait3A_337 = tpu.memref_slice %arg9[%add3A_300, %dma_wait3A_336] : memref<40x125xi32, #tpu.memory_space<vmem>> -> memref<1x125xi32, #tpu.memory_space<vmem>>
          %dma_wait3A_338 = tpu.memref_squeeze %dma_wait3A_337 : memref<1x125xi32, #tpu.memory_space<vmem>> -> memref<125xi32, #tpu.memory_space<vmem>>
          %dma_wait3A_339 = arith.constant 0 : i32
          %dma_wait3A_340 = arith.constant 0 : i32
          %dma_wait3A_341 = tpu.memref_slice %arg12[%dma_wait3A_339, %dma_wait3A_340] : memref<10240x128xf32, #tpu.memory_space<vmem_shared>> -> memref<10240x128xf32, #tpu.memory_space<vmem_shared>>
          tpu.wait_indirect_dma semaphore(%run_scoped3A : memref<!tpu.dma_semaphore, #tpu.memory_space<semaphore_mem>>) src(%arg10 : memref<125x128xf32, #tpu.memory_space<vmem>>) dst(%dma_wait3A_341 : memref<10240x128xf32, #tpu.memory_space<vmem_shared>>)
          tpu.yield
        }) : () -> ()
        %mul3A_313 = arith.constant 2 : i32
        %mul3A_314 = arith.muli %scan3A_296, %mul3A_313 : i32
        %add3A_315 = arith.constant 1 : i32
        %add3A_316 = arith.addi %mul3A_314, %add3A_315 : i32
        %add3A_317 = arith.constant 1 : i32
        %add3A_318 = arith.addi %add3A_316, %add3A_317 : i32
        %lt3A_319 = arith.constant 40 : i32
        %lt3A_320 = arith.cmpi slt, %add3A_318, %lt3A_319 : i32
        %convert_element_type3A_321 = arith.extui %lt3A_320 : i1 to i32
        %cond3A_322 = arith.constant 0 : i32
        %cond3A_323 = arith.cmpi ne, %convert_element_type3A_321, %cond3A_322 : i32
        scf.if %cond3A_323 {
          %add3A_330 = arith.constant 1 : i32
          %add3A_331 = arith.addi %add3A_316, %add3A_330 : i32
          %dma_start3A_332 = arith.constant 0 : i32
          %dma_start3A_333 = tpu.memref_slice %arg8[%add3A_331, %dma_start3A_332] : memref<40x125xi32, #tpu.memory_space<vmem>> -> memref<1x125xi32, #tpu.memory_space<vmem>>
          %dma_start3A_334 = tpu.memref_squeeze %dma_start3A_333 : memref<1x125xi32, #tpu.memory_space<vmem>> -> memref<125xi32, #tpu.memory_space<vmem>>
          %dma_start3A_335 = arith.constant 0 : i32
          %dma_start3A_336 = arith.constant 0 : i32
          %dma_start3A_337 = tpu.memref_slice %arg5[%dma_start3A_335, %dma_start3A_336] : memref<10000x128xf32, #tpu.memory_space<hbm>> -> memref<10000x128xf32, #tpu.memory_space<hbm>>
          tpu.enqueue_indirect_dma source(%dma_start3A_337 : memref<10000x128xf32, #tpu.memory_space<hbm>>) target(%arg10 : memref<125x128xf32, #tpu.memory_space<vmem>>) offsets(%dma_start3A_334 : memref<125xi32, #tpu.memory_space<vmem>>) semaphore(%arg13 : memref<!tpu.dma_semaphore, #tpu.memory_space<semaphore_mem>>)
        } else {
        }
        %dma_wait3A_324 = arith.constant 0 : i32
        %dma_wait3A_325 = tpu.memref_slice %arg8[%add3A_316, %dma_wait3A_324] : memref<40x125xi32, #tpu.memory_space<vmem>> -> memref<1x125xi32, #tpu.memory_space<vmem>>
        %dma_wait3A_326 = tpu.memref_squeeze %dma_wait3A_325 : memref<1x125xi32, #tpu.memory_space<vmem>> -> memref<125xi32, #tpu.memory_space<vmem>>
        %dma_wait3A_327 = arith.constant 0 : i32
        %dma_wait3A_328 = arith.constant 0 : i32
        %dma_wait3A_329 = tpu.memref_slice %arg5[%dma_wait3A_327, %dma_wait3A_328] : memref<10000x128xf32, #tpu.memory_space<hbm>> -> memref<10000x128xf32, #tpu.memory_space<hbm>>
        tpu.wait_indirect_dma semaphore(%arg14 : memref<!tpu.dma_semaphore, #tpu.memory_space<semaphore_mem>>) src(%dma_wait3A_329 : memref<10000x128xf32, #tpu.memory_space<hbm>>) dst(%arg11 : memref<125x128xf32, #tpu.memory_space<vmem>>)
        "tpu.region"() ({
          %run_scoped3A = tpu.sem_alloc : memref<!tpu.dma_semaphore, #tpu.memory_space<semaphore_mem>>
          %dma_start3A_330 = arith.constant 0 : i32
          %dma_start3A_331 = tpu.memref_slice %arg9[%add3A_316, %dma_start3A_330] : memref<40x125xi32, #tpu.memory_space<vmem>> -> memref<1x125xi32, #tpu.memory_space<vmem>>
          %dma_start3A_332 = tpu.memref_squeeze %dma_start3A_331 : memref<1x125xi32, #tpu.memory_space<vmem>> -> memref<125xi32, #tpu.memory_space<vmem>>
          %dma_start3A_333 = arith.constant 0 : i32
          %dma_start3A_334 = arith.constant 0 : i32
          %dma_start3A_335 = tpu.memref_slice %arg12[%dma_start3A_333, %dma_start3A_334] : memref<10240x128xf32, #tpu.memory_space<vmem_shared>> -> memref<10240x128xf32, #tpu.memory_space<vmem_shared>>
          tpu.enqueue_indirect_dma source(%arg11 : memref<125x128xf32, #tpu.memory_space<vmem>>) target(%dma_start3A_335 : memref<10240x128xf32, #tpu.memory_space<vmem_shared>>) offsets(%dma_start3A_332 : memref<125xi32, #tpu.memory_space<vmem>>) semaphore(%run_scoped3A : memref<!tpu.dma_semaphore, #tpu.memory_space<semaphore_mem>>) {add = true}
          %dma_wait3A_336 = arith.constant 0 : i32
          %dma_wait3A_337 = tpu.memref_slice %arg9[%add3A_316, %dma_wait3A_336] : memref<40x125xi32, #tpu.memory_space<vmem>> -> memref<1x125xi32, #tpu.memory_space<vmem>>
          %dma_wait3A_338 = tpu.memref_squeeze %dma_wait3A_337 : memref<1x125xi32, #tpu.memory_space<vmem>> -> memref<125xi32, #tpu.memory_space<vmem>>
          %dma_wait3A_339 = arith.constant 0 : i32
          %dma_wait3A_340 = arith.constant 0 : i32
          %dma_wait3A_341 = tpu.memref_slice %arg12[%dma_wait3A_339, %dma_wait3A_340] : memref<10240x128xf32, #tpu.memory_space<vmem_shared>> -> memref<10240x128xf32, #tpu.memory_space<vmem_shared>>
          tpu.wait_indirect_dma semaphore(%run_scoped3A : memref<!tpu.dma_semaphore, #tpu.memory_space<semaphore_mem>>) src(%arg11 : memref<125x128xf32, #tpu.memory_space<vmem>>) dst(%dma_wait3A_341 : memref<10240x128xf32, #tpu.memory_space<vmem_shared>>)
          tpu.yield
        }) : () -> ()
      }
      %scan3A_256 = arith.constant 20 : i32
      "tpu.region"() ({
        %run_scoped3A = tpu.sem_alloc : memref<!tpu.dma_semaphore, #tpu.memory_space<semaphore_mem>>
        %dma_start3A_296 = arith.constant 40 : i32
        %dma_start3A_297 = arith.constant 0 : i32
        %dma_start3A_298 = tpu.memref_slice %arg2[%arg1, %dma_start3A_296, %dma_start3A_297] : memref<16x160x125xi32, #tpu.memory_space<hbm>> -> memref<1x40x125xi32, #tpu.memory_space<hbm>>
        %dma_start3A_299 = tpu.memref_squeeze %dma_start3A_298 : memref<1x40x125xi32, #tpu.memory_space<hbm>> -> memref<40x125xi32, #tpu.memory_space<hbm>>
        %dma_start3A_300 = arith.constant 40 : i32
        %dma_start3A_301 = arith.constant 0 : i32
        %dma_start3A_302 = tpu.memref_slice %arg2[%arg1, %dma_start3A_300, %dma_start3A_301] : memref<16x160x125xi32, #tpu.memory_space<hbm>> -> memref<1x40x125xi32, #tpu.memory_space<hbm>>
        %dma_start3A_303 = tpu.memref_squeeze %dma_start3A_302 : memref<1x40x125xi32, #tpu.memory_space<hbm>> -> memref<40x125xi32, #tpu.memory_space<hbm>>
        tpu.enqueue_dma source(%dma_start3A_303 : memref<40x125xi32, #tpu.memory_space<hbm>>) target(%arg8 : memref<40x125xi32, #tpu.memory_space<vmem>>) target_semaphore(%run_scoped3A : memref<!tpu.dma_semaphore, #tpu.memory_space<semaphore_mem>>)
        %dma_wait3A_304 = arith.constant 40 : i32
        %dma_wait3A_305 = arith.constant 0 : i32
        %dma_wait3A_306 = tpu.memref_slice %arg2[%arg1, %dma_wait3A_304, %dma_wait3A_305] : memref<16x160x125xi32, #tpu.memory_space<hbm>> -> memref<1x40x125xi32, #tpu.memory_space<hbm>>
        %dma_wait3A_307 = tpu.memref_squeeze %dma_wait3A_306 : memref<1x40x125xi32, #tpu.memory_space<hbm>> -> memref<40x125xi32, #tpu.memory_space<hbm>>
        %dma_wait3A_308 = arith.constant 40 : i32
        %dma_wait3A_309 = arith.constant 0 : i32
        %dma_wait3A_310 = tpu.memref_slice %arg2[%arg1, %dma_wait3A_308, %dma_wait3A_309] : memref<16x160x125xi32, #tpu.memory_space<hbm>> -> memref<1x40x125xi32, #tpu.memory_space<hbm>>
        %dma_wait3A_311 = tpu.memref_squeeze %dma_wait3A_310 : memref<1x40x125xi32, #tpu.memory_space<hbm>> -> memref<40x125xi32, #tpu.memory_space<hbm>>
        tpu.wait_dma2 semaphore(%run_scoped3A : memref<!tpu.dma_semaphore, #tpu.memory_space<semaphore_mem>>) src(%dma_wait3A_311 : memref<40x125xi32, #tpu.memory_space<hbm>>) dst(%arg8 : memref<40x125xi32, #tpu.memory_space<vmem>>)
        tpu.yield
      }) : () -> ()
      "tpu.region"() ({
        %run_scoped3A = tpu.sem_alloc : memref<!tpu.dma_semaphore, #tpu.memory_space<semaphore_mem>>
        %dma_start3A_296 = arith.constant 40 : i32
        %dma_start3A_297 = arith.constant 0 : i32
        %dma_start3A_298 = tpu.memref_slice %arg3[%arg1, %dma_start3A_296, %dma_start3A_297] : memref<16x160x125xi32, #tpu.memory_space<hbm>> -> memref<1x40x125xi32, #tpu.memory_space<hbm>>
        %dma_start3A_299 = tpu.memref_squeeze %dma_start3A_298 : memref<1x40x125xi32, #tpu.memory_space<hbm>> -> memref<40x125xi32, #tpu.memory_space<hbm>>
        %dma_start3A_300 = arith.constant 40 : i32
        %dma_start3A_301 = arith.constant 0 : i32
        %dma_start3A_302 = tpu.memref_slice %arg3[%arg1, %dma_start3A_300, %dma_start3A_301] : memref<16x160x125xi32, #tpu.memory_space<hbm>> -> memref<1x40x125xi32, #tpu.memory_space<hbm>>
        %dma_start3A_303 = tpu.memref_squeeze %dma_start3A_302 : memref<1x40x125xi32, #tpu.memory_space<hbm>> -> memref<40x125xi32, #tpu.memory_space<hbm>>
        tpu.enqueue_dma source(%dma_start3A_303 : memref<40x125xi32, #tpu.memory_space<hbm>>) target(%arg9 : memref<40x125xi32, #tpu.memory_space<vmem>>) target_semaphore(%run_scoped3A : memref<!tpu.dma_semaphore, #tpu.memory_space<semaphore_mem>>)
        %dma_wait3A_304 = arith.constant 40 : i32
        %dma_wait3A_305 = arith.constant 0 : i32
        %dma_wait3A_306 = tpu.memref_slice %arg3[%arg1, %dma_wait3A_304, %dma_wait3A_305] : memref<16x160x125xi32, #tpu.memory_space<hbm>> -> memref<1x40x125xi32, #tpu.memory_space<hbm>>
        %dma_wait3A_307 = tpu.memref_squeeze %dma_wait3A_306 : memref<1x40x125xi32, #tpu.memory_space<hbm>> -> memref<40x125xi32, #tpu.memory_space<hbm>>
        %dma_wait3A_308 = arith.constant 40 : i32
        %dma_wait3A_309 = arith.constant 0 : i32
        %dma_wait3A_310 = tpu.memref_slice %arg3[%arg1, %dma_wait3A_308, %dma_wait3A_309] : memref<16x160x125xi32, #tpu.memory_space<hbm>> -> memref<1x40x125xi32, #tpu.memory_space<hbm>>
        %dma_wait3A_311 = tpu.memref_squeeze %dma_wait3A_310 : memref<1x40x125xi32, #tpu.memory_space<hbm>> -> memref<40x125xi32, #tpu.memory_space<hbm>>
        tpu.wait_dma2 semaphore(%run_scoped3A : memref<!tpu.dma_semaphore, #tpu.memory_space<semaphore_mem>>) src(%dma_wait3A_311 : memref<40x125xi32, #tpu.memory_space<hbm>>) dst(%arg9 : memref<40x125xi32, #tpu.memory_space<vmem>>)
        tpu.yield
      }) : () -> ()
      %dma_start3A_257 = arith.constant 0 : i32
      %dma_start3A_258 = arith.constant 0 : i32
      %dma_start3A_259 = tpu.memref_slice %arg8[%dma_start3A_257, %dma_start3A_258] : memref<40x125xi32, #tpu.memory_space<vmem>> -> memref<1x125xi32, #tpu.memory_space<vmem>>
      %dma_start3A_260 = tpu.memref_squeeze %dma_start3A_259 : memref<1x125xi32, #tpu.memory_space<vmem>> -> memref<125xi32, #tpu.memory_space<vmem>>
      %dma_start3A_261 = arith.constant 0 : i32
      %dma_start3A_262 = arith.constant 0 : i32
      %dma_start3A_263 = tpu.memref_slice %arg5[%dma_start3A_261, %dma_start3A_262] : memref<10000x128xf32, #tpu.memory_space<hbm>> -> memref<10000x128xf32, #tpu.memory_space<hbm>>
      tpu.enqueue_indirect_dma source(%dma_start3A_263 : memref<10000x128xf32, #tpu.memory_space<hbm>>) target(%arg10 : memref<125x128xf32, #tpu.memory_space<vmem>>) offsets(%dma_start3A_260 : memref<125xi32, #tpu.memory_space<vmem>>) semaphore(%arg13 : memref<!tpu.dma_semaphore, #tpu.memory_space<semaphore_mem>>)
      %scan3A_264 = arith.constant 0 : i32
      %scan3A_265 = arith.constant 0 : i32
      %scan3A_266 = arith.constant 20 : i32
      %scan3A_267 = arith.addi %scan3A_265, %scan3A_266 : i32
      %scan3A_268 = arith.constant 1 : i32
      scf.for %scan3A_296 = %scan3A_265 to %scan3A_267 step %scan3A_268  : i32 {
        %mul3A_297 = arith.constant 2 : i32
        %mul3A_298 = arith.muli %scan3A_296, %mul3A_297 : i32
        %add3A_299 = arith.constant 0 : i32
        %add3A_300 = arith.addi %mul3A_298, %add3A_299 : i32
        %add3A_301 = arith.constant 1 : i32
        %add3A_302 = arith.addi %add3A_300, %add3A_301 : i32
        %lt3A = arith.constant 40 : i32
        %lt3A_303 = arith.cmpi slt, %add3A_302, %lt3A : i32
        %convert_element_type3A_304 = arith.extui %lt3A_303 : i1 to i32
        %cond3A_305 = arith.constant 0 : i32
        %cond3A_306 = arith.cmpi ne, %convert_element_type3A_304, %cond3A_305 : i32
        scf.if %cond3A_306 {
          %add3A_330 = arith.constant 1 : i32
          %add3A_331 = arith.addi %add3A_300, %add3A_330 : i32
          %dma_start3A_332 = arith.constant 0 : i32
          %dma_start3A_333 = tpu.memref_slice %arg8[%add3A_331, %dma_start3A_332] : memref<40x125xi32, #tpu.memory_space<vmem>> -> memref<1x125xi32, #tpu.memory_space<vmem>>
          %dma_start3A_334 = tpu.memref_squeeze %dma_start3A_333 : memref<1x125xi32, #tpu.memory_space<vmem>> -> memref<125xi32, #tpu.memory_space<vmem>>
          %dma_start3A_335 = arith.constant 0 : i32
          %dma_start3A_336 = arith.constant 0 : i32
          %dma_start3A_337 = tpu.memref_slice %arg5[%dma_start3A_335, %dma_start3A_336] : memref<10000x128xf32, #tpu.memory_space<hbm>> -> memref<10000x128xf32, #tpu.memory_space<hbm>>
          tpu.enqueue_indirect_dma source(%dma_start3A_337 : memref<10000x128xf32, #tpu.memory_space<hbm>>) target(%arg11 : memref<125x128xf32, #tpu.memory_space<vmem>>) offsets(%dma_start3A_334 : memref<125xi32, #tpu.memory_space<vmem>>) semaphore(%arg14 : memref<!tpu.dma_semaphore, #tpu.memory_space<semaphore_mem>>)
        } else {
        }
        %dma_wait3A_307 = arith.constant 0 : i32
        %dma_wait3A_308 = tpu.memref_slice %arg8[%add3A_300, %dma_wait3A_307] : memref<40x125xi32, #tpu.memory_space<vmem>> -> memref<1x125xi32, #tpu.memory_space<vmem>>
        %dma_wait3A_309 = tpu.memref_squeeze %dma_wait3A_308 : memref<1x125xi32, #tpu.memory_space<vmem>> -> memref<125xi32, #tpu.memory_space<vmem>>
        %dma_wait3A_310 = arith.constant 0 : i32
        %dma_wait3A_311 = arith.constant 0 : i32
        %dma_wait3A_312 = tpu.memref_slice %arg5[%dma_wait3A_310, %dma_wait3A_311] : memref<10000x128xf32, #tpu.memory_space<hbm>> -> memref<10000x128xf32, #tpu.memory_space<hbm>>
        tpu.wait_indirect_dma semaphore(%arg13 : memref<!tpu.dma_semaphore, #tpu.memory_space<semaphore_mem>>) src(%dma_wait3A_312 : memref<10000x128xf32, #tpu.memory_space<hbm>>) dst(%arg10 : memref<125x128xf32, #tpu.memory_space<vmem>>)
        "tpu.region"() ({
          %run_scoped3A = tpu.sem_alloc : memref<!tpu.dma_semaphore, #tpu.memory_space<semaphore_mem>>
          %dma_start3A_330 = arith.constant 0 : i32
          %dma_start3A_331 = tpu.memref_slice %arg9[%add3A_300, %dma_start3A_330] : memref<40x125xi32, #tpu.memory_space<vmem>> -> memref<1x125xi32, #tpu.memory_space<vmem>>
          %dma_start3A_332 = tpu.memref_squeeze %dma_start3A_331 : memref<1x125xi32, #tpu.memory_space<vmem>> -> memref<125xi32, #tpu.memory_space<vmem>>
          %dma_start3A_333 = arith.constant 0 : i32
          %dma_start3A_334 = arith.constant 0 : i32
          %dma_start3A_335 = tpu.memref_slice %arg12[%dma_start3A_333, %dma_start3A_334] : memref<10240x128xf32, #tpu.memory_space<vmem_shared>> -> memref<10240x128xf32, #tpu.memory_space<vmem_shared>>
          tpu.enqueue_indirect_dma source(%arg10 : memref<125x128xf32, #tpu.memory_space<vmem>>) target(%dma_start3A_335 : memref<10240x128xf32, #tpu.memory_space<vmem_shared>>) offsets(%dma_start3A_332 : memref<125xi32, #tpu.memory_space<vmem>>) semaphore(%run_scoped3A : memref<!tpu.dma_semaphore, #tpu.memory_space<semaphore_mem>>) {add = true}
          %dma_wait3A_336 = arith.constant 0 : i32
          %dma_wait3A_337 = tpu.memref_slice %arg9[%add3A_300, %dma_wait3A_336] : memref<40x125xi32, #tpu.memory_space<vmem>> -> memref<1x125xi32, #tpu.memory_space<vmem>>
          %dma_wait3A_338 = tpu.memref_squeeze %dma_wait3A_337 : memref<1x125xi32, #tpu.memory_space<vmem>> -> memref<125xi32, #tpu.memory_space<vmem>>
          %dma_wait3A_339 = arith.constant 0 : i32
          %dma_wait3A_340 = arith.constant 0 : i32
          %dma_wait3A_341 = tpu.memref_slice %arg12[%dma_wait3A_339, %dma_wait3A_340] : memref<10240x128xf32, #tpu.memory_space<vmem_shared>> -> memref<10240x128xf32, #tpu.memory_space<vmem_shared>>
          tpu.wait_indirect_dma semaphore(%run_scoped3A : memref<!tpu.dma_semaphore, #tpu.memory_space<semaphore_mem>>) src(%arg10 : memref<125x128xf32, #tpu.memory_space<vmem>>) dst(%dma_wait3A_341 : memref<10240x128xf32, #tpu.memory_space<vmem_shared>>)
          tpu.yield
        }) : () -> ()
        %mul3A_313 = arith.constant 2 : i32
        %mul3A_314 = arith.muli %scan3A_296, %mul3A_313 : i32
        %add3A_315 = arith.constant 1 : i32
        %add3A_316 = arith.addi %mul3A_314, %add3A_315 : i32
        %add3A_317 = arith.constant 1 : i32
        %add3A_318 = arith.addi %add3A_316, %add3A_317 : i32
        %lt3A_319 = arith.constant 40 : i32
        %lt3A_320 = arith.cmpi slt, %add3A_318, %lt3A_319 : i32
        %convert_element_type3A_321 = arith.extui %lt3A_320 : i1 to i32
        %cond3A_322 = arith.constant 0 : i32
        %cond3A_323 = arith.cmpi ne, %convert_element_type3A_321, %cond3A_322 : i32
        scf.if %cond3A_323 {
          %add3A_330 = arith.constant 1 : i32
          %add3A_331 = arith.addi %add3A_316, %add3A_330 : i32
          %dma_start3A_332 = arith.constant 0 : i32
          %dma_start3A_333 = tpu.memref_slice %arg8[%add3A_331, %dma_start3A_332] : memref<40x125xi32, #tpu.memory_space<vmem>> -> memref<1x125xi32, #tpu.memory_space<vmem>>
          %dma_start3A_334 = tpu.memref_squeeze %dma_start3A_333 : memref<1x125xi32, #tpu.memory_space<vmem>> -> memref<125xi32, #tpu.memory_space<vmem>>
          %dma_start3A_335 = arith.constant 0 : i32
          %dma_start3A_336 = arith.constant 0 : i32
          %dma_start3A_337 = tpu.memref_slice %arg5[%dma_start3A_335, %dma_start3A_336] : memref<10000x128xf32, #tpu.memory_space<hbm>> -> memref<10000x128xf32, #tpu.memory_space<hbm>>
          tpu.enqueue_indirect_dma source(%dma_start3A_337 : memref<10000x128xf32, #tpu.memory_space<hbm>>) target(%arg10 : memref<125x128xf32, #tpu.memory_space<vmem>>) offsets(%dma_start3A_334 : memref<125xi32, #tpu.memory_space<vmem>>) semaphore(%arg13 : memref<!tpu.dma_semaphore, #tpu.memory_space<semaphore_mem>>)
        } else {
        }
        %dma_wait3A_324 = arith.constant 0 : i32
        %dma_wait3A_325 = tpu.memref_slice %arg8[%add3A_316, %dma_wait3A_324] : memref<40x125xi32, #tpu.memory_space<vmem>> -> memref<1x125xi32, #tpu.memory_space<vmem>>
        %dma_wait3A_326 = tpu.memref_squeeze %dma_wait3A_325 : memref<1x125xi32, #tpu.memory_space<vmem>> -> memref<125xi32, #tpu.memory_space<vmem>>
        %dma_wait3A_327 = arith.constant 0 : i32
        %dma_wait3A_328 = arith.constant 0 : i32
        %dma_wait3A_329 = tpu.memref_slice %arg5[%dma_wait3A_327, %dma_wait3A_328] : memref<10000x128xf32, #tpu.memory_space<hbm>> -> memref<10000x128xf32, #tpu.memory_space<hbm>>
        tpu.wait_indirect_dma semaphore(%arg14 : memref<!tpu.dma_semaphore, #tpu.memory_space<semaphore_mem>>) src(%dma_wait3A_329 : memref<10000x128xf32, #tpu.memory_space<hbm>>) dst(%arg11 : memref<125x128xf32, #tpu.memory_space<vmem>>)
        "tpu.region"() ({
          %run_scoped3A = tpu.sem_alloc : memref<!tpu.dma_semaphore, #tpu.memory_space<semaphore_mem>>
          %dma_start3A_330 = arith.constant 0 : i32
          %dma_start3A_331 = tpu.memref_slice %arg9[%add3A_316, %dma_start3A_330] : memref<40x125xi32, #tpu.memory_space<vmem>> -> memref<1x125xi32, #tpu.memory_space<vmem>>
          %dma_start3A_332 = tpu.memref_squeeze %dma_start3A_331 : memref<1x125xi32, #tpu.memory_space<vmem>> -> memref<125xi32, #tpu.memory_space<vmem>>
          %dma_start3A_333 = arith.constant 0 : i32
          %dma_start3A_334 = arith.constant 0 : i32
          %dma_start3A_335 = tpu.memref_slice %arg12[%dma_start3A_333, %dma_start3A_334] : memref<10240x128xf32, #tpu.memory_space<vmem_shared>> -> memref<10240x128xf32, #tpu.memory_space<vmem_shared>>
          tpu.enqueue_indirect_dma source(%arg11 : memref<125x128xf32, #tpu.memory_space<vmem>>) target(%dma_start3A_335 : memref<10240x128xf32, #tpu.memory_space<vmem_shared>>) offsets(%dma_start3A_332 : memref<125xi32, #tpu.memory_space<vmem>>) semaphore(%run_scoped3A : memref<!tpu.dma_semaphore, #tpu.memory_space<semaphore_mem>>) {add = true}
          %dma_wait3A_336 = arith.constant 0 : i32
          %dma_wait3A_337 = tpu.memref_slice %arg9[%add3A_316, %dma_wait3A_336] : memref<40x125xi32, #tpu.memory_space<vmem>> -> memref<1x125xi32, #tpu.memory_space<vmem>>
          %dma_wait3A_338 = tpu.memref_squeeze %dma_wait3A_337 : memref<1x125xi32, #tpu.memory_space<vmem>> -> memref<125xi32, #tpu.memory_space<vmem>>
          %dma_wait3A_339 = arith.constant 0 : i32
          %dma_wait3A_340 = arith.constant 0 : i32
          %dma_wait3A_341 = tpu.memref_slice %arg12[%dma_wait3A_339, %dma_wait3A_340] : memref<10240x128xf32, #tpu.memory_space<vmem_shared>> -> memref<10240x128xf32, #tpu.memory_space<vmem_shared>>
          tpu.wait_indirect_dma semaphore(%run_scoped3A : memref<!tpu.dma_semaphore, #tpu.memory_space<semaphore_mem>>) src(%arg11 : memref<125x128xf32, #tpu.memory_space<vmem>>) dst(%dma_wait3A_341 : memref<10240x128xf32, #tpu.memory_space<vmem_shared>>)
          tpu.yield
        }) : () -> ()
      }
      %scan3A_269 = arith.constant 20 : i32
      "tpu.region"() ({
        %run_scoped3A = tpu.sem_alloc : memref<!tpu.dma_semaphore, #tpu.memory_space<semaphore_mem>>
        %dma_start3A_296 = arith.constant 80 : i32
        %dma_start3A_297 = arith.constant 0 : i32
        %dma_start3A_298 = tpu.memref_slice %arg2[%arg1, %dma_start3A_296, %dma_start3A_297] : memref<16x160x125xi32, #tpu.memory_space<hbm>> -> memref<1x40x125xi32, #tpu.memory_space<hbm>>
        %dma_start3A_299 = tpu.memref_squeeze %dma_start3A_298 : memref<1x40x125xi32, #tpu.memory_space<hbm>> -> memref<40x125xi32, #tpu.memory_space<hbm>>
        %dma_start3A_300 = arith.constant 80 : i32
        %dma_start3A_301 = arith.constant 0 : i32
        %dma_start3A_302 = tpu.memref_slice %arg2[%arg1, %dma_start3A_300, %dma_start3A_301] : memref<16x160x125xi32, #tpu.memory_space<hbm>> -> memref<1x40x125xi32, #tpu.memory_space<hbm>>
        %dma_start3A_303 = tpu.memref_squeeze %dma_start3A_302 : memref<1x40x125xi32, #tpu.memory_space<hbm>> -> memref<40x125xi32, #tpu.memory_space<hbm>>
        tpu.enqueue_dma source(%dma_start3A_303 : memref<40x125xi32, #tpu.memory_space<hbm>>) target(%arg8 : memref<40x125xi32, #tpu.memory_space<vmem>>) target_semaphore(%run_scoped3A : memref<!tpu.dma_semaphore, #tpu.memory_space<semaphore_mem>>)
        %dma_wait3A_304 = arith.constant 80 : i32
        %dma_wait3A_305 = arith.constant 0 : i32
        %dma_wait3A_306 = tpu.memref_slice %arg2[%arg1, %dma_wait3A_304, %dma_wait3A_305] : memref<16x160x125xi32, #tpu.memory_space<hbm>> -> memref<1x40x125xi32, #tpu.memory_space<hbm>>
        %dma_wait3A_307 = tpu.memref_squeeze %dma_wait3A_306 : memref<1x40x125xi32, #tpu.memory_space<hbm>> -> memref<40x125xi32, #tpu.memory_space<hbm>>
        %dma_wait3A_308 = arith.constant 80 : i32
        %dma_wait3A_309 = arith.constant 0 : i32
        %dma_wait3A_310 = tpu.memref_slice %arg2[%arg1, %dma_wait3A_308, %dma_wait3A_309] : memref<16x160x125xi32, #tpu.memory_space<hbm>> -> memref<1x40x125xi32, #tpu.memory_space<hbm>>
        %dma_wait3A_311 = tpu.memref_squeeze %dma_wait3A_310 : memref<1x40x125xi32, #tpu.memory_space<hbm>> -> memref<40x125xi32, #tpu.memory_space<hbm>>
        tpu.wait_dma2 semaphore(%run_scoped3A : memref<!tpu.dma_semaphore, #tpu.memory_space<semaphore_mem>>) src(%dma_wait3A_311 : memref<40x125xi32, #tpu.memory_space<hbm>>) dst(%arg8 : memref<40x125xi32, #tpu.memory_space<vmem>>)
        tpu.yield
      }) : () -> ()
      "tpu.region"() ({
        %run_scoped3A = tpu.sem_alloc : memref<!tpu.dma_semaphore, #tpu.memory_space<semaphore_mem>>
        %dma_start3A_296 = arith.constant 80 : i32
        %dma_start3A_297 = arith.constant 0 : i32
        %dma_start3A_298 = tpu.memref_slice %arg3[%arg1, %dma_start3A_296, %dma_start3A_297] : memref<16x160x125xi32, #tpu.memory_space<hbm>> -> memref<1x40x125xi32, #tpu.memory_space<hbm>>
        %dma_start3A_299 = tpu.memref_squeeze %dma_start3A_298 : memref<1x40x125xi32, #tpu.memory_space<hbm>> -> memref<40x125xi32, #tpu.memory_space<hbm>>
        %dma_start3A_300 = arith.constant 80 : i32
        %dma_start3A_301 = arith.constant 0 : i32
        %dma_start3A_302 = tpu.memref_slice %arg3[%arg1, %dma_start3A_300, %dma_start3A_301] : memref<16x160x125xi32, #tpu.memory_space<hbm>> -> memref<1x40x125xi32, #tpu.memory_space<hbm>>
        %dma_start3A_303 = tpu.memref_squeeze %dma_start3A_302 : memref<1x40x125xi32, #tpu.memory_space<hbm>> -> memref<40x125xi32, #tpu.memory_space<hbm>>
        tpu.enqueue_dma source(%dma_start3A_303 : memref<40x125xi32, #tpu.memory_space<hbm>>) target(%arg9 : memref<40x125xi32, #tpu.memory_space<vmem>>) target_semaphore(%run_scoped3A : memref<!tpu.dma_semaphore, #tpu.memory_space<semaphore_mem>>)
        %dma_wait3A_304 = arith.constant 80 : i32
        %dma_wait3A_305 = arith.constant 0 : i32
        %dma_wait3A_306 = tpu.memref_slice %arg3[%arg1, %dma_wait3A_304, %dma_wait3A_305] : memref<16x160x125xi32, #tpu.memory_space<hbm>> -> memref<1x40x125xi32, #tpu.memory_space<hbm>>
        %dma_wait3A_307 = tpu.memref_squeeze %dma_wait3A_306 : memref<1x40x125xi32, #tpu.memory_space<hbm>> -> memref<40x125xi32, #tpu.memory_space<hbm>>
        %dma_wait3A_308 = arith.constant 80 : i32
        %dma_wait3A_309 = arith.constant 0 : i32
        %dma_wait3A_310 = tpu.memref_slice %arg3[%arg1, %dma_wait3A_308, %dma_wait3A_309] : memref<16x160x125xi32, #tpu.memory_space<hbm>> -> memref<1x40x125xi32, #tpu.memory_space<hbm>>
        %dma_wait3A_311 = tpu.memref_squeeze %dma_wait3A_310 : memref<1x40x125xi32, #tpu.memory_space<hbm>> -> memref<40x125xi32, #tpu.memory_space<hbm>>
        tpu.wait_dma2 semaphore(%run_scoped3A : memref<!tpu.dma_semaphore, #tpu.memory_space<semaphore_mem>>) src(%dma_wait3A_311 : memref<40x125xi32, #tpu.memory_space<hbm>>) dst(%arg9 : memref<40x125xi32, #tpu.memory_space<vmem>>)
        tpu.yield
      }) : () -> ()
      %dma_start3A_270 = arith.constant 0 : i32
      %dma_start3A_271 = arith.constant 0 : i32
      %dma_start3A_272 = tpu.memref_slice %arg8[%dma_start3A_270, %dma_start3A_271] : memref<40x125xi32, #tpu.memory_space<vmem>> -> memref<1x125xi32, #tpu.memory_space<vmem>>
      %dma_start3A_273 = tpu.memref_squeeze %dma_start3A_272 : memref<1x125xi32, #tpu.memory_space<vmem>> -> memref<125xi32, #tpu.memory_space<vmem>>
      %dma_start3A_274 = arith.constant 0 : i32
      %dma_start3A_275 = arith.constant 0 : i32
      %dma_start3A_276 = tpu.memref_slice %arg5[%dma_start3A_274, %dma_start3A_275] : memref<10000x128xf32, #tpu.memory_space<hbm>> -> memref<10000x128xf32, #tpu.memory_space<hbm>>
      tpu.enqueue_indirect_dma source(%dma_start3A_276 : memref<10000x128xf32, #tpu.memory_space<hbm>>) target(%arg10 : memref<125x128xf32, #tpu.memory_space<vmem>>) offsets(%dma_start3A_273 : memref<125xi32, #tpu.memory_space<vmem>>) semaphore(%arg13 : memref<!tpu.dma_semaphore, #tpu.memory_space<semaphore_mem>>)
      %scan3A_277 = arith.constant 0 : i32
      %scan3A_278 = arith.constant 0 : i32
      %scan3A_279 = arith.constant 20 : i32
      %scan3A_280 = arith.addi %scan3A_278, %scan3A_279 : i32
      %scan3A_281 = arith.constant 1 : i32
      scf.for %scan3A_296 = %scan3A_278 to %scan3A_280 step %scan3A_281  : i32 {
        %mul3A_297 = arith.constant 2 : i32
        %mul3A_298 = arith.muli %scan3A_296, %mul3A_297 : i32
        %add3A_299 = arith.constant 0 : i32
        %add3A_300 = arith.addi %mul3A_298, %add3A_299 : i32
        %add3A_301 = arith.constant 1 : i32
        %add3A_302 = arith.addi %add3A_300, %add3A_301 : i32
        %lt3A = arith.constant 40 : i32
        %lt3A_303 = arith.cmpi slt, %add3A_302, %lt3A : i32
        %convert_element_type3A_304 = arith.extui %lt3A_303 : i1 to i32
        %cond3A_305 = arith.constant 0 : i32
        %cond3A_306 = arith.cmpi ne, %convert_element_type3A_304, %cond3A_305 : i32
        scf.if %cond3A_306 {
          %add3A_330 = arith.constant 1 : i32
          %add3A_331 = arith.addi %add3A_300, %add3A_330 : i32
          %dma_start3A_332 = arith.constant 0 : i32
          %dma_start3A_333 = tpu.memref_slice %arg8[%add3A_331, %dma_start3A_332] : memref<40x125xi32, #tpu.memory_space<vmem>> -> memref<1x125xi32, #tpu.memory_space<vmem>>
          %dma_start3A_334 = tpu.memref_squeeze %dma_start3A_333 : memref<1x125xi32, #tpu.memory_space<vmem>> -> memref<125xi32, #tpu.memory_space<vmem>>
          %dma_start3A_335 = arith.constant 0 : i32
          %dma_start3A_336 = arith.constant 0 : i32
          %dma_start3A_337 = tpu.memref_slice %arg5[%dma_start3A_335, %dma_start3A_336] : memref<10000x128xf32, #tpu.memory_space<hbm>> -> memref<10000x128xf32, #tpu.memory_space<hbm>>
          tpu.enqueue_indirect_dma source(%dma_start3A_337 : memref<10000x128xf32, #tpu.memory_space<hbm>>) target(%arg11 : memref<125x128xf32, #tpu.memory_space<vmem>>) offsets(%dma_start3A_334 : memref<125xi32, #tpu.memory_space<vmem>>) semaphore(%arg14 : memref<!tpu.dma_semaphore, #tpu.memory_space<semaphore_mem>>)
        } else {
        }
        %dma_wait3A_307 = arith.constant 0 : i32
        %dma_wait3A_308 = tpu.memref_slice %arg8[%add3A_300, %dma_wait3A_307] : memref<40x125xi32, #tpu.memory_space<vmem>> -> memref<1x125xi32, #tpu.memory_space<vmem>>
        %dma_wait3A_309 = tpu.memref_squeeze %dma_wait3A_308 : memref<1x125xi32, #tpu.memory_space<vmem>> -> memref<125xi32, #tpu.memory_space<vmem>>
        %dma_wait3A_310 = arith.constant 0 : i32
        %dma_wait3A_311 = arith.constant 0 : i32
        %dma_wait3A_312 = tpu.memref_slice %arg5[%dma_wait3A_310, %dma_wait3A_311] : memref<10000x128xf32, #tpu.memory_space<hbm>> -> memref<10000x128xf32, #tpu.memory_space<hbm>>
        tpu.wait_indirect_dma semaphore(%arg13 : memref<!tpu.dma_semaphore, #tpu.memory_space<semaphore_mem>>) src(%dma_wait3A_312 : memref<10000x128xf32, #tpu.memory_space<hbm>>) dst(%arg10 : memref<125x128xf32, #tpu.memory_space<vmem>>)
        "tpu.region"() ({
          %run_scoped3A = tpu.sem_alloc : memref<!tpu.dma_semaphore, #tpu.memory_space<semaphore_mem>>
          %dma_start3A_330 = arith.constant 0 : i32
          %dma_start3A_331 = tpu.memref_slice %arg9[%add3A_300, %dma_start3A_330] : memref<40x125xi32, #tpu.memory_space<vmem>> -> memref<1x125xi32, #tpu.memory_space<vmem>>
          %dma_start3A_332 = tpu.memref_squeeze %dma_start3A_331 : memref<1x125xi32, #tpu.memory_space<vmem>> -> memref<125xi32, #tpu.memory_space<vmem>>
          %dma_start3A_333 = arith.constant 0 : i32
          %dma_start3A_334 = arith.constant 0 : i32
          %dma_start3A_335 = tpu.memref_slice %arg12[%dma_start3A_333, %dma_start3A_334] : memref<10240x128xf32, #tpu.memory_space<vmem_shared>> -> memref<10240x128xf32, #tpu.memory_space<vmem_shared>>
          tpu.enqueue_indirect_dma source(%arg10 : memref<125x128xf32, #tpu.memory_space<vmem>>) target(%dma_start3A_335 : memref<10240x128xf32, #tpu.memory_space<vmem_shared>>) offsets(%dma_start3A_332 : memref<125xi32, #tpu.memory_space<vmem>>) semaphore(%run_scoped3A : memref<!tpu.dma_semaphore, #tpu.memory_space<semaphore_mem>>) {add = true}
          %dma_wait3A_336 = arith.constant 0 : i32
          %dma_wait3A_337 = tpu.memref_slice %arg9[%add3A_300, %dma_wait3A_336] : memref<40x125xi32, #tpu.memory_space<vmem>> -> memref<1x125xi32, #tpu.memory_space<vmem>>
          %dma_wait3A_338 = tpu.memref_squeeze %dma_wait3A_337 : memref<1x125xi32, #tpu.memory_space<vmem>> -> memref<125xi32, #tpu.memory_space<vmem>>
          %dma_wait3A_339 = arith.constant 0 : i32
          %dma_wait3A_340 = arith.constant 0 : i32
          %dma_wait3A_341 = tpu.memref_slice %arg12[%dma_wait3A_339, %dma_wait3A_340] : memref<10240x128xf32, #tpu.memory_space<vmem_shared>> -> memref<10240x128xf32, #tpu.memory_space<vmem_shared>>
          tpu.wait_indirect_dma semaphore(%run_scoped3A : memref<!tpu.dma_semaphore, #tpu.memory_space<semaphore_mem>>) src(%arg10 : memref<125x128xf32, #tpu.memory_space<vmem>>) dst(%dma_wait3A_341 : memref<10240x128xf32, #tpu.memory_space<vmem_shared>>)
          tpu.yield
        }) : () -> ()
        %mul3A_313 = arith.constant 2 : i32
        %mul3A_314 = arith.muli %scan3A_296, %mul3A_313 : i32
        %add3A_315 = arith.constant 1 : i32
        %add3A_316 = arith.addi %mul3A_314, %add3A_315 : i32
        %add3A_317 = arith.constant 1 : i32
        %add3A_318 = arith.addi %add3A_316, %add3A_317 : i32
        %lt3A_319 = arith.constant 40 : i32
        %lt3A_320 = arith.cmpi slt, %add3A_318, %lt3A_319 : i32
        %convert_element_type3A_321 = arith.extui %lt3A_320 : i1 to i32
        %cond3A_322 = arith.constant 0 : i32
        %cond3A_323 = arith.cmpi ne, %convert_element_type3A_321, %cond3A_322 : i32
        scf.if %cond3A_323 {
          %add3A_330 = arith.constant 1 : i32
          %add3A_331 = arith.addi %add3A_316, %add3A_330 : i32
          %dma_start3A_332 = arith.constant 0 : i32
          %dma_start3A_333 = tpu.memref_slice %arg8[%add3A_331, %dma_start3A_332] : memref<40x125xi32, #tpu.memory_space<vmem>> -> memref<1x125xi32, #tpu.memory_space<vmem>>
          %dma_start3A_334 = tpu.memref_squeeze %dma_start3A_333 : memref<1x125xi32, #tpu.memory_space<vmem>> -> memref<125xi32, #tpu.memory_space<vmem>>
          %dma_start3A_335 = arith.constant 0 : i32
          %dma_start3A_336 = arith.constant 0 : i32
          %dma_start3A_337 = tpu.memref_slice %arg5[%dma_start3A_335, %dma_start3A_336] : memref<10000x128xf32, #tpu.memory_space<hbm>> -> memref<10000x128xf32, #tpu.memory_space<hbm>>
          tpu.enqueue_indirect_dma source(%dma_start3A_337 : memref<10000x128xf32, #tpu.memory_space<hbm>>) target(%arg10 : memref<125x128xf32, #tpu.memory_space<vmem>>) offsets(%dma_start3A_334 : memref<125xi32, #tpu.memory_space<vmem>>) semaphore(%arg13 : memref<!tpu.dma_semaphore, #tpu.memory_space<semaphore_mem>>)
        } else {
        }
        %dma_wait3A_324 = arith.constant 0 : i32
        %dma_wait3A_325 = tpu.memref_slice %arg8[%add3A_316, %dma_wait3A_324] : memref<40x125xi32, #tpu.memory_space<vmem>> -> memref<1x125xi32, #tpu.memory_space<vmem>>
        %dma_wait3A_326 = tpu.memref_squeeze %dma_wait3A_325 : memref<1x125xi32, #tpu.memory_space<vmem>> -> memref<125xi32, #tpu.memory_space<vmem>>
        %dma_wait3A_327 = arith.constant 0 : i32
        %dma_wait3A_328 = arith.constant 0 : i32
        %dma_wait3A_329 = tpu.memref_slice %arg5[%dma_wait3A_327, %dma_wait3A_328] : memref<10000x128xf32, #tpu.memory_space<hbm>> -> memref<10000x128xf32, #tpu.memory_space<hbm>>
        tpu.wait_indirect_dma semaphore(%arg14 : memref<!tpu.dma_semaphore, #tpu.memory_space<semaphore_mem>>) src(%dma_wait3A_329 : memref<10000x128xf32, #tpu.memory_space<hbm>>) dst(%arg11 : memref<125x128xf32, #tpu.memory_space<vmem>>)
        "tpu.region"() ({
          %run_scoped3A = tpu.sem_alloc : memref<!tpu.dma_semaphore, #tpu.memory_space<semaphore_mem>>
          %dma_start3A_330 = arith.constant 0 : i32
          %dma_start3A_331 = tpu.memref_slice %arg9[%add3A_316, %dma_start3A_330] : memref<40x125xi32, #tpu.memory_space<vmem>> -> memref<1x125xi32, #tpu.memory_space<vmem>>
          %dma_start3A_332 = tpu.memref_squeeze %dma_start3A_331 : memref<1x125xi32, #tpu.memory_space<vmem>> -> memref<125xi32, #tpu.memory_space<vmem>>
          %dma_start3A_333 = arith.constant 0 : i32
          %dma_start3A_334 = arith.constant 0 : i32
          %dma_start3A_335 = tpu.memref_slice %arg12[%dma_start3A_333, %dma_start3A_334] : memref<10240x128xf32, #tpu.memory_space<vmem_shared>> -> memref<10240x128xf32, #tpu.memory_space<vmem_shared>>
          tpu.enqueue_indirect_dma source(%arg11 : memref<125x128xf32, #tpu.memory_space<vmem>>) target(%dma_start3A_335 : memref<10240x128xf32, #tpu.memory_space<vmem_shared>>) offsets(%dma_start3A_332 : memref<125xi32, #tpu.memory_space<vmem>>) semaphore(%run_scoped3A : memref<!tpu.dma_semaphore, #tpu.memory_space<semaphore_mem>>) {add = true}
          %dma_wait3A_336 = arith.constant 0 : i32
          %dma_wait3A_337 = tpu.memref_slice %arg9[%add3A_316, %dma_wait3A_336] : memref<40x125xi32, #tpu.memory_space<vmem>> -> memref<1x125xi32, #tpu.memory_space<vmem>>
          %dma_wait3A_338 = tpu.memref_squeeze %dma_wait3A_337 : memref<1x125xi32, #tpu.memory_space<vmem>> -> memref<125xi32, #tpu.memory_space<vmem>>
          %dma_wait3A_339 = arith.constant 0 : i32
          %dma_wait3A_340 = arith.constant 0 : i32
          %dma_wait3A_341 = tpu.memref_slice %arg12[%dma_wait3A_339, %dma_wait3A_340] : memref<10240x128xf32, #tpu.memory_space<vmem_shared>> -> memref<10240x128xf32, #tpu.memory_space<vmem_shared>>
          tpu.wait_indirect_dma semaphore(%run_scoped3A : memref<!tpu.dma_semaphore, #tpu.memory_space<semaphore_mem>>) src(%arg11 : memref<125x128xf32, #tpu.memory_space<vmem>>) dst(%dma_wait3A_341 : memref<10240x128xf32, #tpu.memory_space<vmem_shared>>)
          tpu.yield
        }) : () -> ()
      }
      %scan3A_282 = arith.constant 20 : i32
      "tpu.region"() ({
        %run_scoped3A = tpu.sem_alloc : memref<!tpu.dma_semaphore, #tpu.memory_space<semaphore_mem>>
        %dma_start3A_296 = arith.constant 120 : i32
        %dma_start3A_297 = arith.constant 0 : i32
        %dma_start3A_298 = tpu.memref_slice %arg2[%arg1, %dma_start3A_296, %dma_start3A_297] : memref<16x160x125xi32, #tpu.memory_space<hbm>> -> memref<1x40x125xi32, #tpu.memory_space<hbm>>
        %dma_start3A_299 = tpu.memref_squeeze %dma_start3A_298 : memref<1x40x125xi32, #tpu.memory_space<hbm>> -> memref<40x125xi32, #tpu.memory_space<hbm>>
        %dma_start3A_300 = arith.constant 120 : i32
        %dma_start3A_301 = arith.constant 0 : i32
        %dma_start3A_302 = tpu.memref_slice %arg2[%arg1, %dma_start3A_300, %dma_start3A_301] : memref<16x160x125xi32, #tpu.memory_space<hbm>> -> memref<1x40x125xi32, #tpu.memory_space<hbm>>
        %dma_start3A_303 = tpu.memref_squeeze %dma_start3A_302 : memref<1x40x125xi32, #tpu.memory_space<hbm>> -> memref<40x125xi32, #tpu.memory_space<hbm>>
        tpu.enqueue_dma source(%dma_start3A_303 : memref<40x125xi32, #tpu.memory_space<hbm>>) target(%arg8 : memref<40x125xi32, #tpu.memory_space<vmem>>) target_semaphore(%run_scoped3A : memref<!tpu.dma_semaphore, #tpu.memory_space<semaphore_mem>>)
        %dma_wait3A_304 = arith.constant 120 : i32
        %dma_wait3A_305 = arith.constant 0 : i32
        %dma_wait3A_306 = tpu.memref_slice %arg2[%arg1, %dma_wait3A_304, %dma_wait3A_305] : memref<16x160x125xi32, #tpu.memory_space<hbm>> -> memref<1x40x125xi32, #tpu.memory_space<hbm>>
        %dma_wait3A_307 = tpu.memref_squeeze %dma_wait3A_306 : memref<1x40x125xi32, #tpu.memory_space<hbm>> -> memref<40x125xi32, #tpu.memory_space<hbm>>
        %dma_wait3A_308 = arith.constant 120 : i32
        %dma_wait3A_309 = arith.constant 0 : i32
        %dma_wait3A_310 = tpu.memref_slice %arg2[%arg1, %dma_wait3A_308, %dma_wait3A_309] : memref<16x160x125xi32, #tpu.memory_space<hbm>> -> memref<1x40x125xi32, #tpu.memory_space<hbm>>
        %dma_wait3A_311 = tpu.memref_squeeze %dma_wait3A_310 : memref<1x40x125xi32, #tpu.memory_space<hbm>> -> memref<40x125xi32, #tpu.memory_space<hbm>>
        tpu.wait_dma2 semaphore(%run_scoped3A : memref<!tpu.dma_semaphore, #tpu.memory_space<semaphore_mem>>) src(%dma_wait3A_311 : memref<40x125xi32, #tpu.memory_space<hbm>>) dst(%arg8 : memref<40x125xi32, #tpu.memory_space<vmem>>)
        tpu.yield
      }) : () -> ()
      "tpu.region"() ({
        %run_scoped3A = tpu.sem_alloc : memref<!tpu.dma_semaphore, #tpu.memory_space<semaphore_mem>>
        %dma_start3A_296 = arith.constant 120 : i32
        %dma_start3A_297 = arith.constant 0 : i32
        %dma_start3A_298 = tpu.memref_slice %arg3[%arg1, %dma_start3A_296, %dma_start3A_297] : memref<16x160x125xi32, #tpu.memory_space<hbm>> -> memref<1x40x125xi32, #tpu.memory_space<hbm>>
        %dma_start3A_299 = tpu.memref_squeeze %dma_start3A_298 : memref<1x40x125xi32, #tpu.memory_space<hbm>> -> memref<40x125xi32, #tpu.memory_space<hbm>>
        %dma_start3A_300 = arith.constant 120 : i32
        %dma_start3A_301 = arith.constant 0 : i32
        %dma_start3A_302 = tpu.memref_slice %arg3[%arg1, %dma_start3A_300, %dma_start3A_301] : memref<16x160x125xi32, #tpu.memory_space<hbm>> -> memref<1x40x125xi32, #tpu.memory_space<hbm>>
        %dma_start3A_303 = tpu.memref_squeeze %dma_start3A_302 : memref<1x40x125xi32, #tpu.memory_space<hbm>> -> memref<40x125xi32, #tpu.memory_space<hbm>>
        tpu.enqueue_dma source(%dma_start3A_303 : memref<40x125xi32, #tpu.memory_space<hbm>>) target(%arg9 : memref<40x125xi32, #tpu.memory_space<vmem>>) target_semaphore(%run_scoped3A : memref<!tpu.dma_semaphore, #tpu.memory_space<semaphore_mem>>)
        %dma_wait3A_304 = arith.constant 120 : i32
        %dma_wait3A_305 = arith.constant 0 : i32
        %dma_wait3A_306 = tpu.memref_slice %arg3[%arg1, %dma_wait3A_304, %dma_wait3A_305] : memref<16x160x125xi32, #tpu.memory_space<hbm>> -> memref<1x40x125xi32, #tpu.memory_space<hbm>>
        %dma_wait3A_307 = tpu.memref_squeeze %dma_wait3A_306 : memref<1x40x125xi32, #tpu.memory_space<hbm>> -> memref<40x125xi32, #tpu.memory_space<hbm>>
        %dma_wait3A_308 = arith.constant 120 : i32
        %dma_wait3A_309 = arith.constant 0 : i32
        %dma_wait3A_310 = tpu.memref_slice %arg3[%arg1, %dma_wait3A_308, %dma_wait3A_309] : memref<16x160x125xi32, #tpu.memory_space<hbm>> -> memref<1x40x125xi32, #tpu.memory_space<hbm>>
        %dma_wait3A_311 = tpu.memref_squeeze %dma_wait3A_310 : memref<1x40x125xi32, #tpu.memory_space<hbm>> -> memref<40x125xi32, #tpu.memory_space<hbm>>
        tpu.wait_dma2 semaphore(%run_scoped3A : memref<!tpu.dma_semaphore, #tpu.memory_space<semaphore_mem>>) src(%dma_wait3A_311 : memref<40x125xi32, #tpu.memory_space<hbm>>) dst(%arg9 : memref<40x125xi32, #tpu.memory_space<vmem>>)
        tpu.yield
      }) : () -> ()
      %dma_start3A_283 = arith.constant 0 : i32
      %dma_start3A_284 = arith.constant 0 : i32
      %dma_start3A_285 = tpu.memref_slice %arg8[%dma_start3A_283, %dma_start3A_284] : memref<40x125xi32, #tpu.memory_space<vmem>> -> memref<1x125xi32, #tpu.memory_space<vmem>>
      %dma_start3A_286 = tpu.memref_squeeze %dma_start3A_285 : memref<1x125xi32, #tpu.memory_space<vmem>> -> memref<125xi32, #tpu.memory_space<vmem>>
      %dma_start3A_287 = arith.constant 0 : i32
      %dma_start3A_288 = arith.constant 0 : i32
      %dma_start3A_289 = tpu.memref_slice %arg5[%dma_start3A_287, %dma_start3A_288] : memref<10000x128xf32, #tpu.memory_space<hbm>> -> memref<10000x128xf32, #tpu.memory_space<hbm>>
      tpu.enqueue_indirect_dma source(%dma_start3A_289 : memref<10000x128xf32, #tpu.memory_space<hbm>>) target(%arg10 : memref<125x128xf32, #tpu.memory_space<vmem>>) offsets(%dma_start3A_286 : memref<125xi32, #tpu.memory_space<vmem>>) semaphore(%arg13 : memref<!tpu.dma_semaphore, #tpu.memory_space<semaphore_mem>>)
      %scan3A_290 = arith.constant 0 : i32
      %scan3A_291 = arith.constant 0 : i32
      %scan3A_292 = arith.constant 20 : i32
      %scan3A_293 = arith.addi %scan3A_291, %scan3A_292 : i32
      %scan3A_294 = arith.constant 1 : i32
      scf.for %scan3A_296 = %scan3A_291 to %scan3A_293 step %scan3A_294  : i32 {
        %mul3A_297 = arith.constant 2 : i32
        %mul3A_298 = arith.muli %scan3A_296, %mul3A_297 : i32
        %add3A_299 = arith.constant 0 : i32
        %add3A_300 = arith.addi %mul3A_298, %add3A_299 : i32
        %add3A_301 = arith.constant 1 : i32
        %add3A_302 = arith.addi %add3A_300, %add3A_301 : i32
        %lt3A = arith.constant 40 : i32
        %lt3A_303 = arith.cmpi slt, %add3A_302, %lt3A : i32
        %convert_element_type3A_304 = arith.extui %lt3A_303 : i1 to i32
        %cond3A_305 = arith.constant 0 : i32
        %cond3A_306 = arith.cmpi ne, %convert_element_type3A_304, %cond3A_305 : i32
        scf.if %cond3A_306 {
          %add3A_330 = arith.constant 1 : i32
          %add3A_331 = arith.addi %add3A_300, %add3A_330 : i32
          %dma_start3A_332 = arith.constant 0 : i32
          %dma_start3A_333 = tpu.memref_slice %arg8[%add3A_331, %dma_start3A_332] : memref<40x125xi32, #tpu.memory_space<vmem>> -> memref<1x125xi32, #tpu.memory_space<vmem>>
          %dma_start3A_334 = tpu.memref_squeeze %dma_start3A_333 : memref<1x125xi32, #tpu.memory_space<vmem>> -> memref<125xi32, #tpu.memory_space<vmem>>
          %dma_start3A_335 = arith.constant 0 : i32
          %dma_start3A_336 = arith.constant 0 : i32
          %dma_start3A_337 = tpu.memref_slice %arg5[%dma_start3A_335, %dma_start3A_336] : memref<10000x128xf32, #tpu.memory_space<hbm>> -> memref<10000x128xf32, #tpu.memory_space<hbm>>
          tpu.enqueue_indirect_dma source(%dma_start3A_337 : memref<10000x128xf32, #tpu.memory_space<hbm>>) target(%arg11 : memref<125x128xf32, #tpu.memory_space<vmem>>) offsets(%dma_start3A_334 : memref<125xi32, #tpu.memory_space<vmem>>) semaphore(%arg14 : memref<!tpu.dma_semaphore, #tpu.memory_space<semaphore_mem>>)
        } else {
        }
        %dma_wait3A_307 = arith.constant 0 : i32
        %dma_wait3A_308 = tpu.memref_slice %arg8[%add3A_300, %dma_wait3A_307] : memref<40x125xi32, #tpu.memory_space<vmem>> -> memref<1x125xi32, #tpu.memory_space<vmem>>
        %dma_wait3A_309 = tpu.memref_squeeze %dma_wait3A_308 : memref<1x125xi32, #tpu.memory_space<vmem>> -> memref<125xi32, #tpu.memory_space<vmem>>
        %dma_wait3A_310 = arith.constant 0 : i32
        %dma_wait3A_311 = arith.constant 0 : i32
        %dma_wait3A_312 = tpu.memref_slice %arg5[%dma_wait3A_310, %dma_wait3A_311] : memref<10000x128xf32, #tpu.memory_space<hbm>> -> memref<10000x128xf32, #tpu.memory_space<hbm>>
        tpu.wait_indirect_dma semaphore(%arg13 : memref<!tpu.dma_semaphore, #tpu.memory_space<semaphore_mem>>) src(%dma_wait3A_312 : memref<10000x128xf32, #tpu.memory_space<hbm>>) dst(%arg10 : memref<125x128xf32, #tpu.memory_space<vmem>>)
        "tpu.region"() ({
          %run_scoped3A = tpu.sem_alloc : memref<!tpu.dma_semaphore, #tpu.memory_space<semaphore_mem>>
          %dma_start3A_330 = arith.constant 0 : i32
          %dma_start3A_331 = tpu.memref_slice %arg9[%add3A_300, %dma_start3A_330] : memref<40x125xi32, #tpu.memory_space<vmem>> -> memref<1x125xi32, #tpu.memory_space<vmem>>
          %dma_start3A_332 = tpu.memref_squeeze %dma_start3A_331 : memref<1x125xi32, #tpu.memory_space<vmem>> -> memref<125xi32, #tpu.memory_space<vmem>>
          %dma_start3A_333 = arith.constant 0 : i32
          %dma_start3A_334 = arith.constant 0 : i32
          %dma_start3A_335 = tpu.memref_slice %arg12[%dma_start3A_333, %dma_start3A_334] : memref<10240x128xf32, #tpu.memory_space<vmem_shared>> -> memref<10240x128xf32, #tpu.memory_space<vmem_shared>>
          tpu.enqueue_indirect_dma source(%arg10 : memref<125x128xf32, #tpu.memory_space<vmem>>) target(%dma_start3A_335 : memref<10240x128xf32, #tpu.memory_space<vmem_shared>>) offsets(%dma_start3A_332 : memref<125xi32, #tpu.memory_space<vmem>>) semaphore(%run_scoped3A : memref<!tpu.dma_semaphore, #tpu.memory_space<semaphore_mem>>) {add = true}
          %dma_wait3A_336 = arith.constant 0 : i32
          %dma_wait3A_337 = tpu.memref_slice %arg9[%add3A_300, %dma_wait3A_336] : memref<40x125xi32, #tpu.memory_space<vmem>> -> memref<1x125xi32, #tpu.memory_space<vmem>>
          %dma_wait3A_338 = tpu.memref_squeeze %dma_wait3A_337 : memref<1x125xi32, #tpu.memory_space<vmem>> -> memref<125xi32, #tpu.memory_space<vmem>>
          %dma_wait3A_339 = arith.constant 0 : i32
          %dma_wait3A_340 = arith.constant 0 : i32
          %dma_wait3A_341 = tpu.memref_slice %arg12[%dma_wait3A_339, %dma_wait3A_340] : memref<10240x128xf32, #tpu.memory_space<vmem_shared>> -> memref<10240x128xf32, #tpu.memory_space<vmem_shared>>
          tpu.wait_indirect_dma semaphore(%run_scoped3A : memref<!tpu.dma_semaphore, #tpu.memory_space<semaphore_mem>>) src(%arg10 : memref<125x128xf32, #tpu.memory_space<vmem>>) dst(%dma_wait3A_341 : memref<10240x128xf32, #tpu.memory_space<vmem_shared>>)
          tpu.yield
        }) : () -> ()
        %mul3A_313 = arith.constant 2 : i32
        %mul3A_314 = arith.muli %scan3A_296, %mul3A_313 : i32
        %add3A_315 = arith.constant 1 : i32
        %add3A_316 = arith.addi %mul3A_314, %add3A_315 : i32
        %add3A_317 = arith.constant 1 : i32
        %add3A_318 = arith.addi %add3A_316, %add3A_317 : i32
        %lt3A_319 = arith.constant 40 : i32
        %lt3A_320 = arith.cmpi slt, %add3A_318, %lt3A_319 : i32
        %convert_element_type3A_321 = arith.extui %lt3A_320 : i1 to i32
        %cond3A_322 = arith.constant 0 : i32
        %cond3A_323 = arith.cmpi ne, %convert_element_type3A_321, %cond3A_322 : i32
        scf.if %cond3A_323 {
          %add3A_330 = arith.constant 1 : i32
          %add3A_331 = arith.addi %add3A_316, %add3A_330 : i32
          %dma_start3A_332 = arith.constant 0 : i32
          %dma_start3A_333 = tpu.memref_slice %arg8[%add3A_331, %dma_start3A_332] : memref<40x125xi32, #tpu.memory_space<vmem>> -> memref<1x125xi32, #tpu.memory_space<vmem>>
          %dma_start3A_334 = tpu.memref_squeeze %dma_start3A_333 : memref<1x125xi32, #tpu.memory_space<vmem>> -> memref<125xi32, #tpu.memory_space<vmem>>
          %dma_start3A_335 = arith.constant 0 : i32
          %dma_start3A_336 = arith.constant 0 : i32
          %dma_start3A_337 = tpu.memref_slice %arg5[%dma_start3A_335, %dma_start3A_336] : memref<10000x128xf32, #tpu.memory_space<hbm>> -> memref<10000x128xf32, #tpu.memory_space<hbm>>
          tpu.enqueue_indirect_dma source(%dma_start3A_337 : memref<10000x128xf32, #tpu.memory_space<hbm>>) target(%arg10 : memref<125x128xf32, #tpu.memory_space<vmem>>) offsets(%dma_start3A_334 : memref<125xi32, #tpu.memory_space<vmem>>) semaphore(%arg13 : memref<!tpu.dma_semaphore, #tpu.memory_space<semaphore_mem>>)
        } else {
        }
        %dma_wait3A_324 = arith.constant 0 : i32
        %dma_wait3A_325 = tpu.memref_slice %arg8[%add3A_316, %dma_wait3A_324] : memref<40x125xi32, #tpu.memory_space<vmem>> -> memref<1x125xi32, #tpu.memory_space<vmem>>
        %dma_wait3A_326 = tpu.memref_squeeze %dma_wait3A_325 : memref<1x125xi32, #tpu.memory_space<vmem>> -> memref<125xi32, #tpu.memory_space<vmem>>
        %dma_wait3A_327 = arith.constant 0 : i32
        %dma_wait3A_328 = arith.constant 0 : i32
        %dma_wait3A_329 = tpu.memref_slice %arg5[%dma_wait3A_327, %dma_wait3A_328] : memref<10000x128xf32, #tpu.memory_space<hbm>> -> memref<10000x128xf32, #tpu.memory_space<hbm>>
        tpu.wait_indirect_dma semaphore(%arg14 : memref<!tpu.dma_semaphore, #tpu.memory_space<semaphore_mem>>) src(%dma_wait3A_329 : memref<10000x128xf32, #tpu.memory_space<hbm>>) dst(%arg11 : memref<125x128xf32, #tpu.memory_space<vmem>>)
        "tpu.region"() ({
          %run_scoped3A = tpu.sem_alloc : memref<!tpu.dma_semaphore, #tpu.memory_space<semaphore_mem>>
          %dma_start3A_330 = arith.constant 0 : i32
          %dma_start3A_331 = tpu.memref_slice %arg9[%add3A_316, %dma_start3A_330] : memref<40x125xi32, #tpu.memory_space<vmem>> -> memref<1x125xi32, #tpu.memory_space<vmem>>
          %dma_start3A_332 = tpu.memref_squeeze %dma_start3A_331 : memref<1x125xi32, #tpu.memory_space<vmem>> -> memref<125xi32, #tpu.memory_space<vmem>>
          %dma_start3A_333 = arith.constant 0 : i32
          %dma_start3A_334 = arith.constant 0 : i32
          %dma_start3A_335 = tpu.memref_slice %arg12[%dma_start3A_333, %dma_start3A_334] : memref<10240x128xf32, #tpu.memory_space<vmem_shared>> -> memref<10240x128xf32, #tpu.memory_space<vmem_shared>>
          tpu.enqueue_indirect_dma source(%arg11 : memref<125x128xf32, #tpu.memory_space<vmem>>) target(%dma_start3A_335 : memref<10240x128xf32, #tpu.memory_space<vmem_shared>>) offsets(%dma_start3A_332 : memref<125xi32, #tpu.memory_space<vmem>>) semaphore(%run_scoped3A : memref<!tpu.dma_semaphore, #tpu.memory_space<semaphore_mem>>) {add = true}
          %dma_wait3A_336 = arith.constant 0 : i32
          %dma_wait3A_337 = tpu.memref_slice %arg9[%add3A_316, %dma_wait3A_336] : memref<40x125xi32, #tpu.memory_space<vmem>> -> memref<1x125xi32, #tpu.memory_space<vmem>>
          %dma_wait3A_338 = tpu.memref_squeeze %dma_wait3A_337 : memref<1x125xi32, #tpu.memory_space<vmem>> -> memref<125xi32, #tpu.memory_space<vmem>>
          %dma_wait3A_339 = arith.constant 0 : i32
          %dma_wait3A_340 = arith.constant 0 : i32
          %dma_wait3A_341 = tpu.memref_slice %arg12[%dma_wait3A_339, %dma_wait3A_340] : memref<10240x128xf32, #tpu.memory_space<vmem_shared>> -> memref<10240x128xf32, #tpu.memory_space<vmem_shared>>
          tpu.wait_indirect_dma semaphore(%run_scoped3A : memref<!tpu.dma_semaphore, #tpu.memory_space<semaphore_mem>>) src(%arg11 : memref<125x128xf32, #tpu.memory_space<vmem>>) dst(%dma_wait3A_341 : memref<10240x128xf32, #tpu.memory_space<vmem_shared>>)
          tpu.yield
        }) : () -> ()
      }
      %scan3A_295 = arith.constant 20 : i32
    } else {
    }
    %barrier3A_233 = arith.constant 0 : index
    tpu.barrier barrier_id(%barrier3A_233)
    %eq3A_234 = arith.constant 0 : i32
    %eq3A_235 = arith.cmpi eq, %arg0, %eq3A_234 : i32
    %convert_element_type3A_236 = arith.extui %eq3A_235 : i1 to i32
    %cond3A_237 = arith.constant 0 : i32
    %cond3A_238 = arith.cmpi ne, %convert_element_type3A_236, %cond3A_237 : i32
    scf.if %cond3A_238 {
      %mul3A_244 = arith.constant 640 : i32
      %mul3A_245 = arith.muli %arg1, %mul3A_244 : i32
      %add3A_246 = arith.constant 0 : i32
      %add3A_247 = arith.addi %mul3A_245, %add3A_246 : i32
      %dma_start3A_248 = arith.constant 0 : i32
      %dma_start3A_249 = tpu.memref_slice %arg6[%add3A_247, %dma_start3A_248] : memref<10240x128xf32, #tpu.memory_space<hbm>> -> memref<80x128xf32, #tpu.memory_space<hbm>>
      %dma_start3A_250 = arith.constant 0 : i32
      %dma_start3A_251 = tpu.memref_slice %arg12[%add3A_247, %dma_start3A_250] : memref<10240x128xf32, #tpu.memory_space<vmem_shared>> -> memref<80x128xf32, #tpu.memory_space<vmem_shared>>
      tpu.enqueue_dma source(%dma_start3A_251 : memref<80x128xf32, #tpu.memory_space<vmem_shared>>) target(%dma_start3A_249 : memref<80x128xf32, #tpu.memory_space<hbm>>) target_semaphore(%arg13 : memref<!tpu.dma_semaphore, #tpu.memory_space<semaphore_mem>>)
      %mul3A_252 = arith.constant 640 : i32
      %mul3A_253 = arith.muli %arg1, %mul3A_252 : i32
      %add3A_254 = arith.constant 80 : i32
      %add3A_255 = arith.addi %mul3A_253, %add3A_254 : i32
      %dma_start3A_256 = arith.constant 0 : i32
      %dma_start3A_257 = tpu.memref_slice %arg6[%add3A_255, %dma_start3A_256] : memref<10240x128xf32, #tpu.memory_space<hbm>> -> memref<80x128xf32, #tpu.memory_space<hbm>>
      %dma_start3A_258 = arith.constant 0 : i32
      %dma_start3A_259 = tpu.memref_slice %arg12[%add3A_255, %dma_start3A_258] : memref<10240x128xf32, #tpu.memory_space<vmem_shared>> -> memref<80x128xf32, #tpu.memory_space<vmem_shared>>
      tpu.enqueue_dma source(%dma_start3A_259 : memref<80x128xf32, #tpu.memory_space<vmem_shared>>) target(%dma_start3A_257 : memref<80x128xf32, #tpu.memory_space<hbm>>) target_semaphore(%arg14 : memref<!tpu.dma_semaphore, #tpu.memory_space<semaphore_mem>>)
      %mul3A_260 = arith.constant 640 : i32
      %mul3A_261 = arith.muli %arg1, %mul3A_260 : i32
      %add3A_262 = arith.constant 160 : i32
      %add3A_263 = arith.addi %mul3A_261, %add3A_262 : i32
      %dma_start3A_264 = arith.constant 0 : i32
      %dma_start3A_265 = tpu.memref_slice %arg6[%add3A_263, %dma_start3A_264] : memref<10240x128xf32, #tpu.memory_space<hbm>> -> memref<80x128xf32, #tpu.memory_space<hbm>>
      %dma_start3A_266 = arith.constant 0 : i32
      %dma_start3A_267 = tpu.memref_slice %arg12[%add3A_263, %dma_start3A_266] : memref<10240x128xf32, #tpu.memory_space<vmem_shared>> -> memref<80x128xf32, #tpu.memory_space<vmem_shared>>
      tpu.enqueue_dma source(%dma_start3A_267 : memref<80x128xf32, #tpu.memory_space<vmem_shared>>) target(%dma_start3A_265 : memref<80x128xf32, #tpu.memory_space<hbm>>) target_semaphore(%arg13 : memref<!tpu.dma_semaphore, #tpu.memory_space<semaphore_mem>>)
      %mul3A_268 = arith.constant 640 : i32
      %mul3A_269 = arith.muli %arg1, %mul3A_268 : i32
      %add3A_270 = arith.constant 240 : i32
      %add3A_271 = arith.addi %mul3A_269, %add3A_270 : i32
      %dma_start3A_272 = arith.constant 0 : i32
      %dma_start3A_273 = tpu.memref_slice %arg6[%add3A_271, %dma_start3A_272] : memref<10240x128xf32, #tpu.memory_space<hbm>> -> memref<80x128xf32, #tpu.memory_space<hbm>>
      %dma_start3A_274 = arith.constant 0 : i32
      %dma_start3A_275 = tpu.memref_slice %arg12[%add3A_271, %dma_start3A_274] : memref<10240x128xf32, #tpu.memory_space<vmem_shared>> -> memref<80x128xf32, #tpu.memory_space<vmem_shared>>
      tpu.enqueue_dma source(%dma_start3A_275 : memref<80x128xf32, #tpu.memory_space<vmem_shared>>) target(%dma_start3A_273 : memref<80x128xf32, #tpu.memory_space<hbm>>) target_semaphore(%arg14 : memref<!tpu.dma_semaphore, #tpu.memory_space<semaphore_mem>>)
      %mul3A_276 = arith.constant 640 : i32
      %mul3A_277 = arith.muli %arg1, %mul3A_276 : i32
      %add3A_278 = arith.constant 320 : i32
      %add3A_279 = arith.addi %mul3A_277, %add3A_278 : i32
      %dma_start3A_280 = arith.constant 0 : i32
      %dma_start3A_281 = tpu.memref_slice %arg6[%add3A_279, %dma_start3A_280] : memref<10240x128xf32, #tpu.memory_space<hbm>> -> memref<80x128xf32, #tpu.memory_space<hbm>>
      %dma_start3A_282 = arith.constant 0 : i32
      %dma_start3A_283 = tpu.memref_slice %arg12[%add3A_279, %dma_start3A_282] : memref<10240x128xf32, #tpu.memory_space<vmem_shared>> -> memref<80x128xf32, #tpu.memory_space<vmem_shared>>
      tpu.enqueue_dma source(%dma_start3A_283 : memref<80x128xf32, #tpu.memory_space<vmem_shared>>) target(%dma_start3A_281 : memref<80x128xf32, #tpu.memory_space<hbm>>) target_semaphore(%arg13 : memref<!tpu.dma_semaphore, #tpu.memory_space<semaphore_mem>>)
      %mul3A_284 = arith.constant 640 : i32
      %mul3A_285 = arith.muli %arg1, %mul3A_284 : i32
      %add3A_286 = arith.constant 400 : i32
      %add3A_287 = arith.addi %mul3A_285, %add3A_286 : i32
      %dma_start3A_288 = arith.constant 0 : i32
      %dma_start3A_289 = tpu.memref_slice %arg6[%add3A_287, %dma_start3A_288] : memref<10240x128xf32, #tpu.memory_space<hbm>> -> memref<80x128xf32, #tpu.memory_space<hbm>>
      %dma_start3A_290 = arith.constant 0 : i32
      %dma_start3A_291 = tpu.memref_slice %arg12[%add3A_287, %dma_start3A_290] : memref<10240x128xf32, #tpu.memory_space<vmem_shared>> -> memref<80x128xf32, #tpu.memory_space<vmem_shared>>
      tpu.enqueue_dma source(%dma_start3A_291 : memref<80x128xf32, #tpu.memory_space<vmem_shared>>) target(%dma_start3A_289 : memref<80x128xf32, #tpu.memory_space<hbm>>) target_semaphore(%arg14 : memref<!tpu.dma_semaphore, #tpu.memory_space<semaphore_mem>>)
      %mul3A_292 = arith.constant 640 : i32
      %mul3A_293 = arith.muli %arg1, %mul3A_292 : i32
      %add3A_294 = arith.constant 480 : i32
      %add3A_295 = arith.addi %mul3A_293, %add3A_294 : i32
      %dma_start3A_296 = arith.constant 0 : i32
      %dma_start3A_297 = tpu.memref_slice %arg6[%add3A_295, %dma_start3A_296] : memref<10240x128xf32, #tpu.memory_space<hbm>> -> memref<80x128xf32, #tpu.memory_space<hbm>>
      %dma_start3A_298 = arith.constant 0 : i32
      %dma_start3A_299 = tpu.memref_slice %arg12[%add3A_295, %dma_start3A_298] : memref<10240x128xf32, #tpu.memory_space<vmem_shared>> -> memref<80x128xf32, #tpu.memory_space<vmem_shared>>
      tpu.enqueue_dma source(%dma_start3A_299 : memref<80x128xf32, #tpu.memory_space<vmem_shared>>) target(%dma_start3A_297 : memref<80x128xf32, #tpu.memory_space<hbm>>) target_semaphore(%arg13 : memref<!tpu.dma_semaphore, #tpu.memory_space<semaphore_mem>>)
      %mul3A_300 = arith.constant 640 : i32
      %mul3A_301 = arith.muli %arg1, %mul3A_300 : i32
      %add3A_302 = arith.constant 560 : i32
      %add3A_303 = arith.addi %mul3A_301, %add3A_302 : i32
      %dma_start3A_304 = arith.constant 0 : i32
      %dma_start3A_305 = tpu.memref_slice %arg6[%add3A_303, %dma_start3A_304] : memref<10240x128xf32, #tpu.memory_space<hbm>> -> memref<80x128xf32, #tpu.memory_space<hbm>>
      %dma_start3A_306 = arith.constant 0 : i32
      %dma_start3A_307 = tpu.memref_slice %arg12[%add3A_303, %dma_start3A_306] : memref<10240x128xf32, #tpu.memory_space<vmem_shared>> -> memref<80x128xf32, #tpu.memory_space<vmem_shared>>
      tpu.enqueue_dma source(%dma_start3A_307 : memref<80x128xf32, #tpu.memory_space<vmem_shared>>) target(%dma_start3A_305 : memref<80x128xf32, #tpu.memory_space<hbm>>) target_semaphore(%arg14 : memref<!tpu.dma_semaphore, #tpu.memory_space<semaphore_mem>>)
      %mul3A_308 = arith.constant 640 : i32
      %mul3A_309 = arith.muli %arg1, %mul3A_308 : i32
      %add3A_310 = arith.constant 0 : i32
      %add3A_311 = arith.addi %mul3A_309, %add3A_310 : i32
      %dma_wait3A_312 = arith.constant 0 : i32
      %dma_wait3A_313 = tpu.memref_slice %arg6[%add3A_311, %dma_wait3A_312] : memref<10240x128xf32, #tpu.memory_space<hbm>> -> memref<80x128xf32, #tpu.memory_space<hbm>>
      %dma_wait3A_314 = arith.constant 0 : i32
      %dma_wait3A_315 = tpu.memref_slice %arg12[%add3A_311, %dma_wait3A_314] : memref<10240x128xf32, #tpu.memory_space<vmem_shared>> -> memref<80x128xf32, #tpu.memory_space<vmem_shared>>
      tpu.wait_dma2 semaphore(%arg13 : memref<!tpu.dma_semaphore, #tpu.memory_space<semaphore_mem>>) src(%dma_wait3A_315 : memref<80x128xf32, #tpu.memory_space<vmem_shared>>) dst(%dma_wait3A_313 : memref<80x128xf32, #tpu.memory_space<hbm>>)
      %mul3A_316 = arith.constant 640 : i32
      %mul3A_317 = arith.muli %arg1, %mul3A_316 : i32
      %add3A_318 = arith.constant 80 : i32
      %add3A_319 = arith.addi %mul3A_317, %add3A_318 : i32
      %dma_wait3A_320 = arith.constant 0 : i32
      %dma_wait3A_321 = tpu.memref_slice %arg6[%add3A_319, %dma_wait3A_320] : memref<10240x128xf32, #tpu.memory_space<hbm>> -> memref<80x128xf32, #tpu.memory_space<hbm>>
      %dma_wait3A_322 = arith.constant 0 : i32
      %dma_wait3A_323 = tpu.memref_slice %arg12[%add3A_319, %dma_wait3A_322] : memref<10240x128xf32, #tpu.memory_space<vmem_shared>> -> memref<80x128xf32, #tpu.memory_space<vmem_shared>>
      tpu.wait_dma2 semaphore(%arg14 : memref<!tpu.dma_semaphore, #tpu.memory_space<semaphore_mem>>) src(%dma_wait3A_323 : memref<80x128xf32, #tpu.memory_space<vmem_shared>>) dst(%dma_wait3A_321 : memref<80x128xf32, #tpu.memory_space<hbm>>)
      %mul3A_324 = arith.constant 640 : i32
      %mul3A_325 = arith.muli %arg1, %mul3A_324 : i32
      %add3A_326 = arith.constant 160 : i32
      %add3A_327 = arith.addi %mul3A_325, %add3A_326 : i32
      %dma_wait3A_328 = arith.constant 0 : i32
      %dma_wait3A_329 = tpu.memref_slice %arg6[%add3A_327, %dma_wait3A_328] : memref<10240x128xf32, #tpu.memory_space<hbm>> -> memref<80x128xf32, #tpu.memory_space<hbm>>
      %dma_wait3A_330 = arith.constant 0 : i32
      %dma_wait3A_331 = tpu.memref_slice %arg12[%add3A_327, %dma_wait3A_330] : memref<10240x128xf32, #tpu.memory_space<vmem_shared>> -> memref<80x128xf32, #tpu.memory_space<vmem_shared>>
      tpu.wait_dma2 semaphore(%arg13 : memref<!tpu.dma_semaphore, #tpu.memory_space<semaphore_mem>>) src(%dma_wait3A_331 : memref<80x128xf32, #tpu.memory_space<vmem_shared>>) dst(%dma_wait3A_329 : memref<80x128xf32, #tpu.memory_space<hbm>>)
      %mul3A_332 = arith.constant 640 : i32
      %mul3A_333 = arith.muli %arg1, %mul3A_332 : i32
      %add3A_334 = arith.constant 240 : i32
      %add3A_335 = arith.addi %mul3A_333, %add3A_334 : i32
      %dma_wait3A_336 = arith.constant 0 : i32
      %dma_wait3A_337 = tpu.memref_slice %arg6[%add3A_335, %dma_wait3A_336] : memref<10240x128xf32, #tpu.memory_space<hbm>> -> memref<80x128xf32, #tpu.memory_space<hbm>>
      %dma_wait3A_338 = arith.constant 0 : i32
      %dma_wait3A_339 = tpu.memref_slice %arg12[%add3A_335, %dma_wait3A_338] : memref<10240x128xf32, #tpu.memory_space<vmem_shared>> -> memref<80x128xf32, #tpu.memory_space<vmem_shared>>
      tpu.wait_dma2 semaphore(%arg14 : memref<!tpu.dma_semaphore, #tpu.memory_space<semaphore_mem>>) src(%dma_wait3A_339 : memref<80x128xf32, #tpu.memory_space<vmem_shared>>) dst(%dma_wait3A_337 : memref<80x128xf32, #tpu.memory_space<hbm>>)
      %mul3A_340 = arith.constant 640 : i32
      %mul3A_341 = arith.muli %arg1, %mul3A_340 : i32
      %add3A_342 = arith.constant 320 : i32
      %add3A_343 = arith.addi %mul3A_341, %add3A_342 : i32
      %dma_wait3A_344 = arith.constant 0 : i32
      %dma_wait3A_345 = tpu.memref_slice %arg6[%add3A_343, %dma_wait3A_344] : memref<10240x128xf32, #tpu.memory_space<hbm>> -> memref<80x128xf32, #tpu.memory_space<hbm>>
      %dma_wait3A_346 = arith.constant 0 : i32
      %dma_wait3A_347 = tpu.memref_slice %arg12[%add3A_343, %dma_wait3A_346] : memref<10240x128xf32, #tpu.memory_space<vmem_shared>> -> memref<80x128xf32, #tpu.memory_space<vmem_shared>>
      tpu.wait_dma2 semaphore(%arg13 : memref<!tpu.dma_semaphore, #tpu.memory_space<semaphore_mem>>) src(%dma_wait3A_347 : memref<80x128xf32, #tpu.memory_space<vmem_shared>>) dst(%dma_wait3A_345 : memref<80x128xf32, #tpu.memory_space<hbm>>)
      %mul3A_348 = arith.constant 640 : i32
      %mul3A_349 = arith.muli %arg1, %mul3A_348 : i32
      %add3A_350 = arith.constant 400 : i32
      %add3A_351 = arith.addi %mul3A_349, %add3A_350 : i32
      %dma_wait3A_352 = arith.constant 0 : i32
      %dma_wait3A_353 = tpu.memref_slice %arg6[%add3A_351, %dma_wait3A_352] : memref<10240x128xf32, #tpu.memory_space<hbm>> -> memref<80x128xf32, #tpu.memory_space<hbm>>
      %dma_wait3A_354 = arith.constant 0 : i32
      %dma_wait3A_355 = tpu.memref_slice %arg12[%add3A_351, %dma_wait3A_354] : memref<10240x128xf32, #tpu.memory_space<vmem_shared>> -> memref<80x128xf32, #tpu.memory_space<vmem_shared>>
      tpu.wait_dma2 semaphore(%arg14 : memref<!tpu.dma_semaphore, #tpu.memory_space<semaphore_mem>>) src(%dma_wait3A_355 : memref<80x128xf32, #tpu.memory_space<vmem_shared>>) dst(%dma_wait3A_353 : memref<80x128xf32, #tpu.memory_space<hbm>>)
      %mul3A_356 = arith.constant 640 : i32
      %mul3A_357 = arith.muli %arg1, %mul3A_356 : i32
      %add3A_358 = arith.constant 480 : i32
      %add3A_359 = arith.addi %mul3A_357, %add3A_358 : i32
      %dma_wait3A_360 = arith.constant 0 : i32
      %dma_wait3A_361 = tpu.memref_slice %arg6[%add3A_359, %dma_wait3A_360] : memref<10240x128xf32, #tpu.memory_space<hbm>> -> memref<80x128xf32, #tpu.memory_space<hbm>>
      %dma_wait3A_362 = arith.constant 0 : i32
      %dma_wait3A_363 = tpu.memref_slice %arg12[%add3A_359, %dma_wait3A_362] : memref<10240x128xf32, #tpu.memory_space<vmem_shared>> -> memref<80x128xf32, #tpu.memory_space<vmem_shared>>
      tpu.wait_dma2 semaphore(%arg13 : memref<!tpu.dma_semaphore, #tpu.memory_space<semaphore_mem>>) src(%dma_wait3A_363 : memref<80x128xf32, #tpu.memory_space<vmem_shared>>) dst(%dma_wait3A_361 : memref<80x128xf32, #tpu.memory_space<hbm>>)
      %mul3A_364 = arith.constant 640 : i32
      %mul3A_365 = arith.muli %arg1, %mul3A_364 : i32
      %add3A_366 = arith.constant 560 : i32
      %add3A_367 = arith.addi %mul3A_365, %add3A_366 : i32
      %dma_wait3A_368 = arith.constant 0 : i32
      %dma_wait3A_369 = tpu.memref_slice %arg6[%add3A_367, %dma_wait3A_368] : memref<10240x128xf32, #tpu.memory_space<hbm>> -> memref<80x128xf32, #tpu.memory_space<hbm>>
      %dma_wait3A_370 = arith.constant 0 : i32
      %dma_wait3A_371 = tpu.memref_slice %arg12[%add3A_367, %dma_wait3A_370] : memref<10240x128xf32, #tpu.memory_space<vmem_shared>> -> memref<80x128xf32, #tpu.memory_space<vmem_shared>>
      tpu.wait_dma2 semaphore(%arg14 : memref<!tpu.dma_semaphore, #tpu.memory_space<semaphore_mem>>) src(%dma_wait3A_371 : memref<80x128xf32, #tpu.memory_space<vmem_shared>>) dst(%dma_wait3A_369 : memref<80x128xf32, #tpu.memory_space<hbm>>)
    } else {
    }
    %eq3A_239 = arith.constant 1 : i32
    %eq3A_240 = arith.cmpi eq, %arg0, %eq3A_239 : i32
    %convert_element_type3A_241 = arith.extui %eq3A_240 : i1 to i32
    %cond3A_242 = arith.constant 0 : i32
    %cond3A_243 = arith.cmpi ne, %convert_element_type3A_241, %cond3A_242 : i32
    scf.if %cond3A_243 {
      %mul3A_244 = arith.constant 640 : i32
      %mul3A_245 = arith.muli %arg1, %mul3A_244 : i32
      %add3A_246 = arith.constant 0 : i32
      %add3A_247 = arith.addi %mul3A_245, %add3A_246 : i32
      %dma_start3A_248 = arith.constant 0 : i32
      %dma_start3A_249 = tpu.memref_slice %arg7[%add3A_247, %dma_start3A_248] : memref<10240x128xf32, #tpu.memory_space<hbm>> -> memref<80x128xf32, #tpu.memory_space<hbm>>
      %dma_start3A_250 = arith.constant 0 : i32
      %dma_start3A_251 = tpu.memref_slice %arg12[%add3A_247, %dma_start3A_250] : memref<10240x128xf32, #tpu.memory_space<vmem_shared>> -> memref<80x128xf32, #tpu.memory_space<vmem_shared>>
      tpu.enqueue_dma source(%dma_start3A_251 : memref<80x128xf32, #tpu.memory_space<vmem_shared>>) target(%dma_start3A_249 : memref<80x128xf32, #tpu.memory_space<hbm>>) target_semaphore(%arg13 : memref<!tpu.dma_semaphore, #tpu.memory_space<semaphore_mem>>)
      %mul3A_252 = arith.constant 640 : i32
      %mul3A_253 = arith.muli %arg1, %mul3A_252 : i32
      %add3A_254 = arith.constant 80 : i32
      %add3A_255 = arith.addi %mul3A_253, %add3A_254 : i32
      %dma_start3A_256 = arith.constant 0 : i32
      %dma_start3A_257 = tpu.memref_slice %arg7[%add3A_255, %dma_start3A_256] : memref<10240x128xf32, #tpu.memory_space<hbm>> -> memref<80x128xf32, #tpu.memory_space<hbm>>
      %dma_start3A_258 = arith.constant 0 : i32
      %dma_start3A_259 = tpu.memref_slice %arg12[%add3A_255, %dma_start3A_258] : memref<10240x128xf32, #tpu.memory_space<vmem_shared>> -> memref<80x128xf32, #tpu.memory_space<vmem_shared>>
      tpu.enqueue_dma source(%dma_start3A_259 : memref<80x128xf32, #tpu.memory_space<vmem_shared>>) target(%dma_start3A_257 : memref<80x128xf32, #tpu.memory_space<hbm>>) target_semaphore(%arg14 : memref<!tpu.dma_semaphore, #tpu.memory_space<semaphore_mem>>)
      %mul3A_260 = arith.constant 640 : i32
      %mul3A_261 = arith.muli %arg1, %mul3A_260 : i32
      %add3A_262 = arith.constant 160 : i32
      %add3A_263 = arith.addi %mul3A_261, %add3A_262 : i32
      %dma_start3A_264 = arith.constant 0 : i32
      %dma_start3A_265 = tpu.memref_slice %arg7[%add3A_263, %dma_start3A_264] : memref<10240x128xf32, #tpu.memory_space<hbm>> -> memref<80x128xf32, #tpu.memory_space<hbm>>
      %dma_start3A_266 = arith.constant 0 : i32
      %dma_start3A_267 = tpu.memref_slice %arg12[%add3A_263, %dma_start3A_266] : memref<10240x128xf32, #tpu.memory_space<vmem_shared>> -> memref<80x128xf32, #tpu.memory_space<vmem_shared>>
      tpu.enqueue_dma source(%dma_start3A_267 : memref<80x128xf32, #tpu.memory_space<vmem_shared>>) target(%dma_start3A_265 : memref<80x128xf32, #tpu.memory_space<hbm>>) target_semaphore(%arg13 : memref<!tpu.dma_semaphore, #tpu.memory_space<semaphore_mem>>)
      %mul3A_268 = arith.constant 640 : i32
      %mul3A_269 = arith.muli %arg1, %mul3A_268 : i32
      %add3A_270 = arith.constant 240 : i32
      %add3A_271 = arith.addi %mul3A_269, %add3A_270 : i32
      %dma_start3A_272 = arith.constant 0 : i32
      %dma_start3A_273 = tpu.memref_slice %arg7[%add3A_271, %dma_start3A_272] : memref<10240x128xf32, #tpu.memory_space<hbm>> -> memref<80x128xf32, #tpu.memory_space<hbm>>
      %dma_start3A_274 = arith.constant 0 : i32
      %dma_start3A_275 = tpu.memref_slice %arg12[%add3A_271, %dma_start3A_274] : memref<10240x128xf32, #tpu.memory_space<vmem_shared>> -> memref<80x128xf32, #tpu.memory_space<vmem_shared>>
      tpu.enqueue_dma source(%dma_start3A_275 : memref<80x128xf32, #tpu.memory_space<vmem_shared>>) target(%dma_start3A_273 : memref<80x128xf32, #tpu.memory_space<hbm>>) target_semaphore(%arg14 : memref<!tpu.dma_semaphore, #tpu.memory_space<semaphore_mem>>)
      %mul3A_276 = arith.constant 640 : i32
      %mul3A_277 = arith.muli %arg1, %mul3A_276 : i32
      %add3A_278 = arith.constant 320 : i32
      %add3A_279 = arith.addi %mul3A_277, %add3A_278 : i32
      %dma_start3A_280 = arith.constant 0 : i32
      %dma_start3A_281 = tpu.memref_slice %arg7[%add3A_279, %dma_start3A_280] : memref<10240x128xf32, #tpu.memory_space<hbm>> -> memref<80x128xf32, #tpu.memory_space<hbm>>
      %dma_start3A_282 = arith.constant 0 : i32
      %dma_start3A_283 = tpu.memref_slice %arg12[%add3A_279, %dma_start3A_282] : memref<10240x128xf32, #tpu.memory_space<vmem_shared>> -> memref<80x128xf32, #tpu.memory_space<vmem_shared>>
      tpu.enqueue_dma source(%dma_start3A_283 : memref<80x128xf32, #tpu.memory_space<vmem_shared>>) target(%dma_start3A_281 : memref<80x128xf32, #tpu.memory_space<hbm>>) target_semaphore(%arg13 : memref<!tpu.dma_semaphore, #tpu.memory_space<semaphore_mem>>)
      %mul3A_284 = arith.constant 640 : i32
      %mul3A_285 = arith.muli %arg1, %mul3A_284 : i32
      %add3A_286 = arith.constant 400 : i32
      %add3A_287 = arith.addi %mul3A_285, %add3A_286 : i32
      %dma_start3A_288 = arith.constant 0 : i32
      %dma_start3A_289 = tpu.memref_slice %arg7[%add3A_287, %dma_start3A_288] : memref<10240x128xf32, #tpu.memory_space<hbm>> -> memref<80x128xf32, #tpu.memory_space<hbm>>
      %dma_start3A_290 = arith.constant 0 : i32
      %dma_start3A_291 = tpu.memref_slice %arg12[%add3A_287, %dma_start3A_290] : memref<10240x128xf32, #tpu.memory_space<vmem_shared>> -> memref<80x128xf32, #tpu.memory_space<vmem_shared>>
      tpu.enqueue_dma source(%dma_start3A_291 : memref<80x128xf32, #tpu.memory_space<vmem_shared>>) target(%dma_start3A_289 : memref<80x128xf32, #tpu.memory_space<hbm>>) target_semaphore(%arg14 : memref<!tpu.dma_semaphore, #tpu.memory_space<semaphore_mem>>)
      %mul3A_292 = arith.constant 640 : i32
      %mul3A_293 = arith.muli %arg1, %mul3A_292 : i32
      %add3A_294 = arith.constant 480 : i32
      %add3A_295 = arith.addi %mul3A_293, %add3A_294 : i32
      %dma_start3A_296 = arith.constant 0 : i32
      %dma_start3A_297 = tpu.memref_slice %arg7[%add3A_295, %dma_start3A_296] : memref<10240x128xf32, #tpu.memory_space<hbm>> -> memref<80x128xf32, #tpu.memory_space<hbm>>
      %dma_start3A_298 = arith.constant 0 : i32
      %dma_start3A_299 = tpu.memref_slice %arg12[%add3A_295, %dma_start3A_298] : memref<10240x128xf32, #tpu.memory_space<vmem_shared>> -> memref<80x128xf32, #tpu.memory_space<vmem_shared>>
      tpu.enqueue_dma source(%dma_start3A_299 : memref<80x128xf32, #tpu.memory_space<vmem_shared>>) target(%dma_start3A_297 : memref<80x128xf32, #tpu.memory_space<hbm>>) target_semaphore(%arg13 : memref<!tpu.dma_semaphore, #tpu.memory_space<semaphore_mem>>)
      %mul3A_300 = arith.constant 640 : i32
      %mul3A_301 = arith.muli %arg1, %mul3A_300 : i32
      %add3A_302 = arith.constant 560 : i32
      %add3A_303 = arith.addi %mul3A_301, %add3A_302 : i32
      %dma_start3A_304 = arith.constant 0 : i32
      %dma_start3A_305 = tpu.memref_slice %arg7[%add3A_303, %dma_start3A_304] : memref<10240x128xf32, #tpu.memory_space<hbm>> -> memref<80x128xf32, #tpu.memory_space<hbm>>
      %dma_start3A_306 = arith.constant 0 : i32
      %dma_start3A_307 = tpu.memref_slice %arg12[%add3A_303, %dma_start3A_306] : memref<10240x128xf32, #tpu.memory_space<vmem_shared>> -> memref<80x128xf32, #tpu.memory_space<vmem_shared>>
      tpu.enqueue_dma source(%dma_start3A_307 : memref<80x128xf32, #tpu.memory_space<vmem_shared>>) target(%dma_start3A_305 : memref<80x128xf32, #tpu.memory_space<hbm>>) target_semaphore(%arg14 : memref<!tpu.dma_semaphore, #tpu.memory_space<semaphore_mem>>)
      %mul3A_308 = arith.constant 640 : i32
      %mul3A_309 = arith.muli %arg1, %mul3A_308 : i32
      %add3A_310 = arith.constant 0 : i32
      %add3A_311 = arith.addi %mul3A_309, %add3A_310 : i32
      %dma_wait3A_312 = arith.constant 0 : i32
      %dma_wait3A_313 = tpu.memref_slice %arg7[%add3A_311, %dma_wait3A_312] : memref<10240x128xf32, #tpu.memory_space<hbm>> -> memref<80x128xf32, #tpu.memory_space<hbm>>
      %dma_wait3A_314 = arith.constant 0 : i32
      %dma_wait3A_315 = tpu.memref_slice %arg12[%add3A_311, %dma_wait3A_314] : memref<10240x128xf32, #tpu.memory_space<vmem_shared>> -> memref<80x128xf32, #tpu.memory_space<vmem_shared>>
      tpu.wait_dma2 semaphore(%arg13 : memref<!tpu.dma_semaphore, #tpu.memory_space<semaphore_mem>>) src(%dma_wait3A_315 : memref<80x128xf32, #tpu.memory_space<vmem_shared>>) dst(%dma_wait3A_313 : memref<80x128xf32, #tpu.memory_space<hbm>>)
      %mul3A_316 = arith.constant 640 : i32
      %mul3A_317 = arith.muli %arg1, %mul3A_316 : i32
      %add3A_318 = arith.constant 80 : i32
      %add3A_319 = arith.addi %mul3A_317, %add3A_318 : i32
      %dma_wait3A_320 = arith.constant 0 : i32
      %dma_wait3A_321 = tpu.memref_slice %arg7[%add3A_319, %dma_wait3A_320] : memref<10240x128xf32, #tpu.memory_space<hbm>> -> memref<80x128xf32, #tpu.memory_space<hbm>>
      %dma_wait3A_322 = arith.constant 0 : i32
      %dma_wait3A_323 = tpu.memref_slice %arg12[%add3A_319, %dma_wait3A_322] : memref<10240x128xf32, #tpu.memory_space<vmem_shared>> -> memref<80x128xf32, #tpu.memory_space<vmem_shared>>
      tpu.wait_dma2 semaphore(%arg14 : memref<!tpu.dma_semaphore, #tpu.memory_space<semaphore_mem>>) src(%dma_wait3A_323 : memref<80x128xf32, #tpu.memory_space<vmem_shared>>) dst(%dma_wait3A_321 : memref<80x128xf32, #tpu.memory_space<hbm>>)
      %mul3A_324 = arith.constant 640 : i32
      %mul3A_325 = arith.muli %arg1, %mul3A_324 : i32
      %add3A_326 = arith.constant 160 : i32
      %add3A_327 = arith.addi %mul3A_325, %add3A_326 : i32
      %dma_wait3A_328 = arith.constant 0 : i32
      %dma_wait3A_329 = tpu.memref_slice %arg7[%add3A_327, %dma_wait3A_328] : memref<10240x128xf32, #tpu.memory_space<hbm>> -> memref<80x128xf32, #tpu.memory_space<hbm>>
      %dma_wait3A_330 = arith.constant 0 : i32
      %dma_wait3A_331 = tpu.memref_slice %arg12[%add3A_327, %dma_wait3A_330] : memref<10240x128xf32, #tpu.memory_space<vmem_shared>> -> memref<80x128xf32, #tpu.memory_space<vmem_shared>>
      tpu.wait_dma2 semaphore(%arg13 : memref<!tpu.dma_semaphore, #tpu.memory_space<semaphore_mem>>) src(%dma_wait3A_331 : memref<80x128xf32, #tpu.memory_space<vmem_shared>>) dst(%dma_wait3A_329 : memref<80x128xf32, #tpu.memory_space<hbm>>)
      %mul3A_332 = arith.constant 640 : i32
      %mul3A_333 = arith.muli %arg1, %mul3A_332 : i32
      %add3A_334 = arith.constant 240 : i32
      %add3A_335 = arith.addi %mul3A_333, %add3A_334 : i32
      %dma_wait3A_336 = arith.constant 0 : i32
      %dma_wait3A_337 = tpu.memref_slice %arg7[%add3A_335, %dma_wait3A_336] : memref<10240x128xf32, #tpu.memory_space<hbm>> -> memref<80x128xf32, #tpu.memory_space<hbm>>
      %dma_wait3A_338 = arith.constant 0 : i32
      %dma_wait3A_339 = tpu.memref_slice %arg12[%add3A_335, %dma_wait3A_338] : memref<10240x128xf32, #tpu.memory_space<vmem_shared>> -> memref<80x128xf32, #tpu.memory_space<vmem_shared>>
      tpu.wait_dma2 semaphore(%arg14 : memref<!tpu.dma_semaphore, #tpu.memory_space<semaphore_mem>>) src(%dma_wait3A_339 : memref<80x128xf32, #tpu.memory_space<vmem_shared>>) dst(%dma_wait3A_337 : memref<80x128xf32, #tpu.memory_space<hbm>>)
      %mul3A_340 = arith.constant 640 : i32
      %mul3A_341 = arith.muli %arg1, %mul3A_340 : i32
      %add3A_342 = arith.constant 320 : i32
      %add3A_343 = arith.addi %mul3A_341, %add3A_342 : i32
      %dma_wait3A_344 = arith.constant 0 : i32
      %dma_wait3A_345 = tpu.memref_slice %arg7[%add3A_343, %dma_wait3A_344] : memref<10240x128xf32, #tpu.memory_space<hbm>> -> memref<80x128xf32, #tpu.memory_space<hbm>>
      %dma_wait3A_346 = arith.constant 0 : i32
      %dma_wait3A_347 = tpu.memref_slice %arg12[%add3A_343, %dma_wait3A_346] : memref<10240x128xf32, #tpu.memory_space<vmem_shared>> -> memref<80x128xf32, #tpu.memory_space<vmem_shared>>
      tpu.wait_dma2 semaphore(%arg13 : memref<!tpu.dma_semaphore, #tpu.memory_space<semaphore_mem>>) src(%dma_wait3A_347 : memref<80x128xf32, #tpu.memory_space<vmem_shared>>) dst(%dma_wait3A_345 : memref<80x128xf32, #tpu.memory_space<hbm>>)
      %mul3A_348 = arith.constant 640 : i32
      %mul3A_349 = arith.muli %arg1, %mul3A_348 : i32
      %add3A_350 = arith.constant 400 : i32
      %add3A_351 = arith.addi %mul3A_349, %add3A_350 : i32
      %dma_wait3A_352 = arith.constant 0 : i32
      %dma_wait3A_353 = tpu.memref_slice %arg7[%add3A_351, %dma_wait3A_352] : memref<10240x128xf32, #tpu.memory_space<hbm>> -> memref<80x128xf32, #tpu.memory_space<hbm>>
      %dma_wait3A_354 = arith.constant 0 : i32
      %dma_wait3A_355 = tpu.memref_slice %arg12[%add3A_351, %dma_wait3A_354] : memref<10240x128xf32, #tpu.memory_space<vmem_shared>> -> memref<80x128xf32, #tpu.memory_space<vmem_shared>>
      tpu.wait_dma2 semaphore(%arg14 : memref<!tpu.dma_semaphore, #tpu.memory_space<semaphore_mem>>) src(%dma_wait3A_355 : memref<80x128xf32, #tpu.memory_space<vmem_shared>>) dst(%dma_wait3A_353 : memref<80x128xf32, #tpu.memory_space<hbm>>)
      %mul3A_356 = arith.constant 640 : i32
      %mul3A_357 = arith.muli %arg1, %mul3A_356 : i32
      %add3A_358 = arith.constant 480 : i32
      %add3A_359 = arith.addi %mul3A_357, %add3A_358 : i32
      %dma_wait3A_360 = arith.constant 0 : i32
      %dma_wait3A_361 = tpu.memref_slice %arg7[%add3A_359, %dma_wait3A_360] : memref<10240x128xf32, #tpu.memory_space<hbm>> -> memref<80x128xf32, #tpu.memory_space<hbm>>
      %dma_wait3A_362 = arith.constant 0 : i32
      %dma_wait3A_363 = tpu.memref_slice %arg12[%add3A_359, %dma_wait3A_362] : memref<10240x128xf32, #tpu.memory_space<vmem_shared>> -> memref<80x128xf32, #tpu.memory_space<vmem_shared>>
      tpu.wait_dma2 semaphore(%arg13 : memref<!tpu.dma_semaphore, #tpu.memory_space<semaphore_mem>>) src(%dma_wait3A_363 : memref<80x128xf32, #tpu.memory_space<vmem_shared>>) dst(%dma_wait3A_361 : memref<80x128xf32, #tpu.memory_space<hbm>>)
      %mul3A_364 = arith.constant 640 : i32
      %mul3A_365 = arith.muli %arg1, %mul3A_364 : i32
      %add3A_366 = arith.constant 560 : i32
      %add3A_367 = arith.addi %mul3A_365, %add3A_366 : i32
      %dma_wait3A_368 = arith.constant 0 : i32
      %dma_wait3A_369 = tpu.memref_slice %arg7[%add3A_367, %dma_wait3A_368] : memref<10240x128xf32, #tpu.memory_space<hbm>> -> memref<80x128xf32, #tpu.memory_space<hbm>>
      %dma_wait3A_370 = arith.constant 0 : i32
      %dma_wait3A_371 = tpu.memref_slice %arg12[%add3A_367, %dma_wait3A_370] : memref<10240x128xf32, #tpu.memory_space<vmem_shared>> -> memref<80x128xf32, #tpu.memory_space<vmem_shared>>
      tpu.wait_dma2 semaphore(%arg14 : memref<!tpu.dma_semaphore, #tpu.memory_space<semaphore_mem>>) src(%dma_wait3A_371 : memref<80x128xf32, #tpu.memory_space<vmem_shared>>) dst(%dma_wait3A_369 : memref<80x128xf32, #tpu.memory_space<hbm>>)
    } else {
    }
    return
  }
}

module attributes {stable_mosaic.version = 14 : i64} {
  func.func @_dense1_body(%arg0: i32, %arg1: memref<2000x128xf32, #tpu.memory_space<vmem>>, %arg2: memref<128x128xf32, #tpu.memory_space<vmem>>, %arg3: memref<128x128xf32, #tpu.memory_space<vmem>>, %arg4: memref<1x2000x16xf32, #tpu.memory_space<vmem>>, %arg5: memref<1x2000x16xf32, #tpu.memory_space<vmem>>, %arg6: memref<2000x128xf32, #tpu.memory_space<vmem>>, %arg7: memref<2000x128xf32, #tpu.memory_space<vmem>>, %arg8: memref<2000x1xf32, #tpu.memory_space<vmem>>) attributes {dimension_semantics = [#tpu.dimension_semantics<arbitrary>], iteration_bounds = array<i64: 5>, scalar_prefetch = 0 : i64, scratch_operands = 0 : i64, tpu.core_type = #tpu.core_type<tc>, window_params = [{transform_indices = @transform_0, window_bounds = array<i64: 2000, 128>}, {pipeline_mode = #tpu.pipeline_mode<synchronous>, transform_indices = @transform_1, window_bounds = array<i64: 128, 128>}, {pipeline_mode = #tpu.pipeline_mode<synchronous>, transform_indices = @transform_2, window_bounds = array<i64: 128, 128>}, {transform_indices = @transform_3, window_bounds = array<i64: 1, 2000, 16>}, {transform_indices = @transform_4, window_bounds = array<i64: 1, 2000, 16>}, {transform_indices = @transform_5, window_bounds = array<i64: 2000, 128>}, {transform_indices = @transform_6, window_bounds = array<i64: 2000, 128>}, {transform_indices = @transform_7, window_bounds = array<i64: 2000, 1>}]} {
    %get3A = arith.constant 0 : index
    %get3A_0 = arith.constant 0 : index
    %get3A_1 = arith.constant 0 : index
    %get3A_2 = vector.load %arg4[%get3A, %get3A_0, %get3A_1] : memref<1x2000x16xf32, #tpu.memory_space<vmem>>, vector<1x2000x1xf32>
    %get3A_3 = vector.shape_cast %get3A_2 : vector<1x2000x1xf32> to vector<2000x1xf32>
    %get3A_4 = arith.constant 0 : index
    %get3A_5 = arith.constant 0 : index
    %get3A_6 = arith.constant 0 : index
    %get3A_7 = vector.load %arg5[%get3A_4, %get3A_5, %get3A_6] : memref<1x2000x16xf32, #tpu.memory_space<vmem>>, vector<1x2000x1xf32>
    %get3A_8 = vector.shape_cast %get3A_7 : vector<1x2000x1xf32> to vector<2000x1xf32>
    %add3A = arith.addf %get3A_3, %get3A_8 : vector<2000x1xf32>
    %add3A_9 = arith.constant 1.000000e+00 : f32
    %add3A_10 = vector.broadcast %add3A_9 : f32 to vector<2000x1xf32>
    %add3A_11 = arith.addf %add3A, %add3A_10 : vector<2000x1xf32>
    %rsqrt3A = math.rsqrt %add3A_11 : vector<2000x1xf32>
    %get3A_12 = arith.constant 0 : index
    %get3A_13 = arith.constant 0 : index
    %get3A_14 = vector.load %arg1[%get3A_12, %get3A_13] : memref<2000x128xf32, #tpu.memory_space<vmem>>, vector<2000x128xf32>
    %get3A_15 = arith.constant 0 : index
    %get3A_16 = arith.constant 0 : index
    %get3A_17 = vector.load %arg2[%get3A_15, %get3A_16] : memref<128x128xf32, #tpu.memory_space<vmem>>, vector<128x128xf32>
    %dot_general3A = arith.constant dense<0.000000e+00> : vector<2000x128xf32>
    %dot_general3A_18 = tpu.matmul %get3A_14, %get3A_17, %dot_general3A {dimension_numbers = #tpu.dot_dimension_numbers<[1], [0], [0], [1], [0, 0, 1, 1], [], []>, transpose_lhs_hint = false} : vector<2000x128xf32>, vector<128x128xf32>, vector<2000x128xf32> -> vector<2000x128xf32>
    %mul3A = vector.broadcast %rsqrt3A : vector<2000x1xf32> to vector<2000x128xf32>
    %mul3A_19 = arith.mulf %dot_general3A_18, %mul3A : vector<2000x128xf32>
    %swap3A = arith.constant 0 : index
    %swap3A_20 = arith.constant 0 : index
    %swap3A_21 = vector.load %arg6[%swap3A, %swap3A_20] : memref<2000x128xf32, #tpu.memory_space<vmem>>, vector<2000x128xf32>
    tpu.vector_store %arg6[%swap3A, %swap3A_20], %mul3A_19 {strides = array<i32>} : memref<2000x128xf32, #tpu.memory_space<vmem>>, vector<2000x128xf32>,
    %get3A_22 = arith.constant 0 : index
    %get3A_23 = arith.constant 0 : index
    %get3A_24 = vector.load %arg3[%get3A_22, %get3A_23] : memref<128x128xf32, #tpu.memory_space<vmem>>, vector<128x128xf32>
    %dot_general3A_25 = arith.constant dense<0.000000e+00> : vector<2000x128xf32>
    %dot_general3A_26 = tpu.matmul %get3A_14, %get3A_24, %dot_general3A_25 {dimension_numbers = #tpu.dot_dimension_numbers<[1], [0], [0], [1], [0, 0, 1, 1], [], []>, transpose_lhs_hint = false} : vector<2000x128xf32>, vector<128x128xf32>, vector<2000x128xf32> -> vector<2000x128xf32>
    %mul3A_27 = vector.broadcast %rsqrt3A : vector<2000x1xf32> to vector<2000x128xf32>
    %mul3A_28 = arith.mulf %dot_general3A_26, %mul3A_27 : vector<2000x128xf32>
    %swap3A_29 = arith.constant 0 : index
    %swap3A_30 = arith.constant 0 : index
    %swap3A_31 = vector.load %arg7[%swap3A_29, %swap3A_30] : memref<2000x128xf32, #tpu.memory_space<vmem>>, vector<2000x128xf32>
    tpu.vector_store %arg7[%swap3A_29, %swap3A_30], %mul3A_28 {strides = array<i32>} : memref<2000x128xf32, #tpu.memory_space<vmem>>, vector<2000x128xf32>,
    %swap3A_32 = arith.constant 0 : index
    %swap3A_33 = arith.constant 0 : index
    %swap3A_34 = vector.load %arg8[%swap3A_32, %swap3A_33] : memref<2000x1xf32, #tpu.memory_space<vmem>>, vector<2000x1xf32>
    tpu.vector_store %arg8[%swap3A_32, %swap3A_33], %rsqrt3A {strides = array<i32>} : memref<2000x1xf32, #tpu.memory_space<vmem>>, vector<2000x1xf32>,
    return
  }
  func.func @transform_0(%arg0: i32) -> (i32, i32) {
    %c0_i32 = arith.constant 0 : i32
    %c0_i32_0 = arith.constant 0 : i32
    return %arg0, %c0_i32 : i32, i32
  }
  func.func @transform_1(%arg0: i32) -> (i32, i32) {
    %c0_i32 = arith.constant 0 : i32
    %c0_i32_0 = arith.constant 0 : i32
    %c0_i32_1 = arith.constant 0 : i32
    return %c0_i32, %c0_i32_0 : i32, i32
  }
  func.func @transform_2(%arg0: i32) -> (i32, i32) {
    %c0_i32 = arith.constant 0 : i32
    %c0_i32_0 = arith.constant 0 : i32
    %c0_i32_1 = arith.constant 0 : i32
    return %c0_i32, %c0_i32_0 : i32, i32
  }
  func.func @transform_3(%arg0: i32) -> (i32, i32, i32) {
    %c0_i32 = arith.constant 0 : i32
    %c0_i32_0 = arith.constant 0 : i32
    %c0_i32_1 = arith.constant 0 : i32
    return %c0_i32, %arg0, %c0_i32_0 : i32, i32, i32
  }
  func.func @transform_4(%arg0: i32) -> (i32, i32, i32) {
    %c1_i32 = arith.constant 1 : i32
    %c0_i32 = arith.constant 0 : i32
    %c0_i32_0 = arith.constant 0 : i32
    return %c1_i32, %arg0, %c0_i32 : i32, i32, i32
  }
  func.func @transform_5(%arg0: i32) -> (i32, i32) {
    %c0_i32 = arith.constant 0 : i32
    %c0_i32_0 = arith.constant 0 : i32
    return %arg0, %c0_i32 : i32, i32
  }
  func.func @transform_6(%arg0: i32) -> (i32, i32) {
    %c0_i32 = arith.constant 0 : i32
    %c0_i32_0 = arith.constant 0 : i32
    return %arg0, %c0_i32 : i32, i32
  }
  func.func @transform_7(%arg0: i32) -> (i32, i32) {
    %c0_i32 = arith.constant 0 : i32
    %c0_i32_0 = arith.constant 0 : i32
    return %arg0, %c0_i32 : i32, i32
  }
}

module attributes {stable_mosaic.version = 14 : i64} {
  func.func @_heads_body(%arg0: i32, %arg1: memref<2000x128xf32, #tpu.memory_space<vmem>>, %arg2: memref<2000x128xf32, #tpu.memory_space<vmem>>, %arg3: memref<2000x128xf32, #tpu.memory_space<vmem>>, %arg4: memref<2000x128xf32, #tpu.memory_space<vmem>>, %arg5: memref<2000x1xf32, #tpu.memory_space<vmem>>, %arg6: memref<2000x128xf32, #tpu.memory_space<vmem>>, %arg7: memref<1x128xf32, #tpu.memory_space<vmem>>, %arg8: memref<128x32xf32, #tpu.memory_space<vmem>>, %arg9: memref<1x32xf32, #tpu.memory_space<vmem>>, %arg10: memref<32x32xf32, #tpu.memory_space<vmem>>, %arg11: memref<1x32xf32, #tpu.memory_space<vmem>>, %arg12: memref<32x1xf32, #tpu.memory_space<vmem>>, %arg13: memref<1x1xf32, #tpu.memory_space<vmem>>, %arg14: memref<1x128xf32, #tpu.memory_space<vmem>>, %arg15: memref<128x32xf32, #tpu.memory_space<vmem>>, %arg16: memref<1x32xf32, #tpu.memory_space<vmem>>, %arg17: memref<32x32xf32, #tpu.memory_space<vmem>>, %arg18: memref<1x32xf32, #tpu.memory_space<vmem>>, %arg19: memref<32x1xf32, #tpu.memory_space<vmem>>, %arg20: memref<1x1xf32, #tpu.memory_space<vmem>>, %arg21: memref<2000x1xf32, #tpu.memory_space<vmem>>, %arg22: memref<1x1xf32, #tpu.memory_space<vmem>>, %arg23: memref<1x128xf32, #tpu.memory_space<vmem>>) attributes {dimension_semantics = [#tpu.dimension_semantics<arbitrary>], iteration_bounds = array<i64: 5>, scalar_prefetch = 0 : i64, scratch_operands = 1 : i64, tpu.core_type = #tpu.core_type<tc>, window_params = [{transform_indices = @transform_0, window_bounds = array<i64: 2000, 128>}, {transform_indices = @transform_1, window_bounds = array<i64: 2000, 128>}, {transform_indices = @transform_2, window_bounds = array<i64: 2000, 128>}, {transform_indices = @transform_3, window_bounds = array<i64: 2000, 128>}, {transform_indices = @transform_4, window_bounds = array<i64: 2000, 1>}, {transform_indices = @transform_5, window_bounds = array<i64: 2000, 128>}, {pipeline_mode = #tpu.pipeline_mode<synchronous>, transform_indices = @transform_6, window_bounds = array<i64: 1, 128>}, {pipeline_mode = #tpu.pipeline_mode<synchronous>, transform_indices = @transform_7, window_bounds = array<i64: 128, 32>}, {pipeline_mode = #tpu.pipeline_mode<synchronous>, transform_indices = @transform_8, window_bounds = array<i64: 1, 32>}, {pipeline_mode = #tpu.pipeline_mode<synchronous>, transform_indices = @transform_9, window_bounds = array<i64: 32, 32>}, {pipeline_mode = #tpu.pipeline_mode<synchronous>, transform_indices = @transform_10, window_bounds = array<i64: 1, 32>}, {pipeline_mode = #tpu.pipeline_mode<synchronous>, transform_indices = @transform_11, window_bounds = array<i64: 32, 1>}, {pipeline_mode = #tpu.pipeline_mode<synchronous>, transform_indices = @transform_12, window_bounds = array<i64: 1, 1>}, {pipeline_mode = #tpu.pipeline_mode<synchronous>, transform_indices = @transform_13, window_bounds = array<i64: 1, 128>}, {pipeline_mode = #tpu.pipeline_mode<synchronous>, transform_indices = @transform_14, window_bounds = array<i64: 128, 32>}, {pipeline_mode = #tpu.pipeline_mode<synchronous>, transform_indices = @transform_15, window_bounds = array<i64: 1, 32>}, {pipeline_mode = #tpu.pipeline_mode<synchronous>, transform_indices = @transform_16, window_bounds = array<i64: 32, 32>}, {pipeline_mode = #tpu.pipeline_mode<synchronous>, transform_indices = @transform_17, window_bounds = array<i64: 1, 32>}, {pipeline_mode = #tpu.pipeline_mode<synchronous>, transform_indices = @transform_18, window_bounds = array<i64: 32, 1>}, {pipeline_mode = #tpu.pipeline_mode<synchronous>, transform_indices = @transform_19, window_bounds = array<i64: 1, 1>}, {transform_indices = @transform_20, window_bounds = array<i64: 2000, 1>}, {pipeline_mode = #tpu.pipeline_mode<synchronous>, transform_indices = @transform_21, window_bounds = array<i64: 1, 1>}]} {
    %get3A = arith.constant 0 : index
    %get3A_0 = arith.constant 0 : index
    %get3A_1 = vector.load %arg5[%get3A, %get3A_0] : memref<2000x1xf32, #tpu.memory_space<vmem>>, vector<2000x1xf32>
    %get3A_2 = arith.constant 0 : index
    %get3A_3 = arith.constant 0 : index
    %get3A_4 = vector.load %arg6[%get3A_2, %get3A_3] : memref<2000x128xf32, #tpu.memory_space<vmem>>, vector<2000x128xf32>
    %get3A_5 = arith.constant 0 : index
    %get3A_6 = arith.constant 0 : index
    %get3A_7 = vector.load %arg1[%get3A_5, %get3A_6] : memref<2000x128xf32, #tpu.memory_space<vmem>>, vector<2000x128xf32>
    %get3A_8 = arith.constant 0 : index
    %get3A_9 = arith.constant 0 : index
    %get3A_10 = vector.load %arg2[%get3A_8, %get3A_9] : memref<2000x128xf32, #tpu.memory_space<vmem>>, vector<2000x128xf32>
    %add3A = arith.addf %get3A_7, %get3A_10 : vector<2000x128xf32>
    %mul3A = vector.broadcast %get3A_1 : vector<2000x1xf32> to vector<2000x128xf32>
    %mul3A_11 = arith.mulf %mul3A, %add3A : vector<2000x128xf32>
    %get3A_12 = arith.constant 0 : index
    %get3A_13 = arith.constant 0 : index
    %get3A_14 = vector.load %arg7[%get3A_12, %get3A_13] : memref<1x128xf32, #tpu.memory_space<vmem>>, vector<1x128xf32>
    %add3A_15 = vector.broadcast %get3A_14 : vector<1x128xf32> to vector<2000x128xf32>
    %add3A_16 = arith.addf %mul3A_11, %add3A_15 : vector<2000x128xf32>
    %max3A = arith.constant 0.000000e+00 : f32
    %max3A_17 = vector.broadcast %max3A : f32 to vector<2000x128xf32>
    %max3A_18 = arith.maximumf %add3A_16, %max3A_17 : vector<2000x128xf32>
    %add3A_19 = arith.addf %max3A_18, %get3A_4 : vector<2000x128xf32>
    %get3A_20 = arith.constant 0 : index
    %get3A_21 = arith.constant 0 : index
    %get3A_22 = vector.load %arg8[%get3A_20, %get3A_21] : memref<128x32xf32, #tpu.memory_space<vmem>>, vector<128x32xf32>
    %dot_general3A = arith.constant dense<0.000000e+00> : vector<2000x32xf32>
    %dot_general3A_23 = tpu.matmul %add3A_19, %get3A_22, %dot_general3A {dimension_numbers = #tpu.dot_dimension_numbers<[1], [0], [0], [1], [0, 0, 1, 1], [], []>, transpose_lhs_hint = false} : vector<2000x128xf32>, vector<128x32xf32>, vector<2000x32xf32> -> vector<2000x32xf32>
    %get3A_24 = arith.constant 0 : index
    %get3A_25 = arith.constant 0 : index
    %get3A_26 = vector.load %arg9[%get3A_24, %get3A_25] : memref<1x32xf32, #tpu.memory_space<vmem>>, vector<1x32xf32>
    %add3A_27 = vector.broadcast %get3A_26 : vector<1x32xf32> to vector<2000x32xf32>
    %add3A_28 = arith.addf %dot_general3A_23, %add3A_27 : vector<2000x32xf32>
    %max3A_29 = arith.constant 0.000000e+00 : f32
    %max3A_30 = vector.broadcast %max3A_29 : f32 to vector<2000x32xf32>
    %max3A_31 = arith.maximumf %add3A_28, %max3A_30 : vector<2000x32xf32>
    %get3A_32 = arith.constant 0 : index
    %get3A_33 = arith.constant 0 : index
    %get3A_34 = vector.load %arg10[%get3A_32, %get3A_33] : memref<32x32xf32, #tpu.memory_space<vmem>>, vector<32x32xf32>
    %dot_general3A_35 = arith.constant dense<0.000000e+00> : vector<2000x32xf32>
    %dot_general3A_36 = tpu.matmul %max3A_31, %get3A_34, %dot_general3A_35 {dimension_numbers = #tpu.dot_dimension_numbers<[1], [0], [0], [1], [0, 0, 1, 1], [], []>, transpose_lhs_hint = false} : vector<2000x32xf32>, vector<32x32xf32>, vector<2000x32xf32> -> vector<2000x32xf32>
    %get3A_37 = arith.constant 0 : index
    %get3A_38 = arith.constant 0 : index
    %get3A_39 = vector.load %arg11[%get3A_37, %get3A_38] : memref<1x32xf32, #tpu.memory_space<vmem>>, vector<1x32xf32>
    %add3A_40 = vector.broadcast %get3A_39 : vector<1x32xf32> to vector<2000x32xf32>
    %add3A_41 = arith.addf %dot_general3A_36, %add3A_40 : vector<2000x32xf32>
    %max3A_42 = arith.constant 0.000000e+00 : f32
    %max3A_43 = vector.broadcast %max3A_42 : f32 to vector<2000x32xf32>
    %max3A_44 = arith.maximumf %add3A_41, %max3A_43 : vector<2000x32xf32>
    %get3A_45 = arith.constant 0 : index
    %get3A_46 = arith.constant 0 : index
    %get3A_47 = vector.load %arg12[%get3A_45, %get3A_46] : memref<32x1xf32, #tpu.memory_space<vmem>>, vector<32x1xf32>
    %dot_general3A_48 = arith.constant dense<0.000000e+00> : vector<2000x1xf32>
    %dot_general3A_49 = tpu.matmul %max3A_44, %get3A_47, %dot_general3A_48 {dimension_numbers = #tpu.dot_dimension_numbers<[1], [0], [0], [1], [0, 0, 1, 1], [], []>, transpose_lhs_hint = false} : vector<2000x32xf32>, vector<32x1xf32>, vector<2000x1xf32> -> vector<2000x1xf32>
    %get3A_50 = arith.constant 0 : index
    %get3A_51 = arith.constant 0 : index
    %get3A_52 = vector.load %arg13[%get3A_50, %get3A_51] : memref<1x1xf32, #tpu.memory_space<vmem>>, vector<1x1xf32>
    %add3A_53 = vector.broadcast %get3A_52 : vector<1x1xf32> to vector<2000x1xf32>
    %add3A_54 = arith.addf %dot_general3A_49, %add3A_53 : vector<2000x1xf32>
    %abs3A = math.absf %add3A_54 : vector<2000x1xf32>
    %neg3A = arith.constant 0.000000e+00 : f32
    %neg3A_55 = vector.broadcast %neg3A : f32 to vector<2000x1xf32>
    %neg3A_56 = arith.subf %neg3A_55, %abs3A : vector<2000x1xf32>
    %exp3A = math.exp %neg3A_56 : vector<2000x1xf32>
    %log1p3A = math.log1p %exp3A : vector<2000x1xf32>
    %max3A_57 = arith.constant 0.000000e+00 : f32
    %max3A_58 = vector.broadcast %max3A_57 : f32 to vector<2000x1xf32>
    %max3A_59 = arith.maximumf %add3A_54, %max3A_58 : vector<2000x1xf32>
    %add3A_60 = arith.addf %log1p3A, %max3A_59 : vector<2000x1xf32>
    %add3A_61 = arith.constant 9.99999968E-21 : f32
    %add3A_62 = vector.broadcast %add3A_61 : f32 to vector<2000x1xf32>
    %add3A_63 = arith.addf %add3A_60, %add3A_62 : vector<2000x1xf32>
    %swap3A = arith.constant 0 : index
    %swap3A_64 = arith.constant 0 : index
    %swap3A_65 = vector.load %arg21[%swap3A, %swap3A_64] : memref<2000x1xf32, #tpu.memory_space<vmem>>, vector<2000x1xf32>
    tpu.vector_store %arg21[%swap3A, %swap3A_64], %add3A_63 {strides = array<i32>} : memref<2000x1xf32, #tpu.memory_space<vmem>>, vector<2000x1xf32>,
    %get3A_66 = arith.constant 0 : index
    %get3A_67 = arith.constant 0 : index
    %get3A_68 = vector.load %arg3[%get3A_66, %get3A_67] : memref<2000x128xf32, #tpu.memory_space<vmem>>, vector<2000x128xf32>
    %get3A_69 = arith.constant 0 : index
    %get3A_70 = arith.constant 0 : index
    %get3A_71 = vector.load %arg4[%get3A_69, %get3A_70] : memref<2000x128xf32, #tpu.memory_space<vmem>>, vector<2000x128xf32>
    %add3A_72 = arith.addf %get3A_68, %get3A_71 : vector<2000x128xf32>
    %mul3A_73 = vector.broadcast %get3A_1 : vector<2000x1xf32> to vector<2000x128xf32>
    %mul3A_74 = arith.mulf %mul3A_73, %add3A_72 : vector<2000x128xf32>
    %get3A_75 = arith.constant 0 : index
    %get3A_76 = arith.constant 0 : index
    %get3A_77 = vector.load %arg14[%get3A_75, %get3A_76] : memref<1x128xf32, #tpu.memory_space<vmem>>, vector<1x128xf32>
    %add3A_78 = vector.broadcast %get3A_77 : vector<1x128xf32> to vector<2000x128xf32>
    %add3A_79 = arith.addf %mul3A_74, %add3A_78 : vector<2000x128xf32>
    %max3A_80 = arith.constant 0.000000e+00 : f32
    %max3A_81 = vector.broadcast %max3A_80 : f32 to vector<2000x128xf32>
    %max3A_82 = arith.maximumf %add3A_79, %max3A_81 : vector<2000x128xf32>
    %add3A_83 = arith.addf %max3A_82, %get3A_4 : vector<2000x128xf32>
    %reduce_sum3A = arith.constant dense<0.000000e+00> : vector<128xf32>
    %reduce_sum3A_84 = vector.multi_reduction <add>, %add3A_83, %reduce_sum3A [0] : vector<2000x128xf32> to vector<128xf32>
    %broadcast_in_dim3A = vector.shape_cast %reduce_sum3A_84 : vector<128xf32> to vector<1x128xf32>
    %eq3A = arith.constant 0 : i32
    %eq3A_85 = arith.cmpi eq, %arg0, %eq3A : i32
    %convert_element_type3A = arith.extui %eq3A_85 : i1 to i32
    %cond3A = arith.constant 0 : i32
    %cond3A_86 = arith.cmpi ne, %convert_element_type3A, %cond3A : i32
    scf.if %cond3A_86 {
      %broadcast_in_dim3A_130 = arith.constant 0.000000e+00 : f32
      %broadcast_in_dim3A_131 = vector.broadcast %broadcast_in_dim3A_130 : f32 to vector<1x128xf32>
      %swap3A_132 = arith.constant 0 : index
      %swap3A_133 = arith.constant 0 : index
      %swap3A_134 = vector.load %arg23[%swap3A_132, %swap3A_133] : memref<1x128xf32, #tpu.memory_space<vmem>>, vector<1x128xf32>
      tpu.vector_store %arg23[%swap3A_132, %swap3A_133], %broadcast_in_dim3A_131 {strides = array<i32>} : memref<1x128xf32, #tpu.memory_space<vmem>>, vector<1x128xf32>,
    } else {
    }
    %get3A_87 = arith.constant 0 : index
    %get3A_88 = arith.constant 0 : index
    %get3A_89 = vector.load %arg23[%get3A_87, %get3A_88] : memref<1x128xf32, #tpu.memory_space<vmem>>, vector<1x128xf32>
    %add3A_90 = arith.addf %get3A_89, %broadcast_in_dim3A : vector<1x128xf32>
    %swap3A_91 = arith.constant 0 : index
    %swap3A_92 = arith.constant 0 : index
    %swap3A_93 = vector.load %arg23[%swap3A_91, %swap3A_92] : memref<1x128xf32, #tpu.memory_space<vmem>>, vector<1x128xf32>
    tpu.vector_store %arg23[%swap3A_91, %swap3A_92], %add3A_90 {strides = array<i32>} : memref<1x128xf32, #tpu.memory_space<vmem>>, vector<1x128xf32>,
    %get3A_94 = arith.constant 0 : index
    %get3A_95 = arith.constant 0 : index
    %get3A_96 = vector.load %arg15[%get3A_94, %get3A_95] : memref<128x32xf32, #tpu.memory_space<vmem>>, vector<128x32xf32>
    %dot_general3A_97 = arith.constant dense<0.000000e+00> : vector<1x32xf32>
    %dot_general3A_98 = tpu.matmul %add3A_90, %get3A_96, %dot_general3A_97 {dimension_numbers = #tpu.dot_dimension_numbers<[1], [0], [0], [1], [0, 0, 1, 1], [], []>, transpose_lhs_hint = false} : vector<1x128xf32>, vector<128x32xf32>, vector<1x32xf32> -> vector<1x32xf32>
    %get3A_99 = arith.constant 0 : index
    %get3A_100 = arith.constant 0 : index
    %get3A_101 = vector.load %arg16[%get3A_99, %get3A_100] : memref<1x32xf32, #tpu.memory_space<vmem>>, vector<1x32xf32>
    %add3A_102 = arith.addf %dot_general3A_98, %get3A_101 : vector<1x32xf32>
    %max3A_103 = arith.constant 0.000000e+00 : f32
    %max3A_104 = vector.broadcast %max3A_103 : f32 to vector<1x32xf32>
    %max3A_105 = arith.maximumf %add3A_102, %max3A_104 : vector<1x32xf32>
    %get3A_106 = arith.constant 0 : index
    %get3A_107 = arith.constant 0 : index
    %get3A_108 = vector.load %arg17[%get3A_106, %get3A_107] : memref<32x32xf32, #tpu.memory_space<vmem>>, vector<32x32xf32>
    %dot_general3A_109 = arith.constant dense<0.000000e+00> : vector<1x32xf32>
    %dot_general3A_110 = tpu.matmul %max3A_105, %get3A_108, %dot_general3A_109 {dimension_numbers = #tpu.dot_dimension_numbers<[1], [0], [0], [1], [0, 0, 1, 1], [], []>, transpose_lhs_hint = false} : vector<1x32xf32>, vector<32x32xf32>, vector<1x32xf32> -> vector<1x32xf32>
    %get3A_111 = arith.constant 0 : index
    %get3A_112 = arith.constant 0 : index
    %get3A_113 = vector.load %arg18[%get3A_111, %get3A_112] : memref<1x32xf32, #tpu.memory_space<vmem>>, vector<1x32xf32>
    %add3A_114 = arith.addf %dot_general3A_110, %get3A_113 : vector<1x32xf32>
    %max3A_115 = arith.constant 0.000000e+00 : f32
    %max3A_116 = vector.broadcast %max3A_115 : f32 to vector<1x32xf32>
    %max3A_117 = arith.maximumf %add3A_114, %max3A_116 : vector<1x32xf32>
    %get3A_118 = arith.constant 0 : index
    %get3A_119 = arith.constant 0 : index
    %get3A_120 = vector.load %arg19[%get3A_118, %get3A_119] : memref<32x1xf32, #tpu.memory_space<vmem>>, vector<32x1xf32>
    %dot_general3A_121 = arith.constant dense<0.000000e+00> : vector<1x1xf32>
    %dot_general3A_122 = tpu.matmul %max3A_117, %get3A_120, %dot_general3A_121 {dimension_numbers = #tpu.dot_dimension_numbers<[1], [0], [0], [1], [0, 0, 1, 1], [], []>, transpose_lhs_hint = false} : vector<1x32xf32>, vector<32x1xf32>, vector<1x1xf32> -> vector<1x1xf32>
    %get3A_123 = arith.constant 0 : index
    %get3A_124 = arith.constant 0 : index
    %get3A_125 = vector.load %arg20[%get3A_123, %get3A_124] : memref<1x1xf32, #tpu.memory_space<vmem>>, vector<1x1xf32>
    %add3A_126 = arith.addf %dot_general3A_122, %get3A_125 : vector<1x1xf32>
    %swap3A_127 = arith.constant 0 : index
    %swap3A_128 = arith.constant 0 : index
    %swap3A_129 = vector.load %arg22[%swap3A_127, %swap3A_128] : memref<1x1xf32, #tpu.memory_space<vmem>>, vector<1x1xf32>
    tpu.vector_store %arg22[%swap3A_127, %swap3A_128], %add3A_126 {strides = array<i32>} : memref<1x1xf32, #tpu.memory_space<vmem>>, vector<1x1xf32>,
    return
  }
  func.func @transform_0(%arg0: i32) -> (i32, i32) {
    %c0_i32 = arith.constant 0 : i32
    %c0_i32_0 = arith.constant 0 : i32
    return %arg0, %c0_i32 : i32, i32
  }
  func.func @transform_1(%arg0: i32) -> (i32, i32) {
    %c0_i32 = arith.constant 0 : i32
    %c0_i32_0 = arith.constant 0 : i32
    return %arg0, %c0_i32 : i32, i32
  }
  func.func @transform_2(%arg0: i32) -> (i32, i32) {
    %c0_i32 = arith.constant 0 : i32
    %c0_i32_0 = arith.constant 0 : i32
    return %arg0, %c0_i32 : i32, i32
  }
  func.func @transform_3(%arg0: i32) -> (i32, i32) {
    %c0_i32 = arith.constant 0 : i32
    %c0_i32_0 = arith.constant 0 : i32
    return %arg0, %c0_i32 : i32, i32
  }
  func.func @transform_4(%arg0: i32) -> (i32, i32) {
    %c0_i32 = arith.constant 0 : i32
    %c0_i32_0 = arith.constant 0 : i32
    return %arg0, %c0_i32 : i32, i32
  }
  func.func @transform_5(%arg0: i32) -> (i32, i32) {
    %c0_i32 = arith.constant 0 : i32
    %c0_i32_0 = arith.constant 0 : i32
    return %arg0, %c0_i32 : i32, i32
  }
  func.func @transform_6(%arg0: i32) -> (i32, i32) {
    %c0_i32 = arith.constant 0 : i32
    %c0_i32_0 = arith.constant 0 : i32
    %c0_i32_1 = arith.constant 0 : i32
    return %c0_i32, %c0_i32_0 : i32, i32
  }
  func.func @transform_7(%arg0: i32) -> (i32, i32) {
    %c0_i32 = arith.constant 0 : i32
    %c0_i32_0 = arith.constant 0 : i32
    %c0_i32_1 = arith.constant 0 : i32
    return %c0_i32, %c0_i32_0 : i32, i32
  }
  func.func @transform_8(%arg0: i32) -> (i32, i32) {
    %c0_i32 = arith.constant 0 : i32
    %c0_i32_0 = arith.constant 0 : i32
    %c0_i32_1 = arith.constant 0 : i32
    return %c0_i32, %c0_i32_0 : i32, i32
  }
  func.func @transform_9(%arg0: i32) -> (i32, i32) {
    %c0_i32 = arith.constant 0 : i32
    %c0_i32_0 = arith.constant 0 : i32
    %c0_i32_1 = arith.constant 0 : i32
    return %c0_i32, %c0_i32_0 : i32, i32
  }
  func.func @transform_10(%arg0: i32) -> (i32, i32) {
    %c0_i32 = arith.constant 0 : i32
    %c0_i32_0 = arith.constant 0 : i32
    %c0_i32_1 = arith.constant 0 : i32
    return %c0_i32, %c0_i32_0 : i32, i32
  }
  func.func @transform_11(%arg0: i32) -> (i32, i32) {
    %c0_i32 = arith.constant 0 : i32
    %c0_i32_0 = arith.constant 0 : i32
    %c0_i32_1 = arith.constant 0 : i32
    return %c0_i32, %c0_i32_0 : i32, i32
  }
  func.func @transform_12(%arg0: i32) -> (i32, i32) {
    %c0_i32 = arith.constant 0 : i32
    %c0_i32_0 = arith.constant 0 : i32
    %c0_i32_1 = arith.constant 0 : i32
    return %c0_i32, %c0_i32_0 : i32, i32
  }
  func.func @transform_13(%arg0: i32) -> (i32, i32) {
    %c0_i32 = arith.constant 0 : i32
    %c0_i32_0 = arith.constant 0 : i32
    %c0_i32_1 = arith.constant 0 : i32
    return %c0_i32, %c0_i32_0 : i32, i32
  }
  func.func @transform_14(%arg0: i32) -> (i32, i32) {
    %c0_i32 = arith.constant 0 : i32
    %c0_i32_0 = arith.constant 0 : i32
    %c0_i32_1 = arith.constant 0 : i32
    return %c0_i32, %c0_i32_0 : i32, i32
  }
  func.func @transform_15(%arg0: i32) -> (i32, i32) {
    %c0_i32 = arith.constant 0 : i32
    %c0_i32_0 = arith.constant 0 : i32
    %c0_i32_1 = arith.constant 0 : i32
    return %c0_i32, %c0_i32_0 : i32, i32
  }
  func.func @transform_16(%arg0: i32) -> (i32, i32) {
    %c0_i32 = arith.constant 0 : i32
    %c0_i32_0 = arith.constant 0 : i32
    %c0_i32_1 = arith.constant 0 : i32
    return %c0_i32, %c0_i32_0 : i32, i32
  }
  func.func @transform_17(%arg0: i32) -> (i32, i32) {
    %c0_i32 = arith.constant 0 : i32
    %c0_i32_0 = arith.constant 0 : i32
    %c0_i32_1 = arith.constant 0 : i32
    return %c0_i32, %c0_i32_0 : i32, i32
  }
  func.func @transform_18(%arg0: i32) -> (i32, i32) {
    %c0_i32 = arith.constant 0 : i32
    %c0_i32_0 = arith.constant 0 : i32
    %c0_i32_1 = arith.constant 0 : i32
    return %c0_i32, %c0_i32_0 : i32, i32
  }
  func.func @transform_19(%arg0: i32) -> (i32, i32) {
    %c0_i32 = arith.constant 0 : i32
    %c0_i32_0 = arith.constant 0 : i32
    %c0_i32_1 = arith.constant 0 : i32
    return %c0_i32, %c0_i32_0 : i32, i32
  }
  func.func @transform_20(%arg0: i32) -> (i32, i32) {
    %c0_i32 = arith.constant 0 : i32
    %c0_i32_0 = arith.constant 0 : i32
    return %arg0, %c0_i32 : i32, i32
  }
  func.func @transform_21(%arg0: i32) -> (i32, i32) {
    %c0_i32 = arith.constant 0 : i32
    %c0_i32_0 = arith.constant 0 : i32
    %c0_i32_1 = arith.constant 0 : i32
    return %c0_i32, %c0_i32_0 : i32, i32
  }
}

</mosaic_0001>

<sc_bundles>
// kernel: kernel.6.cloned.1.call-start
scs
__scs_entry_jumppad:
0x0: {  	(pc) =	sbr.rel $0x88, $3  }
0x1: {  	(tag) =	ssettag $0x0;
	lr =	simm.s32 $0x1  }
0x2: {  	[smem:$0x3F8F] =	sst lr;
	_ =	strace $0xD0000000  }
0x3: {  	_ = 	snop  }
0x4: {  	_ = 	snop  }
0x5: {  	_ = 	snop  }
0x6: {  	_ = 	snop  }
0x7: {  	_ = 	snop  }
__scs_overlays_trampoline_lowered:
0x8: {  	[smem:$0x3F9E] =	sst s0  }
0x9: {  	[smem:$0x3F9F] =	sst s1  }
0xa: {  	[smem:$0x3FA0] =	sst s2  }
0xb: {  	[smem:$0x3FA1] =	sst s3  }
0xc: {  	[smem:$0x3FA2] =	sst s4  }
0xd: {  	[smem:$0x3FA3] =	sst s5  }
0xe: {  	[smem:$0x3FA4] =	sst s6  }
0xf: {  	[smem:$0x3FA5] =	sst s7  }
0x10: {  	[smem:$0x3FA6] =	sst s8  }
0x11: {  	[smem:$0x3FA7] =	sst s9;
	s0 =	simm.s32 @!p0 $0x0  }
0x12: {  	s1 =	sld [smem:$0x3F8D];
	s0 =	simm.s32 @p0 $0x1  }
0x13: {  	[smem:$0x3FA8] =	sst s0;
	s0 =	simm.s32 @!p1 $0x0  }
0x14: {  	s2 =	sld [smem:$0x3F8C];
	s0 =	simm.s32 @p1 $0x1  }
0x15: {  	[smem:$0x3FA9] =	sst s0;
	s0 =	simm.s32 @!p2 $0x0  }
0x16: {  	s3 =	sld [smem:$0x3FDB];
	s0 =	simm.s32 @p2 $0x1  }
0x17: {  	s4 =	simm.s32 $0x1BF5;
	[smem:$0x3FAB] =	sst s0  }
0x18: {  	s0 =	sld [smem:$0x3F8E];
	_ =	swait.ge [sflag:s4], $0x0  }
0x19: {  	s7 =	sld [smem:$0x3F8F]  }
0x1a: {  	s8 =	sadd.s32 $0xFFFFE003, lr  }
0x1b: {  	s9 =	sadd.s32 $0xFFFFFEF7, lr;
	s5 =	simm.s32 $0xFFFFFFFF;
	p2 =	slt.u32 s8, $0xFFFFF086  }
0x1c: {  	p1 =	slt.u32 s9, $0xF7A;
	s5 =	simm.s32 @!p2 $0x0  }
0x1d: {  	s5 =	simm.s32 @p1 $0x1;
	p0 =	seq.s32 s7, s2  }
0x1e: {  	s7 =	smul.u32 @!p0 $0xF7A, s2;
	p2 =	seq.s32 @!p0 s5, $0x0  }
0x1f: {  	s9 =	smul.u32 $0xF7A, s1;
	s8 =	simm.s32 @!p0 $0x1BF5;
	p2 =	por !p2, p0  }
0x20: {  	[sflag:s8] =	ssyncset.s32 @!p0 $0xFFFFF086;
	s6 =	sadd.s32 @!p0 s3, s7;
	s7 =	simm.s32 @!p0 $0x108  }
0x21: {  	s3 =	sadd.s32 s3, s9;
	s6 =	sadd.s32 @!p0 $0x88, s6;
	s7 =	simm.s32 @p2 $0x1082  }
0x22: {  	[simem:s7], [sflag:s8] =	dma.local @!p0 [hbm:s6], $0xF7A  }
0x23: {  	s9 =	sor.u32 $0xD0000000, s2;
	s6 =	simm.s32 $0x108;
	_ =	swait.ge @!p0 [sflag:s8], $0x0  }
0x24: {  	s3 =	sadd.s32 $0x88, s3;
	s6 =	simm.s32 @!p1 $0x1082;
	[sflag:s4] =	ssyncset.s32 $0xFFFFF086  }
0x25: {  	[simem:s6], [sflag:s4] =	dma.local [hbm:s3], $0xF7A  }
0x26: {  	[smem:$0x3F8F] =	sst s1;
	(tag) =	ssettag s2;
	_ =	strace s9  }
0x27: {  	s1 =	sld [smem:$0x3F9F]  }
0x28: {  	s2 =	sld [smem:$0x3FA0]  }
0x29: {  	s4 =	sld [smem:$0x3FA2]  }
0x2a: {  	p0 =	seq.s32 s5, $0x0;
	s5 =	sld [smem:$0x3FA3]  }
0x2b: {  	s6 =	sld [smem:$0x3FA4]  }
0x2c: {  	s7 =	sld [smem:$0x3FA5]  }
0x2d: {  	s3 =	simm.s32 $0x108;
	s8 =	sld [smem:$0x3FA6]  }
0x2e: {  	s3 =	simm.s32 @!p0 $0x1082;
	s9 =	sld [smem:$0x3FA7]  }
0x2f: {  	lr =	sadd.s32 s0, s3;
	s0 =	sld [smem:$0x3F9E]  }
0x30: {  	s3 =	sld [smem:$0x3FA1]  }
0x31: {  	[smem:$0x3FAA] =	sst s10  }
0x32: {  	s10 =	sld [smem:$0x3FA8];
	_ =	sdelay $0x3  }
0x33: {  	p0 =	seq.s32 s10, $0x1;
	s10 =	sld [smem:$0x3FAA];
	_ =	sdelay $0x3  }
0x34: {  	[smem:$0x3FAA] =	sst s10  }
0x35: {  	s10 =	sld [smem:$0x3FA9];
	_ =	sdelay $0x3  }
0x36: {  	p1 =	seq.s32 s10, $0x1;
	s10 =	sld [smem:$0x3FAA];
	_ =	sdelay $0x3  }
0x37: {  	[smem:$0x3FAA] =	sst s10  }
0x38: {  	s10 =	sld [smem:$0x3FAB]  }
0x39: {  	_ = 	snop;
	(pc) =	sbr.ind lr, $3  }
0x3a: {  	_ = 	snop  }
0x3b: {  	_ = 	snop  }
0x3c: {  	p2 =	seq.s32 s10, $0x1;
	s10 =	sld [smem:$0x3FAA]  }
0x3d: {  	_ =	shalt  }
0x3e: {  	_ =	shalt  }
0x3f: {  	_ =	shalt  }
0x40: {  	_ =	shalt  }
0x41: {  	_ =	shalt  }
0x42: {  	_ =	shalt  }
0x43: {  	_ =	shalt  }
0x44: {  	_ =	shalt  }
0x45: {  	_ =	shalt  }
0x46: {  	_ =	shalt  }
0x47: {  	_ =	shalt  }
0x48: {  	_ =	shalt  }
0x49: {  	_ =	shalt  }
0x4a: {  	_ =	shalt  }
0x4b: {  	_ =	shalt  }
0x4c: {  	_ =	shalt  }
0x4d: {  	_ =	shalt  }
0x4e: {  	_ =	shalt  }
0x4f: {  	_ =	shalt  }
0x50: {  	_ =	shalt  }
0x51: {  	_ =	shalt  }
0x52: {  	_ =	shalt  }
0x53: {  	_ =	shalt  }
0x54: {  	_ =	shalt  }
0x55: {  	_ =	shalt  }
0x56: {  	_ =	shalt  }
0x57: {  	_ =	shalt  }
0x58: {  	_ =	shalt  }
0x59: {  	_ =	shalt  }
0x5a: {  	_ =	shalt  }
0x5b: {  	_ =	shalt  }
0x5c: {  	_ =	shalt  }
0x5d: {  	_ =	shalt  }
0x5e: {  	_ =	shalt  }
0x5f: {  	_ =	shalt  }
0x60: {  	_ =	shalt  }
0x61: {  	_ =	shalt  }
0x62: {  	_ =	shalt  }
0x63: {  	_ =	shalt  }
0x64: {  	_ =	shalt  }
0x65: {  	_ =	shalt  }
0x66: {  	_ =	shalt  }
0x67: {  	_ =	shalt  }
0x68: {  	_ =	shalt  }
0x69: {  	_ =	shalt  }
0x6a: {  	_ =	shalt  }
0x6b: {  	_ =	shalt  }
0x6c: {  	_ =	shalt  }
0x6d: {  	_ =	shalt  }
0x6e: {  	_ =	shalt  }
0x6f: {  	_ =	shalt  }
0x70: {  	_ =	shalt  }
0x71: {  	_ =	shalt  }
0x72: {  	_ =	shalt  }
0x73: {  	_ =	shalt  }
0x74: {  	_ =	shalt  }
0x75: {  	_ =	shalt  }
0x76: {  	_ =	shalt  }
0x77: {  	_ =	shalt  }
0x78: {  	_ =	shalt  }
0x79: {  	_ =	shalt  }
0x7a: {  	_ =	shalt  }
0x7b: {  	_ =	shalt  }
0x7c: {  	_ =	shalt  }
0x7d: {  	_ =	shalt  }
0x7e: {  	_ =	shalt  }
0x7f: {  	_ =	shalt  }
0x80: {  	_ =	shalt  }
0x81: {  	_ =	shalt  }
0x82: {  	_ =	shalt  }
0x83: {  	_ =	shalt  }
0x84: {  	_ =	shalt  }
0x85: {  	_ =	shalt  }
0x86: {  	_ =	shalt  }
0x87: {  	_ =	shalt  }
.Lfunc_end0:
.L_simem_size_0:
called_computation_lowered:
.L_overlay_start_0:
0x88: {  	s2 =	sld [smem:$0x3FD9]  }
0x89: {  	s3 =	sld [smem:$0x3FFE];
	_ =	sdelay $0x1  }
0x8a: {  	s1 =	srdreg.scid  }
0x8b: {  	s0 =	sand.u32 $0x1, s1  }
0x8c: {  	s16 =	sshll.u32 s0, $0xA;
	s2 =	sadd.s32 s3, s2  }
0x8d: {  	s2 =	sadd.s32 s2, s16  }
0x8e: {  	[smem:$0x3FB6] =	sst s2  }
0x8f: {  	_ = 	snop  }
0x90: {  	(tm) =	ssettm $0x1  }
0x91: {  	s17 =	sld [smem:$0x3FFB];
	_ =	sdelay $0x3  }
0x92: {  	_ =	strace s17  }
0x93: {  	s2 =	sld [smem:$0x3FFC];
	_ =	sdelay $0x3  }
0x94: {  	_ =	strace s2  }
0x95: {  	s2 =	sld [smem:$0x3FFD];
	_ =	sdelay $0x3  }
0x96: {  	_ =	strace s2  }
0x97: {  	_ =	strace $0x8FFFFFFF  }
0x98: {  	s18 =	sld [smem:$0x3FDB];
	_ =	sdelay $0x1  }
0x99: {  	s19 =	simm.s32 $_scs_section_size  }
0x9a: {  	s4 =	simm.s32 $_size__tile_overlayer_lowered;
	s5 =	simm.s32 $_tile_overlayer_lowered  }
0x9b: {  	s22 =	simm.s32 $0x1BFF;
	s21 =	sshll.u32 s5, $0x1;
	s2 =	sadd.s32 s19, s18  }
0x9c: {  	s6 =	simm.s32 $0x0;
	s20 =	sshll.u32 s4, $0x1;
	s4 =	sadd.s32 s21, s2  }
0x9d: {  	[timem:s6], [sflag:s22] =	dma.local [hbm:s4], s20  }
0x9e: {  	_ =	swait.ge [sflag:s22], s20  }
0x9f: {  	s3 =	ssub.s32 $0x0, s20;
	[sflag:s22] =	ssyncset.done $0x0  }
0xa0: {  	[sflag:s22] =	ssyncadd.s32 s3;
	_ =	sdelay $0x1  }
0xa1: {  	s23 =	simm.s32 $0x1B8B  }
0xa2: {  	_ =	swait.ge [sflag:s23], $0x1  }
0xa3: {  	[sflag:s23] =	ssyncset.done $0x0  }
0xa4: {  	s25 =	simm.s32 $0x1B8E;
	s24 =	sld [smem:$0x3FFE];
	[sflag:s23] =	ssyncadd.s32 $0xFFFFFFFF  }
0xa5: {  	s26 =	simm.s32 $execute0_lowered;
	[smem:$0x3FD2] =	sst s25  }
0xa6: {  	s4 =	sshll.u32 s26, $0x1;
	_ =	strace $0x80000046;
	[dreg:$0x1] =	wrdreg $0xFFFFFFFF  }
0xa7: {  	s28 =	simm.s32 $_size_execute0_lowered;
	s2 =	sadd.s32 s2, s4;
	[dreg:$0x0] =	wrdreg $0x0  }
0xa8: {  	s4 =	sshll.u32 s28, $0x1;
	[dreg:$0x2] =	wrdreg s2  }
0xa9: {  	[dreg:$0x3] =	wrdreg s4  }
0xaa: {  	[dreg:$0x4] =	wrdreg $0xC0  }
0xab: {  	_ =	task [dreg:s6], $0x5FFFF  }
0xac: {  	[dreg:$0x1] =	wrdreg $0xFFFFFFFF  }
0xad: {  	[dreg:$0x0] =	wrdreg $0x60  }
0xae: {  	[dreg:$0x2] =	wrdreg s24  }
0xaf: {  	[dreg:$0x3] =	wrdreg $0x7C000  }
0xb0: {  	[dreg:$0x4] =	wrdreg $0x9  }
0xb1: {  	_ =	task.clear_ibuf [dreg:s6], $0x5FFFF;
	_ =	strace $0x90000046  }
0xb2: {  	s29 =	simm.s32 $0x9;
	_ =	strace $0x80000048  }
0xb3: {  	_ =	swait.ge [sflag:s29], $0x1  }
0xb4: {  	[sflag:s29] =	ssyncadd.s32 $0xFFFFFFFF  }
0xb5: {  	_ =	strace $0x90000048  }
0xb6: {  	_ =	sfence  }
0xb7: {  	s30 =	sld [smem:$0x0];
	_ =	sdelay $0x2  }
0xb8: {  	s31 =	sshll.u32 s1, $0xD;
	s1 =	sshrl.u32 s1, $0x2  }
0xb9: {  	s3 =	sand.u32 $0x4000, s31;
	s1 =	sadd.s32 s1, s30  }
0xba: {  	s0 =	sor.u32 s3, s0;
	s1 =	sshll.u32 s1, $0x11  }
0xbb: {  	s0 =	sor.u32 s1, s0  }
0xbc: {  	s0 =	sadd.s32 $0x8F2B, s0  }
0xbd: {  	[sflag:s0] =	ssyncadd.remote.s32 $0x1  }
0xbe: {  	_ =	sfence.sel $0xFFFF  }
0xbf: {  	[dreg:$0x0] =	wrdreg $0xFFFFFFFF;
	(pc) =	sbr.abs _section_cstart, $3  }
0xc0: {  	[dreg:$0x1] =	wrdreg $0xFFFFFFFF  }
0xc1: {  	_ =	task.clear_ibuf [dreg:s6], $0x2FFFF;
	_ =	strace $0x9FFFFFFF  }
0xc2: {  	(tm) =	ssettm $0x7FFFFFFF  }
0xc3: {  	_ =	shalt  }
tec
execute0_lowered:
.L_overlay_start_1:
0x0: {  	(tag) =	ssettag $0x1  }
0x1: {  	s0 =	rddreg [dreg:$0x0]  }
0x2: {  	s2 =	rddreg [dreg:$0x1];
	s3 =	simm.s32 $0x0;
	s6 =	stileid.u32  }
0x3: {  	s4 =	srdreg.scid;
	s28 =	simm.s32 $0x2;
	s29 =	simm.s32 $0x7D  }
0x4: {  	s30 =	simm.s32 $0x1400;
	s31 =	simm.s32 $0x1000;
	s1 =	smul.u32 $0x5000, s6  }
0x5: {  	[smem:$0x7FF] =	sst s3;
	s12 =	sand.u32 $0x1, s4;
	s23 =	smul.u32 $0x50000, s6  }
0x6: {  	s13 =	smul.u32 $0x14000, s6;
	_ =	strace $0x80000047;
	s5 =	ssub.s32 $0x2, s12  }
0x7: {  	s22 =	smul.u32 $0x140000, s12;
	p0 =	seq.s32 s12, $0x1;
	s12 =	simm.s32 $0x1180  }
0x8: {  	s1 =	sshrl.u32 s1, $0x3;
	s24 =	sshrl.u32 s5, $0x1;
	s4 =	sshrl.u32 s23, $0x2  }
0x9: {  	s15 =	sor.u32 $0x2800, s13;
	s16 =	sadd.s32 $0x5000, s13;
	s17 =	sadd.s32 $0x7800, s13  }
0xa: {  	s18 =	sadd.s32 $0xA000, s13;
	s19 =	sadd.s32 $0xC800, s13;
	s20 =	sadd.s32 $0xF000, s13  }
0xb: {  	s21 =	sadd.s32 $0x11800, s13;
	s1 =	sadd.s32 s1, s0;
	s0 =	sadd.s32 $0xDA00, s0  }
0xc: {  	s14 =	ssub.s32 s5, s24;
	s4 =	sadd.s32 s4, s2;
	s5 =	sadd.s32 s15, s2  }
0xd: {  	s6 =	sadd.s32 s16, s2;
	s7 =	sadd.s32 s17, s2;
	s8 =	sadd.s32 s18, s2  }
0xe: {  	s9 =	sadd.s32 s19, s2;
	s10 =	sadd.s32 s20, s2;
	s11 =	sadd.s32 s21, s2  }
0xf: {  	s13 =	sadd.s32 s13, s22;
	s15 =	sadd.s32 s22, s15;
	s16 =	sadd.s32 s22, s16  }
0x10: {  	s17 =	sadd.s32 s22, s17;
	s18 =	sadd.s32 s22, s18;
	s25 =	sadd.s32 $0x3A00, s1  }
0x11: {  	s23 =	sadd.s32 s22, s19;
	s26 =	sadd.s32 $0x3C80, s1;
	[dreg:$0x3] =	wrdreg s25  }
0x12: {  	s19 =	sadd.s32 s22, s20;
	s24 =	sadd.s32 $0x3F00, s1;
	[dreg:$0x4] =	wrdreg s26  }
0x13: {  	s20 =	sadd.s32 s22, s21;
	s1 =	sadd.s32 $0x4180, s1;
	[dreg:$0x5] =	wrdreg s24  }
0x14: {  	s21 =	sshrl.u32 s18, $0x3;
	s23 =	sshrl.u32 s23, $0x3;
	[dreg:$0x6] =	wrdreg s1  }
0x15: {  	s25 =	sshrl.u32 s13, $0x3;
	s26 =	sshrl.u32 s15, $0x3;
	s15 =	sshrl.u32 s16, $0x3  }
0x16: {  	s16 =	sshrl.u32 s17, $0x3;
	s22 =	sadd.s32 s0, s21;
	s24 =	sshrl.u32 s19, $0x3  }
0x17: {  	s19 =	simm.s32 $0x80;
	s21 =	simm.s32 $0xE80;
	s1 =	sadd.s32 s0, s25  }
0x18: {  	s13 =	sadd.s32 s0, s26;
	[dreg:$0xb] =	wrdreg s22;
	s25 =	sshrl.u32 s20, $0x3  }
0x19: {  	s26 =	smax.u32 s14, $0x1;
	s20 =	simm.s32 $0xE00;
	[dreg:$0x7] =	wrdreg s1  }
0x1a: {  	s22 =	simm.s32 $0xF00;
	s14 =	simm.s32 $0x1300;
	[dreg:$0x8] =	wrdreg s13  }
0x1b: {  	s1 =	sadd.s32 s0, s15;
	[dreg:$0xf] =	wrdreg s26;
	s26 =	simm.s32 $0x1  }
0x1c: {  	s13 =	simm.s32 $0x1200;
	s15 =	simm.s32 $0x1380;
	[dreg:$0x9] =	wrdreg s1  }
.Ltmp0:
0x1d: {  	s1 =	sadd.s32 s0, s16;
	s16 =	simm.s32 $0x0;
	(pc) =	sbr.rel .LBB2_1-.Ltmp0, $4  }
0x1e: {  	[dreg:$0xa] =	wrdreg s1;
	s1 =	sadd.s32 s0, s23;
	s23 =	simm.s32 $0xF80  }
0x1f: {  	[dreg:$0xc] =	wrdreg s1;
	s1 =	sadd.s32 s0, s24;
	s0 =	sadd.s32 s0, s25  }
0x20: {  	s25 =	simm.s32 $0x5400;
	s24 =	simm.s32 $0x1080;
	[dreg:$0xd] =	wrdreg s1  }
0x21: {  	v0 =	vimm.f32 $1.000000000e+00;
	v1 =	vimm.f32 $0.0e+00;
	[dreg:$0xe] =	wrdreg s0;
	s0 =	simm.s32 $0x1100;
	s1 =	simm.s32 $0x1280  }
.LBB2_10:
0x22: {  	[sflag:s26] =	ssyncadd.s32 $0xFFFFF830  }
.LBB2_16:
0x23: {  	s17 =	stileid.u32  }
0x24: {  	[bflag:$0x0] =	sbarrier.arrive $0xFFFF;
	s17 =	sshll.u32 s17, $0x6  }
0x25: {  	s18 =	sshrl.u32 s4, $0x3;
	s19 =	rddreg [dreg:$0x7];
	s17 =	sor.u32 $0x1C01, s17  }
0x26: {  	[hbm:s19], [sflag:s17] =	dma.local [spmem:s18], $0x500  }
0x27: {  	s18 =	sshrl.u32 s5, $0x3;
	s19 =	rddreg [dreg:$0x8]  }
0x28: {  	[hbm:s19], [sflag:s17] =	dma.local [spmem:s18], $0x500  }
0x29: {  	s18 =	sshrl.u32 s6, $0x3;
	s19 =	rddreg [dreg:$0x9]  }
0x2a: {  	[hbm:s19], [sflag:s17] =	dma.local [spmem:s18], $0x500  }
0x2b: {  	s18 =	sshrl.u32 s7, $0x3;
	s19 =	rddreg [dreg:$0xa]  }
0x2c: {  	[hbm:s19], [sflag:s17] =	dma.local [spmem:s18], $0x500  }
0x2d: {  	s18 =	sshrl.u32 s8, $0x3;
	s19 =	rddreg [dreg:$0xb]  }
0x2e: {  	[hbm:s19], [sflag:s17] =	dma.local [spmem:s18], $0x500  }
0x2f: {  	s18 =	sshrl.u32 s9, $0x3;
	s19 =	rddreg [dreg:$0xc]  }
0x30: {  	[hbm:s19], [sflag:s17] =	dma.local [spmem:s18], $0x500  }
0x31: {  	s18 =	sshrl.u32 s10, $0x3;
	s19 =	rddreg [dreg:$0xd]  }
0x32: {  	[hbm:s19], [sflag:s17] =	dma.local [spmem:s18], $0x500  }
0x33: {  	s18 =	sshrl.u32 s11, $0x3;
	s19 =	rddreg [dreg:$0xe]  }
0x34: {  	[hbm:s19], [sflag:s17] =	dma.local [spmem:s18], $0x500  }
0x35: {  	_ =	swait.ge [sflag:s26], $0x500  }
0x36: {  	[sflag:s26] =	ssyncset.done $0x0  }
0x37: {  	[sflag:s26] =	ssyncadd.s32 $0xFFFFFB00  }
0x38: {  	_ =	swait.ge [sflag:s26], $0x500  }
0x39: {  	[sflag:s26] =	ssyncset.done $0x0  }
0x3a: {  	[sflag:s26] =	ssyncadd.s32 $0xFFFFFB00  }
0x3b: {  	_ =	swait.ge [sflag:s26], $0x500  }
0x3c: {  	[sflag:s26] =	ssyncset.done $0x0  }
0x3d: {  	[sflag:s26] =	ssyncadd.s32 $0xFFFFFB00  }
0x3e: {  	_ =	swait.ge [sflag:s26], $0x500  }
0x3f: {  	[sflag:s26] =	ssyncset.done $0x0  }
0x40: {  	[sflag:s26] =	ssyncadd.s32 $0xFFFFFB00  }
0x41: {  	_ =	swait.ge [sflag:s26], $0x500  }
0x42: {  	[sflag:s26] =	ssyncset.done $0x0  }
0x43: {  	[sflag:s26] =	ssyncadd.s32 $0xFFFFFB00  }
0x44: {  	_ =	swait.ge [sflag:s26], $0x500  }
0x45: {  	[sflag:s26] =	ssyncset.done $0x0  }
0x46: {  	[sflag:s26] =	ssyncadd.s32 $0xFFFFFB00  }
0x47: {  	_ =	swait.ge [sflag:s26], $0x500  }
0x48: {  	[sflag:s26] =	ssyncset.done $0x0  }
0x49: {  	[sflag:s26] =	ssyncadd.s32 $0xFFFFFB00  }
0x4a: {  	_ =	swait.ge [sflag:s26], $0x500  }
0x4b: {  	s16 =	sadd.s32 $0x1, s16;
	s19 =	rddreg [dreg:$0xf]  }
0x4c: {  	p1 =	sne.s32 s16, s19  }
.Ltmp1:
0x4d: {  	_ = 	snop;
	(pc) =	sbr.rel @!p1 .LBB2_17-.Ltmp1, $3  }
0x4e: {  	_ =	sdelay $0x1  }
0x4f: {  	[sflag:s26] =	ssyncset.done $0x0  }
0x50: {  	[sflag:s26] =	ssyncadd.s32 $0xFFFFFB00;
	s19 =	simm.s32 $0x80  }
.LBB2_1:
0x51: {  	s17 =	simm.s32 $0x0  }
.LBB2_2:
0x52: {  	p1 =	sne.s32 s17, $0xF800  }
.Ltmp2:
0x53: {  	_ = 	snop;
	(pc) =	sbr.rel @p1 .LBB2_2-.Ltmp2, $3  }
0x54: {  	_ =	sdelay $0x1  }
0x55: {  	s18 =	sshra.s32 s17, $0x2  }
0x56: {  	s17 =	sadd.s32 $0x200, s17;
	[tilespmem:s18+$0x1400] =	vst v0  }
0x57: {  	s17 =	simm.s32 $0x200;
	s18 =	simm.s32 $0x0  }
.LBB2_4:
0x58: {  	p1 =	sne.s32 s17, $0x9E00;
	[tilespmem:s18+$0x5400] =	vst v1;
	s18 =	smov.u32 s17;
	s17 =	sadd.s32 $0x200, s17  }
.Ltmp3:
0x59: {  	(pc) =	sbr.rel @p1 .LBB2_4-.Ltmp3, $2  }
0x5a: {  	_ =	sdelay $0x2  }
0x5b: {  	s18 =	sshra.s32 s18, $0x2  }
0x5c: {  	[tilespmem:s18+$0x5400] =	vst v1  }
0x5d: {  	[spmem:s4] =	stream.linear.scatter [tilespmem:s25], [sflag:$0x1], $0x2800, $0x38;
	[tilespmem:$0xA400] =	vst v63  }
0x5e: {  	_ = 	snop  }
0x5f: {  	[spmem:s5] =	stream.linear.scatter [tilespmem:s25], [sflag:$0x1], $0x2800, $0x38;
	[tilespmem:$0xA400] =	vst v63  }
0x60: {  	_ = 	snop  }
0x61: {  	[spmem:s6] =	stream.linear.scatter [tilespmem:s25], [sflag:$0x1], $0x2800, $0x38;
	[tilespmem:$0xA400] =	vst v63  }
0x62: {  	_ = 	snop  }
0x63: {  	[spmem:s7] =	stream.linear.scatter [tilespmem:s25], [sflag:$0x1], $0x2800, $0x38;
	[tilespmem:$0xA400] =	vst v63  }
0x64: {  	_ = 	snop  }
0x65: {  	[spmem:s8] =	stream.linear.scatter [tilespmem:s25], [sflag:$0x1], $0x2800, $0x38;
	[tilespmem:$0xA400] =	vst v63  }
0x66: {  	_ = 	snop  }
0x67: {  	[spmem:s9] =	stream.linear.scatter [tilespmem:s25], [sflag:$0x1], $0x2800, $0x38;
	[tilespmem:$0xA400] =	vst v63  }
0x68: {  	_ = 	snop  }
0x69: {  	[spmem:s10] =	stream.linear.scatter [tilespmem:s25], [sflag:$0x1], $0x2800, $0x38;
	[tilespmem:$0xA400] =	vst v63  }
0x6a: {  	_ = 	snop  }
0x6b: {  	[spmem:s11] =	stream.linear.scatter [tilespmem:s25], [sflag:$0x1], $0x2800, $0x38;
	[tilespmem:$0xA400] =	vst v63  }
0x6c: {  	_ =	swait.ge [sflag:s26], $0x2800  }
0x6d: {  	[sflag:s26] =	ssyncset.done $0x0  }
0x6e: {  	[sflag:s26] =	ssyncadd.s32 $0xFFFFD800  }
0x6f: {  	_ =	swait.ge [sflag:s26], $0x2800  }
0x70: {  	[sflag:s26] =	ssyncset.done $0x0  }
0x71: {  	[sflag:s26] =	ssyncadd.s32 $0xFFFFD800  }
0x72: {  	_ =	swait.ge [sflag:s26], $0x2800  }
0x73: {  	[sflag:s26] =	ssyncset.done $0x0  }
0x74: {  	[sflag:s26] =	ssyncadd.s32 $0xFFFFD800  }
0x75: {  	_ =	swait.ge [sflag:s26], $0x2800  }
0x76: {  	[sflag:s26] =	ssyncset.done $0x0  }
0x77: {  	[sflag:s26] =	ssyncadd.s32 $0xFFFFD800  }
0x78: {  	_ =	swait.ge [sflag:s26], $0x2800  }
0x79: {  	[sflag:s26] =	ssyncset.done $0x0  }
0x7a: {  	[sflag:s26] =	ssyncadd.s32 $0xFFFFD800  }
0x7b: {  	_ =	swait.ge [sflag:s26], $0x2800  }
0x7c: {  	[sflag:s26] =	ssyncset.done $0x0  }
0x7d: {  	[sflag:s26] =	ssyncadd.s32 $0xFFFFD800  }
0x7e: {  	_ =	swait.ge [sflag:s26], $0x2800  }
0x7f: {  	[sflag:s26] =	ssyncset.done $0x0  }
0x80: {  	[sflag:s26] =	ssyncadd.s32 $0xFFFFD800  }
.Ltmp4:
0x81: {  	_ =	swait.ge [sflag:s26], $0x2800;
	(pc) =	sbr.rel @!p0 .LBB2_6-.Ltmp4, $3  }
0x82: {  	[sflag:s26] =	ssyncset.done $0x0  }
0x83: {  	[sflag:s26] =	ssyncadd.s32 $0xFFFFD800  }
0x84: {  	[bflag:$0x0] =	sbarrier.arrive $0xFFFF;
	_ =	sdelay $0x1  }
0x85: {  	s17 =	rddreg [dreg:$0x5]  }
0x86: {  	[tilespmem:s3], [sflag:$0x2] =	stream.linear.gather [hbm4b:s17+s3], $0x1400, $0x38;
	[tilespmem:$0xA400] =	vst v63  }
0x87: {  	_ =	swait.ge [sflag:s28], $0x1400  }
0x88: {  	[sflag:s28] =	ssyncset.done $0x0  }
0x89: {  	[sflag:s28] =	ssyncadd.s32 $0xFFFFEC00  }
0x8a: {  	[spmem:s2] =	stream.indirect.scatter.add.f32 [tilespmem:s30], [sflag:$0x1], $0x10, s3, s29, $0xb8;
	[tilespmem:$0xA400] =	vst v63  }
0x8b: {  	_ = 	snop  }
0x8c: {  	[spmem:s2] =	stream.indirect.scatter.add.f32 [tilespmem:s30], [sflag:$0x1], $0x10, s19, s29, $0xb8;
	[tilespmem:$0xA400] =	vst v63  }
0x8d: {  	s18 =	simm.s32 $0x100  }
0x8e: {  	[spmem:s2] =	stream.indirect.scatter.add.f32 [tilespmem:s30], [sflag:$0x1], $0x10, s18, s29, $0xb8;
	[tilespmem:$0xA400] =	vst v63  }
0x8f: {  	s18 =	simm.s32 $0x180  }
0x90: {  	[spmem:s2] =	stream.indirect.scatter.add.f32 [tilespmem:s30], [sflag:$0x1], $0x10, s18, s29, $0xb8;
	[tilespmem:$0xA400] =	vst v63  }
0x91: {  	s18 =	simm.s32 $0x200  }
0x92: {  	[spmem:s2] =	stream.indirect.scatter.add.f32 [tilespmem:s30], [sflag:$0x1], $0x10, s18, s29, $0xb8;
	[tilespmem:$0xA400] =	vst v63  }
0x93: {  	s18 =	simm.s32 $0x280  }
0x94: {  	[spmem:s2] =	stream.indirect.scatter.add.f32 [tilespmem:s30], [sflag:$0x1], $0x10, s18, s29, $0xb8;
	[tilespmem:$0xA400] =	vst v63  }
0x95: {  	s18 =	simm.s32 $0x300  }
0x96: {  	[spmem:s2] =	stream.indirect.scatter.add.f32 [tilespmem:s30], [sflag:$0x1], $0x10, s18, s29, $0xb8;
	[tilespmem:$0xA400] =	vst v63  }
0x97: {  	s18 =	simm.s32 $0x380  }
0x98: {  	[spmem:s2] =	stream.indirect.scatter.add.f32 [tilespmem:s30], [sflag:$0x1], $0x10, s18, s29, $0xb8;
	[tilespmem:$0xA400] =	vst v63  }
0x99: {  	s18 =	simm.s32 $0x400  }
0x9a: {  	[spmem:s2] =	stream.indirect.scatter.add.f32 [tilespmem:s30], [sflag:$0x1], $0x10, s18, s29, $0xb8;
	[tilespmem:$0xA400] =	vst v63  }
0x9b: {  	s18 =	simm.s32 $0x480  }
0x9c: {  	[spmem:s2] =	stream.indirect.scatter.add.f32 [tilespmem:s30], [sflag:$0x1], $0x10, s18, s29, $0xb8;
	[tilespmem:$0xA400] =	vst v63  }
0x9d: {  	s18 =	simm.s32 $0x500  }
0x9e: {  	[spmem:s2] =	stream.indirect.scatter.add.f32 [tilespmem:s30], [sflag:$0x1], $0x10, s18, s29, $0xb8;
	[tilespmem:$0xA400] =	vst v63  }
0x9f: {  	s18 =	simm.s32 $0x580  }
0xa0: {  	[spmem:s2] =	stream.indirect.scatter.add.f32 [tilespmem:s30], [sflag:$0x1], $0x10, s18, s29, $0xb8;
	[tilespmem:$0xA400] =	vst v63  }
0xa1: {  	s18 =	simm.s32 $0x600  }
0xa2: {  	[spmem:s2] =	stream.indirect.scatter.add.f32 [tilespmem:s30], [sflag:$0x1], $0x10, s18, s29, $0xb8;
	[tilespmem:$0xA400] =	vst v63  }
0xa3: {  	s18 =	simm.s32 $0x680  }
0xa4: {  	[spmem:s2] =	stream.indirect.scatter.add.f32 [tilespmem:s30], [sflag:$0x1], $0x10, s18, s29, $0xb8;
	[tilespmem:$0xA400] =	vst v63  }
0xa5: {  	s18 =	simm.s32 $0x700  }
0xa6: {  	[spmem:s2] =	stream.indirect.scatter.add.f32 [tilespmem:s30], [sflag:$0x1], $0x10, s18, s29, $0xb8;
	[tilespmem:$0xA400] =	vst v63  }
0xa7: {  	s18 =	simm.s32 $0x780  }
0xa8: {  	[spmem:s2] =	stream.indirect.scatter.add.f32 [tilespmem:s30], [sflag:$0x1], $0x10, s18, s29, $0xb8;
	[tilespmem:$0xA400] =	vst v63  }
0xa9: {  	s18 =	simm.s32 $0x800  }
0xaa: {  	[spmem:s2] =	stream.indirect.scatter.add.f32 [tilespmem:s30], [sflag:$0x1], $0x10, s18, s29, $0xb8;
	[tilespmem:$0xA400] =	vst v63  }
0xab: {  	s18 =	simm.s32 $0x880  }
0xac: {  	[spmem:s2] =	stream.indirect.scatter.add.f32 [tilespmem:s30], [sflag:$0x1], $0x10, s18, s29, $0xb8;
	[tilespmem:$0xA400] =	vst v63  }
0xad: {  	s18 =	simm.s32 $0x900  }
0xae: {  	[spmem:s2] =	stream.indirect.scatter.add.f32 [tilespmem:s30], [sflag:$0x1], $0x10, s18, s29, $0xb8;
	[tilespmem:$0xA400] =	vst v63  }
0xaf: {  	s18 =	simm.s32 $0x980  }
0xb0: {  	[spmem:s2] =	stream.indirect.scatter.add.f32 [tilespmem:s30], [sflag:$0x1], $0x10, s18, s29, $0xb8;
	[tilespmem:$0xA400] =	vst v63  }
0xb1: {  	s18 =	simm.s32 $0xA00  }
0xb2: {  	[spmem:s2] =	stream.indirect.scatter.add.f32 [tilespmem:s30], [sflag:$0x1], $0x10, s18, s29, $0xb8;
	[tilespmem:$0xA400] =	vst v63  }
0xb3: {  	s18 =	simm.s32 $0xA80  }
0xb4: {  	[spmem:s2] =	stream.indirect.scatter.add.f32 [tilespmem:s30], [sflag:$0x1], $0x10, s18, s29, $0xb8;
	[tilespmem:$0xA400] =	vst v63  }
0xb5: {  	s18 =	simm.s32 $0xB00  }
0xb6: {  	[spmem:s2] =	stream.indirect.scatter.add.f32 [tilespmem:s30], [sflag:$0x1], $0x10, s18, s29, $0xb8;
	[tilespmem:$0xA400] =	vst v63  }
0xb7: {  	s18 =	simm.s32 $0xB80  }
0xb8: {  	[spmem:s2] =	stream.indirect.scatter.add.f32 [tilespmem:s30], [sflag:$0x1], $0x10, s18, s29, $0xb8;
	[tilespmem:$0xA400] =	vst v63  }
0xb9: {  	s18 =	simm.s32 $0xC00  }
0xba: {  	[spmem:s2] =	stream.indirect.scatter.add.f32 [tilespmem:s30], [sflag:$0x1], $0x10, s18, s29, $0xb8;
	[tilespmem:$0xA400] =	vst v63  }
0xbb: {  	s18 =	simm.s32 $0xC80  }
0xbc: {  	[spmem:s2] =	stream.indirect.scatter.add.f32 [tilespmem:s30], [sflag:$0x1], $0x10, s18, s29, $0xb8;
	[tilespmem:$0xA400] =	vst v63  }
0xbd: {  	s18 =	simm.s32 $0xD00  }
0xbe: {  	[spmem:s2] =	stream.indirect.scatter.add.f32 [tilespmem:s30], [sflag:$0x1], $0x10, s18, s29, $0xb8;
	[tilespmem:$0xA400] =	vst v63  }
0xbf: {  	s18 =	simm.s32 $0xD80  }
0xc0: {  	[spmem:s2] =	stream.indirect.scatter.add.f32 [tilespmem:s30], [sflag:$0x1], $0x10, s18, s29, $0xb8;
	[tilespmem:$0xA400] =	vst v63  }
0xc1: {  	_ = 	snop  }
0xc2: {  	[spmem:s2] =	stream.indirect.scatter.add.f32 [tilespmem:s30], [sflag:$0x1], $0x10, s20, s29, $0xb8;
	[tilespmem:$0xA400] =	vst v63  }
0xc3: {  	_ = 	snop  }
0xc4: {  	[spmem:s2] =	stream.indirect.scatter.add.f32 [tilespmem:s30], [sflag:$0x1], $0x10, s21, s29, $0xb8;
	[tilespmem:$0xA400] =	vst v63  }
0xc5: {  	_ = 	snop  }
0xc6: {  	[spmem:s2] =	stream.indirect.scatter.add.f32 [tilespmem:s30], [sflag:$0x1], $0x10, s22, s29, $0xb8;
	[tilespmem:$0xA400] =	vst v63  }
0xc7: {  	_ = 	snop  }
0xc8: {  	[spmem:s2] =	stream.indirect.scatter.add.f32 [tilespmem:s30], [sflag:$0x1], $0x10, s23, s29, $0xb8;
	[tilespmem:$0xA400] =	vst v63  }
0xc9: {  	_ = 	snop  }
0xca: {  	[spmem:s2] =	stream.indirect.scatter.add.f32 [tilespmem:s30], [sflag:$0x1], $0x10, s31, s29, $0xb8;
	[tilespmem:$0xA400] =	vst v63  }
0xcb: {  	_ = 	snop  }
0xcc: {  	[spmem:s2] =	stream.indirect.scatter.add.f32 [tilespmem:s30], [sflag:$0x1], $0x10, s24, s29, $0xb8;
	[tilespmem:$0xA400] =	vst v63  }
0xcd: {  	_ = 	snop  }
0xce: {  	[spmem:s2] =	stream.indirect.scatter.add.f32 [tilespmem:s30], [sflag:$0x1], $0x10, s0, s29, $0xb8;
	[tilespmem:$0xA400] =	vst v63  }
0xcf: {  	_ = 	snop  }
0xd0: {  	[spmem:s2] =	stream.indirect.scatter.add.f32 [tilespmem:s30], [sflag:$0x1], $0x10, s12, s29, $0xb8;
	[tilespmem:$0xA400] =	vst v63  }
0xd1: {  	_ = 	snop  }
0xd2: {  	[spmem:s2] =	stream.indirect.scatter.add.f32 [tilespmem:s30], [sflag:$0x1], $0x10, s13, s29, $0xb8;
	[tilespmem:$0xA400] =	vst v63  }
0xd3: {  	_ = 	snop  }
0xd4: {  	[spmem:s2] =	stream.indirect.scatter.add.f32 [tilespmem:s30], [sflag:$0x1], $0x10, s1, s29, $0xb8;
	[tilespmem:$0xA400] =	vst v63  }
0xd5: {  	_ = 	snop  }
0xd6: {  	[spmem:s2] =	stream.indirect.scatter.add.f32 [tilespmem:s30], [sflag:$0x1], $0x10, s14, s29, $0xb8;
	[tilespmem:$0xA400] =	vst v63  }
0xd7: {  	_ = 	snop  }
0xd8: {  	[spmem:s2] =	stream.indirect.scatter.add.f32 [tilespmem:s30], [sflag:$0x1], $0x10, s15, s29, $0xb8;
	[tilespmem:$0xA400] =	vst v63  }
0xd9: {  	_ =	swait.ge [sflag:s26], $0x7D0  }
0xda: {  	s17 =	simm.s32 $0x27;
	[sflag:s26] =	ssyncset.done $0x0  }
.LBB2_12:
0xdb: {  	p1 =	sne.s32 s17, $0x1;
	s17 =	sadd.s32 $0xFFFFFFFF, s17;
	[sflag:s26] =	ssyncadd.s32 $0xFFFFF830  }
.Ltmp5:
0xdc: {  	(pc) =	sbr.rel @p1 .LBB2_12-.Ltmp5, $3  }
0xdd: {  	_ =	sdelay $0x1  }
0xde: {  	_ =	swait.ge [sflag:s26], $0x7D0  }
0xdf: {  	[sflag:s26] =	ssyncset.done $0x0  }
0xe0: {  	[sflag:s26] =	ssyncadd.s32 $0xFFFFF830;
	s17 =	rddreg [dreg:$0x6]  }
0xe1: {  	[tilespmem:s3], [sflag:$0x2] =	stream.linear.gather [hbm4b:s17+s3], $0x1400, $0x38;
	[tilespmem:$0xA400] =	vst v63  }
0xe2: {  	_ =	swait.ge [sflag:s28], $0x1400  }
0xe3: {  	[sflag:s28] =	ssyncset.done $0x0  }
0xe4: {  	[sflag:s28] =	ssyncadd.s32 $0xFFFFEC00  }
0xe5: {  	[spmem:s2] =	stream.indirect.scatter.add.f32 [tilespmem:s30], [sflag:$0x1], $0x10, s3, s29, $0xb8;
	[tilespmem:$0xA400] =	vst v63  }
0xe6: {  	_ = 	snop  }
0xe7: {  	[spmem:s2] =	stream.indirect.scatter.add.f32 [tilespmem:s30], [sflag:$0x1], $0x10, s19, s29, $0xb8;
	[tilespmem:$0xA400] =	vst v63  }
0xe8: {  	s18 =	simm.s32 $0x100  }
0xe9: {  	[spmem:s2] =	stream.indirect.scatter.add.f32 [tilespmem:s30], [sflag:$0x1], $0x10, s18, s29, $0xb8;
	[tilespmem:$0xA400] =	vst v63  }
0xea: {  	s19 =	simm.s32 $0x180  }
0xeb: {  	[spmem:s2] =	stream.indirect.scatter.add.f32 [tilespmem:s30], [sflag:$0x1], $0x10, s19, s29, $0xb8;
	[tilespmem:$0xA400] =	vst v63  }
0xec: {  	s18 =	simm.s32 $0x200  }
0xed: {  	[spmem:s2] =	stream.indirect.scatter.add.f32 [tilespmem:s30], [sflag:$0x1], $0x10, s18, s29, $0xb8;
	[tilespmem:$0xA400] =	vst v63  }
0xee: {  	s19 =	simm.s32 $0x280  }
0xef: {  	[spmem:s2] =	stream.indirect.scatter.add.f32 [tilespmem:s30], [sflag:$0x1], $0x10, s19, s29, $0xb8;
	[tilespmem:$0xA400] =	vst v63  }
0xf0: {  	s18 =	simm.s32 $0x300  }
0xf1: {  	[spmem:s2] =	stream.indirect.scatter.add.f32 [tilespmem:s30], [sflag:$0x1], $0x10, s18, s29, $0xb8;
	[tilespmem:$0xA400] =	vst v63  }
0xf2: {  	s19 =	simm.s32 $0x380  }
0xf3: {  	[spmem:s2] =	stream.indirect.scatter.add.f32 [tilespmem:s30], [sflag:$0x1], $0x10, s19, s29, $0xb8;
	[tilespmem:$0xA400] =	vst v63  }
0xf4: {  	s18 =	simm.s32 $0x400  }
0xf5: {  	[spmem:s2] =	stream.indirect.scatter.add.f32 [tilespmem:s30], [sflag:$0x1], $0x10, s18, s29, $0xb8;
	[tilespmem:$0xA400] =	vst v63  }
0xf6: {  	s19 =	simm.s32 $0x480  }
0xf7: {  	[spmem:s2] =	stream.indirect.scatter.add.f32 [tilespmem:s30], [sflag:$0x1], $0x10, s19, s29, $0xb8;
	[tilespmem:$0xA400] =	vst v63  }
0xf8: {  	s18 =	simm.s32 $0x500  }
0xf9: {  	[spmem:s2] =	stream.indirect.scatter.add.f32 [tilespmem:s30], [sflag:$0x1], $0x10, s18, s29, $0xb8;
	[tilespmem:$0xA400] =	vst v63  }
0xfa: {  	s19 =	simm.s32 $0x580  }
0xfb: {  	[spmem:s2] =	stream.indirect.scatter.add.f32 [tilespmem:s30], [sflag:$0x1], $0x10, s19, s29, $0xb8;
	[tilespmem:$0xA400] =	vst v63  }
0xfc: {  	s18 =	simm.s32 $0x600  }
0xfd: {  	[spmem:s2] =	stream.indirect.scatter.add.f32 [tilespmem:s30], [sflag:$0x1], $0x10, s18, s29, $0xb8;
	[tilespmem:$0xA400] =	vst v63  }
0xfe: {  	s19 =	simm.s32 $0x680  }
0xff: {  	[spmem:s2] =	stream.indirect.scatter.add.f32 [tilespmem:s30], [sflag:$0x1], $0x10, s19, s29, $0xb8;
	[tilespmem:$0xA400] =	vst v63  }
0x100: {  	s18 =	simm.s32 $0x700  }
0x101: {  	[spmem:s2] =	stream.indirect.scatter.add.f32 [tilespmem:s30], [sflag:$0x1], $0x10, s18, s29, $0xb8;
	[tilespmem:$0xA400] =	vst v63  }
0x102: {  	s19 =	simm.s32 $0x780  }
0x103: {  	[spmem:s2] =	stream.indirect.scatter.add.f32 [tilespmem:s30], [sflag:$0x1], $0x10, s19, s29, $0xb8;
	[tilespmem:$0xA400] =	vst v63  }
0x104: {  	s18 =	simm.s32 $0x800  }
0x105: {  	[spmem:s2] =	stream.indirect.scatter.add.f32 [tilespmem:s30], [sflag:$0x1], $0x10, s18, s29, $0xb8;
	[tilespmem:$0xA400] =	vst v63  }
0x106: {  	s19 =	simm.s32 $0x880  }
0x107: {  	[spmem:s2] =	stream.indirect.scatter.add.f32 [tilespmem:s30], [sflag:$0x1], $0x10, s19, s29, $0xb8;
	[tilespmem:$0xA400] =	vst v63  }
0x108: {  	s18 =	simm.s32 $0x900  }
0x109: {  	[spmem:s2] =	stream.indirect.scatter.add.f32 [tilespmem:s30], [sflag:$0x1], $0x10, s18, s29, $0xb8;
	[tilespmem:$0xA400] =	vst v63  }
0x10a: {  	s19 =	simm.s32 $0x980  }
0x10b: {  	[spmem:s2] =	stream.indirect.scatter.add.f32 [tilespmem:s30], [sflag:$0x1], $0x10, s19, s29, $0xb8;
	[tilespmem:$0xA400] =	vst v63  }
0x10c: {  	s18 =	simm.s32 $0xA00  }
0x10d: {  	[spmem:s2] =	stream.indirect.scatter.add.f32 [tilespmem:s30], [sflag:$0x1], $0x10, s18, s29, $0xb8;
	[tilespmem:$0xA400] =	vst v63  }
0x10e: {  	s19 =	simm.s32 $0xA80  }
0x10f: {  	[spmem:s2] =	stream.indirect.scatter.add.f32 [tilespmem:s30], [sflag:$0x1], $0x10, s19, s29, $0xb8;
	[tilespmem:$0xA400] =	vst v63  }
0x110: {  	s18 =	simm.s32 $0xB00  }
0x111: {  	[spmem:s2] =	stream.indirect.scatter.add.f32 [tilespmem:s30], [sflag:$0x1], $0x10, s18, s29, $0xb8;
	[tilespmem:$0xA400] =	vst v63  }
0x112: {  	s19 =	simm.s32 $0xB80  }
0x113: {  	[spmem:s2] =	stream.indirect.scatter.add.f32 [tilespmem:s30], [sflag:$0x1], $0x10, s19, s29, $0xb8;
	[tilespmem:$0xA400] =	vst v63  }
0x114: {  	s18 =	simm.s32 $0xC00  }
0x115: {  	[spmem:s2] =	stream.indirect.scatter.add.f32 [tilespmem:s30], [sflag:$0x1], $0x10, s18, s29, $0xb8;
	[tilespmem:$0xA400] =	vst v63  }
0x116: {  	s19 =	simm.s32 $0xC80  }
0x117: {  	[spmem:s2] =	stream.indirect.scatter.add.f32 [tilespmem:s30], [sflag:$0x1], $0x10, s19, s29, $0xb8;
	[tilespmem:$0xA400] =	vst v63  }
0x118: {  	s18 =	simm.s32 $0xD00  }
0x119: {  	[spmem:s2] =	stream.indirect.scatter.add.f32 [tilespmem:s30], [sflag:$0x1], $0x10, s18, s29, $0xb8;
	[tilespmem:$0xA400] =	vst v63  }
0x11a: {  	s19 =	simm.s32 $0xD80  }
0x11b: {  	[spmem:s2] =	stream.indirect.scatter.add.f32 [tilespmem:s30], [sflag:$0x1], $0x10, s19, s29, $0xb8;
	[tilespmem:$0xA400] =	vst v63  }
0x11c: {  	_ = 	snop  }
0x11d: {  	[spmem:s2] =	stream.indirect.scatter.add.f32 [tilespmem:s30], [sflag:$0x1], $0x10, s20, s29, $0xb8;
	[tilespmem:$0xA400] =	vst v63  }
0x11e: {  	_ = 	snop  }
0x11f: {  	[spmem:s2] =	stream.indirect.scatter.add.f32 [tilespmem:s30], [sflag:$0x1], $0x10, s21, s29, $0xb8;
	[tilespmem:$0xA400] =	vst v63  }
0x120: {  	_ = 	snop  }
0x121: {  	[spmem:s2] =	stream.indirect.scatter.add.f32 [tilespmem:s30], [sflag:$0x1], $0x10, s22, s29, $0xb8;
	[tilespmem:$0xA400] =	vst v63  }
0x122: {  	_ = 	snop  }
0x123: {  	[spmem:s2] =	stream.indirect.scatter.add.f32 [tilespmem:s30], [sflag:$0x1], $0x10, s23, s29, $0xb8;
	[tilespmem:$0xA400] =	vst v63  }
0x124: {  	_ = 	snop  }
0x125: {  	[spmem:s2] =	stream.indirect.scatter.add.f32 [tilespmem:s30], [sflag:$0x1], $0x10, s31, s29, $0xb8;
	[tilespmem:$0xA400] =	vst v63  }
0x126: {  	_ = 	snop  }
0x127: {  	[spmem:s2] =	stream.indirect.scatter.add.f32 [tilespmem:s30], [sflag:$0x1], $0x10, s24, s29, $0xb8;
	[tilespmem:$0xA400] =	vst v63  }
0x128: {  	_ = 	snop  }
0x129: {  	[spmem:s2] =	stream.indirect.scatter.add.f32 [tilespmem:s30], [sflag:$0x1], $0x10, s0, s29, $0xb8;
	[tilespmem:$0xA400] =	vst v63  }
0x12a: {  	_ = 	snop  }
0x12b: {  	[spmem:s2] =	stream.indirect.scatter.add.f32 [tilespmem:s30], [sflag:$0x1], $0x10, s12, s29, $0xb8;
	[tilespmem:$0xA400] =	vst v63  }
0x12c: {  	_ = 	snop  }
0x12d: {  	[spmem:s2] =	stream.indirect.scatter.add.f32 [tilespmem:s30], [sflag:$0x1], $0x10, s13, s29, $0xb8;
	[tilespmem:$0xA400] =	vst v63  }
0x12e: {  	_ = 	snop  }
0x12f: {  	[spmem:s2] =	stream.indirect.scatter.add.f32 [tilespmem:s30], [sflag:$0x1], $0x10, s1, s29, $0xb8;
	[tilespmem:$0xA400] =	vst v63  }
0x130: {  	_ = 	snop  }
0x131: {  	[spmem:s2] =	stream.indirect.scatter.add.f32 [tilespmem:s30], [sflag:$0x1], $0x10, s14, s29, $0xb8;
	[tilespmem:$0xA400] =	vst v63  }
0x132: {  	_ = 	snop  }
0x133: {  	[spmem:s2] =	stream.indirect.scatter.add.f32 [tilespmem:s30], [sflag:$0x1], $0x10, s15, s29, $0xb8;
	[tilespmem:$0xA400] =	vst v63  }
0x134: {  	_ =	swait.ge [sflag:s26], $0x7D0  }
0x135: {  	s17 =	simm.s32 $0x27;
	[sflag:s26] =	ssyncset.done $0x0  }
.LBB2_14:
0x136: {  	p1 =	sne.s32 s17, $0x1;
	s17 =	sadd.s32 $0xFFFFFFFF, s17;
	[sflag:s26] =	ssyncadd.s32 $0xFFFFF830  }
.Ltmp6:
0x137: {  	(pc) =	sbr.rel @p1 .LBB2_14-.Ltmp6, $3  }
0x138: {  	_ =	sdelay $0x1  }
0x139: {  	_ =	swait.ge [sflag:s26], $0x7D0  }
0x13a: {  	[sflag:s26] =	ssyncset.done $0x0  }
.Ltmp7:
0x13b: {  	(pc) =	sbr.rel .LBB2_16-.Ltmp7, $2  }
0x13c: {  	_ =	sdelay $0x2  }
0x13d: {  	[sflag:s26] =	ssyncadd.s32 $0xFFFFF830  }
.LBB2_6:
0x13e: {  	s17 =	rddreg [dreg:$0x3]  }
0x13f: {  	[tilespmem:s3], [sflag:$0x2] =	stream.linear.gather [hbm4b:s17+s3], $0x1400, $0x38;
	[tilespmem:$0xA400] =	vst v63  }
0x140: {  	_ =	swait.ge [sflag:s28], $0x1400  }
0x141: {  	[sflag:s28] =	ssyncset.done $0x0  }
0x142: {  	[sflag:s28] =	ssyncadd.s32 $0xFFFFEC00  }
0x143: {  	[spmem:s2] =	stream.indirect.scatter.add.f32 [tilespmem:s30], [sflag:$0x1], $0x10, s3, s29, $0xb8;
	[tilespmem:$0xA400] =	vst v63  }
0x144: {  	_ = 	snop  }
0x145: {  	[spmem:s2] =	stream.indirect.scatter.add.f32 [tilespmem:s30], [sflag:$0x1], $0x10, s19, s29, $0xb8;
	[tilespmem:$0xA400] =	vst v63  }
0x146: {  	s18 =	simm.s32 $0x100  }
0x147: {  	[spmem:s2] =	stream.indirect.scatter.add.f32 [tilespmem:s30], [sflag:$0x1], $0x10, s18, s29, $0xb8;
	[tilespmem:$0xA400] =	vst v63  }
0x148: {  	s18 =	simm.s32 $0x180  }
0x149: {  	[spmem:s2] =	stream.indirect.scatter.add.f32 [tilespmem:s30], [sflag:$0x1], $0x10, s18, s29, $0xb8;
	[tilespmem:$0xA400] =	vst v63  }
0x14a: {  	s18 =	simm.s32 $0x200  }
0x14b: {  	[spmem:s2] =	stream.indirect.scatter.add.f32 [tilespmem:s30], [sflag:$0x1], $0x10, s18, s29, $0xb8;
	[tilespmem:$0xA400] =	vst v63  }
0x14c: {  	s18 =	simm.s32 $0x280  }
0x14d: {  	[spmem:s2] =	stream.indirect.scatter.add.f32 [tilespmem:s30], [sflag:$0x1], $0x10, s18, s29, $0xb8;
	[tilespmem:$0xA400] =	vst v63  }
0x14e: {  	s18 =	simm.s32 $0x300  }
0x14f: {  	[spmem:s2] =	stream.indirect.scatter.add.f32 [tilespmem:s30], [sflag:$0x1], $0x10, s18, s29, $0xb8;
	[tilespmem:$0xA400] =	vst v63  }
0x150: {  	s18 =	simm.s32 $0x380  }
0x151: {  	[spmem:s2] =	stream.indirect.scatter.add.f32 [tilespmem:s30], [sflag:$0x1], $0x10, s18, s29, $0xb8;
	[tilespmem:$0xA400] =	vst v63  }
0x152: {  	s18 =	simm.s32 $0x400  }
0x153: {  	[spmem:s2] =	stream.indirect.scatter.add.f32 [tilespmem:s30], [sflag:$0x1], $0x10, s18, s29, $0xb8;
	[tilespmem:$0xA400] =	vst v63  }
0x154: {  	s18 =	simm.s32 $0x480  }
0x155: {  	[spmem:s2] =	stream.indirect.scatter.add.f32 [tilespmem:s30], [sflag:$0x1], $0x10, s18, s29, $0xb8;
	[tilespmem:$0xA400] =	vst v63  }
0x156: {  	s18 =	simm.s32 $0x500  }
0x157: {  	[spmem:s2] =	stream.indirect.scatter.add.f32 [tilespmem:s30], [sflag:$0x1], $0x10, s18, s29, $0xb8;
	[tilespmem:$0xA400] =	vst v63  }
0x158: {  	s18 =	simm.s32 $0x580  }
0x159: {  	[spmem:s2] =	stream.indirect.scatter.add.f32 [tilespmem:s30], [sflag:$0x1], $0x10, s18, s29, $0xb8;
	[tilespmem:$0xA400] =	vst v63  }
0x15a: {  	s18 =	simm.s32 $0x600  }
0x15b: {  	[spmem:s2] =	stream.indirect.scatter.add.f32 [tilespmem:s30], [sflag:$0x1], $0x10, s18, s29, $0xb8;
	[tilespmem:$0xA400] =	vst v63  }
0x15c: {  	s18 =	simm.s32 $0x680  }
0x15d: {  	[spmem:s2] =	stream.indirect.scatter.add.f32 [tilespmem:s30], [sflag:$0x1], $0x10, s18, s29, $0xb8;
	[tilespmem:$0xA400] =	vst v63  }
0x15e: {  	s18 =	simm.s32 $0x700  }
0x15f: {  	[spmem:s2] =	stream.indirect.scatter.add.f32 [tilespmem:s30], [sflag:$0x1], $0x10, s18, s29, $0xb8;
	[tilespmem:$0xA400] =	vst v63  }
0x160: {  	s18 =	simm.s32 $0x780  }
0x161: {  	[spmem:s2] =	stream.indirect.scatter.add.f32 [tilespmem:s30], [sflag:$0x1], $0x10, s18, s29, $0xb8;
	[tilespmem:$0xA400] =	vst v63  }
0x162: {  	s18 =	simm.s32 $0x800  }
0x163: {  	[spmem:s2] =	stream.indirect.scatter.add.f32 [tilespmem:s30], [sflag:$0x1], $0x10, s18, s29, $0xb8;
	[tilespmem:$0xA400] =	vst v63  }
0x164: {  	s18 =	simm.s32 $0x880  }
0x165: {  	[spmem:s2] =	stream.indirect.scatter.add.f32 [tilespmem:s30], [sflag:$0x1], $0x10, s18, s29, $0xb8;
	[tilespmem:$0xA400] =	vst v63  }
0x166: {  	s18 =	simm.s32 $0x900  }
0x167: {  	[spmem:s2] =	stream.indirect.scatter.add.f32 [tilespmem:s30], [sflag:$0x1], $0x10, s18, s29, $0xb8;
	[tilespmem:$0xA400] =	vst v63  }
0x168: {  	s18 =	simm.s32 $0x980  }
0x169: {  	[spmem:s2] =	stream.indirect.scatter.add.f32 [tilespmem:s30], [sflag:$0x1], $0x10, s18, s29, $0xb8;
	[tilespmem:$0xA400] =	vst v63  }
0x16a: {  	s18 =	simm.s32 $0xA00  }
0x16b: {  	[spmem:s2] =	stream.indirect.scatter.add.f32 [tilespmem:s30], [sflag:$0x1], $0x10, s18, s29, $0xb8;
	[tilespmem:$0xA400] =	vst v63  }
0x16c: {  	s18 =	simm.s32 $0xA80  }
0x16d: {  	[spmem:s2] =	stream.indirect.scatter.add.f32 [tilespmem:s30], [sflag:$0x1], $0x10, s18, s29, $0xb8;
	[tilespmem:$0xA400] =	vst v63  }
0x16e: {  	s18 =	simm.s32 $0xB00  }
0x16f: {  	[spmem:s2] =	stream.indirect.scatter.add.f32 [tilespmem:s30], [sflag:$0x1], $0x10, s18, s29, $0xb8;
	[tilespmem:$0xA400] =	vst v63  }
0x170: {  	s18 =	simm.s32 $0xB80  }
0x171: {  	[spmem:s2] =	stream.indirect.scatter.add.f32 [tilespmem:s30], [sflag:$0x1], $0x10, s18, s29, $0xb8;
	[tilespmem:$0xA400] =	vst v63  }
0x172: {  	s18 =	simm.s32 $0xC00  }
0x173: {  	[spmem:s2] =	stream.indirect.scatter.add.f32 [tilespmem:s30], [sflag:$0x1], $0x10, s18, s29, $0xb8;
	[tilespmem:$0xA400] =	vst v63  }
0x174: {  	s18 =	simm.s32 $0xC80  }
0x175: {  	[spmem:s2] =	stream.indirect.scatter.add.f32 [tilespmem:s30], [sflag:$0x1], $0x10, s18, s29, $0xb8;
	[tilespmem:$0xA400] =	vst v63  }
0x176: {  	s18 =	simm.s32 $0xD00  }
0x177: {  	[spmem:s2] =	stream.indirect.scatter.add.f32 [tilespmem:s30], [sflag:$0x1], $0x10, s18, s29, $0xb8;
	[tilespmem:$0xA400] =	vst v63  }
0x178: {  	s18 =	simm.s32 $0xD80  }
0x179: {  	[spmem:s2] =	stream.indirect.scatter.add.f32 [tilespmem:s30], [sflag:$0x1], $0x10, s18, s29, $0xb8;
	[tilespmem:$0xA400] =	vst v63  }
0x17a: {  	_ = 	snop  }
0x17b: {  	[spmem:s2] =	stream.indirect.scatter.add.f32 [tilespmem:s30], [sflag:$0x1], $0x10, s20, s29, $0xb8;
	[tilespmem:$0xA400] =	vst v63  }
0x17c: {  	_ = 	snop  }
0x17d: {  	[spmem:s2] =	stream.indirect.scatter.add.f32 [tilespmem:s30], [sflag:$0x1], $0x10, s21, s29, $0xb8;
	[tilespmem:$0xA400] =	vst v63  }
0x17e: {  	_ = 	snop  }
0x17f: {  	[spmem:s2] =	stream.indirect.scatter.add.f32 [tilespmem:s30], [sflag:$0x1], $0x10, s22, s29, $0xb8;
	[tilespmem:$0xA400] =	vst v63  }
0x180: {  	_ = 	snop  }
0x181: {  	[spmem:s2] =	stream.indirect.scatter.add.f32 [tilespmem:s30], [sflag:$0x1], $0x10, s23, s29, $0xb8;
	[tilespmem:$0xA400] =	vst v63  }
0x182: {  	_ = 	snop  }
0x183: {  	[spmem:s2] =	stream.indirect.scatter.add.f32 [tilespmem:s30], [sflag:$0x1], $0x10, s31, s29, $0xb8;
	[tilespmem:$0xA400] =	vst v63  }
0x184: {  	_ = 	snop  }
0x185: {  	[spmem:s2] =	stream.indirect.scatter.add.f32 [tilespmem:s30], [sflag:$0x1], $0x10, s24, s29, $0xb8;
	[tilespmem:$0xA400] =	vst v63  }
0x186: {  	_ = 	snop  }
0x187: {  	[spmem:s2] =	stream.indirect.scatter.add.f32 [tilespmem:s30], [sflag:$0x1], $0x10, s0, s29, $0xb8;
	[tilespmem:$0xA400] =	vst v63  }
0x188: {  	_ = 	snop  }
0x189: {  	[spmem:s2] =	stream.indirect.scatter.add.f32 [tilespmem:s30], [sflag:$0x1], $0x10, s12, s29, $0xb8;
	[tilespmem:$0xA400] =	vst v63  }
0x18a: {  	_ = 	snop  }
0x18b: {  	[spmem:s2] =	stream.indirect.scatter.add.f32 [tilespmem:s30], [sflag:$0x1], $0x10, s13, s29, $0xb8;
	[tilespmem:$0xA400] =	vst v63  }
0x18c: {  	_ = 	snop  }
0x18d: {  	[spmem:s2] =	stream.indirect.scatter.add.f32 [tilespmem:s30], [sflag:$0x1], $0x10, s1, s29, $0xb8;
	[tilespmem:$0xA400] =	vst v63  }
0x18e: {  	_ = 	snop  }
0x18f: {  	[spmem:s2] =	stream.indirect.scatter.add.f32 [tilespmem:s30], [sflag:$0x1], $0x10, s14, s29, $0xb8;
	[tilespmem:$0xA400] =	vst v63  }
0x190: {  	_ = 	snop  }
0x191: {  	[spmem:s2] =	stream.indirect.scatter.add.f32 [tilespmem:s30], [sflag:$0x1], $0x10, s15, s29, $0xb8;
	[tilespmem:$0xA400] =	vst v63  }
0x192: {  	_ =	swait.ge [sflag:s26], $0x7D0  }
0x193: {  	s17 =	simm.s32 $0x27;
	[sflag:s26] =	ssyncset.done $0x0  }
.LBB2_7:
0x194: {  	p1 =	sne.s32 s17, $0x1;
	s17 =	sadd.s32 $0xFFFFFFFF, s17;
	[sflag:s26] =	ssyncadd.s32 $0xFFFFF830  }
.Ltmp8:
0x195: {  	(pc) =	sbr.rel @p1 .LBB2_7-.Ltmp8, $3  }
0x196: {  	_ =	sdelay $0x1  }
0x197: {  	_ =	swait.ge [sflag:s26], $0x7D0  }
0x198: {  	[sflag:s26] =	ssyncset.done $0x0  }
0x199: {  	[sflag:s26] =	ssyncadd.s32 $0xFFFFF830;
	s17 =	rddreg [dreg:$0x4]  }
0x19a: {  	[tilespmem:s3], [sflag:$0x2] =	stream.linear.gather [hbm4b:s17+s3], $0x1400, $0x38;
	[tilespmem:$0xA400] =	vst v63  }
0x19b: {  	_ =	swait.ge [sflag:s28], $0x1400  }
0x19c: {  	[sflag:s28] =	ssyncset.done $0x0  }
0x19d: {  	[sflag:s28] =	ssyncadd.s32 $0xFFFFEC00  }
0x19e: {  	[spmem:s2] =	stream.indirect.scatter.add.f32 [tilespmem:s30], [sflag:$0x1], $0x10, s3, s29, $0xb8;
	[tilespmem:$0xA400] =	vst v63  }
0x19f: {  	_ = 	snop  }
0x1a0: {  	[spmem:s2] =	stream.indirect.scatter.add.f32 [tilespmem:s30], [sflag:$0x1], $0x10, s19, s29, $0xb8;
	[tilespmem:$0xA400] =	vst v63  }
0x1a1: {  	s18 =	simm.s32 $0x100  }
0x1a2: {  	[spmem:s2] =	stream.indirect.scatter.add.f32 [tilespmem:s30], [sflag:$0x1], $0x10, s18, s29, $0xb8;
	[tilespmem:$0xA400] =	vst v63  }
0x1a3: {  	s19 =	simm.s32 $0x180  }
0x1a4: {  	[spmem:s2] =	stream.indirect.scatter.add.f32 [tilespmem:s30], [sflag:$0x1], $0x10, s19, s29, $0xb8;
	[tilespmem:$0xA400] =	vst v63  }
0x1a5: {  	s18 =	simm.s32 $0x200  }
0x1a6: {  	[spmem:s2] =	stream.indirect.scatter.add.f32 [tilespmem:s30], [sflag:$0x1], $0x10, s18, s29, $0xb8;
	[tilespmem:$0xA400] =	vst v63  }
0x1a7: {  	s19 =	simm.s32 $0x280  }
0x1a8: {  	[spmem:s2] =	stream.indirect.scatter.add.f32 [tilespmem:s30], [sflag:$0x1], $0x10, s19, s29, $0xb8;
	[tilespmem:$0xA400] =	vst v63  }
0x1a9: {  	s18 =	simm.s32 $0x300  }
0x1aa: {  	[spmem:s2] =	stream.indirect.scatter.add.f32 [tilespmem:s30], [sflag:$0x1], $0x10, s18, s29, $0xb8;
	[tilespmem:$0xA400] =	vst v63  }
0x1ab: {  	s19 =	simm.s32 $0x380  }
0x1ac: {  	[spmem:s2] =	stream.indirect.scatter.add.f32 [tilespmem:s30], [sflag:$0x1], $0x10, s19, s29, $0xb8;
	[tilespmem:$0xA400] =	vst v63  }
0x1ad: {  	s18 =	simm.s32 $0x400  }
0x1ae: {  	[spmem:s2] =	stream.indirect.scatter.add.f32 [tilespmem:s30], [sflag:$0x1], $0x10, s18, s29, $0xb8;
	[tilespmem:$0xA400] =	vst v63  }
0x1af: {  	s19 =	simm.s32 $0x480  }
0x1b0: {  	[spmem:s2] =	stream.indirect.scatter.add.f32 [tilespmem:s30], [sflag:$0x1], $0x10, s19, s29, $0xb8;
	[tilespmem:$0xA400] =	vst v63  }
0x1b1: {  	s18 =	simm.s32 $0x500  }
0x1b2: {  	[spmem:s2] =	stream.indirect.scatter.add.f32 [tilespmem:s30], [sflag:$0x1], $0x10, s18, s29, $0xb8;
	[tilespmem:$0xA400] =	vst v63  }
0x1b3: {  	s19 =	simm.s32 $0x580  }
0x1b4: {  	[spmem:s2] =	stream.indirect.scatter.add.f32 [tilespmem:s30], [sflag:$0x1], $0x10, s19, s29, $0xb8;
	[tilespmem:$0xA400] =	vst v63  }
0x1b5: {  	s18 =	simm.s32 $0x600  }
0x1b6: {  	[spmem:s2] =	stream.indirect.scatter.add.f32 [tilespmem:s30], [sflag:$0x1], $0x10, s18, s29, $0xb8;
	[tilespmem:$0xA400] =	vst v63  }
0x1b7: {  	s19 =	simm.s32 $0x680  }
0x1b8: {  	[spmem:s2] =	stream.indirect.scatter.add.f32 [tilespmem:s30], [sflag:$0x1], $0x10, s19, s29, $0xb8;
	[tilespmem:$0xA400] =	vst v63  }
0x1b9: {  	s18 =	simm.s32 $0x700  }
0x1ba: {  	[spmem:s2] =	stream.indirect.scatter.add.f32 [tilespmem:s30], [sflag:$0x1], $0x10, s18, s29, $0xb8;
	[tilespmem:$0xA400] =	vst v63  }
0x1bb: {  	s19 =	simm.s32 $0x780  }
0x1bc: {  	[spmem:s2] =	stream.indirect.scatter.add.f32 [tilespmem:s30], [sflag:$0x1], $0x10, s19, s29, $0xb8;
	[tilespmem:$0xA400] =	vst v63  }
0x1bd: {  	s18 =	simm.s32 $0x800  }
0x1be: {  	[spmem:s2] =	stream.indirect.scatter.add.f32 [tilespmem:s30], [sflag:$0x1], $0x10, s18, s29, $0xb8;
	[tilespmem:$0xA400] =	vst v63  }
0x1bf: {  	s19 =	simm.s32 $0x880  }
0x1c0: {  	[spmem:s2] =	stream.indirect.scatter.add.f32 [tilespmem:s30], [sflag:$0x1], $0x10, s19, s29, $0xb8;
	[tilespmem:$0xA400] =	vst v63  }
0x1c1: {  	s18 =	simm.s32 $0x900  }
0x1c2: {  	[spmem:s2] =	stream.indirect.scatter.add.f32 [tilespmem:s30], [sflag:$0x1], $0x10, s18, s29, $0xb8;
	[tilespmem:$0xA400] =	vst v63  }
0x1c3: {  	s19 =	simm.s32 $0x980  }
0x1c4: {  	[spmem:s2] =	stream.indirect.scatter.add.f32 [tilespmem:s30], [sflag:$0x1], $0x10, s19, s29, $0xb8;
	[tilespmem:$0xA400] =	vst v63  }
0x1c5: {  	s18 =	simm.s32 $0xA00  }
0x1c6: {  	[spmem:s2] =	stream.indirect.scatter.add.f32 [tilespmem:s30], [sflag:$0x1], $0x10, s18, s29, $0xb8;
	[tilespmem:$0xA400] =	vst v63  }
0x1c7: {  	s19 =	simm.s32 $0xA80  }
0x1c8: {  	[spmem:s2] =	stream.indirect.scatter.add.f32 [tilespmem:s30], [sflag:$0x1], $0x10, s19, s29, $0xb8;
	[tilespmem:$0xA400] =	vst v63  }
0x1c9: {  	s18 =	simm.s32 $0xB00  }
0x1ca: {  	[spmem:s2] =	stream.indirect.scatter.add.f32 [tilespmem:s30], [sflag:$0x1], $0x10, s18, s29, $0xb8;
	[tilespmem:$0xA400] =	vst v63  }
0x1cb: {  	s19 =	simm.s32 $0xB80  }
0x1cc: {  	[spmem:s2] =	stream.indirect.scatter.add.f32 [tilespmem:s30], [sflag:$0x1], $0x10, s19, s29, $0xb8;
	[tilespmem:$0xA400] =	vst v63  }
0x1cd: {  	s18 =	simm.s32 $0xC00  }
0x1ce: {  	[spmem:s2] =	stream.indirect.scatter.add.f32 [tilespmem:s30], [sflag:$0x1], $0x10, s18, s29, $0xb8;
	[tilespmem:$0xA400] =	vst v63  }
0x1cf: {  	s19 =	simm.s32 $0xC80  }
0x1d0: {  	[spmem:s2] =	stream.indirect.scatter.add.f32 [tilespmem:s30], [sflag:$0x1], $0x10, s19, s29, $0xb8;
	[tilespmem:$0xA400] =	vst v63  }
0x1d1: {  	s18 =	simm.s32 $0xD00  }
0x1d2: {  	[spmem:s2] =	stream.indirect.scatter.add.f32 [tilespmem:s30], [sflag:$0x1], $0x10, s18, s29, $0xb8;
	[tilespmem:$0xA400] =	vst v63  }
0x1d3: {  	s19 =	simm.s32 $0xD80  }
0x1d4: {  	[spmem:s2] =	stream.indirect.scatter.add.f32 [tilespmem:s30], [sflag:$0x1], $0x10, s19, s29, $0xb8;
	[tilespmem:$0xA400] =	vst v63  }
0x1d5: {  	_ = 	snop  }
0x1d6: {  	[spmem:s2] =	stream.indirect.scatter.add.f32 [tilespmem:s30], [sflag:$0x1], $0x10, s20, s29, $0xb8;
	[tilespmem:$0xA400] =	vst v63  }
0x1d7: {  	_ = 	snop  }
0x1d8: {  	[spmem:s2] =	stream.indirect.scatter.add.f32 [tilespmem:s30], [sflag:$0x1], $0x10, s21, s29, $0xb8;
	[tilespmem:$0xA400] =	vst v63  }
0x1d9: {  	_ = 	snop  }
0x1da: {  	[spmem:s2] =	stream.indirect.scatter.add.f32 [tilespmem:s30], [sflag:$0x1], $0x10, s22, s29, $0xb8;
	[tilespmem:$0xA400] =	vst v63  }
0x1db: {  	_ = 	snop  }
0x1dc: {  	[spmem:s2] =	stream.indirect.scatter.add.f32 [tilespmem:s30], [sflag:$0x1], $0x10, s23, s29, $0xb8;
	[tilespmem:$0xA400] =	vst v63  }
0x1dd: {  	_ = 	snop  }
0x1de: {  	[spmem:s2] =	stream.indirect.scatter.add.f32 [tilespmem:s30], [sflag:$0x1], $0x10, s31, s29, $0xb8;
	[tilespmem:$0xA400] =	vst v63  }
0x1df: {  	_ = 	snop  }
0x1e0: {  	[spmem:s2] =	stream.indirect.scatter.add.f32 [tilespmem:s30], [sflag:$0x1], $0x10, s24, s29, $0xb8;
	[tilespmem:$0xA400] =	vst v63  }
0x1e1: {  	_ = 	snop  }
0x1e2: {  	[spmem:s2] =	stream.indirect.scatter.add.f32 [tilespmem:s30], [sflag:$0x1], $0x10, s0, s29, $0xb8;
	[tilespmem:$0xA400] =	vst v63  }
0x1e3: {  	_ = 	snop  }
0x1e4: {  	[spmem:s2] =	stream.indirect.scatter.add.f32 [tilespmem:s30], [sflag:$0x1], $0x10, s12, s29, $0xb8;
	[tilespmem:$0xA400] =	vst v63  }
0x1e5: {  	_ = 	snop  }
0x1e6: {  	[spmem:s2] =	stream.indirect.scatter.add.f32 [tilespmem:s30], [sflag:$0x1], $0x10, s13, s29, $0xb8;
	[tilespmem:$0xA400] =	vst v63  }
0x1e7: {  	_ = 	snop  }
0x1e8: {  	[spmem:s2] =	stream.indirect.scatter.add.f32 [tilespmem:s30], [sflag:$0x1], $0x10, s1, s29, $0xb8;
	[tilespmem:$0xA400] =	vst v63  }
0x1e9: {  	_ = 	snop  }
0x1ea: {  	[spmem:s2] =	stream.indirect.scatter.add.f32 [tilespmem:s30], [sflag:$0x1], $0x10, s14, s29, $0xb8;
	[tilespmem:$0xA400] =	vst v63  }
0x1eb: {  	_ = 	snop  }
0x1ec: {  	[spmem:s2] =	stream.indirect.scatter.add.f32 [tilespmem:s30], [sflag:$0x1], $0x10, s15, s29, $0xb8;
	[tilespmem:$0xA400] =	vst v63  }
0x1ed: {  	_ =	swait.ge [sflag:s26], $0x7D0  }
0x1ee: {  	s17 =	simm.s32 $0x27;
	[sflag:s26] =	ssyncset.done $0x0  }
.LBB2_9:
0x1ef: {  	p1 =	seq.s32 s17, $0x1;
	s17 =	sadd.s32 $0xFFFFFFFF, s17;
	[sflag:s26] =	ssyncadd.s32 $0xFFFFF830  }
.Ltmp9:
0x1f0: {  	(pc) =	sbr.rel @!p1 .LBB2_9-.Ltmp9, $3  }
0x1f1: {  	_ =	sdelay $0x1  }
0x1f2: {  	_ =	swait.ge [sflag:s26], $0x7D0  }
0x1f3: {  	[sflag:s26] =	ssyncset.done $0x0  }
.Ltmp10:
0x1f4: {  	_ = 	snop;
	(pc) =	sbr.rel .LBB2_10-.Ltmp10, $1  }
0x1f5: {  	_ =	sdelay $0x3  }
.LBB2_17:
0x1f6: {  	_ =	sfence.sel $0x180000  }
0x1f7: {  	[bflag:$0x0] =	sbarrier.arrive $0xFFFF  }
0x1f8: {  	_ =	strace $0x90000047  }
0x1f9: {  	s0 =	stileid.u32;
	[bflag:$0x2] =	sbarrier.arrive $0xFFFF  }
0x1fa: {  	p0 =	sne.s32 s0, $0x0;
	s0 =	rddreg [dreg:$0x2]  }
0x1fb: {  	s0 =	sadd.s32 @!p0 $0x100000, s0  }
0x1fc: {  	[sflag:s0] =	ssyncadd.tile.s32 @!p0 $0x1;
	_ =	shalt  }
.Lfunc_end2:
_tile_overlayer_lowered:
.L_overlay_start_2:
0x1fd: {  	(tag) =	ssettag $0x2  }
0x1fe: {  	s0 =	rddreg [dreg:$0x0];
	s2 =	stileid.u32  }
0x1ff: {  	s1 =	rddreg [dreg:$0x1];
	p0 =	sne.s32 s2, $0x0  }
0x200: {  	s3 =	rddreg [dreg:$0x2];
	[bflag:$0x3] =	sbarrier.arrive $0xFFFF;
	s2 =	simm.s32 @!p0 $0x1C02  }
0x201: {  	[timem:s3], [sflag:s2] =	dma.local @!p0 [hbm:s0], s1  }
0x202: {  	s0 =	simm.s32 @!p0 $0x2  }
0x203: {  	_ =	swait.ge @!p0 [sflag:s0], s1  }
0x204: {  	s1 =	ssub.s32 @!p0 $0x0, s1;
	[sflag:s0] =	ssyncset.done @!p0 $0x0  }
0x205: {  	[sflag:s0] =	ssyncadd.s32 @!p0 s1  }
0x206: {  	[bflag:$0x3] =	sbarrier.arrive $0xFFFF  }
0x207: {  	_ =	shalt  }

// kernel: kernel.9.cloned.1.call-start
scs
__scs_entry_jumppad:
0x0: {  	(pc) =	sbr.rel $0x88, $3  }
0x1: {  	(tag) =	ssettag $0x0;
	lr =	simm.s32 $0x1  }
0x2: {  	[smem:$0x3F8F] =	sst lr;
	_ =	strace $0xD0000000  }
0x3: {  	_ = 	snop  }
0x4: {  	_ = 	snop  }
0x5: {  	_ = 	snop  }
0x6: {  	_ = 	snop  }
0x7: {  	_ = 	snop  }
__scs_overlays_trampoline_lowered:
0x8: {  	[smem:$0x3F9E] =	sst s0  }
0x9: {  	[smem:$0x3F9F] =	sst s1  }
0xa: {  	[smem:$0x3FA0] =	sst s2  }
0xb: {  	[smem:$0x3FA1] =	sst s3  }
0xc: {  	[smem:$0x3FA2] =	sst s4  }
0xd: {  	[smem:$0x3FA3] =	sst s5  }
0xe: {  	[smem:$0x3FA4] =	sst s6  }
0xf: {  	[smem:$0x3FA5] =	sst s7  }
0x10: {  	[smem:$0x3FA6] =	sst s8  }
0x11: {  	[smem:$0x3FA7] =	sst s9;
	s0 =	simm.s32 @!p0 $0x0  }
0x12: {  	s1 =	sld [smem:$0x3F8D];
	s0 =	simm.s32 @p0 $0x1  }
0x13: {  	[smem:$0x3FA8] =	sst s0;
	s0 =	simm.s32 @!p1 $0x0  }
0x14: {  	s2 =	sld [smem:$0x3F8C];
	s0 =	simm.s32 @p1 $0x1  }
0x15: {  	[smem:$0x3FA9] =	sst s0;
	s0 =	simm.s32 @!p2 $0x0  }
0x16: {  	s3 =	sld [smem:$0x3FDB];
	s0 =	simm.s32 @p2 $0x1  }
0x17: {  	s4 =	simm.s32 $0x1BF5;
	[smem:$0x3FAB] =	sst s0  }
0x18: {  	s0 =	sld [smem:$0x3F8E];
	_ =	swait.ge [sflag:s4], $0x0  }
0x19: {  	s7 =	sld [smem:$0x3F8F]  }
0x1a: {  	s8 =	sadd.s32 $0xFFFFE003, lr  }
0x1b: {  	s9 =	sadd.s32 $0xFFFFFEF7, lr;
	s5 =	simm.s32 $0xFFFFFFFF;
	p2 =	slt.u32 s8, $0xFFFFF086  }
0x1c: {  	p1 =	slt.u32 s9, $0xF7A;
	s5 =	simm.s32 @!p2 $0x0  }
0x1d: {  	s5 =	simm.s32 @p1 $0x1;
	p0 =	seq.s32 s7, s2  }
0x1e: {  	s7 =	smul.u32 @!p0 $0xF7A, s2;
	p2 =	seq.s32 @!p0 s5, $0x0  }
0x1f: {  	s9 =	smul.u32 $0xF7A, s1;
	s8 =	simm.s32 @!p0 $0x1BF5;
	p2 =	por !p2, p0  }
0x20: {  	[sflag:s8] =	ssyncset.s32 @!p0 $0xFFFFF086;
	s6 =	sadd.s32 @!p0 s3, s7;
	s7 =	simm.s32 @!p0 $0x108  }
0x21: {  	s3 =	sadd.s32 s3, s9;
	s6 =	sadd.s32 @!p0 $0x88, s6;
	s7 =	simm.s32 @p2 $0x1082  }
0x22: {  	[simem:s7], [sflag:s8] =	dma.local @!p0 [hbm:s6], $0xF7A  }
0x23: {  	s9 =	sor.u32 $0xD0000000, s2;
	s6 =	simm.s32 $0x108;
	_ =	swait.ge @!p0 [sflag:s8], $0x0  }
0x24: {  	s3 =	sadd.s32 $0x88, s3;
	s6 =	simm.s32 @!p1 $0x1082;
	[sflag:s4] =	ssyncset.s32 $0xFFFFF086  }
0x25: {  	[simem:s6], [sflag:s4] =	dma.local [hbm:s3], $0xF7A  }
0x26: {  	[smem:$0x3F8F] =	sst s1;
	(tag) =	ssettag s2;
	_ =	strace s9  }
0x27: {  	s1 =	sld [smem:$0x3F9F]  }
0x28: {  	s2 =	sld [smem:$0x3FA0]  }
0x29: {  	s4 =	sld [smem:$0x3FA2]  }
0x2a: {  	p0 =	seq.s32 s5, $0x0;
	s5 =	sld [smem:$0x3FA3]  }
0x2b: {  	s6 =	sld [smem:$0x3FA4]  }
0x2c: {  	s7 =	sld [smem:$0x3FA5]  }
0x2d: {  	s3 =	simm.s32 $0x108;
	s8 =	sld [smem:$0x3FA6]  }
0x2e: {  	s3 =	simm.s32 @!p0 $0x1082;
	s9 =	sld [smem:$0x3FA7]  }
0x2f: {  	lr =	sadd.s32 s0, s3;
	s0 =	sld [smem:$0x3F9E]  }
0x30: {  	s3 =	sld [smem:$0x3FA1]  }
0x31: {  	[smem:$0x3FAA] =	sst s10  }
0x32: {  	s10 =	sld [smem:$0x3FA8];
	_ =	sdelay $0x3  }
0x33: {  	p0 =	seq.s32 s10, $0x1;
	s10 =	sld [smem:$0x3FAA];
	_ =	sdelay $0x3  }
0x34: {  	[smem:$0x3FAA] =	sst s10  }
0x35: {  	s10 =	sld [smem:$0x3FA9];
	_ =	sdelay $0x3  }
0x36: {  	p1 =	seq.s32 s10, $0x1;
	s10 =	sld [smem:$0x3FAA];
	_ =	sdelay $0x3  }
0x37: {  	[smem:$0x3FAA] =	sst s10  }
0x38: {  	s10 =	sld [smem:$0x3FAB]  }
0x39: {  	_ = 	snop;
	(pc) =	sbr.ind lr, $3  }
0x3a: {  	_ = 	snop  }
0x3b: {  	_ = 	snop  }
0x3c: {  	p2 =	seq.s32 s10, $0x1;
	s10 =	sld [smem:$0x3FAA]  }
0x3d: {  	_ =	shalt  }
0x3e: {  	_ =	shalt  }
0x3f: {  	_ =	shalt  }
0x40: {  	_ =	shalt  }
0x41: {  	_ =	shalt  }
0x42: {  	_ =	shalt  }
0x43: {  	_ =	shalt  }
0x44: {  	_ =	shalt  }
0x45: {  	_ =	shalt  }
0x46: {  	_ =	shalt  }
0x47: {  	_ =	shalt  }
0x48: {  	_ =	shalt  }
0x49: {  	_ =	shalt  }
0x4a: {  	_ =	shalt  }
0x4b: {  	_ =	shalt  }
0x4c: {  	_ =	shalt  }
0x4d: {  	_ =	shalt  }
0x4e: {  	_ =	shalt  }
0x4f: {  	_ =	shalt  }
0x50: {  	_ =	shalt  }
0x51: {  	_ =	shalt  }
0x52: {  	_ =	shalt  }
0x53: {  	_ =	shalt  }
0x54: {  	_ =	shalt  }
0x55: {  	_ =	shalt  }
0x56: {  	_ =	shalt  }
0x57: {  	_ =	shalt  }
0x58: {  	_ =	shalt  }
0x59: {  	_ =	shalt  }
0x5a: {  	_ =	shalt  }
0x5b: {  	_ =	shalt  }
0x5c: {  	_ =	shalt  }
0x5d: {  	_ =	shalt  }
0x5e: {  	_ =	shalt  }
0x5f: {  	_ =	shalt  }
0x60: {  	_ =	shalt  }
0x61: {  	_ =	shalt  }
0x62: {  	_ =	shalt  }
0x63: {  	_ =	shalt  }
0x64: {  	_ =	shalt  }
0x65: {  	_ =	shalt  }
0x66: {  	_ =	shalt  }
0x67: {  	_ =	shalt  }
0x68: {  	_ =	shalt  }
0x69: {  	_ =	shalt  }
0x6a: {  	_ =	shalt  }
0x6b: {  	_ =	shalt  }
0x6c: {  	_ =	shalt  }
0x6d: {  	_ =	shalt  }
0x6e: {  	_ =	shalt  }
0x6f: {  	_ =	shalt  }
0x70: {  	_ =	shalt  }
0x71: {  	_ =	shalt  }
0x72: {  	_ =	shalt  }
0x73: {  	_ =	shalt  }
0x74: {  	_ =	shalt  }
0x75: {  	_ =	shalt  }
0x76: {  	_ =	shalt  }
0x77: {  	_ =	shalt  }
0x78: {  	_ =	shalt  }
0x79: {  	_ =	shalt  }
0x7a: {  	_ =	shalt  }
0x7b: {  	_ =	shalt  }
0x7c: {  	_ =	shalt  }
0x7d: {  	_ =	shalt  }
0x7e: {  	_ =	shalt  }
0x7f: {  	_ =	shalt  }
0x80: {  	_ =	shalt  }
0x81: {  	_ =	shalt  }
0x82: {  	_ =	shalt  }
0x83: {  	_ =	shalt  }
0x84: {  	_ =	shalt  }
0x85: {  	_ =	shalt  }
0x86: {  	_ =	shalt  }
0x87: {  	_ =	shalt  }
.Lfunc_end0:
.L_simem_size_0:
called_computation.1_lowered:
.L_overlay_start_0:
0x88: {  	s2 =	sld [smem:$0x3FD9]  }
0x89: {  	s3 =	sld [smem:$0x3FFE];
	_ =	sdelay $0x1  }
0x8a: {  	s1 =	srdreg.scid  }
0x8b: {  	s0 =	sand.u32 $0x1, s1  }
0x8c: {  	s16 =	sshll.u32 s0, $0xA;
	s2 =	sadd.s32 s3, s2  }
0x8d: {  	s2 =	sadd.s32 s2, s16  }
0x8e: {  	[smem:$0x3FB6] =	sst s2  }
0x8f: {  	_ = 	snop  }
0x90: {  	(tm) =	ssettm $0x1  }
0x91: {  	s17 =	sld [smem:$0x3FFB];
	_ =	sdelay $0x3  }
0x92: {  	_ =	strace s17  }
0x93: {  	s2 =	sld [smem:$0x3FFC];
	_ =	sdelay $0x3  }
0x94: {  	_ =	strace s2  }
0x95: {  	s2 =	sld [smem:$0x3FFD];
	_ =	sdelay $0x3  }
0x96: {  	_ =	strace s2  }
0x97: {  	_ =	strace $0x8FFFFFFF  }
0x98: {  	s18 =	sld [smem:$0x3FDB];
	_ =	sdelay $0x1  }
0x99: {  	s19 =	simm.s32 $_scs_section_size  }
0x9a: {  	s4 =	simm.s32 $_size__tile_overlayer_lowered;
	s5 =	simm.s32 $_tile_overlayer_lowered  }
0x9b: {  	s22 =	simm.s32 $0x1BFF;
	s21 =	sshll.u32 s5, $0x1;
	s2 =	sadd.s32 s19, s18  }
0x9c: {  	s6 =	simm.s32 $0x0;
	s20 =	sshll.u32 s4, $0x1;
	s4 =	sadd.s32 s21, s2  }
0x9d: {  	[timem:s6], [sflag:s22] =	dma.local [hbm:s4], s20  }
0x9e: {  	_ =	swait.ge [sflag:s22], s20  }
0x9f: {  	s3 =	ssub.s32 $0x0, s20;
	[sflag:s22] =	ssyncset.done $0x0  }
0xa0: {  	[sflag:s22] =	ssyncadd.s32 s3;
	_ =	sdelay $0x1  }
0xa1: {  	s23 =	simm.s32 $0x1B8B  }
0xa2: {  	_ =	swait.ge [sflag:s23], $0x1  }
0xa3: {  	[sflag:s23] =	ssyncset.done $0x0  }
0xa4: {  	s25 =	simm.s32 $0x1B8E;
	s24 =	sld [smem:$0x3FFE];
	[sflag:s23] =	ssyncadd.s32 $0xFFFFFFFF  }
0xa5: {  	s26 =	simm.s32 $execute0_lowered;
	[smem:$0x3FD2] =	sst s25  }
0xa6: {  	s4 =	sshll.u32 s26, $0x1;
	_ =	strace $0x80000049;
	[dreg:$0x1] =	wrdreg $0xFFFFFFFF  }
0xa7: {  	s28 =	simm.s32 $_size_execute0_lowered;
	s2 =	sadd.s32 s2, s4;
	[dreg:$0x0] =	wrdreg $0x0  }
0xa8: {  	s4 =	sshll.u32 s28, $0x1;
	[dreg:$0x2] =	wrdreg s2  }
0xa9: {  	[dreg:$0x3] =	wrdreg s4  }
0xaa: {  	[dreg:$0x4] =	wrdreg $0xC0  }
0xab: {  	_ =	task [dreg:s6], $0x5FFFF  }
0xac: {  	[dreg:$0x1] =	wrdreg $0xFFFFFFFF  }
0xad: {  	[dreg:$0x0] =	wrdreg $0x60  }
0xae: {  	[dreg:$0x2] =	wrdreg s24  }
0xaf: {  	[dreg:$0x3] =	wrdreg $0xA8000  }
0xb0: {  	[dreg:$0x4] =	wrdreg $0x9  }
0xb1: {  	_ =	task.clear_ibuf [dreg:s6], $0x5FFFF;
	_ =	strace $0x90000049  }
0xb2: {  	s29 =	simm.s32 $0x9;
	_ =	strace $0x8000004B  }
0xb3: {  	_ =	swait.ge [sflag:s29], $0x1  }
0xb4: {  	[sflag:s29] =	ssyncadd.s32 $0xFFFFFFFF  }
0xb5: {  	_ =	strace $0x9000004B  }
0xb6: {  	_ =	sfence  }
0xb7: {  	s30 =	sld [smem:$0x0];
	_ =	sdelay $0x2  }
0xb8: {  	s31 =	sshll.u32 s1, $0xD;
	s1 =	sshrl.u32 s1, $0x2  }
0xb9: {  	s3 =	sand.u32 $0x4000, s31;
	s1 =	sadd.s32 s1, s30  }
0xba: {  	s0 =	sor.u32 s3, s0;
	s1 =	sshll.u32 s1, $0x11  }
0xbb: {  	s0 =	sor.u32 s1, s0  }
0xbc: {  	s0 =	sadd.s32 $0x8F2B, s0  }
0xbd: {  	[sflag:s0] =	ssyncadd.remote.s32 $0x1  }
0xbe: {  	_ =	sfence.sel $0xFFFF  }
0xbf: {  	[dreg:$0x0] =	wrdreg $0xFFFFFFFF;
	(pc) =	sbr.abs _section_cstart, $3  }
0xc0: {  	[dreg:$0x1] =	wrdreg $0xFFFFFFFF  }
0xc1: {  	_ =	task.clear_ibuf [dreg:s6], $0x2FFFF;
	_ =	strace $0x9FFFFFFF  }
0xc2: {  	(tm) =	ssettm $0x7FFFFFFF  }
0xc3: {  	_ =	shalt  }
tec
execute0_lowered:
.L_overlay_start_1:
0x0: {  	(tag) =	ssettag $0x1  }
0x1: {  	s0 =	rddreg [dreg:$0x0]  }
0x2: {  	s1 =	rddreg [dreg:$0x1]  }
0x3: {  	s2 =	simm.s32 $0x0;
	s3 =	srdreg.scid;
	s17 =	stileid.u32  }
0x4: {  	[smem:$0x7FF] =	sst s2;
	s18 =	sadd.s32 $0x5DA00, s0;
	s6 =	sadd.s32 $0x3A00, s0  }
0x5: {  	s3 =	sand.u32 $0x1, s3;
	s4 =	sadd.s32 $0xDA00, s0;
	s10 =	smul.u32 $0x280, s17  }
0x6: {  	s5 =	sadd.s32 $0x34C00, s0;
	s9 =	smul.u32 $0x50000, s17;
	s11 =	sadd.s32 $0x67A00, s0  }
0x7: {  	s0 =	sadd.s32 $0x8FA00, s0;
	_ =	strace $0x8000004A;
	[dreg:$0x3] =	wrdreg s11  }
0x8: {  	s12 =	smul.u32 $0x5000, s17;
	s7 =	ssub.s32 $0x2, s3;
	[dreg:$0x4] =	wrdreg s0  }
0x9: {  	p0 =	sne.s32 s3, $0x0;
	s8 =	sshrl.u32 s7, $0x1;
	s19 =	sshrl.u32 s9, $0x2  }
0xa: {  	s11 =	sor.u32 $0x50, s10;
	s13 =	sadd.s32 $0xA0, s10;
	s12 =	sshrl.u32 s12, $0x3  }
0xb: {  	s14 =	sadd.s32 $0xF0, s10;
	s3 =	sadd.s32 $0x140, s10;
	s0 =	ssub.s32 s7, s8  }
0xc: {  	s8 =	sadd.s32 s19, s1;
	s20 =	sshll.u32 s11, $0x7;
	s21 =	sshll.u32 s13, $0x7  }
0xd: {  	s15 =	sadd.s32 s18, s12;
	s22 =	sadd.s32 $0x280, s12;
	s16 =	sadd.s32 s6, s12  }
0xe: {  	s24 =	sadd.s32 $0x500, s12;
	s12 =	sadd.s32 $0x780, s12;
	s29 =	sshll.u32 s14, $0x7  }
0xf: {  	s7 =	sadd.s32 $0x190, s10;
	s9 =	sadd.s32 s20, s1;
	[dreg:$0x5] =	wrdreg s15  }
0x10: {  	[dreg:$0x6] =	wrdreg s16;
	s23 =	sadd.s32 s18, s22;
	s15 =	sadd.s32 s6, s22  }
0x11: {  	s25 =	sadd.s32 s18, s24;
	s26 =	sadd.s32 s6, s24;
	s2 =	sadd.s32 s18, s12  }
0x12: {  	s28 =	sadd.s32 s6, s12;
	s18 =	sadd.s32 s21, s1;
	[dreg:$0x7] =	wrdreg s23  }
0x13: {  	s19 =	sadd.s32 s29, s1;
	s6 =	sshll.u32 s3, $0x7;
	[dreg:$0x8] =	wrdreg s15  }
0x14: {  	s16 =	sadd.s32 $0x230, s10;
	s29 =	sshll.u32 s14, $0x4;
	[dreg:$0x9] =	wrdreg s25  }
0x15: {  	s3 =	sshll.u32 s3, $0x4;
	s0 =	smax.u32 s0, $0x1;
	[dreg:$0xa] =	wrdreg s26  }
0x16: {  	s12 =	simm.s32 $0x7D;
	s14 =	simm.s32 $0x1380;
	[dreg:$0xb] =	wrdreg s2  }
0x17: {  	[dreg:$0xc] =	wrdreg s28;
	s20 =	sadd.s32 s6, s1;
	s15 =	sadd.s32 $0x1E0, s10  }
0x18: {  	s23 =	sshll.u32 s7, $0x7;
	s25 =	sshll.u32 s16, $0x7;
	[dreg:$0xf] =	wrdreg s29  }
0x19: {  	s26 =	sshll.u32 s11, $0x4;
	s28 =	sshll.u32 s13, $0x4;
	[dreg:$0x10] =	wrdreg s3  }
0x1a: {  	s2 =	sshll.u32 s7, $0x4;
	s31 =	sshll.u32 s16, $0x4;
	s6 =	smul.u32 $0x2800, s17  }
0x1b: {  	s7 =	simm.s32 $0x2800;
	s3 =	simm.s32 $0x1;
	s10 =	simm.s32 $0x3  }
.Ltmp0:
0x1c: {  	s11 =	simm.s32 $0x1400;
	s13 =	simm.s32 $0x6800;
	(pc) =	sbr.rel .LBB2_1-.Ltmp0, $4  }
0x1d: {  	s16 =	simm.s32 $0x2780;
	s17 =	simm.s32 $0x0;
	[dreg:$0xd] =	wrdreg s26  }
0x1e: {  	s24 =	sshll.u32 s15, $0x7;
	s21 =	sadd.s32 s23, s1;
	[dreg:$0xe] =	wrdreg s28  }
0x1f: {  	s23 =	sadd.s32 s25, s1;
	[dreg:$0x11] =	wrdreg s2;
	s30 =	sshll.u32 s15, $0x4  }
0x20: {  	v0 =	vimm.f32 $0.0e+00;
	s2 =	simm.s32 $0x2;
	s15 =	simm.s32 $0x2700;
	s22 =	sadd.s32 s24, s1  }
.LBB2_21:
0x21: {  	s25 =	sadd.s32 $0x80, s24;
	[sflag:s10] =	ssyncadd.s32 $0xFFFFC180  }
0x22: {  	[tilespmem:s13], [sflag:$0x2] =	stream.indirect.gather [hbm4b:s5+s12], $0x80, s25, s12, $0xb8;
	[tilespmem:$0x1E800] =	vst v63  }
0x23: {  	_ =	swait.ge [sflag:s3], $0x3E80  }
0x24: {  	[sflag:s3] =	ssyncset.done $0x0  }
0x25: {  	s26 =	sadd.s32 $0x1400, s24;
	[sflag:s3] =	ssyncadd.s32 $0xFFFFC180  }
0x26: {  	[spmem:s1] =	stream.indirect.scatter.add.f32 [tilespmem:s7], [sflag:$0x3], $0x80, s26, s12, $0xb8;
	[tilespmem:$0x1E800] =	vst v63  }
0x27: {  	_ =	swait.ge [sflag:s10], $0x3E80  }
0x28: {  	[sflag:s10] =	ssyncset.done $0x0  }
0x29: {  	s28 =	sadd.s32 $0x100, s24;
	[sflag:s10] =	ssyncadd.s32 $0xFFFFC180  }
0x2a: {  	[tilespmem:s7], [sflag:$0x1] =	stream.indirect.gather [hbm4b:s5+s12], $0x80, s28, s12, $0xb8;
	[tilespmem:$0x1E800] =	vst v63  }
0x2b: {  	_ =	swait.ge [sflag:s2], $0x3E80  }
0x2c: {  	[sflag:s2] =	ssyncset.done $0x0  }
0x2d: {  	s29 =	sadd.s32 $0x1480, s24;
	[sflag:s2] =	ssyncadd.s32 $0xFFFFC180  }
0x2e: {  	[spmem:s1] =	stream.indirect.scatter.add.f32 [tilespmem:s13], [sflag:$0x3], $0x80, s29, s12, $0xb8;
	[tilespmem:$0x1E800] =	vst v63  }
0x2f: {  	_ =	swait.ge [sflag:s10], $0x3E80  }
0x30: {  	[sflag:s10] =	ssyncset.done $0x0  }
0x31: {  	s24 =	rddreg [dreg:$0x4];
	[sflag:s10] =	ssyncadd.s32 $0xFFFFC180  }
0x32: {  	[tilespmem:s13], [sflag:$0x2] =	stream.indirect.gather [hbm4b:s5+s12], $0x80, s14, s12, $0xb8;
	[tilespmem:$0x1E800] =	vst v63  }
.LBB2_22:
0x33: {  	_ =	swait.ge [sflag:s3], $0x3E80  }
0x34: {  	[sflag:s3] =	ssyncset.done $0x0  }
0x35: {  	[sflag:s3] =	ssyncadd.s32 $0xFFFFC180  }
0x36: {  	[spmem:s1] =	stream.indirect.scatter.add.f32 [tilespmem:s7], [sflag:$0x3], $0x80, s15, s12, $0xb8;
	[tilespmem:$0x1E800] =	vst v63  }
0x37: {  	_ =	swait.ge [sflag:s10], $0x3E80  }
0x38: {  	[sflag:s10] =	ssyncset.done $0x0  }
0x39: {  	[sflag:s10] =	ssyncadd.s32 $0xFFFFC180  }
0x3a: {  	_ =	swait.ge [sflag:s2], $0x3E80  }
0x3b: {  	[sflag:s2] =	ssyncset.done $0x0  }
0x3c: {  	[sflag:s2] =	ssyncadd.s32 $0xFFFFC180  }
0x3d: {  	[spmem:s1] =	stream.indirect.scatter.add.f32 [tilespmem:s13], [sflag:$0x3], $0x80, s16, s12, $0xb8;
	[tilespmem:$0x1E800] =	vst v63  }
0x3e: {  	_ =	swait.ge [sflag:s10], $0x3E80  }
0x3f: {  	s26 =	stileid.u32;
	[sflag:s10] =	ssyncset.done $0x0  }
0x40: {  	s25 =	sadd.s32 s24, s6;
	s26 =	sshll.u32 s26, $0x6;
	[sflag:s10] =	ssyncadd.s32 $0xFFFFC180  }
0x41: {  	s29 =	sshrl.u32 s8, $0x3;
	s28 =	sor.u32 $0x1C01, s26;
	[bflag:$0x0] =	sbarrier.arrive $0xFFFF  }
0x42: {  	[hbm:s25], [sflag:s28] =	dma.local [spmem:s29], $0x500  }
0x43: {  	s25 =	rddreg [dreg:$0xd]  }
0x44: {  	s26 =	sor.u32 $0x1C02, s26;
	s29 =	sshrl.u32 s9, $0x3;
	s25 =	sadd.s32 s24, s25  }
0x45: {  	[hbm:s25], [sflag:s26] =	dma.local [spmem:s29], $0x500  }
0x46: {  	s25 =	rddreg [dreg:$0xe]  }
0x47: {  	s29 =	sshrl.u32 s18, $0x3;
	s25 =	sadd.s32 s24, s25  }
0x48: {  	[hbm:s25], [sflag:s28] =	dma.local [spmem:s29], $0x500  }
0x49: {  	s25 =	rddreg [dreg:$0xf]  }
0x4a: {  	s29 =	sshrl.u32 s19, $0x3;
	s25 =	sadd.s32 s24, s25  }
0x4b: {  	[hbm:s25], [sflag:s26] =	dma.local [spmem:s29], $0x500  }
0x4c: {  	s25 =	rddreg [dreg:$0x10]  }
0x4d: {  	s29 =	sshrl.u32 s20, $0x3;
	s25 =	sadd.s32 s24, s25  }
0x4e: {  	[hbm:s25], [sflag:s28] =	dma.local [spmem:s29], $0x500  }
0x4f: {  	s25 =	rddreg [dreg:$0x11]  }
0x50: {  	s29 =	sshrl.u32 s21, $0x3;
	s25 =	sadd.s32 s24, s25  }
0x51: {  	[hbm:s25], [sflag:s26] =	dma.local [spmem:s29], $0x500  }
0x52: {  	s25 =	sadd.s32 s24, s30;
	s29 =	sshrl.u32 s22, $0x3  }
0x53: {  	[hbm:s25], [sflag:s28] =	dma.local [spmem:s29], $0x500  }
0x54: {  	s28 =	sadd.s32 s24, s31;
	s29 =	sshrl.u32 s23, $0x3  }
0x55: {  	[hbm:s28], [sflag:s26] =	dma.local [spmem:s29], $0x500  }
0x56: {  	_ =	swait.ge [sflag:s3], $0x500  }
0x57: {  	[sflag:s3] =	ssyncset.done $0x0  }
0x58: {  	[sflag:s3] =	ssyncadd.s32 $0xFFFFFB00  }
0x59: {  	_ =	swait.ge [sflag:s2], $0x500  }
0x5a: {  	[sflag:s2] =	ssyncset.done $0x0  }
0x5b: {  	[sflag:s2] =	ssyncadd.s32 $0xFFFFFB00  }
0x5c: {  	_ =	swait.ge [sflag:s3], $0x500  }
0x5d: {  	[sflag:s3] =	ssyncset.done $0x0  }
0x5e: {  	[sflag:s3] =	ssyncadd.s32 $0xFFFFFB00  }
0x5f: {  	_ =	swait.ge [sflag:s2], $0x500  }
0x60: {  	[sflag:s2] =	ssyncset.done $0x0  }
0x61: {  	[sflag:s2] =	ssyncadd.s32 $0xFFFFFB00  }
0x62: {  	_ =	swait.ge [sflag:s3], $0x500  }
0x63: {  	[sflag:s3] =	ssyncset.done $0x0  }
0x64: {  	[sflag:s3] =	ssyncadd.s32 $0xFFFFFB00  }
0x65: {  	_ =	swait.ge [sflag:s2], $0x500  }
0x66: {  	[sflag:s2] =	ssyncset.done $0x0  }
0x67: {  	s17 =	sadd.s32 $0x1, s17;
	[sflag:s2] =	ssyncadd.s32 $0xFFFFFB00  }
0x68: {  	p1 =	sne.s32 s17, s0;
	_ =	swait.ge [sflag:s3], $0x500  }
.Ltmp1:
0x69: {  	[sflag:s3] =	ssyncset.done $0x0;
	(pc) =	sbr.rel @!p1 .LBB2_23-.Ltmp1, $4  }
0x6a: {  	[sflag:s3] =	ssyncadd.s32 $0xFFFFFB00  }
0x6b: {  	_ =	swait.ge [sflag:s2], $0x500  }
0x6c: {  	[sflag:s2] =	ssyncset.done $0x0  }
0x6d: {  	[sflag:s2] =	ssyncadd.s32 $0xFFFFFB00  }
.LBB2_1:
0x6e: {  	s24 =	simm.s32 $0x0;
	s25 =	simm.s32 $0x200  }
.LBB2_2:
0x6f: {  	p1 =	sne.s32 s25, $0xF800;
	[tilespmem:s24+$0x2870] =	vst v0  }
0x70: {  	[tilespmem:s24+$0x2800] =	vst v0  }
0x71: {  	[tilespmem:s24+$0x2810] =	vst v0  }
.Ltmp2:
0x72: {  	[tilespmem:s24+$0x2820] =	vst v0;
	(pc) =	sbr.rel @p1 .LBB2_2-.Ltmp2, $4  }
0x73: {  	[tilespmem:s24+$0x2830] =	vst v0  }
0x74: {  	[tilespmem:s24+$0x2840] =	vst v0  }
0x75: {  	[tilespmem:s24+$0x2850] =	vst v0  }
0x76: {  	[tilespmem:s24+$0x2860] =	vst v0;
	s24 =	sshra.s32 s25, $0x2;
	s25 =	sadd.s32 $0x200, s25  }
0x77: {  	[tilespmem:s24+$0x2870] =	vst v0  }
0x78: {  	[tilespmem:s24+$0x2800] =	vst v0  }
0x79: {  	[tilespmem:s24+$0x2810] =	vst v0  }
0x7a: {  	[tilespmem:s24+$0x2820] =	vst v0  }
0x7b: {  	[tilespmem:s24+$0x2830] =	vst v0  }
0x7c: {  	[tilespmem:s24+$0x2840] =	vst v0  }
0x7d: {  	[tilespmem:s24+$0x2850] =	vst v0  }
0x7e: {  	[tilespmem:s24+$0x2860] =	vst v0  }
0x7f: {  	[spmem:s8] =	stream.linear.scatter [tilespmem:s7], [sflag:$0x1], $0x2800, $0x38;
	[tilespmem:$0x1E800] =	vst v63  }
0x80: {  	_ = 	snop  }
0x81: {  	[spmem:s9] =	stream.linear.scatter [tilespmem:s7], [sflag:$0x2], $0x2800, $0x38;
	[tilespmem:$0x1E800] =	vst v63  }
0x82: {  	_ = 	snop  }
0x83: {  	[spmem:s18] =	stream.linear.scatter [tilespmem:s7], [sflag:$0x1], $0x2800, $0x38;
	[tilespmem:$0x1E800] =	vst v63  }
0x84: {  	_ = 	snop  }
0x85: {  	[spmem:s19] =	stream.linear.scatter [tilespmem:s7], [sflag:$0x2], $0x2800, $0x38;
	[tilespmem:$0x1E800] =	vst v63  }
0x86: {  	_ = 	snop  }
0x87: {  	[spmem:s20] =	stream.linear.scatter [tilespmem:s7], [sflag:$0x1], $0x2800, $0x38;
	[tilespmem:$0x1E800] =	vst v63  }
0x88: {  	_ = 	snop  }
0x89: {  	[spmem:s21] =	stream.linear.scatter [tilespmem:s7], [sflag:$0x2], $0x2800, $0x38;
	[tilespmem:$0x1E800] =	vst v63  }
0x8a: {  	_ = 	snop  }
0x8b: {  	[spmem:s22] =	stream.linear.scatter [tilespmem:s7], [sflag:$0x1], $0x2800, $0x38;
	[tilespmem:$0x1E800] =	vst v63  }
0x8c: {  	_ = 	snop  }
0x8d: {  	[spmem:s23] =	stream.linear.scatter [tilespmem:s7], [sflag:$0x2], $0x2800, $0x38;
	[tilespmem:$0x1E800] =	vst v63  }
0x8e: {  	_ =	swait.ge [sflag:s3], $0x2800  }
0x8f: {  	[sflag:s3] =	ssyncset.done $0x0  }
0x90: {  	[sflag:s3] =	ssyncadd.s32 $0xFFFFD800  }
0x91: {  	_ =	swait.ge [sflag:s2], $0x2800  }
0x92: {  	[sflag:s2] =	ssyncset.done $0x0  }
0x93: {  	[sflag:s2] =	ssyncadd.s32 $0xFFFFD800  }
0x94: {  	_ =	swait.ge [sflag:s3], $0x2800  }
0x95: {  	[sflag:s3] =	ssyncset.done $0x0  }
0x96: {  	[sflag:s3] =	ssyncadd.s32 $0xFFFFD800  }
0x97: {  	_ =	swait.ge [sflag:s2], $0x2800  }
0x98: {  	[sflag:s2] =	ssyncset.done $0x0  }
0x99: {  	[sflag:s2] =	ssyncadd.s32 $0xFFFFD800  }
0x9a: {  	_ =	swait.ge [sflag:s3], $0x2800  }
0x9b: {  	[sflag:s3] =	ssyncset.done $0x0  }
0x9c: {  	[sflag:s3] =	ssyncadd.s32 $0xFFFFD800  }
0x9d: {  	_ =	swait.ge [sflag:s2], $0x2800  }
0x9e: {  	[sflag:s2] =	ssyncset.done $0x0  }
0x9f: {  	[sflag:s2] =	ssyncadd.s32 $0xFFFFD800  }
0xa0: {  	_ =	swait.ge [sflag:s3], $0x2800  }
0xa1: {  	[sflag:s3] =	ssyncset.done $0x0  }
0xa2: {  	[sflag:s3] =	ssyncadd.s32 $0xFFFFD800  }
0xa3: {  	_ =	swait.ge [sflag:s2], $0x2800  }
0xa4: {  	[sflag:s2] =	ssyncset.done $0x0  }
0xa5: {  	[sflag:s2] =	ssyncadd.s32 $0xFFFFD800  }
0xa6: {  	[bflag:$0x0] =	sbarrier.arrive $0xFFFF  }
0xa7: {  	s28 =	simm.s32 $0x0;
	s25 =	rddreg [dreg:$0x5]  }
0xa8: {  	[tilespmem:s28], [sflag:$0x3] =	stream.linear.gather [hbm4b:s25+s28], $0x1400, $0x38;
	[tilespmem:$0x1E800] =	vst v63  }
0xa9: {  	_ =	swait.ge [sflag:s10], $0x1400  }
0xaa: {  	[sflag:s10] =	ssyncset.done $0x0  }
.Ltmp3:
0xab: {  	s29 =	rddreg [dreg:$0x6];
	[sflag:s10] =	ssyncadd.s32 $0xFFFFEC00;
	(pc) =	sbr.rel @p0 .LBB2_13-.Ltmp3, $4  }
0xac: {  	[tilespmem:s11], [sflag:$0x3] =	stream.linear.gather [hbm4b:s29+s28], $0x1400, $0x38;
	[tilespmem:$0x1E800] =	vst v63  }
0xad: {  	_ =	swait.ge [sflag:s10], $0x1400  }
0xae: {  	[sflag:s10] =	ssyncset.done $0x0  }
0xaf: {  	s24 =	simm.s32 $0x0;
	[sflag:s10] =	ssyncadd.s32 $0xFFFFEC00  }
0xb0: {  	[tilespmem:s7], [sflag:$0x1] =	stream.indirect.gather [hbm4b:s4+s12], $0x80, s24, s12, $0xb8;
	[tilespmem:$0x1E800] =	vst v63  }
0xb1: {  	s25 =	simm.s32 $0x80  }
0xb2: {  	[tilespmem:s13], [sflag:$0x2] =	stream.indirect.gather [hbm4b:s4+s12], $0x80, s25, s12, $0xb8;
	[tilespmem:$0x1E800] =	vst v63  }
0xb3: {  	_ =	swait.ge [sflag:s3], $0x3E80  }
0xb4: {  	[sflag:s3] =	ssyncset.done $0x0  }
0xb5: {  	s26 =	simm.s32 $0x1400;
	[sflag:s3] =	ssyncadd.s32 $0xFFFFC180  }
0xb6: {  	[spmem:s1] =	stream.indirect.scatter.add.f32 [tilespmem:s7], [sflag:$0x3], $0x80, s26, s12, $0xb8;
	[tilespmem:$0x1E800] =	vst v63  }
0xb7: {  	_ =	swait.ge [sflag:s10], $0x3E80  }
0xb8: {  	[sflag:s10] =	ssyncset.done $0x0  }
0xb9: {  	s28 =	simm.s32 $0x100;
	[sflag:s10] =	ssyncadd.s32 $0xFFFFC180  }
0xba: {  	[tilespmem:s7], [sflag:$0x1] =	stream.indirect.gather [hbm4b:s4+s12], $0x80, s28, s12, $0xb8;
	[tilespmem:$0x1E800] =	vst v63  }
0xbb: {  	_ =	swait.ge [sflag:s2], $0x3E80  }
0xbc: {  	[sflag:s2] =	ssyncset.done $0x0  }
0xbd: {  	s29 =	simm.s32 $0x1480;
	[sflag:s2] =	ssyncadd.s32 $0xFFFFC180  }
0xbe: {  	[spmem:s1] =	stream.indirect.scatter.add.f32 [tilespmem:s13], [sflag:$0x3], $0x80, s29, s12, $0xb8;
	[tilespmem:$0x1E800] =	vst v63  }
0xbf: {  	_ =	swait.ge [sflag:s10], $0x3E80  }
0xc0: {  	s24 =	simm.s32 $0x100;
	s25 =	simm.s32 $0x800;
	[sflag:s10] =	ssyncset.done $0x0  }
.LBB2_5:
0xc1: {  	s26 =	sadd.s32 $0x80, s24  }
0xc2: {  	[sflag:s10] =	ssyncadd.s32 $0xFFFFC180;
	s28 =	smov.u32 s25;
	s29 =	sadd.s32 $0x400, s25  }
0xc3: {  	[tilespmem:s13], [sflag:$0x2] =	stream.indirect.gather [hbm4b:s4+s12], $0x80, s26, s12, $0xb8;
	[tilespmem:$0x1E800] =	vst v63  }
0xc4: {  	p1 =	sne.s32 s25, $0x4800;
	_ =	swait.ge [sflag:s3], $0x3E80  }
0xc5: {  	[sflag:s3] =	ssyncset.done $0x0  }
0xc6: {  	s25 =	sadd.s32 $0x1400, s24;
	[sflag:s3] =	ssyncadd.s32 $0xFFFFC180  }
0xc7: {  	[spmem:s1] =	stream.indirect.scatter.add.f32 [tilespmem:s7], [sflag:$0x3], $0x80, s25, s12, $0xb8;
	[tilespmem:$0x1E800] =	vst v63  }
0xc8: {  	_ =	swait.ge [sflag:s10], $0x3E80  }
0xc9: {  	[sflag:s10] =	ssyncset.done $0x0  }
0xca: {  	s25 =	sadd.s32 $0x100, s24;
	[sflag:s10] =	ssyncadd.s32 $0xFFFFC180  }
0xcb: {  	[tilespmem:s7], [sflag:$0x1] =	stream.indirect.gather [hbm4b:s4+s12], $0x80, s25, s12, $0xb8;
	[tilespmem:$0x1E800] =	vst v63  }
0xcc: {  	_ =	swait.ge [sflag:s2], $0x3E80  }
.Ltmp4:
0xcd: {  	[sflag:s2] =	ssyncset.done $0x0;
	(pc) =	sbr.rel @p1 .LBB2_5-.Ltmp4, $4  }
0xce: {  	s24 =	sadd.s32 $0x1480, s24;
	[sflag:s2] =	ssyncadd.s32 $0xFFFFC180  }
0xcf: {  	[spmem:s1] =	stream.indirect.scatter.add.f32 [tilespmem:s13], [sflag:$0x3], $0x80, s24, s12, $0xb8;
	[tilespmem:$0x1E800] =	vst v63  }
0xd0: {  	_ =	swait.ge [sflag:s10], $0x3E80  }
0xd1: {  	s25 =	smov.u32 s29;
	s24 =	sshra.s32 s28, $0x2;
	[sflag:s10] =	ssyncset.done $0x0  }
0xd2: {  	s25 =	sadd.s32 $0x80, s24;
	[sflag:s10] =	ssyncadd.s32 $0xFFFFC180  }
0xd3: {  	[tilespmem:s13], [sflag:$0x2] =	stream.indirect.gather [hbm4b:s4+s12], $0x80, s25, s12, $0xb8;
	[tilespmem:$0x1E800] =	vst v63  }
0xd4: {  	_ =	swait.ge [sflag:s3], $0x3E80  }
0xd5: {  	[sflag:s3] =	ssyncset.done $0x0  }
0xd6: {  	s28 =	sadd.s32 $0x1400, s24;
	[sflag:s3] =	ssyncadd.s32 $0xFFFFC180  }
0xd7: {  	[spmem:s1] =	stream.indirect.scatter.add.f32 [tilespmem:s7], [sflag:$0x3], $0x80, s28, s12, $0xb8;
	[tilespmem:$0x1E800] =	vst v63  }
0xd8: {  	_ =	swait.ge [sflag:s10], $0x3E80  }
0xd9: {  	[sflag:s10] =	ssyncset.done $0x0  }
0xda: {  	s29 =	sadd.s32 $0x100, s24;
	[sflag:s10] =	ssyncadd.s32 $0xFFFFC180  }
0xdb: {  	[tilespmem:s7], [sflag:$0x1] =	stream.indirect.gather [hbm4b:s4+s12], $0x80, s29, s12, $0xb8;
	[tilespmem:$0x1E800] =	vst v63  }
0xdc: {  	_ =	swait.ge [sflag:s2], $0x3E80  }
0xdd: {  	[sflag:s2] =	ssyncset.done $0x0  }
0xde: {  	s25 =	sadd.s32 $0x1480, s24;
	[sflag:s2] =	ssyncadd.s32 $0xFFFFC180  }
0xdf: {  	[spmem:s1] =	stream.indirect.scatter.add.f32 [tilespmem:s13], [sflag:$0x3], $0x80, s25, s12, $0xb8;
	[tilespmem:$0x1E800] =	vst v63  }
0xe0: {  	_ =	swait.ge [sflag:s10], $0x3E80  }
0xe1: {  	[sflag:s10] =	ssyncset.done $0x0  }
0xe2: {  	[sflag:s10] =	ssyncadd.s32 $0xFFFFC180  }
0xe3: {  	[tilespmem:s13], [sflag:$0x2] =	stream.indirect.gather [hbm4b:s4+s12], $0x80, s14, s12, $0xb8;
	[tilespmem:$0x1E800] =	vst v63  }
0xe4: {  	_ =	swait.ge [sflag:s3], $0x3E80  }
0xe5: {  	[sflag:s3] =	ssyncset.done $0x0  }
0xe6: {  	[sflag:s3] =	ssyncadd.s32 $0xFFFFC180  }
0xe7: {  	[spmem:s1] =	stream.indirect.scatter.add.f32 [tilespmem:s7], [sflag:$0x3], $0x80, s15, s12, $0xb8;
	[tilespmem:$0x1E800] =	vst v63  }
0xe8: {  	_ =	swait.ge [sflag:s10], $0x3E80  }
0xe9: {  	[sflag:s10] =	ssyncset.done $0x0  }
0xea: {  	[sflag:s10] =	ssyncadd.s32 $0xFFFFC180  }
0xeb: {  	_ =	swait.ge [sflag:s2], $0x3E80  }
0xec: {  	[sflag:s2] =	ssyncset.done $0x0  }
0xed: {  	[sflag:s2] =	ssyncadd.s32 $0xFFFFC180  }
0xee: {  	[spmem:s1] =	stream.indirect.scatter.add.f32 [tilespmem:s13], [sflag:$0x3], $0x80, s16, s12, $0xb8;
	[tilespmem:$0x1E800] =	vst v63  }
0xef: {  	_ =	swait.ge [sflag:s10], $0x3E80  }
0xf0: {  	[sflag:s10] =	ssyncset.done $0x0  }
0xf1: {  	s26 =	simm.s32 $0x0;
	s28 =	rddreg [dreg:$0x7];
	[sflag:s10] =	ssyncadd.s32 $0xFFFFC180  }
0xf2: {  	[tilespmem:s26], [sflag:$0x3] =	stream.linear.gather [hbm4b:s28+s26], $0x1400, $0x38;
	[tilespmem:$0x1E800] =	vst v63  }
0xf3: {  	_ =	swait.ge [sflag:s10], $0x1400  }
0xf4: {  	[sflag:s10] =	ssyncset.done $0x0  }
0xf5: {  	s29 =	rddreg [dreg:$0x8];
	[sflag:s10] =	ssyncadd.s32 $0xFFFFEC00  }
0xf6: {  	[tilespmem:s11], [sflag:$0x3] =	stream.linear.gather [hbm4b:s29+s26], $0x1400, $0x38;
	[tilespmem:$0x1E800] =	vst v63  }
0xf7: {  	_ =	swait.ge [sflag:s10], $0x1400  }
0xf8: {  	[sflag:s10] =	ssyncset.done $0x0  }
0xf9: {  	[sflag:s10] =	ssyncadd.s32 $0xFFFFEC00  }
0xfa: {  	[tilespmem:s7], [sflag:$0x1] =	stream.indirect.gather [hbm4b:s4+s12], $0x80, s26, s12, $0xb8;
	[tilespmem:$0x1E800] =	vst v63  }
0xfb: {  	s25 =	simm.s32 $0x80  }
0xfc: {  	[tilespmem:s13], [sflag:$0x2] =	stream.indirect.gather [hbm4b:s4+s12], $0x80, s25, s12, $0xb8;
	[tilespmem:$0x1E800] =	vst v63  }
0xfd: {  	_ =	swait.ge [sflag:s3], $0x3E80  }
0xfe: {  	[sflag:s3] =	ssyncset.done $0x0  }
0xff: {  	s26 =	simm.s32 $0x1400;
	[sflag:s3] =	ssyncadd.s32 $0xFFFFC180  }
0x100: {  	[spmem:s1] =	stream.indirect.scatter.add.f32 [tilespmem:s7], [sflag:$0x3], $0x80, s26, s12, $0xb8;
	[tilespmem:$0x1E800] =	vst v63  }
0x101: {  	_ =	swait.ge [sflag:s10], $0x3E80  }
0x102: {  	[sflag:s10] =	ssyncset.done $0x0  }
0x103: {  	s28 =	simm.s32 $0x100;
	[sflag:s10] =	ssyncadd.s32 $0xFFFFC180  }
0x104: {  	[tilespmem:s7], [sflag:$0x1] =	stream.indirect.gather [hbm4b:s4+s12], $0x80, s28, s12, $0xb8;
	[tilespmem:$0x1E800] =	vst v63  }
0x105: {  	_ =	swait.ge [sflag:s2], $0x3E80  }
0x106: {  	[sflag:s2] =	ssyncset.done $0x0  }
0x107: {  	s29 =	simm.s32 $0x1480;
	[sflag:s2] =	ssyncadd.s32 $0xFFFFC180  }
0x108: {  	[spmem:s1] =	stream.indirect.scatter.add.f32 [tilespmem:s13], [sflag:$0x3], $0x80, s29, s12, $0xb8;
	[tilespmem:$0x1E800] =	vst v63  }
0x109: {  	_ =	swait.ge [sflag:s10], $0x3E80  }
0x10a: {  	s24 =	simm.s32 $0x100;
	s25 =	simm.s32 $0x800;
	[sflag:s10] =	ssyncset.done $0x0  }
.LBB2_7:
0x10b: {  	s26 =	sadd.s32 $0x80, s24  }
0x10c: {  	[sflag:s10] =	ssyncadd.s32 $0xFFFFC180;
	s28 =	smov.u32 s25;
	s29 =	sadd.s32 $0x400, s25  }
0x10d: {  	[tilespmem:s13], [sflag:$0x2] =	stream.indirect.gather [hbm4b:s4+s12], $0x80, s26, s12, $0xb8;
	[tilespmem:$0x1E800] =	vst v63  }
0x10e: {  	p1 =	sne.s32 s25, $0x4800;
	_ =	swait.ge [sflag:s3], $0x3E80  }
0x10f: {  	[sflag:s3] =	ssyncset.done $0x0  }
0x110: {  	s25 =	sadd.s32 $0x1400, s24;
	[sflag:s3] =	ssyncadd.s32 $0xFFFFC180  }
0x111: {  	[spmem:s1] =	stream.indirect.scatter.add.f32 [tilespmem:s7], [sflag:$0x3], $0x80, s25, s12, $0xb8;
	[tilespmem:$0x1E800] =	vst v63  }
0x112: {  	_ =	swait.ge [sflag:s10], $0x3E80  }
0x113: {  	[sflag:s10] =	ssyncset.done $0x0  }
0x114: {  	s25 =	sadd.s32 $0x100, s24;
	[sflag:s10] =	ssyncadd.s32 $0xFFFFC180  }
0x115: {  	[tilespmem:s7], [sflag:$0x1] =	stream.indirect.gather [hbm4b:s4+s12], $0x80, s25, s12, $0xb8;
	[tilespmem:$0x1E800] =	vst v63  }
0x116: {  	_ =	swait.ge [sflag:s2], $0x3E80  }
.Ltmp5:
0x117: {  	[sflag:s2] =	ssyncset.done $0x0;
	(pc) =	sbr.rel @p1 .LBB2_7-.Ltmp5, $4  }
0x118: {  	s24 =	sadd.s32 $0x1480, s24;
	[sflag:s2] =	ssyncadd.s32 $0xFFFFC180  }
0x119: {  	[spmem:s1] =	stream.indirect.scatter.add.f32 [tilespmem:s13], [sflag:$0x3], $0x80, s24, s12, $0xb8;
	[tilespmem:$0x1E800] =	vst v63  }
0x11a: {  	_ =	swait.ge [sflag:s10], $0x3E80  }
0x11b: {  	s25 =	smov.u32 s29;
	s24 =	sshra.s32 s28, $0x2;
	[sflag:s10] =	ssyncset.done $0x0  }
0x11c: {  	s25 =	sadd.s32 $0x80, s24;
	[sflag:s10] =	ssyncadd.s32 $0xFFFFC180  }
0x11d: {  	[tilespmem:s13], [sflag:$0x2] =	stream.indirect.gather [hbm4b:s4+s12], $0x80, s25, s12, $0xb8;
	[tilespmem:$0x1E800] =	vst v63  }
0x11e: {  	_ =	swait.ge [sflag:s3], $0x3E80  }
0x11f: {  	[sflag:s3] =	ssyncset.done $0x0  }
0x120: {  	s28 =	sadd.s32 $0x1400, s24;
	[sflag:s3] =	ssyncadd.s32 $0xFFFFC180  }
0x121: {  	[spmem:s1] =	stream.indirect.scatter.add.f32 [tilespmem:s7], [sflag:$0x3], $0x80, s28, s12, $0xb8;
	[tilespmem:$0x1E800] =	vst v63  }
0x122: {  	_ =	swait.ge [sflag:s10], $0x3E80  }
0x123: {  	[sflag:s10] =	ssyncset.done $0x0  }
0x124: {  	s29 =	sadd.s32 $0x100, s24;
	[sflag:s10] =	ssyncadd.s32 $0xFFFFC180  }
0x125: {  	[tilespmem:s7], [sflag:$0x1] =	stream.indirect.gather [hbm4b:s4+s12], $0x80, s29, s12, $0xb8;
	[tilespmem:$0x1E800] =	vst v63  }
0x126: {  	_ =	swait.ge [sflag:s2], $0x3E80  }
0x127: {  	[sflag:s2] =	ssyncset.done $0x0  }
0x128: {  	s25 =	sadd.s32 $0x1480, s24;
	[sflag:s2] =	ssyncadd.s32 $0xFFFFC180  }
0x129: {  	[spmem:s1] =	stream.indirect.scatter.add.f32 [tilespmem:s13], [sflag:$0x3], $0x80, s25, s12, $0xb8;
	[tilespmem:$0x1E800] =	vst v63  }
0x12a: {  	_ =	swait.ge [sflag:s10], $0x3E80  }
0x12b: {  	[sflag:s10] =	ssyncset.done $0x0  }
0x12c: {  	[sflag:s10] =	ssyncadd.s32 $0xFFFFC180  }
0x12d: {  	[tilespmem:s13], [sflag:$0x2] =	stream.indirect.gather [hbm4b:s4+s12], $0x80, s14, s12, $0xb8;
	[tilespmem:$0x1E800] =	vst v63  }
0x12e: {  	_ =	swait.ge [sflag:s3], $0x3E80  }
0x12f: {  	[sflag:s3] =	ssyncset.done $0x0  }
0x130: {  	[sflag:s3] =	ssyncadd.s32 $0xFFFFC180  }
0x131: {  	[spmem:s1] =	stream.indirect.scatter.add.f32 [tilespmem:s7], [sflag:$0x3], $0x80, s15, s12, $0xb8;
	[tilespmem:$0x1E800] =	vst v63  }
0x132: {  	_ =	swait.ge [sflag:s10], $0x3E80  }
0x133: {  	[sflag:s10] =	ssyncset.done $0x0  }
0x134: {  	[sflag:s10] =	ssyncadd.s32 $0xFFFFC180  }
0x135: {  	_ =	swait.ge [sflag:s2], $0x3E80  }
0x136: {  	[sflag:s2] =	ssyncset.done $0x0  }
0x137: {  	[sflag:s2] =	ssyncadd.s32 $0xFFFFC180  }
0x138: {  	[spmem:s1] =	stream.indirect.scatter.add.f32 [tilespmem:s13], [sflag:$0x3], $0x80, s16, s12, $0xb8;
	[tilespmem:$0x1E800] =	vst v63  }
0x139: {  	_ =	swait.ge [sflag:s10], $0x3E80  }
0x13a: {  	[sflag:s10] =	ssyncset.done $0x0  }
0x13b: {  	s26 =	simm.s32 $0x0;
	s28 =	rddreg [dreg:$0x9];
	[sflag:s10] =	ssyncadd.s32 $0xFFFFC180  }
0x13c: {  	[tilespmem:s26], [sflag:$0x3] =	stream.linear.gather [hbm4b:s28+s26], $0x1400, $0x38;
	[tilespmem:$0x1E800] =	vst v63  }
0x13d: {  	_ =	swait.ge [sflag:s10], $0x1400  }
0x13e: {  	[sflag:s10] =	ssyncset.done $0x0  }
0x13f: {  	s29 =	rddreg [dreg:$0xa];
	[sflag:s10] =	ssyncadd.s32 $0xFFFFEC00  }
0x140: {  	[tilespmem:s11], [sflag:$0x3] =	stream.linear.gather [hbm4b:s29+s26], $0x1400, $0x38;
	[tilespmem:$0x1E800] =	vst v63  }
0x141: {  	_ =	swait.ge [sflag:s10], $0x1400  }
0x142: {  	[sflag:s10] =	ssyncset.done $0x0  }
0x143: {  	[sflag:s10] =	ssyncadd.s32 $0xFFFFEC00  }
0x144: {  	[tilespmem:s7], [sflag:$0x1] =	stream.indirect.gather [hbm4b:s4+s12], $0x80, s26, s12, $0xb8;
	[tilespmem:$0x1E800] =	vst v63  }
0x145: {  	s25 =	simm.s32 $0x80  }
0x146: {  	[tilespmem:s13], [sflag:$0x2] =	stream.indirect.gather [hbm4b:s4+s12], $0x80, s25, s12, $0xb8;
	[tilespmem:$0x1E800] =	vst v63  }
0x147: {  	_ =	swait.ge [sflag:s3], $0x3E80  }
0x148: {  	[sflag:s3] =	ssyncset.done $0x0  }
0x149: {  	s26 =	simm.s32 $0x1400;
	[sflag:s3] =	ssyncadd.s32 $0xFFFFC180  }
0x14a: {  	[spmem:s1] =	stream.indirect.scatter.add.f32 [tilespmem:s7], [sflag:$0x3], $0x80, s26, s12, $0xb8;
	[tilespmem:$0x1E800] =	vst v63  }
0x14b: {  	_ =	swait.ge [sflag:s10], $0x3E80  }
0x14c: {  	[sflag:s10] =	ssyncset.done $0x0  }
0x14d: {  	s28 =	simm.s32 $0x100;
	[sflag:s10] =	ssyncadd.s32 $0xFFFFC180  }
0x14e: {  	[tilespmem:s7], [sflag:$0x1] =	stream.indirect.gather [hbm4b:s4+s12], $0x80, s28, s12, $0xb8;
	[tilespmem:$0x1E800] =	vst v63  }
0x14f: {  	_ =	swait.ge [sflag:s2], $0x3E80  }
0x150: {  	[sflag:s2] =	ssyncset.done $0x0  }
0x151: {  	s29 =	simm.s32 $0x1480;
	[sflag:s2] =	ssyncadd.s32 $0xFFFFC180  }
0x152: {  	[spmem:s1] =	stream.indirect.scatter.add.f32 [tilespmem:s13], [sflag:$0x3], $0x80, s29, s12, $0xb8;
	[tilespmem:$0x1E800] =	vst v63  }
0x153: {  	_ =	swait.ge [sflag:s10], $0x3E80  }
0x154: {  	s24 =	simm.s32 $0x100;
	s25 =	simm.s32 $0x800;
	[sflag:s10] =	ssyncset.done $0x0  }
.LBB2_9:
0x155: {  	s26 =	sadd.s32 $0x80, s24  }
0x156: {  	[sflag:s10] =	ssyncadd.s32 $0xFFFFC180;
	s28 =	smov.u32 s25;
	s29 =	sadd.s32 $0x400, s25  }
0x157: {  	[tilespmem:s13], [sflag:$0x2] =	stream.indirect.gather [hbm4b:s4+s12], $0x80, s26, s12, $0xb8;
	[tilespmem:$0x1E800] =	vst v63  }
0x158: {  	p1 =	sne.s32 s25, $0x4800;
	_ =	swait.ge [sflag:s3], $0x3E80  }
0x159: {  	[sflag:s3] =	ssyncset.done $0x0  }
0x15a: {  	s25 =	sadd.s32 $0x1400, s24;
	[sflag:s3] =	ssyncadd.s32 $0xFFFFC180  }
0x15b: {  	[spmem:s1] =	stream.indirect.scatter.add.f32 [tilespmem:s7], [sflag:$0x3], $0x80, s25, s12, $0xb8;
	[tilespmem:$0x1E800] =	vst v63  }
0x15c: {  	_ =	swait.ge [sflag:s10], $0x3E80  }
0x15d: {  	[sflag:s10] =	ssyncset.done $0x0  }
0x15e: {  	s25 =	sadd.s32 $0x100, s24;
	[sflag:s10] =	ssyncadd.s32 $0xFFFFC180  }
0x15f: {  	[tilespmem:s7], [sflag:$0x1] =	stream.indirect.gather [hbm4b:s4+s12], $0x80, s25, s12, $0xb8;
	[tilespmem:$0x1E800] =	vst v63  }
0x160: {  	_ =	swait.ge [sflag:s2], $0x3E80  }
.Ltmp6:
0x161: {  	[sflag:s2] =	ssyncset.done $0x0;
	(pc) =	sbr.rel @p1 .LBB2_9-.Ltmp6, $4  }
0x162: {  	s24 =	sadd.s32 $0x1480, s24;
	[sflag:s2] =	ssyncadd.s32 $0xFFFFC180  }
0x163: {  	[spmem:s1] =	stream.indirect.scatter.add.f32 [tilespmem:s13], [sflag:$0x3], $0x80, s24, s12, $0xb8;
	[tilespmem:$0x1E800] =	vst v63  }
0x164: {  	_ =	swait.ge [sflag:s10], $0x3E80  }
0x165: {  	s25 =	smov.u32 s29;
	s24 =	sshra.s32 s28, $0x2;
	[sflag:s10] =	ssyncset.done $0x0  }
0x166: {  	s25 =	sadd.s32 $0x80, s24;
	[sflag:s10] =	ssyncadd.s32 $0xFFFFC180  }
0x167: {  	[tilespmem:s13], [sflag:$0x2] =	stream.indirect.gather [hbm4b:s4+s12], $0x80, s25, s12, $0xb8;
	[tilespmem:$0x1E800] =	vst v63  }
0x168: {  	_ =	swait.ge [sflag:s3], $0x3E80  }
0x169: {  	[sflag:s3] =	ssyncset.done $0x0  }
0x16a: {  	s28 =	sadd.s32 $0x1400, s24;
	[sflag:s3] =	ssyncadd.s32 $0xFFFFC180  }
0x16b: {  	[spmem:s1] =	stream.indirect.scatter.add.f32 [tilespmem:s7], [sflag:$0x3], $0x80, s28, s12, $0xb8;
	[tilespmem:$0x1E800] =	vst v63  }
0x16c: {  	_ =	swait.ge [sflag:s10], $0x3E80  }
0x16d: {  	[sflag:s10] =	ssyncset.done $0x0  }
0x16e: {  	s29 =	sadd.s32 $0x100, s24;
	[sflag:s10] =	ssyncadd.s32 $0xFFFFC180  }
0x16f: {  	[tilespmem:s7], [sflag:$0x1] =	stream.indirect.gather [hbm4b:s4+s12], $0x80, s29, s12, $0xb8;
	[tilespmem:$0x1E800] =	vst v63  }
0x170: {  	_ =	swait.ge [sflag:s2], $0x3E80  }
0x171: {  	[sflag:s2] =	ssyncset.done $0x0  }
0x172: {  	s25 =	sadd.s32 $0x1480, s24;
	[sflag:s2] =	ssyncadd.s32 $0xFFFFC180  }
0x173: {  	[spmem:s1] =	stream.indirect.scatter.add.f32 [tilespmem:s13], [sflag:$0x3], $0x80, s25, s12, $0xb8;
	[tilespmem:$0x1E800] =	vst v63  }
0x174: {  	_ =	swait.ge [sflag:s10], $0x3E80  }
0x175: {  	[sflag:s10] =	ssyncset.done $0x0  }
0x176: {  	[sflag:s10] =	ssyncadd.s32 $0xFFFFC180  }
0x177: {  	[tilespmem:s13], [sflag:$0x2] =	stream.indirect.gather [hbm4b:s4+s12], $0x80, s14, s12, $0xb8;
	[tilespmem:$0x1E800] =	vst v63  }
0x178: {  	_ =	swait.ge [sflag:s3], $0x3E80  }
0x179: {  	[sflag:s3] =	ssyncset.done $0x0  }
0x17a: {  	[sflag:s3] =	ssyncadd.s32 $0xFFFFC180  }
0x17b: {  	[spmem:s1] =	stream.indirect.scatter.add.f32 [tilespmem:s7], [sflag:$0x3], $0x80, s15, s12, $0xb8;
	[tilespmem:$0x1E800] =	vst v63  }
0x17c: {  	_ =	swait.ge [sflag:s10], $0x3E80  }
0x17d: {  	[sflag:s10] =	ssyncset.done $0x0  }
0x17e: {  	[sflag:s10] =	ssyncadd.s32 $0xFFFFC180  }
0x17f: {  	_ =	swait.ge [sflag:s2], $0x3E80  }
0x180: {  	[sflag:s2] =	ssyncset.done $0x0  }
0x181: {  	[sflag:s2] =	ssyncadd.s32 $0xFFFFC180  }
0x182: {  	[spmem:s1] =	stream.indirect.scatter.add.f32 [tilespmem:s13], [sflag:$0x3], $0x80, s16, s12, $0xb8;
	[tilespmem:$0x1E800] =	vst v63  }
0x183: {  	_ =	swait.ge [sflag:s10], $0x3E80  }
0x184: {  	[sflag:s10] =	ssyncset.done $0x0  }
0x185: {  	s26 =	simm.s32 $0x0;
	s28 =	rddreg [dreg:$0xb];
	[sflag:s10] =	ssyncadd.s32 $0xFFFFC180  }
0x186: {  	[tilespmem:s26], [sflag:$0x3] =	stream.linear.gather [hbm4b:s28+s26], $0x1400, $0x38;
	[tilespmem:$0x1E800] =	vst v63  }
0x187: {  	_ =	swait.ge [sflag:s10], $0x1400  }
0x188: {  	[sflag:s10] =	ssyncset.done $0x0  }
0x189: {  	s29 =	rddreg [dreg:$0xc];
	[sflag:s10] =	ssyncadd.s32 $0xFFFFEC00  }
0x18a: {  	[tilespmem:s11], [sflag:$0x3] =	stream.linear.gather [hbm4b:s29+s26], $0x1400, $0x38;
	[tilespmem:$0x1E800] =	vst v63  }
0x18b: {  	_ =	swait.ge [sflag:s10], $0x1400  }
0x18c: {  	[sflag:s10] =	ssyncset.done $0x0  }
0x18d: {  	[sflag:s10] =	ssyncadd.s32 $0xFFFFEC00  }
0x18e: {  	[tilespmem:s7], [sflag:$0x1] =	stream.indirect.gather [hbm4b:s4+s12], $0x80, s26, s12, $0xb8;
	[tilespmem:$0x1E800] =	vst v63  }
0x18f: {  	s25 =	simm.s32 $0x80  }
0x190: {  	[tilespmem:s13], [sflag:$0x2] =	stream.indirect.gather [hbm4b:s4+s12], $0x80, s25, s12, $0xb8;
	[tilespmem:$0x1E800] =	vst v63  }
0x191: {  	_ =	swait.ge [sflag:s3], $0x3E80  }
0x192: {  	[sflag:s3] =	ssyncset.done $0x0  }
0x193: {  	s26 =	simm.s32 $0x1400;
	[sflag:s3] =	ssyncadd.s32 $0xFFFFC180  }
0x194: {  	[spmem:s1] =	stream.indirect.scatter.add.f32 [tilespmem:s7], [sflag:$0x3], $0x80, s26, s12, $0xb8;
	[tilespmem:$0x1E800] =	vst v63  }
0x195: {  	_ =	swait.ge [sflag:s10], $0x3E80  }
0x196: {  	[sflag:s10] =	ssyncset.done $0x0  }
0x197: {  	s28 =	simm.s32 $0x100;
	[sflag:s10] =	ssyncadd.s32 $0xFFFFC180  }
0x198: {  	[tilespmem:s7], [sflag:$0x1] =	stream.indirect.gather [hbm4b:s4+s12], $0x80, s28, s12, $0xb8;
	[tilespmem:$0x1E800] =	vst v63  }
0x199: {  	_ =	swait.ge [sflag:s2], $0x3E80  }
0x19a: {  	[sflag:s2] =	ssyncset.done $0x0  }
0x19b: {  	s29 =	simm.s32 $0x1480;
	[sflag:s2] =	ssyncadd.s32 $0xFFFFC180  }
0x19c: {  	[spmem:s1] =	stream.indirect.scatter.add.f32 [tilespmem:s13], [sflag:$0x3], $0x80, s29, s12, $0xb8;
	[tilespmem:$0x1E800] =	vst v63  }
0x19d: {  	_ =	swait.ge [sflag:s10], $0x3E80  }
0x19e: {  	s24 =	simm.s32 $0x100;
	s25 =	simm.s32 $0x800;
	[sflag:s10] =	ssyncset.done $0x0  }
.LBB2_11:
0x19f: {  	s26 =	sadd.s32 $0x80, s24  }
0x1a0: {  	[sflag:s10] =	ssyncadd.s32 $0xFFFFC180;
	s28 =	smov.u32 s25;
	s29 =	sadd.s32 $0x400, s25  }
0x1a1: {  	[tilespmem:s13], [sflag:$0x2] =	stream.indirect.gather [hbm4b:s4+s12], $0x80, s26, s12, $0xb8;
	[tilespmem:$0x1E800] =	vst v63  }
0x1a2: {  	p1 =	sne.s32 s25, $0x4800;
	_ =	swait.ge [sflag:s3], $0x3E80  }
0x1a3: {  	[sflag:s3] =	ssyncset.done $0x0  }
0x1a4: {  	s25 =	sadd.s32 $0x1400, s24;
	[sflag:s3] =	ssyncadd.s32 $0xFFFFC180  }
0x1a5: {  	[spmem:s1] =	stream.indirect.scatter.add.f32 [tilespmem:s7], [sflag:$0x3], $0x80, s25, s12, $0xb8;
	[tilespmem:$0x1E800] =	vst v63  }
0x1a6: {  	_ =	swait.ge [sflag:s10], $0x3E80  }
0x1a7: {  	[sflag:s10] =	ssyncset.done $0x0  }
0x1a8: {  	s25 =	sadd.s32 $0x100, s24;
	[sflag:s10] =	ssyncadd.s32 $0xFFFFC180  }
0x1a9: {  	[tilespmem:s7], [sflag:$0x1] =	stream.indirect.gather [hbm4b:s4+s12], $0x80, s25, s12, $0xb8;
	[tilespmem:$0x1E800] =	vst v63  }
0x1aa: {  	_ =	swait.ge [sflag:s2], $0x3E80  }
.Ltmp7:
0x1ab: {  	[sflag:s2] =	ssyncset.done $0x0;
	(pc) =	sbr.rel @p1 .LBB2_11-.Ltmp7, $4  }
0x1ac: {  	s24 =	sadd.s32 $0x1480, s24;
	[sflag:s2] =	ssyncadd.s32 $0xFFFFC180  }
0x1ad: {  	[spmem:s1] =	stream.indirect.scatter.add.f32 [tilespmem:s13], [sflag:$0x3], $0x80, s24, s12, $0xb8;
	[tilespmem:$0x1E800] =	vst v63  }
0x1ae: {  	_ =	swait.ge [sflag:s10], $0x3E80  }
0x1af: {  	s25 =	smov.u32 s29;
	s24 =	sshra.s32 s28, $0x2;
	[sflag:s10] =	ssyncset.done $0x0  }
0x1b0: {  	s25 =	sadd.s32 $0x80, s24;
	[sflag:s10] =	ssyncadd.s32 $0xFFFFC180  }
0x1b1: {  	[tilespmem:s13], [sflag:$0x2] =	stream.indirect.gather [hbm4b:s4+s12], $0x80, s25, s12, $0xb8;
	[tilespmem:$0x1E800] =	vst v63  }
0x1b2: {  	_ =	swait.ge [sflag:s3], $0x3E80  }
0x1b3: {  	[sflag:s3] =	ssyncset.done $0x0  }
0x1b4: {  	s26 =	sadd.s32 $0x1400, s24;
	[sflag:s3] =	ssyncadd.s32 $0xFFFFC180  }
0x1b5: {  	[spmem:s1] =	stream.indirect.scatter.add.f32 [tilespmem:s7], [sflag:$0x3], $0x80, s26, s12, $0xb8;
	[tilespmem:$0x1E800] =	vst v63  }
0x1b6: {  	_ =	swait.ge [sflag:s10], $0x3E80  }
0x1b7: {  	[sflag:s10] =	ssyncset.done $0x0  }
0x1b8: {  	s28 =	sadd.s32 $0x100, s24;
	[sflag:s10] =	ssyncadd.s32 $0xFFFFC180  }
0x1b9: {  	[tilespmem:s7], [sflag:$0x1] =	stream.indirect.gather [hbm4b:s4+s12], $0x80, s28, s12, $0xb8;
	[tilespmem:$0x1E800] =	vst v63  }
0x1ba: {  	_ =	swait.ge [sflag:s2], $0x3E80  }
0x1bb: {  	[sflag:s2] =	ssyncset.done $0x0  }
0x1bc: {  	s29 =	sadd.s32 $0x1480, s24;
	[sflag:s2] =	ssyncadd.s32 $0xFFFFC180  }
0x1bd: {  	[spmem:s1] =	stream.indirect.scatter.add.f32 [tilespmem:s13], [sflag:$0x3], $0x80, s29, s12, $0xb8;
	[tilespmem:$0x1E800] =	vst v63  }
.Ltmp8:
0x1be: {  	_ = 	snop;
	(pc) =	sbr.rel .LBB2_22-.Ltmp8, $4  }
0x1bf: {  	_ =	swait.ge [sflag:s10], $0x3E80  }
0x1c0: {  	[sflag:s10] =	ssyncset.done $0x0  }
0x1c1: {  	s24 =	rddreg [dreg:$0x3];
	[sflag:s10] =	ssyncadd.s32 $0xFFFFC180  }
0x1c2: {  	[tilespmem:s13], [sflag:$0x2] =	stream.indirect.gather [hbm4b:s4+s12], $0x80, s14, s12, $0xb8;
	[tilespmem:$0x1E800] =	vst v63  }
.LBB2_13:
0x1c3: {  	[tilespmem:s7], [sflag:$0x1] =	stream.indirect.gather [hbm4b:s5+s12], $0x80, s24, s12, $0xb8;
	[tilespmem:$0x1E800] =	vst v63  }
0x1c4: {  	s25 =	simm.s32 $0x80  }
0x1c5: {  	[tilespmem:s13], [sflag:$0x2] =	stream.indirect.gather [hbm4b:s5+s12], $0x80, s25, s12, $0xb8;
	[tilespmem:$0x1E800] =	vst v63  }
0x1c6: {  	_ =	swait.ge [sflag:s3], $0x3E80  }
0x1c7: {  	[sflag:s3] =	ssyncset.done $0x0  }
0x1c8: {  	s26 =	simm.s32 $0x1400;
	[sflag:s3] =	ssyncadd.s32 $0xFFFFC180  }
0x1c9: {  	[spmem:s1] =	stream.indirect.scatter.add.f32 [tilespmem:s7], [sflag:$0x3], $0x80, s26, s12, $0xb8;
	[tilespmem:$0x1E800] =	vst v63  }
0x1ca: {  	_ =	swait.ge [sflag:s10], $0x3E80  }
0x1cb: {  	[sflag:s10] =	ssyncset.done $0x0  }
0x1cc: {  	s28 =	simm.s32 $0x100;
	[sflag:s10] =	ssyncadd.s32 $0xFFFFC180  }
0x1cd: {  	[tilespmem:s7], [sflag:$0x1] =	stream.indirect.gather [hbm4b:s5+s12], $0x80, s28, s12, $0xb8;
	[tilespmem:$0x1E800] =	vst v63  }
0x1ce: {  	_ =	swait.ge [sflag:s2], $0x3E80  }
0x1cf: {  	[sflag:s2] =	ssyncset.done $0x0  }
0x1d0: {  	s29 =	simm.s32 $0x1480;
	[sflag:s2] =	ssyncadd.s32 $0xFFFFC180  }
0x1d1: {  	[spmem:s1] =	stream.indirect.scatter.add.f32 [tilespmem:s13], [sflag:$0x3], $0x80, s29, s12, $0xb8;
	[tilespmem:$0x1E800] =	vst v63  }
0x1d2: {  	_ =	swait.ge [sflag:s10], $0x3E80  }
0x1d3: {  	s24 =	simm.s32 $0x100;
	s25 =	simm.s32 $0x800;
	[sflag:s10] =	ssyncset.done $0x0  }
.LBB2_14:
0x1d4: {  	s26 =	sadd.s32 $0x80, s24  }
0x1d5: {  	[sflag:s10] =	ssyncadd.s32 $0xFFFFC180;
	s28 =	smov.u32 s25;
	s29 =	sadd.s32 $0x400, s25  }
0x1d6: {  	[tilespmem:s13], [sflag:$0x2] =	stream.indirect.gather [hbm4b:s5+s12], $0x80, s26, s12, $0xb8;
	[tilespmem:$0x1E800] =	vst v63  }
0x1d7: {  	p1 =	sne.s32 s25, $0x4800;
	_ =	swait.ge [sflag:s3], $0x3E80  }
0x1d8: {  	[sflag:s3] =	ssyncset.done $0x0  }
0x1d9: {  	s25 =	sadd.s32 $0x1400, s24;
	[sflag:s3] =	ssyncadd.s32 $0xFFFFC180  }
0x1da: {  	[spmem:s1] =	stream.indirect.scatter.add.f32 [tilespmem:s7], [sflag:$0x3], $0x80, s25, s12, $0xb8;
	[tilespmem:$0x1E800] =	vst v63  }
0x1db: {  	_ =	swait.ge [sflag:s10], $0x3E80  }
0x1dc: {  	[sflag:s10] =	ssyncset.done $0x0  }
0x1dd: {  	s25 =	sadd.s32 $0x100, s24;
	[sflag:s10] =	ssyncadd.s32 $0xFFFFC180  }
0x1de: {  	[tilespmem:s7], [sflag:$0x1] =	stream.indirect.gather [hbm4b:s5+s12], $0x80, s25, s12, $0xb8;
	[tilespmem:$0x1E800] =	vst v63  }
0x1df: {  	_ =	swait.ge [sflag:s2], $0x3E80  }
.Ltmp9:
0x1e0: {  	[sflag:s2] =	ssyncset.done $0x0;
	(pc) =	sbr.rel @p1 .LBB2_14-.Ltmp9, $4  }
0x1e1: {  	s24 =	sadd.s32 $0x1480, s24;
	[sflag:s2] =	ssyncadd.s32 $0xFFFFC180  }
0x1e2: {  	[spmem:s1] =	stream.indirect.scatter.add.f32 [tilespmem:s13], [sflag:$0x3], $0x80, s24, s12, $0xb8;
	[tilespmem:$0x1E800] =	vst v63  }
0x1e3: {  	_ =	swait.ge [sflag:s10], $0x3E80  }
0x1e4: {  	s25 =	smov.u32 s29;
	s24 =	sshra.s32 s28, $0x2;
	[sflag:s10] =	ssyncset.done $0x0  }
0x1e5: {  	s25 =	sadd.s32 $0x80, s24;
	[sflag:s10] =	ssyncadd.s32 $0xFFFFC180  }
0x1e6: {  	[tilespmem:s13], [sflag:$0x2] =	stream.indirect.gather [hbm4b:s5+s12], $0x80, s25, s12, $0xb8;
	[tilespmem:$0x1E800] =	vst v63  }
0x1e7: {  	_ =	swait.ge [sflag:s3], $0x3E80  }
0x1e8: {  	[sflag:s3] =	ssyncset.done $0x0  }
0x1e9: {  	s28 =	sadd.s32 $0x1400, s24;
	[sflag:s3] =	ssyncadd.s32 $0xFFFFC180  }
0x1ea: {  	[spmem:s1] =	stream.indirect.scatter.add.f32 [tilespmem:s7], [sflag:$0x3], $0x80, s28, s12, $0xb8;
	[tilespmem:$0x1E800] =	vst v63  }
0x1eb: {  	_ =	swait.ge [sflag:s10], $0x3E80  }
0x1ec: {  	[sflag:s10] =	ssyncset.done $0x0  }
0x1ed: {  	s29 =	sadd.s32 $0x100, s24;
	[sflag:s10] =	ssyncadd.s32 $0xFFFFC180  }
0x1ee: {  	[tilespmem:s7], [sflag:$0x1] =	stream.indirect.gather [hbm4b:s5+s12], $0x80, s29, s12, $0xb8;
	[tilespmem:$0x1E800] =	vst v63  }
0x1ef: {  	_ =	swait.ge [sflag:s2], $0x3E80  }
0x1f0: {  	[sflag:s2] =	ssyncset.done $0x0  }
0x1f1: {  	s25 =	sadd.s32 $0x1480, s24;
	[sflag:s2] =	ssyncadd.s32 $0xFFFFC180  }
0x1f2: {  	[spmem:s1] =	stream.indirect.scatter.add.f32 [tilespmem:s13], [sflag:$0x3], $0x80, s25, s12, $0xb8;
	[tilespmem:$0x1E800] =	vst v63  }
0x1f3: {  	_ =	swait.ge [sflag:s10], $0x3E80  }
0x1f4: {  	[sflag:s10] =	ssyncset.done $0x0  }
0x1f5: {  	[sflag:s10] =	ssyncadd.s32 $0xFFFFC180  }
0x1f6: {  	[tilespmem:s13], [sflag:$0x2] =	stream.indirect.gather [hbm4b:s5+s12], $0x80, s14, s12, $0xb8;
	[tilespmem:$0x1E800] =	vst v63  }
0x1f7: {  	_ =	swait.ge [sflag:s3], $0x3E80  }
0x1f8: {  	[sflag:s3] =	ssyncset.done $0x0  }
0x1f9: {  	[sflag:s3] =	ssyncadd.s32 $0xFFFFC180  }
0x1fa: {  	[spmem:s1] =	stream.indirect.scatter.add.f32 [tilespmem:s7], [sflag:$0x3], $0x80, s15, s12, $0xb8;
	[tilespmem:$0x1E800] =	vst v63  }
0x1fb: {  	_ =	swait.ge [sflag:s10], $0x3E80  }
0x1fc: {  	[sflag:s10] =	ssyncset.done $0x0  }
0x1fd: {  	[sflag:s10] =	ssyncadd.s32 $0xFFFFC180  }
0x1fe: {  	_ =	swait.ge [sflag:s2], $0x3E80  }
0x1ff: {  	[sflag:s2] =	ssyncset.done $0x0  }
0x200: {  	[sflag:s2] =	ssyncadd.s32 $0xFFFFC180  }
0x201: {  	[spmem:s1] =	stream.indirect.scatter.add.f32 [tilespmem:s13], [sflag:$0x3], $0x80, s16, s12, $0xb8;
	[tilespmem:$0x1E800] =	vst v63  }
0x202: {  	_ =	swait.ge [sflag:s10], $0x3E80  }
0x203: {  	[sflag:s10] =	ssyncset.done $0x0  }
0x204: {  	s26 =	simm.s32 $0x0;
	s28 =	rddreg [dreg:$0x7];
	[sflag:s10] =	ssyncadd.s32 $0xFFFFC180  }
0x205: {  	[tilespmem:s26], [sflag:$0x3] =	stream.linear.gather [hbm4b:s28+s26], $0x1400, $0x38;
	[tilespmem:$0x1E800] =	vst v63  }
0x206: {  	_ =	swait.ge [sflag:s10], $0x1400  }
0x207: {  	[sflag:s10] =	ssyncset.done $0x0  }
0x208: {  	s29 =	rddreg [dreg:$0x8];
	[sflag:s10] =	ssyncadd.s32 $0xFFFFEC00  }
0x209: {  	[tilespmem:s11], [sflag:$0x3] =	stream.linear.gather [hbm4b:s29+s26], $0x1400, $0x38;
	[tilespmem:$0x1E800] =	vst v63  }
0x20a: {  	_ =	swait.ge [sflag:s10], $0x1400  }
0x20b: {  	[sflag:s10] =	ssyncset.done $0x0  }
0x20c: {  	[sflag:s10] =	ssyncadd.s32 $0xFFFFEC00  }
0x20d: {  	[tilespmem:s7], [sflag:$0x1] =	stream.indirect.gather [hbm4b:s5+s12], $0x80, s26, s12, $0xb8;
	[tilespmem:$0x1E800] =	vst v63  }
0x20e: {  	s25 =	simm.s32 $0x80  }
0x20f: {  	[tilespmem:s13], [sflag:$0x2] =	stream.indirect.gather [hbm4b:s5+s12], $0x80, s25, s12, $0xb8;
	[tilespmem:$0x1E800] =	vst v63  }
0x210: {  	_ =	swait.ge [sflag:s3], $0x3E80  }
0x211: {  	[sflag:s3] =	ssyncset.done $0x0  }
0x212: {  	s26 =	simm.s32 $0x1400;
	[sflag:s3] =	ssyncadd.s32 $0xFFFFC180  }
0x213: {  	[spmem:s1] =	stream.indirect.scatter.add.f32 [tilespmem:s7], [sflag:$0x3], $0x80, s26, s12, $0xb8;
	[tilespmem:$0x1E800] =	vst v63  }
0x214: {  	_ =	swait.ge [sflag:s10], $0x3E80  }
0x215: {  	[sflag:s10] =	ssyncset.done $0x0  }
0x216: {  	s28 =	simm.s32 $0x100;
	[sflag:s10] =	ssyncadd.s32 $0xFFFFC180  }
0x217: {  	[tilespmem:s7], [sflag:$0x1] =	stream.indirect.gather [hbm4b:s5+s12], $0x80, s28, s12, $0xb8;
	[tilespmem:$0x1E800] =	vst v63  }
0x218: {  	_ =	swait.ge [sflag:s2], $0x3E80  }
0x219: {  	[sflag:s2] =	ssyncset.done $0x0  }
0x21a: {  	s29 =	simm.s32 $0x1480;
	[sflag:s2] =	ssyncadd.s32 $0xFFFFC180  }
0x21b: {  	[spmem:s1] =	stream.indirect.scatter.add.f32 [tilespmem:s13], [sflag:$0x3], $0x80, s29, s12, $0xb8;
	[tilespmem:$0x1E800] =	vst v63  }
0x21c: {  	_ =	swait.ge [sflag:s10], $0x3E80  }
0x21d: {  	s24 =	simm.s32 $0x100;
	s25 =	simm.s32 $0x800;
	[sflag:s10] =	ssyncset.done $0x0  }
.LBB2_16:
0x21e: {  	s26 =	sadd.s32 $0x80, s24  }
0x21f: {  	[sflag:s10] =	ssyncadd.s32 $0xFFFFC180;
	s28 =	smov.u32 s25;
	s29 =	sadd.s32 $0x400, s25  }
0x220: {  	[tilespmem:s13], [sflag:$0x2] =	stream.indirect.gather [hbm4b:s5+s12], $0x80, s26, s12, $0xb8;
	[tilespmem:$0x1E800] =	vst v63  }
0x221: {  	p1 =	sne.s32 s25, $0x4800;
	_ =	swait.ge [sflag:s3], $0x3E80  }
0x222: {  	[sflag:s3] =	ssyncset.done $0x0  }
0x223: {  	s25 =	sadd.s32 $0x1400, s24;
	[sflag:s3] =	ssyncadd.s32 $0xFFFFC180  }
0x224: {  	[spmem:s1] =	stream.indirect.scatter.add.f32 [tilespmem:s7], [sflag:$0x3], $0x80, s25, s12, $0xb8;
	[tilespmem:$0x1E800] =	vst v63  }
0x225: {  	_ =	swait.ge [sflag:s10], $0x3E80  }
0x226: {  	[sflag:s10] =	ssyncset.done $0x0  }
0x227: {  	s25 =	sadd.s32 $0x100, s24;
	[sflag:s10] =	ssyncadd.s32 $0xFFFFC180  }
0x228: {  	[tilespmem:s7], [sflag:$0x1] =	stream.indirect.gather [hbm4b:s5+s12], $0x80, s25, s12, $0xb8;
	[tilespmem:$0x1E800] =	vst v63  }
0x229: {  	_ =	swait.ge [sflag:s2], $0x3E80  }
.Ltmp10:
0x22a: {  	[sflag:s2] =	ssyncset.done $0x0;
	(pc) =	sbr.rel @p1 .LBB2_16-.Ltmp10, $4  }
0x22b: {  	s24 =	sadd.s32 $0x1480, s24;
	[sflag:s2] =	ssyncadd.s32 $0xFFFFC180  }
0x22c: {  	[spmem:s1] =	stream.indirect.scatter.add.f32 [tilespmem:s13], [sflag:$0x3], $0x80, s24, s12, $0xb8;
	[tilespmem:$0x1E800] =	vst v63  }
0x22d: {  	_ =	swait.ge [sflag:s10], $0x3E80  }
0x22e: {  	s25 =	smov.u32 s29;
	s24 =	sshra.s32 s28, $0x2;
	[sflag:s10] =	ssyncset.done $0x0  }
0x22f: {  	s25 =	sadd.s32 $0x80, s24;
	[sflag:s10] =	ssyncadd.s32 $0xFFFFC180  }
0x230: {  	[tilespmem:s13], [sflag:$0x2] =	stream.indirect.gather [hbm4b:s5+s12], $0x80, s25, s12, $0xb8;
	[tilespmem:$0x1E800] =	vst v63  }
0x231: {  	_ =	swait.ge [sflag:s3], $0x3E80  }
0x232: {  	[sflag:s3] =	ssyncset.done $0x0  }
0x233: {  	s28 =	sadd.s32 $0x1400, s24;
	[sflag:s3] =	ssyncadd.s32 $0xFFFFC180  }
0x234: {  	[spmem:s1] =	stream.indirect.scatter.add.f32 [tilespmem:s7], [sflag:$0x3], $0x80, s28, s12, $0xb8;
	[tilespmem:$0x1E800] =	vst v63  }
0x235: {  	_ =	swait.ge [sflag:s10], $0x3E80  }
0x236: {  	[sflag:s10] =	ssyncset.done $0x0  }
0x237: {  	s29 =	sadd.s32 $0x100, s24;
	[sflag:s10] =	ssyncadd.s32 $0xFFFFC180  }
0x238: {  	[tilespmem:s7], [sflag:$0x1] =	stream.indirect.gather [hbm4b:s5+s12], $0x80, s29, s12, $0xb8;
	[tilespmem:$0x1E800] =	vst v63  }
0x239: {  	_ =	swait.ge [sflag:s2], $0x3E80  }
0x23a: {  	[sflag:s2] =	ssyncset.done $0x0  }
0x23b: {  	s25 =	sadd.s32 $0x1480, s24;
	[sflag:s2] =	ssyncadd.s32 $0xFFFFC180  }
0x23c: {  	[spmem:s1] =	stream.indirect.scatter.add.f32 [tilespmem:s13], [sflag:$0x3], $0x80, s25, s12, $0xb8;
	[tilespmem:$0x1E800] =	vst v63  }
0x23d: {  	_ =	swait.ge [sflag:s10], $0x3E80  }
0x23e: {  	[sflag:s10] =	ssyncset.done $0x0  }
0x23f: {  	[sflag:s10] =	ssyncadd.s32 $0xFFFFC180  }
0x240: {  	[tilespmem:s13], [sflag:$0x2] =	stream.indirect.gather [hbm4b:s5+s12], $0x80, s14, s12, $0xb8;
	[tilespmem:$0x1E800] =	vst v63  }
0x241: {  	_ =	swait.ge [sflag:s3], $0x3E80  }
0x242: {  	[sflag:s3] =	ssyncset.done $0x0  }
0x243: {  	[sflag:s3] =	ssyncadd.s32 $0xFFFFC180  }
0x244: {  	[spmem:s1] =	stream.indirect.scatter.add.f32 [tilespmem:s7], [sflag:$0x3], $0x80, s15, s12, $0xb8;
	[tilespmem:$0x1E800] =	vst v63  }
0x245: {  	_ =	swait.ge [sflag:s10], $0x3E80  }
0x246: {  	[sflag:s10] =	ssyncset.done $0x0  }
0x247: {  	[sflag:s10] =	ssyncadd.s32 $0xFFFFC180  }
0x248: {  	_ =	swait.ge [sflag:s2], $0x3E80  }
0x249: {  	[sflag:s2] =	ssyncset.done $0x0  }
0x24a: {  	[sflag:s2] =	ssyncadd.s32 $0xFFFFC180  }
0x24b: {  	[spmem:s1] =	stream.indirect.scatter.add.f32 [tilespmem:s13], [sflag:$0x3], $0x80, s16, s12, $0xb8;
	[tilespmem:$0x1E800] =	vst v63  }
0x24c: {  	_ =	swait.ge [sflag:s10], $0x3E80  }
0x24d: {  	[sflag:s10] =	ssyncset.done $0x0  }
0x24e: {  	s26 =	simm.s32 $0x0;
	s28 =	rddreg [dreg:$0x9];
	[sflag:s10] =	ssyncadd.s32 $0xFFFFC180  }
0x24f: {  	[tilespmem:s26], [sflag:$0x3] =	stream.linear.gather [hbm4b:s28+s26], $0x1400, $0x38;
	[tilespmem:$0x1E800] =	vst v63  }
0x250: {  	_ =	swait.ge [sflag:s10], $0x1400  }
0x251: {  	[sflag:s10] =	ssyncset.done $0x0  }
0x252: {  	s29 =	rddreg [dreg:$0xa];
	[sflag:s10] =	ssyncadd.s32 $0xFFFFEC00  }
0x253: {  	[tilespmem:s11], [sflag:$0x3] =	stream.linear.gather [hbm4b:s29+s26], $0x1400, $0x38;
	[tilespmem:$0x1E800] =	vst v63  }
0x254: {  	_ =	swait.ge [sflag:s10], $0x1400  }
0x255: {  	[sflag:s10] =	ssyncset.done $0x0  }
0x256: {  	[sflag:s10] =	ssyncadd.s32 $0xFFFFEC00  }
0x257: {  	[tilespmem:s7], [sflag:$0x1] =	stream.indirect.gather [hbm4b:s5+s12], $0x80, s26, s12, $0xb8;
	[tilespmem:$0x1E800] =	vst v63  }
0x258: {  	s25 =	simm.s32 $0x80  }
0x259: {  	[tilespmem:s13], [sflag:$0x2] =	stream.indirect.gather [hbm4b:s5+s12], $0x80, s25, s12, $0xb8;
	[tilespmem:$0x1E800] =	vst v63  }
0x25a: {  	_ =	swait.ge [sflag:s3], $0x3E80  }
0x25b: {  	[sflag:s3] =	ssyncset.done $0x0  }
0x25c: {  	s26 =	simm.s32 $0x1400;
	[sflag:s3] =	ssyncadd.s32 $0xFFFFC180  }
0x25d: {  	[spmem:s1] =	stream.indirect.scatter.add.f32 [tilespmem:s7], [sflag:$0x3], $0x80, s26, s12, $0xb8;
	[tilespmem:$0x1E800] =	vst v63  }
0x25e: {  	_ =	swait.ge [sflag:s10], $0x3E80  }
0x25f: {  	[sflag:s10] =	ssyncset.done $0x0  }
0x260: {  	s28 =	simm.s32 $0x100;
	[sflag:s10] =	ssyncadd.s32 $0xFFFFC180  }
0x261: {  	[tilespmem:s7], [sflag:$0x1] =	stream.indirect.gather [hbm4b:s5+s12], $0x80, s28, s12, $0xb8;
	[tilespmem:$0x1E800] =	vst v63  }
0x262: {  	_ =	swait.ge [sflag:s2], $0x3E80  }
0x263: {  	[sflag:s2] =	ssyncset.done $0x0  }
0x264: {  	s29 =	simm.s32 $0x1480;
	[sflag:s2] =	ssyncadd.s32 $0xFFFFC180  }
0x265: {  	[spmem:s1] =	stream.indirect.scatter.add.f32 [tilespmem:s13], [sflag:$0x3], $0x80, s29, s12, $0xb8;
	[tilespmem:$0x1E800] =	vst v63  }
0x266: {  	_ =	swait.ge [sflag:s10], $0x3E80  }
0x267: {  	s24 =	simm.s32 $0x100;
	s25 =	simm.s32 $0x800;
	[sflag:s10] =	ssyncset.done $0x0  }
.LBB2_18:
0x268: {  	s26 =	sadd.s32 $0x80, s24  }
0x269: {  	[sflag:s10] =	ssyncadd.s32 $0xFFFFC180;
	s28 =	smov.u32 s25;
	s29 =	sadd.s32 $0x400, s25  }
0x26a: {  	[tilespmem:s13], [sflag:$0x2] =	stream.indirect.gather [hbm4b:s5+s12], $0x80, s26, s12, $0xb8;
	[tilespmem:$0x1E800] =	vst v63  }
0x26b: {  	p1 =	sne.s32 s25, $0x4800;
	_ =	swait.ge [sflag:s3], $0x3E80  }
0x26c: {  	[sflag:s3] =	ssyncset.done $0x0  }
0x26d: {  	s25 =	sadd.s32 $0x1400, s24;
	[sflag:s3] =	ssyncadd.s32 $0xFFFFC180  }
0x26e: {  	[spmem:s1] =	stream.indirect.scatter.add.f32 [tilespmem:s7], [sflag:$0x3], $0x80, s25, s12, $0xb8;
	[tilespmem:$0x1E800] =	vst v63  }
0x26f: {  	_ =	swait.ge [sflag:s10], $0x3E80  }
0x270: {  	[sflag:s10] =	ssyncset.done $0x0  }
0x271: {  	s25 =	sadd.s32 $0x100, s24;
	[sflag:s10] =	ssyncadd.s32 $0xFFFFC180  }
0x272: {  	[tilespmem:s7], [sflag:$0x1] =	stream.indirect.gather [hbm4b:s5+s12], $0x80, s25, s12, $0xb8;
	[tilespmem:$0x1E800] =	vst v63  }
0x273: {  	_ =	swait.ge [sflag:s2], $0x3E80  }
.Ltmp11:
0x274: {  	[sflag:s2] =	ssyncset.done $0x0;
	(pc) =	sbr.rel @p1 .LBB2_18-.Ltmp11, $4  }
0x275: {  	s24 =	sadd.s32 $0x1480, s24;
	[sflag:s2] =	ssyncadd.s32 $0xFFFFC180  }
0x276: {  	[spmem:s1] =	stream.indirect.scatter.add.f32 [tilespmem:s13], [sflag:$0x3], $0x80, s24, s12, $0xb8;
	[tilespmem:$0x1E800] =	vst v63  }
0x277: {  	_ =	swait.ge [sflag:s10], $0x3E80  }
0x278: {  	s25 =	smov.u32 s29;
	s24 =	sshra.s32 s28, $0x2;
	[sflag:s10] =	ssyncset.done $0x0  }
0x279: {  	s25 =	sadd.s32 $0x80, s24;
	[sflag:s10] =	ssyncadd.s32 $0xFFFFC180  }
0x27a: {  	[tilespmem:s13], [sflag:$0x2] =	stream.indirect.gather [hbm4b:s5+s12], $0x80, s25, s12, $0xb8;
	[tilespmem:$0x1E800] =	vst v63  }
0x27b: {  	_ =	swait.ge [sflag:s3], $0x3E80  }
0x27c: {  	[sflag:s3] =	ssyncset.done $0x0  }
0x27d: {  	s28 =	sadd.s32 $0x1400, s24;
	[sflag:s3] =	ssyncadd.s32 $0xFFFFC180  }
0x27e: {  	[spmem:s1] =	stream.indirect.scatter.add.f32 [tilespmem:s7], [sflag:$0x3], $0x80, s28, s12, $0xb8;
	[tilespmem:$0x1E800] =	vst v63  }
0x27f: {  	_ =	swait.ge [sflag:s10], $0x3E80  }
0x280: {  	[sflag:s10] =	ssyncset.done $0x0  }
0x281: {  	s29 =	sadd.s32 $0x100, s24;
	[sflag:s10] =	ssyncadd.s32 $0xFFFFC180  }
0x282: {  	[tilespmem:s7], [sflag:$0x1] =	stream.indirect.gather [hbm4b:s5+s12], $0x80, s29, s12, $0xb8;
	[tilespmem:$0x1E800] =	vst v63  }
0x283: {  	_ =	swait.ge [sflag:s2], $0x3E80  }
0x284: {  	[sflag:s2] =	ssyncset.done $0x0  }
0x285: {  	s25 =	sadd.s32 $0x1480, s24;
	[sflag:s2] =	ssyncadd.s32 $0xFFFFC180  }
0x286: {  	[spmem:s1] =	stream.indirect.scatter.add.f32 [tilespmem:s13], [sflag:$0x3], $0x80, s25, s12, $0xb8;
	[tilespmem:$0x1E800] =	vst v63  }
0x287: {  	_ =	swait.ge [sflag:s10], $0x3E80  }
0x288: {  	[sflag:s10] =	ssyncset.done $0x0  }
0x289: {  	[sflag:s10] =	ssyncadd.s32 $0xFFFFC180  }
0x28a: {  	[tilespmem:s13], [sflag:$0x2] =	stream.indirect.gather [hbm4b:s5+s12], $0x80, s14, s12, $0xb8;
	[tilespmem:$0x1E800] =	vst v63  }
0x28b: {  	_ =	swait.ge [sflag:s3], $0x3E80  }
0x28c: {  	[sflag:s3] =	ssyncset.done $0x0  }
0x28d: {  	[sflag:s3] =	ssyncadd.s32 $0xFFFFC180  }
0x28e: {  	[spmem:s1] =	stream.indirect.scatter.add.f32 [tilespmem:s7], [sflag:$0x3], $0x80, s15, s12, $0xb8;
	[tilespmem:$0x1E800] =	vst v63  }
0x28f: {  	_ =	swait.ge [sflag:s10], $0x3E80  }
0x290: {  	[sflag:s10] =	ssyncset.done $0x0  }
0x291: {  	[sflag:s10] =	ssyncadd.s32 $0xFFFFC180  }
0x292: {  	_ =	swait.ge [sflag:s2], $0x3E80  }
0x293: {  	[sflag:s2] =	ssyncset.done $0x0  }
0x294: {  	[sflag:s2] =	ssyncadd.s32 $0xFFFFC180  }
0x295: {  	[spmem:s1] =	stream.indirect.scatter.add.f32 [tilespmem:s13], [sflag:$0x3], $0x80, s16, s12, $0xb8;
	[tilespmem:$0x1E800] =	vst v63  }
0x296: {  	_ =	swait.ge [sflag:s10], $0x3E80  }
0x297: {  	[sflag:s10] =	ssyncset.done $0x0  }
0x298: {  	s26 =	simm.s32 $0x0;
	s28 =	rddreg [dreg:$0xb];
	[sflag:s10] =	ssyncadd.s32 $0xFFFFC180  }
0x299: {  	[tilespmem:s26], [sflag:$0x3] =	stream.linear.gather [hbm4b:s28+s26], $0x1400, $0x38;
	[tilespmem:$0x1E800] =	vst v63  }
0x29a: {  	_ =	swait.ge [sflag:s10], $0x1400  }
0x29b: {  	[sflag:s10] =	ssyncset.done $0x0  }
0x29c: {  	s29 =	rddreg [dreg:$0xc];
	[sflag:s10] =	ssyncadd.s32 $0xFFFFEC00  }
0x29d: {  	[tilespmem:s11], [sflag:$0x3] =	stream.linear.gather [hbm4b:s29+s26], $0x1400, $0x38;
	[tilespmem:$0x1E800] =	vst v63  }
0x29e: {  	_ =	swait.ge [sflag:s10], $0x1400  }
0x29f: {  	[sflag:s10] =	ssyncset.done $0x0  }
0x2a0: {  	[sflag:s10] =	ssyncadd.s32 $0xFFFFEC00  }
0x2a1: {  	[tilespmem:s7], [sflag:$0x1] =	stream.indirect.gather [hbm4b:s5+s12], $0x80, s26, s12, $0xb8;
	[tilespmem:$0x1E800] =	vst v63  }
0x2a2: {  	s25 =	simm.s32 $0x80  }
0x2a3: {  	[tilespmem:s13], [sflag:$0x2] =	stream.indirect.gather [hbm4b:s5+s12], $0x80, s25, s12, $0xb8;
	[tilespmem:$0x1E800] =	vst v63  }
0x2a4: {  	_ =	swait.ge [sflag:s3], $0x3E80  }
0x2a5: {  	[sflag:s3] =	ssyncset.done $0x0  }
0x2a6: {  	s26 =	simm.s32 $0x1400;
	[sflag:s3] =	ssyncadd.s32 $0xFFFFC180  }
0x2a7: {  	[spmem:s1] =	stream.indirect.scatter.add.f32 [tilespmem:s7], [sflag:$0x3], $0x80, s26, s12, $0xb8;
	[tilespmem:$0x1E800] =	vst v63  }
0x2a8: {  	_ =	swait.ge [sflag:s10], $0x3E80  }
0x2a9: {  	[sflag:s10] =	ssyncset.done $0x0  }
0x2aa: {  	s28 =	simm.s32 $0x100;
	[sflag:s10] =	ssyncadd.s32 $0xFFFFC180  }
0x2ab: {  	[tilespmem:s7], [sflag:$0x1] =	stream.indirect.gather [hbm4b:s5+s12], $0x80, s28, s12, $0xb8;
	[tilespmem:$0x1E800] =	vst v63  }
0x2ac: {  	_ =	swait.ge [sflag:s2], $0x3E80  }
0x2ad: {  	[sflag:s2] =	ssyncset.done $0x0  }
0x2ae: {  	s29 =	simm.s32 $0x1480;
	[sflag:s2] =	ssyncadd.s32 $0xFFFFC180  }
0x2af: {  	[spmem:s1] =	stream.indirect.scatter.add.f32 [tilespmem:s13], [sflag:$0x3], $0x80, s29, s12, $0xb8;
	[tilespmem:$0x1E800] =	vst v63  }
0x2b0: {  	_ =	swait.ge [sflag:s10], $0x3E80  }
0x2b1: {  	s24 =	simm.s32 $0x100;
	s25 =	simm.s32 $0x800;
	[sflag:s10] =	ssyncset.done $0x0  }
.LBB2_20:
0x2b2: {  	s26 =	sadd.s32 $0x80, s24  }
0x2b3: {  	[sflag:s10] =	ssyncadd.s32 $0xFFFFC180;
	s28 =	smov.u32 s25;
	s29 =	sadd.s32 $0x400, s25  }
0x2b4: {  	[tilespmem:s13], [sflag:$0x2] =	stream.indirect.gather [hbm4b:s5+s12], $0x80, s26, s12, $0xb8;
	[tilespmem:$0x1E800] =	vst v63  }
0x2b5: {  	p1 =	sne.s32 s25, $0x4800;
	_ =	swait.ge [sflag:s3], $0x3E80  }
0x2b6: {  	[sflag:s3] =	ssyncset.done $0x0  }
0x2b7: {  	s25 =	sadd.s32 $0x1400, s24;
	[sflag:s3] =	ssyncadd.s32 $0xFFFFC180  }
0x2b8: {  	[spmem:s1] =	stream.indirect.scatter.add.f32 [tilespmem:s7], [sflag:$0x3], $0x80, s25, s12, $0xb8;
	[tilespmem:$0x1E800] =	vst v63  }
0x2b9: {  	_ =	swait.ge [sflag:s10], $0x3E80  }
0x2ba: {  	[sflag:s10] =	ssyncset.done $0x0  }
0x2bb: {  	s25 =	sadd.s32 $0x100, s24;
	[sflag:s10] =	ssyncadd.s32 $0xFFFFC180  }
0x2bc: {  	[tilespmem:s7], [sflag:$0x1] =	stream.indirect.gather [hbm4b:s5+s12], $0x80, s25, s12, $0xb8;
	[tilespmem:$0x1E800] =	vst v63  }
0x2bd: {  	_ =	swait.ge [sflag:s2], $0x3E80  }
.Ltmp12:
0x2be: {  	[sflag:s2] =	ssyncset.done $0x0;
	(pc) =	sbr.rel @p1 .LBB2_20-.Ltmp12, $4  }
0x2bf: {  	s24 =	sadd.s32 $0x1480, s24;
	[sflag:s2] =	ssyncadd.s32 $0xFFFFC180  }
0x2c0: {  	[spmem:s1] =	stream.indirect.scatter.add.f32 [tilespmem:s13], [sflag:$0x3], $0x80, s24, s12, $0xb8;
	[tilespmem:$0x1E800] =	vst v63  }
0x2c1: {  	_ =	swait.ge [sflag:s10], $0x3E80  }
0x2c2: {  	s25 =	smov.u32 s29;
	s24 =	sshra.s32 s28, $0x2;
	[sflag:s10] =	ssyncset.done $0x0  }
.Ltmp13:
0x2c3: {  	_ = 	snop;
	(pc) =	sbr.rel .LBB2_21-.Ltmp13, $1  }
0x2c4: {  	_ =	sdelay $0x3  }
.LBB2_23:
0x2c5: {  	_ =	sfence.sel $0x180000  }
0x2c6: {  	[bflag:$0x0] =	sbarrier.arrive $0xFFFF  }
0x2c7: {  	_ =	strace $0x9000004A  }
0x2c8: {  	s0 =	stileid.u32;
	[bflag:$0x2] =	sbarrier.arrive $0xFFFF  }
0x2c9: {  	p0 =	sne.s32 s0, $0x0;
	s0 =	rddreg [dreg:$0x2]  }
0x2ca: {  	s0 =	sadd.s32 @!p0 $0x100000, s0  }
0x2cb: {  	[sflag:s0] =	ssyncadd.tile.s32 @!p0 $0x1;
	_ =	shalt  }
.Lfunc_end2:
_tile_overlayer_lowered:
.L_overlay_start_2:
0x2cc: {  	(tag) =	ssettag $0x2  }
0x2cd: {  	s0 =	rddreg [dreg:$0x0];
	s2 =	stileid.u32  }
0x2ce: {  	s1 =	rddreg [dreg:$0x1];
	p0 =	sne.s32 s2, $0x0  }
0x2cf: {  	s3 =	rddreg [dreg:$0x2];
	[bflag:$0x3] =	sbarrier.arrive $0xFFFF;
	s2 =	simm.s32 @!p0 $0x1C03  }
0x2d0: {  	[timem:s3], [sflag:s2] =	dma.local @!p0 [hbm:s0], s1  }
0x2d1: {  	s0 =	simm.s32 @!p0 $0x3  }
0x2d2: {  	_ =	swait.ge @!p0 [sflag:s0], s1  }
0x2d3: {  	s1 =	ssub.s32 @!p0 $0x0, s1;
	[sflag:s0] =	ssyncset.done @!p0 $0x0  }
0x2d4: {  	[sflag:s0] =	ssyncadd.s32 @!p0 s1  }
0x2d5: {  	[bflag:$0x3] =	sbarrier.arrive $0xFFFF  }
0x2d6: {  	_ =	shalt  }

</sc_bundles>
